<compile_context>
chip_gen: v7x
topology: tpu7x:2x2x1
jax: 0.10.2.dev20260603
libtpu: 0.0.44.dev20260713+nightly
codegen_flags: <defaults>
</compile_context>

<pallas_src>
import functools

import jax
import jax.numpy as jnp
from jax import lax
from jax.experimental import pallas as pl
from jax.experimental.pallas import tpu as pltpu
from jax.experimental.pallas import tpu_sc as plsc

N_NODES = 10000
N_EDGES = 160000
DIM = 256
NUM_REL = 6

NC = 2
NS = 16
NW = NC * NS

BN = 2000
BE = 2000

N_PAD = 10240
NR_PAD = NUM_REL * N_PAD



def _make_sc_gather(V, D, B, C):
  b_per_w = B // NW
  iters = b_per_w // C
  mesh = plsc.VectorSubcoreMesh(core_axis_name="c", subcore_axis_name="s")

  @functools.partial(
      pl.kernel, mesh=mesh,
      out_type=jax.ShapeDtypeStruct((B, D), jnp.float32),
      scratch_types=[
          pltpu.VMEM((C,), jnp.int32),
          pltpu.VMEM((C, D), jnp.float32),
          pltpu.SemaphoreType.DMA,
      ],
  )
  def gath(table_hbm, idx_hbm, out_hbm, idx_v, rows_v, sem):
    wid = lax.axis_index("s") * NC + lax.axis_index("c")
    base = wid * b_per_w

    def body(i, carry):
      e0 = base + i * C
      pltpu.sync_copy(idx_hbm.at[pl.ds(e0, C)], idx_v)
      pltpu.async_copy(table_hbm.at[idx_v], rows_v, sem).wait()
      pltpu.sync_copy(rows_v, out_hbm.at[pl.ds(e0, C)])
      return carry

    lax.fori_loop(0, iters, body, 0)

  return gath


def _make_sc_scatter_cols(Nout, E, C):
  Dc = DIM // 2
  e_per_s = E // NS
  iters = e_per_s // C
  rows_per_s = Nout // NS
  mesh = plsc.VectorSubcoreMesh(core_axis_name="c", subcore_axis_name="s")

  @functools.partial(
      pl.kernel, mesh=mesh,
      out_type=jax.ShapeDtypeStruct((2, Nout, Dc), jnp.float32),
      scratch_types=[
          pltpu.VMEM((C,), jnp.int32),
          pltpu.VMEM((C, Dc), jnp.float32),
          pltpu.VMEM_SHARED((Nout, Dc), jnp.float32),
          pltpu.SemaphoreType.DMA,
      ],
  )
  def scat(vals_hbm, idx_hbm, zeros_hbm, out_hbm, idx_v, rows_v, acc_sh, sem):
    c = lax.axis_index("c")
    s = lax.axis_index("s")
    r0 = s * rows_per_s
    pltpu.sync_copy(zeros_hbm.at[pl.ds(r0, rows_per_s)],
                    acc_sh.at[pl.ds(r0, rows_per_s)])
    plsc.subcore_barrier()
    base = s * e_per_s

    def body(i, carry):
      e0 = base + i * C
      pltpu.sync_copy(idx_hbm.at[pl.ds(e0, C)], idx_v)
      pltpu.sync_copy(vals_hbm.at[c, pl.ds(e0, C)], rows_v)
      pltpu.sync_copy(rows_v, acc_sh.at[idx_v], add=True)
      return carry

    lax.fori_loop(0, iters, body, 0)
    plsc.subcore_barrier()
    pltpu.sync_copy(acc_sh.at[pl.ds(r0, rows_per_s)],
                    out_hbm.at[c, pl.ds(r0, rows_per_s)])

  return scat


def _make_sc_scatter_edges(Nout, E, C):
  D = 128
  e_per_s = E // NW
  iters = e_per_s // C
  rows_per_s = Nout // NS
  mesh = plsc.VectorSubcoreMesh(core_axis_name="c", subcore_axis_name="s")

  @functools.partial(
      pl.kernel, mesh=mesh,
      out_type=jax.ShapeDtypeStruct((2, Nout, D), jnp.float32),
      scratch_types=[
          pltpu.VMEM((C,), jnp.int32),
          pltpu.VMEM((C, D), jnp.float32),
          pltpu.VMEM_SHARED((Nout, D), jnp.float32),
          pltpu.SemaphoreType.DMA,
      ],
  )
  def scat(vals_hbm, idx_hbm, zeros_hbm, out_hbm, idx_v, rows_v, acc_sh, sem):
    c = lax.axis_index("c")
    s = lax.axis_index("s")
    r0 = s * rows_per_s
    pltpu.sync_copy(zeros_hbm.at[pl.ds(r0, rows_per_s)],
                    acc_sh.at[pl.ds(r0, rows_per_s)])
    plsc.subcore_barrier()
    base = (c * NS + s) * e_per_s

    def body(i, carry):
      e0 = base + i * C
      pltpu.sync_copy(idx_hbm.at[pl.ds(e0, C)], idx_v)
      pltpu.sync_copy(vals_hbm.at[pl.ds(e0, C)], rows_v)
      pltpu.sync_copy(rows_v, acc_sh.at[idx_v], add=True)
      return carry

    lax.fori_loop(0, iters, body, 0)
    plsc.subcore_barrier()
    pltpu.sync_copy(acc_sh.at[pl.ds(r0, rows_per_s)],
                    out_hbm.at[c, pl.ds(r0, rows_per_s)])

  return scat


_gather_msg = _make_sc_gather(NUM_REL * N_NODES, DIM, N_EDGES, 200)
_gather_row = _make_sc_gather(N_NODES, DIM, N_EDGES, 200)
_gather_inv = _make_sc_gather(NR_PAD, 128, N_EDGES, 200)
_scatter_cnt = _make_sc_scatter_edges(N_PAD, N_EDGES, 200)
_scatter_den = _make_sc_scatter_edges(N_PAD, N_EDGES, 200)
_scatter_agg = _make_sc_scatter_cols(N_PAD, N_EDGES, 200)
_scatter_att = _make_sc_scatter_cols(N_PAD, N_EDGES, 200)


def _split_cols(v):
  E, D = v.shape
  return v.reshape(E, 2, D // 2).transpose(1, 0, 2)


def _merge_cols(o):
  _, n, dc = o.shape
  return o.transpose(1, 0, 2).reshape(n, 2 * dc)



def _xw_body(x_ref, w_ref, o_ref):
  o_ref[...] = jnp.dot(x_ref[...], w_ref[0],
                       preferred_element_type=jnp.float32)


def _inv_body(c0_ref, c1_ref, o_ref):
  c = c0_ref[...] + c1_ref[...]
  bi = c.shape[0]
  parts = []
  for r in range(NUM_REL):
    cr = 1.0 / jnp.maximum(c[:, r:r + 1], 1.0)
    parts.append(jnp.broadcast_to(cr[:, :, None], (bi, 1, 128)))
  o_ref[...] = jnp.concatenate(parts, axis=1).reshape(NUM_REL * bi, 128)


def _h_body(agg_ref, x_ref, root_ref, b_ref, o_ref):
  o_ref[...] = jnp.maximum(
      agg_ref[...]
      + jnp.dot(x_ref[...], root_ref[...], preferred_element_type=jnp.float32)
      + b_ref[...], 0.0)


def _qkv_body(h_ref, wq_ref, bq_ref, wk_ref, bk_ref, wv_ref, bv_ref,
              q_ref, k_ref, v_ref):
  h = h_ref[...]
  q_ref[...] = jnp.dot(h, wq_ref[...], preferred_element_type=jnp.float32) + bq_ref[...]
  k_ref[...] = jnp.dot(h, wk_ref[...], preferred_element_type=jnp.float32) + bk_ref[...]
  v_ref[...] = jnp.dot(h, wv_ref[...], preferred_element_type=jnp.float32) + bv_ref[...]


def _scale_body(m_ref, n_ref, o_ref):
  o_ref[...] = m_ref[...] * n_ref[:, 0:1]


def _score_body(qt_ref, ks_ref, o_ref):
  s = jnp.sum(qt_ref[...] * ks_ref[...], axis=1, keepdims=True) * (1.0 / 16.0)
  o_ref[...] = jnp.broadcast_to(jnp.exp(s), o_ref.shape)


def _final_body(attnu_ref, d0_ref, d1_ref, h_ref, wsk_ref, bsk_ref,
                wre_ref, bre_ref, g_ref, be_ref, o_ref):
  h = h_ref[...]
  den = d0_ref[:, 0:1] + d1_ref[:, 0:1] + 1e-16
  t = (attnu_ref[...] / den
       + jnp.dot(h, wsk_ref[...], preferred_element_type=jnp.float32)
       + bsk_ref[...]
       + jnp.dot(h, wre_ref[...], preferred_element_type=jnp.float32)
       + bre_ref[...])
  t = jnp.maximum(t, 0.0)
  m = jnp.mean(t, axis=0, keepdims=True)
  v = jnp.mean((t - m) * (t - m), axis=0, keepdims=True)
  o_ref[...] = (t - m) * lax.rsqrt(v + 1e-5) * g_ref[...] + be_ref[...]


def _rowspec(b, d):
  return pl.BlockSpec((b, d), lambda i: (i, 0))


def kernel(x, edge_index, edge_type, W_rgcn, root, b_rgcn, Wq, bq, Wk, bk,
           Wv, bv, Wskip, bskip, Wres, bres, gamma, beta):
  src = edge_index[0].astype(jnp.int32)
  tgt = edge_index[1].astype(jnp.int32)
  et = edge_type.astype(jnp.int32)
  comb = tgt * NUM_REL + et
  gidx = et * N_NODES + src

  f32 = jnp.float32
  zeros_n128 = jnp.zeros((N_PAD, 128), f32)

  onehot_et = jax.nn.one_hot(et, 128, dtype=f32)
  cnt2 = _scatter_cnt(onehot_et, tgt, zeros_n128)
  BI = 320
  inv_flat = pl.pallas_call(
      _inv_body, grid=(N_PAD // BI,),
      in_specs=[_rowspec(BI, 128), _rowspec(BI, 128)],
      out_specs=_rowspec(NUM_REL * BI, 128),
      out_shape=jax.ShapeDtypeStruct((NR_PAD, 128), f32))(cnt2[0], cnt2[1])
  norm_e = _gather_inv(inv_flat, comb)

  xwflat = pl.pallas_call(
      _xw_body, grid=(NUM_REL, N_NODES // BN),
      in_specs=[
          pl.BlockSpec((BN, DIM), lambda r, n: (n, 0)),
          pl.BlockSpec((1, DIM, DIM), lambda r, n: (r, 0, 0)),
      ],
      out_specs=pl.BlockSpec((BN, DIM),
                             lambda r, n: (r * (N_NODES // BN) + n, 0)),
      out_shape=jax.ShapeDtypeStruct((NUM_REL * N_NODES, DIM), f32))(
          x, W_rgcn)

  msg = _gather_msg(xwflat, gidx)
  msg_scaled = pl.pallas_call(
      _scale_body, grid=(N_EDGES // BE,),
      in_specs=[_rowspec(BE, DIM), _rowspec(BE, 128)],
      out_specs=_rowspec(BE, DIM),
      out_shape=jax.ShapeDtypeStruct((N_EDGES, DIM), f32))(msg, norm_e)
  agg = _merge_cols(_scatter_agg(_split_cols(msg_scaled), tgt,
                                 zeros_n128))[:N_NODES]

  h = pl.pallas_call(
      _h_body, grid=(N_NODES // BN,),
      in_specs=[_rowspec(BN, DIM), _rowspec(BN, DIM),
                pl.BlockSpec((DIM, DIM), lambda i: (0, 0)),
                pl.BlockSpec((1, DIM), lambda i: (0, 0))],
      out_specs=_rowspec(BN, DIM),
      out_shape=jax.ShapeDtypeStruct((N_NODES, DIM), f32))(
          agg, x, root, b_rgcn.reshape(1, DIM))

  wspec = pl.BlockSpec((DIM, DIM), lambda i: (0, 0))
  bspec = pl.BlockSpec((1, DIM), lambda i: (0, 0))
  q, k, v = pl.pallas_call(
      _qkv_body, grid=(N_NODES // BN,),
      in_specs=[_rowspec(BN, DIM), wspec, bspec, wspec, bspec, wspec, bspec],
      out_specs=[_rowspec(BN, DIM)] * 3,
      out_shape=[jax.ShapeDtypeStruct((N_NODES, DIM), f32)] * 3)(
          h, Wq, bq.reshape(1, DIM), Wk, bk.reshape(1, DIM),
          Wv, bv.reshape(1, DIM))

  qt = _gather_row(q, tgt)
  ks = _gather_row(k, src)
  vs = _gather_row(v, src)

  ex = pl.pallas_call(
      _score_body, grid=(N_EDGES // BE,),
      in_specs=[_rowspec(BE, DIM), _rowspec(BE, DIM)],
      out_specs=_rowspec(BE, 128),
      out_shape=jax.ShapeDtypeStruct((N_EDGES, 128), f32))(qt, ks)

  den2 = _scatter_den(ex, tgt, zeros_n128)

  msgv = pl.pallas_call(
      _scale_body, grid=(N_EDGES // BE,),
      in_specs=[_rowspec(BE, DIM), _rowspec(BE, 128)],
      out_specs=_rowspec(BE, DIM),
      out_shape=jax.ShapeDtypeStruct((N_EDGES, DIM), f32))(vs, ex)
  attn_u = _merge_cols(_scatter_att(_split_cols(msgv), tgt,
                                    zeros_n128))[:N_NODES]

  full = pl.BlockSpec((N_NODES, DIM), lambda: (0, 0))
  full128 = pl.BlockSpec((N_NODES, 128), lambda: (0, 0))
  w1 = pl.BlockSpec((DIM, DIM), lambda: (0, 0))
  b1 = pl.BlockSpec((1, DIM), lambda: (0, 0))
  out = pl.pallas_call(
      _final_body, grid=(),
      in_specs=[full, full128, full128, full, w1, b1, w1, b1, b1, b1],
      out_specs=full,
      out_shape=jax.ShapeDtypeStruct((N_NODES, DIM), f32))(
          attn_u, den2[0, :N_NODES], den2[1, :N_NODES], h,
          Wskip, bskip.reshape(1, DIM), Wres, bres.reshape(1, DIM),
          gamma.reshape(1, DIM), beta.reshape(1, DIM))
  return out

# --- scband reference (transcript-rebuilt; emitter-appended) ---
"""Pipeline reference for scband-gnn-6966436954851 (READ-ONLY COPY).

The authoritative reference and input builder live on the scoring server;
editing this copy changes nothing except your own understanding.
"""

import jax, jax.numpy as jnp
import numpy as np

N_NODES = 10000
N_EDGES = 160000
G_DIM = 256
H1_DIM = 256
H2_DIM = 256
NUM_REL = 6


def setup_inputs(seed: int = 0) -> dict:
    key = jax.random.key(seed)
    ks = [jax.random.fold_in(key, i) for i in range(20)]
    inp = {}
    inp['x'] = jax.random.normal(ks[0], (N_NODES, G_DIM), dtype=jnp.float32)
    inp['edge_index'] = jax.random.randint(ks[1], (2, N_EDGES), 0, N_NODES)
    inp['edge_type'] = jax.random.randint(ks[2], (N_EDGES,), 0, NUM_REL)
    # RGCNConv params
    inp['W_rgcn'] = jax.random.normal(ks[3], (NUM_REL, G_DIM, H1_DIM), dtype=jnp.float32) * 0.05
    inp['root'] = jax.random.normal(ks[4], (G_DIM, H1_DIM), dtype=jnp.float32) * 0.05
    inp['b_rgcn'] = jnp.zeros((H1_DIM,), dtype=jnp.float32)
    # TransformerConv params (heads=1)
    inp['Wq'] = jax.random.normal(ks[5], (H1_DIM, H2_DIM), dtype=jnp.float32) * 0.05
    inp['bq'] = jnp.zeros((H2_DIM,), dtype=jnp.float32)
    inp['Wk'] = jax.random.normal(ks[6], (H1_DIM, H2_DIM), dtype=jnp.float32) * 0.05
    inp['bk'] = jnp.zeros((H2_DIM,), dtype=jnp.float32)
    inp['Wv'] = jax.random.normal(ks[7], (H1_DIM, H2_DIM), dtype=jnp.float32) * 0.05
    inp['bv'] = jnp.zeros((H2_DIM,), dtype=jnp.float32)
    inp['Wskip'] = jax.random.normal(ks[8], (H1_DIM, H2_DIM), dtype=jnp.float32) * 0.05
    inp['bskip'] = jnp.zeros((H2_DIM,), dtype=jnp.float32)
    # residual Linear
    inp['Wres'] = jax.random.normal(ks[9], (H1_DIM, H2_DIM), dtype=jnp.float32) * 0.05
    inp['bres'] = jnp.zeros((H2_DIM,), dtype=jnp.float32)
    # BatchNorm1d affine params
    inp['gamma'] = jnp.ones((H2_DIM,), dtype=jnp.float32)
    inp['beta'] = jnp.zeros((H2_DIM,), dtype=jnp.float32)
    return inp


def reference(x, edge_index, edge_type, W_rgcn, root, b_rgcn, Wq, bq, Wk, bk, Wv, bv, Wskip, bskip, Wres, bres, gamma, beta):
    N = x.shape[0]
    R = W_rgcn.shape[0]
    src = edge_index[0]
    tgt = edge_index[1]
    # ---- RGCNConv (mean aggregation per relation) ----
    xw = jnp.einsum('nd,rdh->rnh', x, W_rgcn)          # [R, N, h1]
    msg = xw[edge_type, src]                            # [E, h1] gather
    comb = tgt * R + edge_type                          # (node, relation) segment id
    counts = jax.ops.segment_sum(jnp.ones_like(comb, dtype=x.dtype), comb, num_segments=N * R)
    norm = 1.0 / jnp.maximum(counts[comb], 1.0)
    agg = jax.ops.segment_sum(msg * norm[:, None], tgt, num_segments=N)
    h = agg + x @ root + b_rgcn
    h = jax.nn.relu(h)
    # ---- TransformerConv (heads=1, concat, root_weight=True) ----
    d = Wq.shape[1]
    q = h @ Wq + bq
    k = h @ Wk + bk
    v = h @ Wv + bv
    score = jnp.sum(q[tgt] * k[src], axis=-1) / jnp.sqrt(jnp.float32(d))   # [E]
    smax = jax.ops.segment_max(score, tgt, num_segments=N)
    smax = jnp.where(jnp.isfinite(smax), smax, 0.0)
    ex = jnp.exp(score - smax[tgt])
    denom = jax.ops.segment_sum(ex, tgt, num_segments=N)
    alpha = ex / (denom[tgt] + 1e-16)
    attn = jax.ops.segment_sum(alpha[:, None] * v[src], tgt, num_segments=N)
    tout = attn + h @ Wskip + bskip
    # ---- residual + relu ----
    out = jax.nn.relu(tout + h @ Wres + bres)
    # ---- BatchNorm1d (training-mode batch statistics) ----
    mean = jnp.mean(out, axis=0)
    var = jnp.var(out, axis=0)
    out = (out - mean) / jnp.sqrt(var + 1e-5) * gamma + beta
    return out

if __name__ == "__main__":
    import jax
    _d = setup_inputs()
    print(jax.jit(kernel)(*tuple(_d.values())))

</pallas_src>

<mosaic_0001>
#map = affine_map<(d0, d1) -> (0, 0)>
#map1 = affine_map<(d0, d1) -> (0)>
#map2 = affine_map<(d0, d1) -> (0, 0, 0)>
module attributes {stable_mosaic.version = 14 : i64} {
  func.func @scat(%arg0: i32, %arg1: i32, %arg2: memref<160000x128xf32, #tpu.memory_space<hbm>>, %arg3: memref<160000xi32, #tpu.memory_space<hbm>>, %arg4: memref<10240x128xf32, #tpu.memory_space<hbm>>, %arg5: memref<2x10240x128xf32, #tpu.memory_space<hbm>>, %arg6: memref<200xi32, #tpu.memory_space<vmem>>, %arg7: memref<200x128xf32, #tpu.memory_space<vmem>>, %arg8: memref<10240x128xf32, #tpu.memory_space<vmem_shared>>, %arg9: memref<!tpu.dma_semaphore, #tpu.memory_space<semaphore_mem>>) attributes {dimension_semantics = [#tpu.dimension_semantics<core_parallel>, #tpu.dimension_semantics<subcore_parallel>], iteration_bounds = array<i64: 2, 16>, scalar_prefetch = 0 : i64, scratch_operands = 4 : i64, tpu.core_type = #tpu.core_type<sc_vector_subcore>, window_params = [{transform_indices = #map}, {transform_indices = #map1}, {transform_indices = #map}, {transform_indices = #map2}]} {
    %mul3A = arith.constant 640 : i32
    %mul3A_0 = arith.muli %arg1, %mul3A : i32
    "tpu.region"() ({
      %run_scoped3A = tpu.sem_alloc : memref<!tpu.dma_semaphore, #tpu.memory_space<semaphore_mem>>
      %dma_start3A = arith.constant 0 : i32
      %dma_start3A_11 = tpu.memref_slice %arg8[%mul3A_0, %dma_start3A] : memref<10240x128xf32, #tpu.memory_space<vmem_shared>> -> memref<640x128xf32, #tpu.memory_space<vmem_shared>>
      %dma_start3A_12 = arith.constant 0 : i32
      %dma_start3A_13 = tpu.memref_slice %arg4[%mul3A_0, %dma_start3A_12] : memref<10240x128xf32, #tpu.memory_space<hbm>> -> memref<640x128xf32, #tpu.memory_space<hbm>>
      tpu.enqueue_dma source(%dma_start3A_13 : memref<640x128xf32, #tpu.memory_space<hbm>>) target(%dma_start3A_11 : memref<640x128xf32, #tpu.memory_space<vmem_shared>>) target_semaphore(%run_scoped3A : memref<!tpu.dma_semaphore, #tpu.memory_space<semaphore_mem>>)
      %dma_wait3A = arith.constant 0 : i32
      %dma_wait3A_14 = tpu.memref_slice %arg8[%mul3A_0, %dma_wait3A] : memref<10240x128xf32, #tpu.memory_space<vmem_shared>> -> memref<640x128xf32, #tpu.memory_space<vmem_shared>>
      %dma_wait3A_15 = arith.constant 0 : i32
      %dma_wait3A_16 = tpu.memref_slice %arg4[%mul3A_0, %dma_wait3A_15] : memref<10240x128xf32, #tpu.memory_space<hbm>> -> memref<640x128xf32, #tpu.memory_space<hbm>>
      tpu.wait_dma2 semaphore(%run_scoped3A : memref<!tpu.dma_semaphore, #tpu.memory_space<semaphore_mem>>) src(%dma_wait3A_16 : memref<640x128xf32, #tpu.memory_space<hbm>>) dst(%dma_wait3A_14 : memref<640x128xf32, #tpu.memory_space<vmem_shared>>)
      tpu.yield
    }) : () -> ()
    %barrier3A = arith.constant 0 : index
    tpu.barrier barrier_id(%barrier3A)
    %mul3A_1 = arith.constant 16 : i32
    %mul3A_2 = arith.muli %arg0, %mul3A_1 : i32
    %add3A = arith.addi %mul3A_2, %arg1 : i32
    %mul3A_3 = arith.constant 5000 : i32
    %mul3A_4 = arith.muli %add3A, %mul3A_3 : i32
    %scan3A = arith.constant 0 : i32
    %scan3A_5 = arith.constant 0 : i32
    %scan3A_6 = arith.constant 25 : i32
    %scan3A_7 = arith.addi %scan3A_5, %scan3A_6 : i32
    %scan3A_8 = arith.constant 1 : i32
    scf.for %scan3A_11 = %scan3A_5 to %scan3A_7 step %scan3A_8  : i32 {
      %mul3A_12 = arith.constant 200 : i32
      %mul3A_13 = arith.muli %scan3A_11, %mul3A_12 : i32
      %add3A_14 = arith.addi %mul3A_4, %mul3A_13 : i32
      "tpu.region"() ({
        %run_scoped3A = tpu.sem_alloc : memref<!tpu.dma_semaphore, #tpu.memory_space<semaphore_mem>>
        %dma_start3A = tpu.memref_slice %arg3[%add3A_14] : memref<160000xi32, #tpu.memory_space<hbm>> -> memref<200xi32, #tpu.memory_space<hbm>>
        %dma_start3A_15 = tpu.memref_slice %arg3[%add3A_14] : memref<160000xi32, #tpu.memory_space<hbm>> -> memref<200xi32, #tpu.memory_space<hbm>>
        tpu.enqueue_dma source(%dma_start3A_15 : memref<200xi32, #tpu.memory_space<hbm>>) target(%arg6 : memref<200xi32, #tpu.memory_space<vmem>>) target_semaphore(%run_scoped3A : memref<!tpu.dma_semaphore, #tpu.memory_space<semaphore_mem>>)
        %dma_wait3A = tpu.memref_slice %arg3[%add3A_14] : memref<160000xi32, #tpu.memory_space<hbm>> -> memref<200xi32, #tpu.memory_space<hbm>>
        %dma_wait3A_16 = tpu.memref_slice %arg3[%add3A_14] : memref<160000xi32, #tpu.memory_space<hbm>> -> memref<200xi32, #tpu.memory_space<hbm>>
        tpu.wait_dma2 semaphore(%run_scoped3A : memref<!tpu.dma_semaphore, #tpu.memory_space<semaphore_mem>>) src(%dma_wait3A_16 : memref<200xi32, #tpu.memory_space<hbm>>) dst(%arg6 : memref<200xi32, #tpu.memory_space<vmem>>)
        tpu.yield
      }) : () -> ()
      "tpu.region"() ({
        %run_scoped3A = tpu.sem_alloc : memref<!tpu.dma_semaphore, #tpu.memory_space<semaphore_mem>>
        %dma_start3A = arith.constant 0 : i32
        %dma_start3A_15 = tpu.memref_slice %arg2[%add3A_14, %dma_start3A] : memref<160000x128xf32, #tpu.memory_space<hbm>> -> memref<200x128xf32, #tpu.memory_space<hbm>>
        %dma_start3A_16 = arith.constant 0 : i32
        %dma_start3A_17 = tpu.memref_slice %arg2[%add3A_14, %dma_start3A_16] : memref<160000x128xf32, #tpu.memory_space<hbm>> -> memref<200x128xf32, #tpu.memory_space<hbm>>
        tpu.enqueue_dma source(%dma_start3A_17 : memref<200x128xf32, #tpu.memory_space<hbm>>) target(%arg7 : memref<200x128xf32, #tpu.memory_space<vmem>>) target_semaphore(%run_scoped3A : memref<!tpu.dma_semaphore, #tpu.memory_space<semaphore_mem>>)
        %dma_wait3A = arith.constant 0 : i32
        %dma_wait3A_18 = tpu.memref_slice %arg2[%add3A_14, %dma_wait3A] : memref<160000x128xf32, #tpu.memory_space<hbm>> -> memref<200x128xf32, #tpu.memory_space<hbm>>
        %dma_wait3A_19 = arith.constant 0 : i32
        %dma_wait3A_20 = tpu.memref_slice %arg2[%add3A_14, %dma_wait3A_19] : memref<160000x128xf32, #tpu.memory_space<hbm>> -> memref<200x128xf32, #tpu.memory_space<hbm>>
        tpu.wait_dma2 semaphore(%run_scoped3A : memref<!tpu.dma_semaphore, #tpu.memory_space<semaphore_mem>>) src(%dma_wait3A_20 : memref<200x128xf32, #tpu.memory_space<hbm>>) dst(%arg7 : memref<200x128xf32, #tpu.memory_space<vmem>>)
        tpu.yield
      }) : () -> ()
      "tpu.region"() ({
        %run_scoped3A = tpu.sem_alloc : memref<!tpu.dma_semaphore, #tpu.memory_space<semaphore_mem>>
        %dma_start3A = arith.constant 0 : i32
        %dma_start3A_15 = arith.constant 0 : i32
        %dma_start3A_16 = tpu.memref_slice %arg8[%dma_start3A, %dma_start3A_15] : memref<10240x128xf32, #tpu.memory_space<vmem_shared>> -> memref<10240x128xf32, #tpu.memory_space<vmem_shared>>
        tpu.enqueue_indirect_dma source(%arg7 : memref<200x128xf32, #tpu.memory_space<vmem>>) target(%dma_start3A_16 : memref<10240x128xf32, #tpu.memory_space<vmem_shared>>) offsets(%arg6 : memref<200xi32, #tpu.memory_space<vmem>>) semaphore(%run_scoped3A : memref<!tpu.dma_semaphore, #tpu.memory_space<semaphore_mem>>) {add = true}
        %dma_wait3A = arith.constant 0 : i32
        %dma_wait3A_17 = arith.constant 0 : i32
        %dma_wait3A_18 = tpu.memref_slice %arg8[%dma_wait3A, %dma_wait3A_17] : memref<10240x128xf32, #tpu.memory_space<vmem_shared>> -> memref<10240x128xf32, #tpu.memory_space<vmem_shared>>
        tpu.wait_indirect_dma semaphore(%run_scoped3A : memref<!tpu.dma_semaphore, #tpu.memory_space<semaphore_mem>>) src(%arg7 : memref<200x128xf32, #tpu.memory_space<vmem>>) dst(%dma_wait3A_18 : memref<10240x128xf32, #tpu.memory_space<vmem_shared>>)
        tpu.yield
      }) : () -> ()
    }
    %scan3A_9 = arith.constant 25 : i32
    %barrier3A_10 = arith.constant 0 : index
    tpu.barrier barrier_id(%barrier3A_10)
    "tpu.region"() ({
      %run_scoped3A = tpu.sem_alloc : memref<!tpu.dma_semaphore, #tpu.memory_space<semaphore_mem>>
      %dma_start3A = arith.constant 0 : i32
      %dma_start3A_11 = tpu.memref_slice %arg5[%arg0, %mul3A_0, %dma_start3A] : memref<2x10240x128xf32, #tpu.memory_space<hbm>> -> memref<1x640x128xf32, #tpu.memory_space<hbm>>
      %dma_start3A_12 = tpu.memref_squeeze %dma_start3A_11 : memref<1x640x128xf32, #tpu.memory_space<hbm>> -> memref<640x128xf32, #tpu.memory_space<hbm>>
      %dma_start3A_13 = arith.constant 0 : i32
      %dma_start3A_14 = tpu.memref_slice %arg8[%mul3A_0, %dma_start3A_13] : memref<10240x128xf32, #tpu.memory_space<vmem_shared>> -> memref<640x128xf32, #tpu.memory_space<vmem_shared>>
      tpu.enqueue_dma source(%dma_start3A_14 : memref<640x128xf32, #tpu.memory_space<vmem_shared>>) target(%dma_start3A_12 : memref<640x128xf32, #tpu.memory_space<hbm>>) target_semaphore(%run_scoped3A : memref<!tpu.dma_semaphore, #tpu.memory_space<semaphore_mem>>)
      %dma_wait3A = arith.constant 0 : i32
      %dma_wait3A_15 = tpu.memref_slice %arg5[%arg0, %mul3A_0, %dma_wait3A] : memref<2x10240x128xf32, #tpu.memory_space<hbm>> -> memref<1x640x128xf32, #tpu.memory_space<hbm>>
      %dma_wait3A_16 = tpu.memref_squeeze %dma_wait3A_15 : memref<1x640x128xf32, #tpu.memory_space<hbm>> -> memref<640x128xf32, #tpu.memory_space<hbm>>
      %dma_wait3A_17 = arith.constant 0 : i32
      %dma_wait3A_18 = tpu.memref_slice %arg8[%mul3A_0, %dma_wait3A_17] : memref<10240x128xf32, #tpu.memory_space<vmem_shared>> -> memref<640x128xf32, #tpu.memory_space<vmem_shared>>
      tpu.wait_dma2 semaphore(%run_scoped3A : memref<!tpu.dma_semaphore, #tpu.memory_space<semaphore_mem>>) src(%dma_wait3A_18 : memref<640x128xf32, #tpu.memory_space<vmem_shared>>) dst(%dma_wait3A_16 : memref<640x128xf32, #tpu.memory_space<hbm>>)
      tpu.yield
    }) : () -> ()
    return
  }
}

#map = affine_map<(d0, d1) -> (0, 0)>
#map1 = affine_map<(d0, d1) -> (0)>
module attributes {stable_mosaic.version = 14 : i64} {
  func.func @gath(%arg0: i32, %arg1: i32, %arg2: memref<61440x128xf32, #tpu.memory_space<hbm>>, %arg3: memref<160000xi32, #tpu.memory_space<hbm>>, %arg4: memref<160000x128xf32, #tpu.memory_space<hbm>>, %arg5: memref<200xi32, #tpu.memory_space<vmem>>, %arg6: memref<200x128xf32, #tpu.memory_space<vmem>>, %arg7: memref<!tpu.dma_semaphore, #tpu.memory_space<semaphore_mem>>) attributes {dimension_semantics = [#tpu.dimension_semantics<core_parallel>, #tpu.dimension_semantics<subcore_parallel>], iteration_bounds = array<i64: 2, 16>, scalar_prefetch = 0 : i64, scratch_operands = 3 : i64, tpu.core_type = #tpu.core_type<sc_vector_subcore>, window_params = [{transform_indices = #map}, {transform_indices = #map1}, {transform_indices = #map}]} {
    %mul3A = arith.constant 2 : i32
    %mul3A_0 = arith.muli %arg1, %mul3A : i32
    %add3A = arith.addi %mul3A_0, %arg0 : i32
    %mul3A_1 = arith.constant 5000 : i32
    %mul3A_2 = arith.muli %add3A, %mul3A_1 : i32
    %scan3A = arith.constant 0 : i32
    %scan3A_3 = arith.constant 0 : i32
    %scan3A_4 = arith.constant 25 : i32
    %scan3A_5 = arith.addi %scan3A_3, %scan3A_4 : i32
    %scan3A_6 = arith.constant 1 : i32
    scf.for %scan3A_8 = %scan3A_3 to %scan3A_5 step %scan3A_6  : i32 {
      %mul3A_9 = arith.constant 200 : i32
      %mul3A_10 = arith.muli %scan3A_8, %mul3A_9 : i32
      %add3A_11 = arith.addi %mul3A_2, %mul3A_10 : i32
      "tpu.region"() ({
        %run_scoped3A = tpu.sem_alloc : memref<!tpu.dma_semaphore, #tpu.memory_space<semaphore_mem>>
        %dma_start3A_16 = tpu.memref_slice %arg3[%add3A_11] : memref<160000xi32, #tpu.memory_space<hbm>> -> memref<200xi32, #tpu.memory_space<hbm>>
        %dma_start3A_17 = tpu.memref_slice %arg3[%add3A_11] : memref<160000xi32, #tpu.memory_space<hbm>> -> memref<200xi32, #tpu.memory_space<hbm>>
        tpu.enqueue_dma source(%dma_start3A_17 : memref<200xi32, #tpu.memory_space<hbm>>) target(%arg5 : memref<200xi32, #tpu.memory_space<vmem>>) target_semaphore(%run_scoped3A : memref<!tpu.dma_semaphore, #tpu.memory_space<semaphore_mem>>)
        %dma_wait3A_18 = tpu.memref_slice %arg3[%add3A_11] : memref<160000xi32, #tpu.memory_space<hbm>> -> memref<200xi32, #tpu.memory_space<hbm>>
        %dma_wait3A_19 = tpu.memref_slice %arg3[%add3A_11] : memref<160000xi32, #tpu.memory_space<hbm>> -> memref<200xi32, #tpu.memory_space<hbm>>
        tpu.wait_dma2 semaphore(%run_scoped3A : memref<!tpu.dma_semaphore, #tpu.memory_space<semaphore_mem>>) src(%dma_wait3A_19 : memref<200xi32, #tpu.memory_space<hbm>>) dst(%arg5 : memref<200xi32, #tpu.memory_space<vmem>>)
        tpu.yield
      }) : () -> ()
      %dma_start3A = arith.constant 0 : i32
      %dma_start3A_12 = arith.constant 0 : i32
      %dma_start3A_13 = tpu.memref_slice %arg2[%dma_start3A, %dma_start3A_12] : memref<61440x128xf32, #tpu.memory_space<hbm>> -> memref<61440x128xf32, #tpu.memory_space<hbm>>
      tpu.enqueue_indirect_dma source(%dma_start3A_13 : memref<61440x128xf32, #tpu.memory_space<hbm>>) target(%arg6 : memref<200x128xf32, #tpu.memory_space<vmem>>) offsets(%arg5 : memref<200xi32, #tpu.memory_space<vmem>>) semaphore(%arg7 : memref<!tpu.dma_semaphore, #tpu.memory_space<semaphore_mem>>)
      %dma_wait3A = arith.constant 0 : i32
      %dma_wait3A_14 = arith.constant 0 : i32
      %dma_wait3A_15 = tpu.memref_slice %arg2[%dma_wait3A, %dma_wait3A_14] : memref<61440x128xf32, #tpu.memory_space<hbm>> -> memref<61440x128xf32, #tpu.memory_space<hbm>>
      tpu.wait_indirect_dma semaphore(%arg7 : memref<!tpu.dma_semaphore, #tpu.memory_space<semaphore_mem>>) src(%dma_wait3A_15 : memref<61440x128xf32, #tpu.memory_space<hbm>>) dst(%arg6 : memref<200x128xf32, #tpu.memory_space<vmem>>)
      "tpu.region"() ({
        %run_scoped3A = tpu.sem_alloc : memref<!tpu.dma_semaphore, #tpu.memory_space<semaphore_mem>>
        %dma_start3A_16 = arith.constant 0 : i32
        %dma_start3A_17 = tpu.memref_slice %arg4[%add3A_11, %dma_start3A_16] : memref<160000x128xf32, #tpu.memory_space<hbm>> -> memref<200x128xf32, #tpu.memory_space<hbm>>
        %dma_start3A_18 = arith.constant 0 : i32
        %dma_start3A_19 = tpu.memref_slice %arg4[%add3A_11, %dma_start3A_18] : memref<160000x128xf32, #tpu.memory_space<hbm>> -> memref<200x128xf32, #tpu.memory_space<hbm>>
        tpu.enqueue_dma source(%arg6 : memref<200x128xf32, #tpu.memory_space<vmem>>) target(%dma_start3A_19 : memref<200x128xf32, #tpu.memory_space<hbm>>) target_semaphore(%run_scoped3A : memref<!tpu.dma_semaphore, #tpu.memory_space<semaphore_mem>>)
        %dma_wait3A_20 = arith.constant 0 : i32
        %dma_wait3A_21 = tpu.memref_slice %arg4[%add3A_11, %dma_wait3A_20] : memref<160000x128xf32, #tpu.memory_space<hbm>> -> memref<200x128xf32, #tpu.memory_space<hbm>>
        %dma_wait3A_22 = arith.constant 0 : i32
        %dma_wait3A_23 = tpu.memref_slice %arg4[%add3A_11, %dma_wait3A_22] : memref<160000x128xf32, #tpu.memory_space<hbm>> -> memref<200x128xf32, #tpu.memory_space<hbm>>
        tpu.wait_dma2 semaphore(%run_scoped3A : memref<!tpu.dma_semaphore, #tpu.memory_space<semaphore_mem>>) src(%arg6 : memref<200x128xf32, #tpu.memory_space<vmem>>) dst(%dma_wait3A_23 : memref<200x128xf32, #tpu.memory_space<hbm>>)
        tpu.yield
      }) : () -> ()
    }
    %scan3A_7 = arith.constant 25 : i32
    return
  }
}

#map = affine_map<(d0, d1) -> (0, 0)>
#map1 = affine_map<(d0, d1) -> (0)>
module attributes {stable_mosaic.version = 14 : i64} {
  func.func @gath(%arg0: i32, %arg1: i32, %arg2: memref<60000x256xf32, #tpu.memory_space<hbm>>, %arg3: memref<160000xi32, #tpu.memory_space<hbm>>, %arg4: memref<160000x256xf32, #tpu.memory_space<hbm>>, %arg5: memref<200xi32, #tpu.memory_space<vmem>>, %arg6: memref<200x256xf32, #tpu.memory_space<vmem>>, %arg7: memref<!tpu.dma_semaphore, #tpu.memory_space<semaphore_mem>>) attributes {dimension_semantics = [#tpu.dimension_semantics<core_parallel>, #tpu.dimension_semantics<subcore_parallel>], iteration_bounds = array<i64: 2, 16>, scalar_prefetch = 0 : i64, scratch_operands = 3 : i64, tpu.core_type = #tpu.core_type<sc_vector_subcore>, window_params = [{transform_indices = #map}, {transform_indices = #map1}, {transform_indices = #map}]} {
    %mul3A = arith.constant 2 : i32
    %mul3A_0 = arith.muli %arg1, %mul3A : i32
    %add3A = arith.addi %mul3A_0, %arg0 : i32
    %mul3A_1 = arith.constant 5000 : i32
    %mul3A_2 = arith.muli %add3A, %mul3A_1 : i32
    %scan3A = arith.constant 0 : i32
    %scan3A_3 = arith.constant 0 : i32
    %scan3A_4 = arith.constant 25 : i32
    %scan3A_5 = arith.addi %scan3A_3, %scan3A_4 : i32
    %scan3A_6 = arith.constant 1 : i32
    scf.for %scan3A_8 = %scan3A_3 to %scan3A_5 step %scan3A_6  : i32 {
      %mul3A_9 = arith.constant 200 : i32
      %mul3A_10 = arith.muli %scan3A_8, %mul3A_9 : i32
      %add3A_11 = arith.addi %mul3A_2, %mul3A_10 : i32
      "tpu.region"() ({
        %run_scoped3A = tpu.sem_alloc : memref<!tpu.dma_semaphore, #tpu.memory_space<semaphore_mem>>
        %dma_start3A_16 = tpu.memref_slice %arg3[%add3A_11] : memref<160000xi32, #tpu.memory_space<hbm>> -> memref<200xi32, #tpu.memory_space<hbm>>
        %dma_start3A_17 = tpu.memref_slice %arg3[%add3A_11] : memref<160000xi32, #tpu.memory_space<hbm>> -> memref<200xi32, #tpu.memory_space<hbm>>
        tpu.enqueue_dma source(%dma_start3A_17 : memref<200xi32, #tpu.memory_space<hbm>>) target(%arg5 : memref<200xi32, #tpu.memory_space<vmem>>) target_semaphore(%run_scoped3A : memref<!tpu.dma_semaphore, #tpu.memory_space<semaphore_mem>>)
        %dma_wait3A_18 = tpu.memref_slice %arg3[%add3A_11] : memref<160000xi32, #tpu.memory_space<hbm>> -> memref<200xi32, #tpu.memory_space<hbm>>
        %dma_wait3A_19 = tpu.memref_slice %arg3[%add3A_11] : memref<160000xi32, #tpu.memory_space<hbm>> -> memref<200xi32, #tpu.memory_space<hbm>>
        tpu.wait_dma2 semaphore(%run_scoped3A : memref<!tpu.dma_semaphore, #tpu.memory_space<semaphore_mem>>) src(%dma_wait3A_19 : memref<200xi32, #tpu.memory_space<hbm>>) dst(%arg5 : memref<200xi32, #tpu.memory_space<vmem>>)
        tpu.yield
      }) : () -> ()
      %dma_start3A = arith.constant 0 : i32
      %dma_start3A_12 = arith.constant 0 : i32
      %dma_start3A_13 = tpu.memref_slice %arg2[%dma_start3A, %dma_start3A_12] : memref<60000x256xf32, #tpu.memory_space<hbm>> -> memref<60000x256xf32, #tpu.memory_space<hbm>>
      tpu.enqueue_indirect_dma source(%dma_start3A_13 : memref<60000x256xf32, #tpu.memory_space<hbm>>) target(%arg6 : memref<200x256xf32, #tpu.memory_space<vmem>>) offsets(%arg5 : memref<200xi32, #tpu.memory_space<vmem>>) semaphore(%arg7 : memref<!tpu.dma_semaphore, #tpu.memory_space<semaphore_mem>>)
      %dma_wait3A = arith.constant 0 : i32
      %dma_wait3A_14 = arith.constant 0 : i32
      %dma_wait3A_15 = tpu.memref_slice %arg2[%dma_wait3A, %dma_wait3A_14] : memref<60000x256xf32, #tpu.memory_space<hbm>> -> memref<60000x256xf32, #tpu.memory_space<hbm>>
      tpu.wait_indirect_dma semaphore(%arg7 : memref<!tpu.dma_semaphore, #tpu.memory_space<semaphore_mem>>) src(%dma_wait3A_15 : memref<60000x256xf32, #tpu.memory_space<hbm>>) dst(%arg6 : memref<200x256xf32, #tpu.memory_space<vmem>>)
      "tpu.region"() ({
        %run_scoped3A = tpu.sem_alloc : memref<!tpu.dma_semaphore, #tpu.memory_space<semaphore_mem>>
        %dma_start3A_16 = arith.constant 0 : i32
        %dma_start3A_17 = tpu.memref_slice %arg4[%add3A_11, %dma_start3A_16] : memref<160000x256xf32, #tpu.memory_space<hbm>> -> memref<200x256xf32, #tpu.memory_space<hbm>>
        %dma_start3A_18 = arith.constant 0 : i32
        %dma_start3A_19 = tpu.memref_slice %arg4[%add3A_11, %dma_start3A_18] : memref<160000x256xf32, #tpu.memory_space<hbm>> -> memref<200x256xf32, #tpu.memory_space<hbm>>
        tpu.enqueue_dma source(%arg6 : memref<200x256xf32, #tpu.memory_space<vmem>>) target(%dma_start3A_19 : memref<200x256xf32, #tpu.memory_space<hbm>>) target_semaphore(%run_scoped3A : memref<!tpu.dma_semaphore, #tpu.memory_space<semaphore_mem>>)
        %dma_wait3A_20 = arith.constant 0 : i32
        %dma_wait3A_21 = tpu.memref_slice %arg4[%add3A_11, %dma_wait3A_20] : memref<160000x256xf32, #tpu.memory_space<hbm>> -> memref<200x256xf32, #tpu.memory_space<hbm>>
        %dma_wait3A_22 = arith.constant 0 : i32
        %dma_wait3A_23 = tpu.memref_slice %arg4[%add3A_11, %dma_wait3A_22] : memref<160000x256xf32, #tpu.memory_space<hbm>> -> memref<200x256xf32, #tpu.memory_space<hbm>>
        tpu.wait_dma2 semaphore(%run_scoped3A : memref<!tpu.dma_semaphore, #tpu.memory_space<semaphore_mem>>) src(%arg6 : memref<200x256xf32, #tpu.memory_space<vmem>>) dst(%dma_wait3A_23 : memref<200x256xf32, #tpu.memory_space<hbm>>)
        tpu.yield
      }) : () -> ()
    }
    %scan3A_7 = arith.constant 25 : i32
    return
  }
}

#map = affine_map<(d0, d1) -> (0, 0)>
#map1 = affine_map<(d0, d1) -> (0)>
module attributes {stable_mosaic.version = 14 : i64} {
  func.func @gath(%arg0: i32, %arg1: i32, %arg2: memref<10000x256xf32, #tpu.memory_space<hbm>>, %arg3: memref<160000xi32, #tpu.memory_space<hbm>>, %arg4: memref<160000x256xf32, #tpu.memory_space<hbm>>, %arg5: memref<200xi32, #tpu.memory_space<vmem>>, %arg6: memref<200x256xf32, #tpu.memory_space<vmem>>, %arg7: memref<!tpu.dma_semaphore, #tpu.memory_space<semaphore_mem>>) attributes {dimension_semantics = [#tpu.dimension_semantics<core_parallel>, #tpu.dimension_semantics<subcore_parallel>], iteration_bounds = array<i64: 2, 16>, scalar_prefetch = 0 : i64, scratch_operands = 3 : i64, tpu.core_type = #tpu.core_type<sc_vector_subcore>, window_params = [{transform_indices = #map}, {transform_indices = #map1}, {transform_indices = #map}]} {
    %mul3A = arith.constant 2 : i32
    %mul3A_0 = arith.muli %arg1, %mul3A : i32
    %add3A = arith.addi %mul3A_0, %arg0 : i32
    %mul3A_1 = arith.constant 5000 : i32
    %mul3A_2 = arith.muli %add3A, %mul3A_1 : i32
    %scan3A = arith.constant 0 : i32
    %scan3A_3 = arith.constant 0 : i32
    %scan3A_4 = arith.constant 25 : i32
    %scan3A_5 = arith.addi %scan3A_3, %scan3A_4 : i32
    %scan3A_6 = arith.constant 1 : i32
    scf.for %scan3A_8 = %scan3A_3 to %scan3A_5 step %scan3A_6  : i32 {
      %mul3A_9 = arith.constant 200 : i32
      %mul3A_10 = arith.muli %scan3A_8, %mul3A_9 : i32
      %add3A_11 = arith.addi %mul3A_2, %mul3A_10 : i32
      "tpu.region"() ({
        %run_scoped3A = tpu.sem_alloc : memref<!tpu.dma_semaphore, #tpu.memory_space<semaphore_mem>>
        %dma_start3A_16 = tpu.memref_slice %arg3[%add3A_11] : memref<160000xi32, #tpu.memory_space<hbm>> -> memref<200xi32, #tpu.memory_space<hbm>>
        %dma_start3A_17 = tpu.memref_slice %arg3[%add3A_11] : memref<160000xi32, #tpu.memory_space<hbm>> -> memref<200xi32, #tpu.memory_space<hbm>>
        tpu.enqueue_dma source(%dma_start3A_17 : memref<200xi32, #tpu.memory_space<hbm>>) target(%arg5 : memref<200xi32, #tpu.memory_space<vmem>>) target_semaphore(%run_scoped3A : memref<!tpu.dma_semaphore, #tpu.memory_space<semaphore_mem>>)
        %dma_wait3A_18 = tpu.memref_slice %arg3[%add3A_11] : memref<160000xi32, #tpu.memory_space<hbm>> -> memref<200xi32, #tpu.memory_space<hbm>>
        %dma_wait3A_19 = tpu.memref_slice %arg3[%add3A_11] : memref<160000xi32, #tpu.memory_space<hbm>> -> memref<200xi32, #tpu.memory_space<hbm>>
        tpu.wait_dma2 semaphore(%run_scoped3A : memref<!tpu.dma_semaphore, #tpu.memory_space<semaphore_mem>>) src(%dma_wait3A_19 : memref<200xi32, #tpu.memory_space<hbm>>) dst(%arg5 : memref<200xi32, #tpu.memory_space<vmem>>)
        tpu.yield
      }) : () -> ()
      %dma_start3A = arith.constant 0 : i32
      %dma_start3A_12 = arith.constant 0 : i32
      %dma_start3A_13 = tpu.memref_slice %arg2[%dma_start3A, %dma_start3A_12] : memref<10000x256xf32, #tpu.memory_space<hbm>> -> memref<10000x256xf32, #tpu.memory_space<hbm>>
      tpu.enqueue_indirect_dma source(%dma_start3A_13 : memref<10000x256xf32, #tpu.memory_space<hbm>>) target(%arg6 : memref<200x256xf32, #tpu.memory_space<vmem>>) offsets(%arg5 : memref<200xi32, #tpu.memory_space<vmem>>) semaphore(%arg7 : memref<!tpu.dma_semaphore, #tpu.memory_space<semaphore_mem>>)
      %dma_wait3A = arith.constant 0 : i32
      %dma_wait3A_14 = arith.constant 0 : i32
      %dma_wait3A_15 = tpu.memref_slice %arg2[%dma_wait3A, %dma_wait3A_14] : memref<10000x256xf32, #tpu.memory_space<hbm>> -> memref<10000x256xf32, #tpu.memory_space<hbm>>
      tpu.wait_indirect_dma semaphore(%arg7 : memref<!tpu.dma_semaphore, #tpu.memory_space<semaphore_mem>>) src(%dma_wait3A_15 : memref<10000x256xf32, #tpu.memory_space<hbm>>) dst(%arg6 : memref<200x256xf32, #tpu.memory_space<vmem>>)
      "tpu.region"() ({
        %run_scoped3A = tpu.sem_alloc : memref<!tpu.dma_semaphore, #tpu.memory_space<semaphore_mem>>
        %dma_start3A_16 = arith.constant 0 : i32
        %dma_start3A_17 = tpu.memref_slice %arg4[%add3A_11, %dma_start3A_16] : memref<160000x256xf32, #tpu.memory_space<hbm>> -> memref<200x256xf32, #tpu.memory_space<hbm>>
        %dma_start3A_18 = arith.constant 0 : i32
        %dma_start3A_19 = tpu.memref_slice %arg4[%add3A_11, %dma_start3A_18] : memref<160000x256xf32, #tpu.memory_space<hbm>> -> memref<200x256xf32, #tpu.memory_space<hbm>>
        tpu.enqueue_dma source(%arg6 : memref<200x256xf32, #tpu.memory_space<vmem>>) target(%dma_start3A_19 : memref<200x256xf32, #tpu.memory_space<hbm>>) target_semaphore(%run_scoped3A : memref<!tpu.dma_semaphore, #tpu.memory_space<semaphore_mem>>)
        %dma_wait3A_20 = arith.constant 0 : i32
        %dma_wait3A_21 = tpu.memref_slice %arg4[%add3A_11, %dma_wait3A_20] : memref<160000x256xf32, #tpu.memory_space<hbm>> -> memref<200x256xf32, #tpu.memory_space<hbm>>
        %dma_wait3A_22 = arith.constant 0 : i32
        %dma_wait3A_23 = tpu.memref_slice %arg4[%add3A_11, %dma_wait3A_22] : memref<160000x256xf32, #tpu.memory_space<hbm>> -> memref<200x256xf32, #tpu.memory_space<hbm>>
        tpu.wait_dma2 semaphore(%run_scoped3A : memref<!tpu.dma_semaphore, #tpu.memory_space<semaphore_mem>>) src(%arg6 : memref<200x256xf32, #tpu.memory_space<vmem>>) dst(%dma_wait3A_23 : memref<200x256xf32, #tpu.memory_space<hbm>>)
        tpu.yield
      }) : () -> ()
    }
    %scan3A_7 = arith.constant 25 : i32
    return
  }
}

#map = affine_map<(d0, d1) -> (0, 0, 0)>
#map1 = affine_map<(d0, d1) -> (0)>
#map2 = affine_map<(d0, d1) -> (0, 0)>
module attributes {stable_mosaic.version = 14 : i64} {
  func.func @scat(%arg0: i32, %arg1: i32, %arg2: memref<2x160000x128xf32, #tpu.memory_space<hbm>>, %arg3: memref<160000xi32, #tpu.memory_space<hbm>>, %arg4: memref<10240x128xf32, #tpu.memory_space<hbm>>, %arg5: memref<2x10240x128xf32, #tpu.memory_space<hbm>>, %arg6: memref<200xi32, #tpu.memory_space<vmem>>, %arg7: memref<200x128xf32, #tpu.memory_space<vmem>>, %arg8: memref<10240x128xf32, #tpu.memory_space<vmem_shared>>, %arg9: memref<!tpu.dma_semaphore, #tpu.memory_space<semaphore_mem>>) attributes {dimension_semantics = [#tpu.dimension_semantics<core_parallel>, #tpu.dimension_semantics<subcore_parallel>], iteration_bounds = array<i64: 2, 16>, scalar_prefetch = 0 : i64, scratch_operands = 4 : i64, tpu.core_type = #tpu.core_type<sc_vector_subcore>, window_params = [{transform_indices = #map}, {transform_indices = #map1}, {transform_indices = #map2}, {transform_indices = #map}]} {
    %mul3A = arith.constant 640 : i32
    %mul3A_0 = arith.muli %arg1, %mul3A : i32
    "tpu.region"() ({
      %run_scoped3A = tpu.sem_alloc : memref<!tpu.dma_semaphore, #tpu.memory_space<semaphore_mem>>
      %dma_start3A = arith.constant 0 : i32
      %dma_start3A_9 = tpu.memref_slice %arg8[%mul3A_0, %dma_start3A] : memref<10240x128xf32, #tpu.memory_space<vmem_shared>> -> memref<640x128xf32, #tpu.memory_space<vmem_shared>>
      %dma_start3A_10 = arith.constant 0 : i32
      %dma_start3A_11 = tpu.memref_slice %arg4[%mul3A_0, %dma_start3A_10] : memref<10240x128xf32, #tpu.memory_space<hbm>> -> memref<640x128xf32, #tpu.memory_space<hbm>>
      tpu.enqueue_dma source(%dma_start3A_11 : memref<640x128xf32, #tpu.memory_space<hbm>>) target(%dma_start3A_9 : memref<640x128xf32, #tpu.memory_space<vmem_shared>>) target_semaphore(%run_scoped3A : memref<!tpu.dma_semaphore, #tpu.memory_space<semaphore_mem>>)
      %dma_wait3A = arith.constant 0 : i32
      %dma_wait3A_12 = tpu.memref_slice %arg8[%mul3A_0, %dma_wait3A] : memref<10240x128xf32, #tpu.memory_space<vmem_shared>> -> memref<640x128xf32, #tpu.memory_space<vmem_shared>>
      %dma_wait3A_13 = arith.constant 0 : i32
      %dma_wait3A_14 = tpu.memref_slice %arg4[%mul3A_0, %dma_wait3A_13] : memref<10240x128xf32, #tpu.memory_space<hbm>> -> memref<640x128xf32, #tpu.memory_space<hbm>>
      tpu.wait_dma2 semaphore(%run_scoped3A : memref<!tpu.dma_semaphore, #tpu.memory_space<semaphore_mem>>) src(%dma_wait3A_14 : memref<640x128xf32, #tpu.memory_space<hbm>>) dst(%dma_wait3A_12 : memref<640x128xf32, #tpu.memory_space<vmem_shared>>)
      tpu.yield
    }) : () -> ()
    %barrier3A = arith.constant 0 : index
    tpu.barrier barrier_id(%barrier3A)
    %mul3A_1 = arith.constant 10000 : i32
    %mul3A_2 = arith.muli %arg1, %mul3A_1 : i32
    %scan3A = arith.constant 0 : i32
    %scan3A_3 = arith.constant 0 : i32
    %scan3A_4 = arith.constant 50 : i32
    %scan3A_5 = arith.addi %scan3A_3, %scan3A_4 : i32
    %scan3A_6 = arith.constant 1 : i32
    scf.for %scan3A_9 = %scan3A_3 to %scan3A_5 step %scan3A_6  : i32 {
      %mul3A_10 = arith.constant 200 : i32
      %mul3A_11 = arith.muli %scan3A_9, %mul3A_10 : i32
      %add3A = arith.addi %mul3A_2, %mul3A_11 : i32
      "tpu.region"() ({
        %run_scoped3A = tpu.sem_alloc : memref<!tpu.dma_semaphore, #tpu.memory_space<semaphore_mem>>
        %dma_start3A = tpu.memref_slice %arg3[%add3A] : memref<160000xi32, #tpu.memory_space<hbm>> -> memref<200xi32, #tpu.memory_space<hbm>>
        %dma_start3A_12 = tpu.memref_slice %arg3[%add3A] : memref<160000xi32, #tpu.memory_space<hbm>> -> memref<200xi32, #tpu.memory_space<hbm>>
        tpu.enqueue_dma source(%dma_start3A_12 : memref<200xi32, #tpu.memory_space<hbm>>) target(%arg6 : memref<200xi32, #tpu.memory_space<vmem>>) target_semaphore(%run_scoped3A : memref<!tpu.dma_semaphore, #tpu.memory_space<semaphore_mem>>)
        %dma_wait3A = tpu.memref_slice %arg3[%add3A] : memref<160000xi32, #tpu.memory_space<hbm>> -> memref<200xi32, #tpu.memory_space<hbm>>
        %dma_wait3A_13 = tpu.memref_slice %arg3[%add3A] : memref<160000xi32, #tpu.memory_space<hbm>> -> memref<200xi32, #tpu.memory_space<hbm>>
        tpu.wait_dma2 semaphore(%run_scoped3A : memref<!tpu.dma_semaphore, #tpu.memory_space<semaphore_mem>>) src(%dma_wait3A_13 : memref<200xi32, #tpu.memory_space<hbm>>) dst(%arg6 : memref<200xi32, #tpu.memory_space<vmem>>)
        tpu.yield
      }) : () -> ()
      "tpu.region"() ({
        %run_scoped3A = tpu.sem_alloc : memref<!tpu.dma_semaphore, #tpu.memory_space<semaphore_mem>>
        %dma_start3A = arith.constant 0 : i32
        %dma_start3A_12 = tpu.memref_slice %arg2[%arg0, %add3A, %dma_start3A] : memref<2x160000x128xf32, #tpu.memory_space<hbm>> -> memref<1x200x128xf32, #tpu.memory_space<hbm>>
        %dma_start3A_13 = tpu.memref_squeeze %dma_start3A_12 : memref<1x200x128xf32, #tpu.memory_space<hbm>> -> memref<200x128xf32, #tpu.memory_space<hbm>>
        %dma_start3A_14 = arith.constant 0 : i32
        %dma_start3A_15 = tpu.memref_slice %arg2[%arg0, %add3A, %dma_start3A_14] : memref<2x160000x128xf32, #tpu.memory_space<hbm>> -> memref<1x200x128xf32, #tpu.memory_space<hbm>>
        %dma_start3A_16 = tpu.memref_squeeze %dma_start3A_15 : memref<1x200x128xf32, #tpu.memory_space<hbm>> -> memref<200x128xf32, #tpu.memory_space<hbm>>
        tpu.enqueue_dma source(%dma_start3A_16 : memref<200x128xf32, #tpu.memory_space<hbm>>) target(%arg7 : memref<200x128xf32, #tpu.memory_space<vmem>>) target_semaphore(%run_scoped3A : memref<!tpu.dma_semaphore, #tpu.memory_space<semaphore_mem>>)
        %dma_wait3A = arith.constant 0 : i32
        %dma_wait3A_17 = tpu.memref_slice %arg2[%arg0, %add3A, %dma_wait3A] : memref<2x160000x128xf32, #tpu.memory_space<hbm>> -> memref<1x200x128xf32, #tpu.memory_space<hbm>>
        %dma_wait3A_18 = tpu.memref_squeeze %dma_wait3A_17 : memref<1x200x128xf32, #tpu.memory_space<hbm>> -> memref<200x128xf32, #tpu.memory_space<hbm>>
        %dma_wait3A_19 = arith.constant 0 : i32
        %dma_wait3A_20 = tpu.memref_slice %arg2[%arg0, %add3A, %dma_wait3A_19] : memref<2x160000x128xf32, #tpu.memory_space<hbm>> -> memref<1x200x128xf32, #tpu.memory_space<hbm>>
        %dma_wait3A_21 = tpu.memref_squeeze %dma_wait3A_20 : memref<1x200x128xf32, #tpu.memory_space<hbm>> -> memref<200x128xf32, #tpu.memory_space<hbm>>
        tpu.wait_dma2 semaphore(%run_scoped3A : memref<!tpu.dma_semaphore, #tpu.memory_space<semaphore_mem>>) src(%dma_wait3A_21 : memref<200x128xf32, #tpu.memory_space<hbm>>) dst(%arg7 : memref<200x128xf32, #tpu.memory_space<vmem>>)
        tpu.yield
      }) : () -> ()
      "tpu.region"() ({
        %run_scoped3A = tpu.sem_alloc : memref<!tpu.dma_semaphore, #tpu.memory_space<semaphore_mem>>
        %dma_start3A = arith.constant 0 : i32
        %dma_start3A_12 = arith.constant 0 : i32
        %dma_start3A_13 = tpu.memref_slice %arg8[%dma_start3A, %dma_start3A_12] : memref<10240x128xf32, #tpu.memory_space<vmem_shared>> -> memref<10240x128xf32, #tpu.memory_space<vmem_shared>>
        tpu.enqueue_indirect_dma source(%arg7 : memref<200x128xf32, #tpu.memory_space<vmem>>) target(%dma_start3A_13 : memref<10240x128xf32, #tpu.memory_space<vmem_shared>>) offsets(%arg6 : memref<200xi32, #tpu.memory_space<vmem>>) semaphore(%run_scoped3A : memref<!tpu.dma_semaphore, #tpu.memory_space<semaphore_mem>>) {add = true}
        %dma_wait3A = arith.constant 0 : i32
        %dma_wait3A_14 = arith.constant 0 : i32
        %dma_wait3A_15 = tpu.memref_slice %arg8[%dma_wait3A, %dma_wait3A_14] : memref<10240x128xf32, #tpu.memory_space<vmem_shared>> -> memref<10240x128xf32, #tpu.memory_space<vmem_shared>>
        tpu.wait_indirect_dma semaphore(%run_scoped3A : memref<!tpu.dma_semaphore, #tpu.memory_space<semaphore_mem>>) src(%arg7 : memref<200x128xf32, #tpu.memory_space<vmem>>) dst(%dma_wait3A_15 : memref<10240x128xf32, #tpu.memory_space<vmem_shared>>)
        tpu.yield
      }) : () -> ()
    }
    %scan3A_7 = arith.constant 50 : i32
    %barrier3A_8 = arith.constant 0 : index
    tpu.barrier barrier_id(%barrier3A_8)
    "tpu.region"() ({
      %run_scoped3A = tpu.sem_alloc : memref<!tpu.dma_semaphore, #tpu.memory_space<semaphore_mem>>
      %dma_start3A = arith.constant 0 : i32
      %dma_start3A_9 = tpu.memref_slice %arg5[%arg0, %mul3A_0, %dma_start3A] : memref<2x10240x128xf32, #tpu.memory_space<hbm>> -> memref<1x640x128xf32, #tpu.memory_space<hbm>>
      %dma_start3A_10 = tpu.memref_squeeze %dma_start3A_9 : memref<1x640x128xf32, #tpu.memory_space<hbm>> -> memref<640x128xf32, #tpu.memory_space<hbm>>
      %dma_start3A_11 = arith.constant 0 : i32
      %dma_start3A_12 = tpu.memref_slice %arg8[%mul3A_0, %dma_start3A_11] : memref<10240x128xf32, #tpu.memory_space<vmem_shared>> -> memref<640x128xf32, #tpu.memory_space<vmem_shared>>
      tpu.enqueue_dma source(%dma_start3A_12 : memref<640x128xf32, #tpu.memory_space<vmem_shared>>) target(%dma_start3A_10 : memref<640x128xf32, #tpu.memory_space<hbm>>) target_semaphore(%run_scoped3A : memref<!tpu.dma_semaphore, #tpu.memory_space<semaphore_mem>>)
      %dma_wait3A = arith.constant 0 : i32
      %dma_wait3A_13 = tpu.memref_slice %arg5[%arg0, %mul3A_0, %dma_wait3A] : memref<2x10240x128xf32, #tpu.memory_space<hbm>> -> memref<1x640x128xf32, #tpu.memory_space<hbm>>
      %dma_wait3A_14 = tpu.memref_squeeze %dma_wait3A_13 : memref<1x640x128xf32, #tpu.memory_space<hbm>> -> memref<640x128xf32, #tpu.memory_space<hbm>>
      %dma_wait3A_15 = arith.constant 0 : i32
      %dma_wait3A_16 = tpu.memref_slice %arg8[%mul3A_0, %dma_wait3A_15] : memref<10240x128xf32, #tpu.memory_space<vmem_shared>> -> memref<640x128xf32, #tpu.memory_space<vmem_shared>>
      tpu.wait_dma2 semaphore(%run_scoped3A : memref<!tpu.dma_semaphore, #tpu.memory_space<semaphore_mem>>) src(%dma_wait3A_16 : memref<640x128xf32, #tpu.memory_space<vmem_shared>>) dst(%dma_wait3A_14 : memref<640x128xf32, #tpu.memory_space<hbm>>)
      tpu.yield
    }) : () -> ()
    return
  }
}

#map = affine_map<(d0, d1) -> (0, 0)>
#map1 = affine_map<(d0, d1) -> (0)>
module attributes {stable_mosaic.version = 14 : i64} {
  func.func @gath(%arg0: i32, %arg1: i32, %arg2: memref<10000x256xf32, #tpu.memory_space<hbm>>, %arg3: memref<160000xi32, #tpu.memory_space<hbm>>, %arg4: memref<160000x256xf32, #tpu.memory_space<hbm>>, %arg5: memref<200xi32, #tpu.memory_space<vmem>>, %arg6: memref<200x256xf32, #tpu.memory_space<vmem>>, %arg7: memref<!tpu.dma_semaphore, #tpu.memory_space<semaphore_mem>>) attributes {dimension_semantics = [#tpu.dimension_semantics<core_parallel>, #tpu.dimension_semantics<subcore_parallel>], iteration_bounds = array<i64: 2, 16>, scalar_prefetch = 0 : i64, scratch_operands = 3 : i64, tpu.core_type = #tpu.core_type<sc_vector_subcore>, window_params = [{transform_indices = #map}, {transform_indices = #map1}, {transform_indices = #map}]} {
    %mul3A = arith.constant 2 : i32
    %mul3A_0 = arith.muli %arg1, %mul3A : i32
    %add3A = arith.addi %mul3A_0, %arg0 : i32
    %mul3A_1 = arith.constant 5000 : i32
    %mul3A_2 = arith.muli %add3A, %mul3A_1 : i32
    %scan3A = arith.constant 0 : i32
    %scan3A_3 = arith.constant 0 : i32
    %scan3A_4 = arith.constant 25 : i32
    %scan3A_5 = arith.addi %scan3A_3, %scan3A_4 : i32
    %scan3A_6 = arith.constant 1 : i32
    scf.for %scan3A_8 = %scan3A_3 to %scan3A_5 step %scan3A_6  : i32 {
      %mul3A_9 = arith.constant 200 : i32
      %mul3A_10 = arith.muli %scan3A_8, %mul3A_9 : i32
      %add3A_11 = arith.addi %mul3A_2, %mul3A_10 : i32
      "tpu.region"() ({
        %run_scoped3A = tpu.sem_alloc : memref<!tpu.dma_semaphore, #tpu.memory_space<semaphore_mem>>
        %dma_start3A_16 = tpu.memref_slice %arg3[%add3A_11] : memref<160000xi32, #tpu.memory_space<hbm>> -> memref<200xi32, #tpu.memory_space<hbm>>
        %dma_start3A_17 = tpu.memref_slice %arg3[%add3A_11] : memref<160000xi32, #tpu.memory_space<hbm>> -> memref<200xi32, #tpu.memory_space<hbm>>
        tpu.enqueue_dma source(%dma_start3A_17 : memref<200xi32, #tpu.memory_space<hbm>>) target(%arg5 : memref<200xi32, #tpu.memory_space<vmem>>) target_semaphore(%run_scoped3A : memref<!tpu.dma_semaphore, #tpu.memory_space<semaphore_mem>>)
        %dma_wait3A_18 = tpu.memref_slice %arg3[%add3A_11] : memref<160000xi32, #tpu.memory_space<hbm>> -> memref<200xi32, #tpu.memory_space<hbm>>
        %dma_wait3A_19 = tpu.memref_slice %arg3[%add3A_11] : memref<160000xi32, #tpu.memory_space<hbm>> -> memref<200xi32, #tpu.memory_space<hbm>>
        tpu.wait_dma2 semaphore(%run_scoped3A : memref<!tpu.dma_semaphore, #tpu.memory_space<semaphore_mem>>) src(%dma_wait3A_19 : memref<200xi32, #tpu.memory_space<hbm>>) dst(%arg5 : memref<200xi32, #tpu.memory_space<vmem>>)
        tpu.yield
      }) : () -> ()
      %dma_start3A = arith.constant 0 : i32
      %dma_start3A_12 = arith.constant 0 : i32
      %dma_start3A_13 = tpu.memref_slice %arg2[%dma_start3A, %dma_start3A_12] : memref<10000x256xf32, #tpu.memory_space<hbm>> -> memref<10000x256xf32, #tpu.memory_space<hbm>>
      tpu.enqueue_indirect_dma source(%dma_start3A_13 : memref<10000x256xf32, #tpu.memory_space<hbm>>) target(%arg6 : memref<200x256xf32, #tpu.memory_space<vmem>>) offsets(%arg5 : memref<200xi32, #tpu.memory_space<vmem>>) semaphore(%arg7 : memref<!tpu.dma_semaphore, #tpu.memory_space<semaphore_mem>>)
      %dma_wait3A = arith.constant 0 : i32
      %dma_wait3A_14 = arith.constant 0 : i32
      %dma_wait3A_15 = tpu.memref_slice %arg2[%dma_wait3A, %dma_wait3A_14] : memref<10000x256xf32, #tpu.memory_space<hbm>> -> memref<10000x256xf32, #tpu.memory_space<hbm>>
      tpu.wait_indirect_dma semaphore(%arg7 : memref<!tpu.dma_semaphore, #tpu.memory_space<semaphore_mem>>) src(%dma_wait3A_15 : memref<10000x256xf32, #tpu.memory_space<hbm>>) dst(%arg6 : memref<200x256xf32, #tpu.memory_space<vmem>>)
      "tpu.region"() ({
        %run_scoped3A = tpu.sem_alloc : memref<!tpu.dma_semaphore, #tpu.memory_space<semaphore_mem>>
        %dma_start3A_16 = arith.constant 0 : i32
        %dma_start3A_17 = tpu.memref_slice %arg4[%add3A_11, %dma_start3A_16] : memref<160000x256xf32, #tpu.memory_space<hbm>> -> memref<200x256xf32, #tpu.memory_space<hbm>>
        %dma_start3A_18 = arith.constant 0 : i32
        %dma_start3A_19 = tpu.memref_slice %arg4[%add3A_11, %dma_start3A_18] : memref<160000x256xf32, #tpu.memory_space<hbm>> -> memref<200x256xf32, #tpu.memory_space<hbm>>
        tpu.enqueue_dma source(%arg6 : memref<200x256xf32, #tpu.memory_space<vmem>>) target(%dma_start3A_19 : memref<200x256xf32, #tpu.memory_space<hbm>>) target_semaphore(%run_scoped3A : memref<!tpu.dma_semaphore, #tpu.memory_space<semaphore_mem>>)
        %dma_wait3A_20 = arith.constant 0 : i32
        %dma_wait3A_21 = tpu.memref_slice %arg4[%add3A_11, %dma_wait3A_20] : memref<160000x256xf32, #tpu.memory_space<hbm>> -> memref<200x256xf32, #tpu.memory_space<hbm>>
        %dma_wait3A_22 = arith.constant 0 : i32
        %dma_wait3A_23 = tpu.memref_slice %arg4[%add3A_11, %dma_wait3A_22] : memref<160000x256xf32, #tpu.memory_space<hbm>> -> memref<200x256xf32, #tpu.memory_space<hbm>>
        tpu.wait_dma2 semaphore(%run_scoped3A : memref<!tpu.dma_semaphore, #tpu.memory_space<semaphore_mem>>) src(%arg6 : memref<200x256xf32, #tpu.memory_space<vmem>>) dst(%dma_wait3A_23 : memref<200x256xf32, #tpu.memory_space<hbm>>)
        tpu.yield
      }) : () -> ()
    }
    %scan3A_7 = arith.constant 25 : i32
    return
  }
}

#map = affine_map<(d0, d1) -> (0, 0)>
#map1 = affine_map<(d0, d1) -> (0)>
module attributes {stable_mosaic.version = 14 : i64} {
  func.func @gath(%arg0: i32, %arg1: i32, %arg2: memref<10000x256xf32, #tpu.memory_space<hbm>>, %arg3: memref<160000xi32, #tpu.memory_space<hbm>>, %arg4: memref<160000x256xf32, #tpu.memory_space<hbm>>, %arg5: memref<200xi32, #tpu.memory_space<vmem>>, %arg6: memref<200x256xf32, #tpu.memory_space<vmem>>, %arg7: memref<!tpu.dma_semaphore, #tpu.memory_space<semaphore_mem>>) attributes {dimension_semantics = [#tpu.dimension_semantics<core_parallel>, #tpu.dimension_semantics<subcore_parallel>], iteration_bounds = array<i64: 2, 16>, scalar_prefetch = 0 : i64, scratch_operands = 3 : i64, tpu.core_type = #tpu.core_type<sc_vector_subcore>, window_params = [{transform_indices = #map}, {transform_indices = #map1}, {transform_indices = #map}]} {
    %mul3A = arith.constant 2 : i32
    %mul3A_0 = arith.muli %arg1, %mul3A : i32
    %add3A = arith.addi %mul3A_0, %arg0 : i32
    %mul3A_1 = arith.constant 5000 : i32
    %mul3A_2 = arith.muli %add3A, %mul3A_1 : i32
    %scan3A = arith.constant 0 : i32
    %scan3A_3 = arith.constant 0 : i32
    %scan3A_4 = arith.constant 25 : i32
    %scan3A_5 = arith.addi %scan3A_3, %scan3A_4 : i32
    %scan3A_6 = arith.constant 1 : i32
    scf.for %scan3A_8 = %scan3A_3 to %scan3A_5 step %scan3A_6  : i32 {
      %mul3A_9 = arith.constant 200 : i32
      %mul3A_10 = arith.muli %scan3A_8, %mul3A_9 : i32
      %add3A_11 = arith.addi %mul3A_2, %mul3A_10 : i32
      "tpu.region"() ({
        %run_scoped3A = tpu.sem_alloc : memref<!tpu.dma_semaphore, #tpu.memory_space<semaphore_mem>>
        %dma_start3A_16 = tpu.memref_slice %arg3[%add3A_11] : memref<160000xi32, #tpu.memory_space<hbm>> -> memref<200xi32, #tpu.memory_space<hbm>>
        %dma_start3A_17 = tpu.memref_slice %arg3[%add3A_11] : memref<160000xi32, #tpu.memory_space<hbm>> -> memref<200xi32, #tpu.memory_space<hbm>>
        tpu.enqueue_dma source(%dma_start3A_17 : memref<200xi32, #tpu.memory_space<hbm>>) target(%arg5 : memref<200xi32, #tpu.memory_space<vmem>>) target_semaphore(%run_scoped3A : memref<!tpu.dma_semaphore, #tpu.memory_space<semaphore_mem>>)
        %dma_wait3A_18 = tpu.memref_slice %arg3[%add3A_11] : memref<160000xi32, #tpu.memory_space<hbm>> -> memref<200xi32, #tpu.memory_space<hbm>>
        %dma_wait3A_19 = tpu.memref_slice %arg3[%add3A_11] : memref<160000xi32, #tpu.memory_space<hbm>> -> memref<200xi32, #tpu.memory_space<hbm>>
        tpu.wait_dma2 semaphore(%run_scoped3A : memref<!tpu.dma_semaphore, #tpu.memory_space<semaphore_mem>>) src(%dma_wait3A_19 : memref<200xi32, #tpu.memory_space<hbm>>) dst(%arg5 : memref<200xi32, #tpu.memory_space<vmem>>)
        tpu.yield
      }) : () -> ()
      %dma_start3A = arith.constant 0 : i32
      %dma_start3A_12 = arith.constant 0 : i32
      %dma_start3A_13 = tpu.memref_slice %arg2[%dma_start3A, %dma_start3A_12] : memref<10000x256xf32, #tpu.memory_space<hbm>> -> memref<10000x256xf32, #tpu.memory_space<hbm>>
      tpu.enqueue_indirect_dma source(%dma_start3A_13 : memref<10000x256xf32, #tpu.memory_space<hbm>>) target(%arg6 : memref<200x256xf32, #tpu.memory_space<vmem>>) offsets(%arg5 : memref<200xi32, #tpu.memory_space<vmem>>) semaphore(%arg7 : memref<!tpu.dma_semaphore, #tpu.memory_space<semaphore_mem>>)
      %dma_wait3A = arith.constant 0 : i32
      %dma_wait3A_14 = arith.constant 0 : i32
      %dma_wait3A_15 = tpu.memref_slice %arg2[%dma_wait3A, %dma_wait3A_14] : memref<10000x256xf32, #tpu.memory_space<hbm>> -> memref<10000x256xf32, #tpu.memory_space<hbm>>
      tpu.wait_indirect_dma semaphore(%arg7 : memref<!tpu.dma_semaphore, #tpu.memory_space<semaphore_mem>>) src(%dma_wait3A_15 : memref<10000x256xf32, #tpu.memory_space<hbm>>) dst(%arg6 : memref<200x256xf32, #tpu.memory_space<vmem>>)
      "tpu.region"() ({
        %run_scoped3A = tpu.sem_alloc : memref<!tpu.dma_semaphore, #tpu.memory_space<semaphore_mem>>
        %dma_start3A_16 = arith.constant 0 : i32
        %dma_start3A_17 = tpu.memref_slice %arg4[%add3A_11, %dma_start3A_16] : memref<160000x256xf32, #tpu.memory_space<hbm>> -> memref<200x256xf32, #tpu.memory_space<hbm>>
        %dma_start3A_18 = arith.constant 0 : i32
        %dma_start3A_19 = tpu.memref_slice %arg4[%add3A_11, %dma_start3A_18] : memref<160000x256xf32, #tpu.memory_space<hbm>> -> memref<200x256xf32, #tpu.memory_space<hbm>>
        tpu.enqueue_dma source(%arg6 : memref<200x256xf32, #tpu.memory_space<vmem>>) target(%dma_start3A_19 : memref<200x256xf32, #tpu.memory_space<hbm>>) target_semaphore(%run_scoped3A : memref<!tpu.dma_semaphore, #tpu.memory_space<semaphore_mem>>)
        %dma_wait3A_20 = arith.constant 0 : i32
        %dma_wait3A_21 = tpu.memref_slice %arg4[%add3A_11, %dma_wait3A_20] : memref<160000x256xf32, #tpu.memory_space<hbm>> -> memref<200x256xf32, #tpu.memory_space<hbm>>
        %dma_wait3A_22 = arith.constant 0 : i32
        %dma_wait3A_23 = tpu.memref_slice %arg4[%add3A_11, %dma_wait3A_22] : memref<160000x256xf32, #tpu.memory_space<hbm>> -> memref<200x256xf32, #tpu.memory_space<hbm>>
        tpu.wait_dma2 semaphore(%run_scoped3A : memref<!tpu.dma_semaphore, #tpu.memory_space<semaphore_mem>>) src(%arg6 : memref<200x256xf32, #tpu.memory_space<vmem>>) dst(%dma_wait3A_23 : memref<200x256xf32, #tpu.memory_space<hbm>>)
        tpu.yield
      }) : () -> ()
    }
    %scan3A_7 = arith.constant 25 : i32
    return
  }
}

#map = affine_map<(d0, d1) -> (0, 0)>
#map1 = affine_map<(d0, d1) -> (0)>
#map2 = affine_map<(d0, d1) -> (0, 0, 0)>
module attributes {stable_mosaic.version = 14 : i64} {
  func.func @scat(%arg0: i32, %arg1: i32, %arg2: memref<160000x128xf32, #tpu.memory_space<hbm>>, %arg3: memref<160000xi32, #tpu.memory_space<hbm>>, %arg4: memref<10240x128xf32, #tpu.memory_space<hbm>>, %arg5: memref<2x10240x128xf32, #tpu.memory_space<hbm>>, %arg6: memref<200xi32, #tpu.memory_space<vmem>>, %arg7: memref<200x128xf32, #tpu.memory_space<vmem>>, %arg8: memref<10240x128xf32, #tpu.memory_space<vmem_shared>>, %arg9: memref<!tpu.dma_semaphore, #tpu.memory_space<semaphore_mem>>) attributes {dimension_semantics = [#tpu.dimension_semantics<core_parallel>, #tpu.dimension_semantics<subcore_parallel>], iteration_bounds = array<i64: 2, 16>, scalar_prefetch = 0 : i64, scratch_operands = 4 : i64, tpu.core_type = #tpu.core_type<sc_vector_subcore>, window_params = [{transform_indices = #map}, {transform_indices = #map1}, {transform_indices = #map}, {transform_indices = #map2}]} {
    %mul3A = arith.constant 640 : i32
    %mul3A_0 = arith.muli %arg1, %mul3A : i32
    "tpu.region"() ({
      %run_scoped3A = tpu.sem_alloc : memref<!tpu.dma_semaphore, #tpu.memory_space<semaphore_mem>>
      %dma_start3A = arith.constant 0 : i32
      %dma_start3A_11 = tpu.memref_slice %arg8[%mul3A_0, %dma_start3A] : memref<10240x128xf32, #tpu.memory_space<vmem_shared>> -> memref<640x128xf32, #tpu.memory_space<vmem_shared>>
      %dma_start3A_12 = arith.constant 0 : i32
      %dma_start3A_13 = tpu.memref_slice %arg4[%mul3A_0, %dma_start3A_12] : memref<10240x128xf32, #tpu.memory_space<hbm>> -> memref<640x128xf32, #tpu.memory_space<hbm>>
      tpu.enqueue_dma source(%dma_start3A_13 : memref<640x128xf32, #tpu.memory_space<hbm>>) target(%dma_start3A_11 : memref<640x128xf32, #tpu.memory_space<vmem_shared>>) target_semaphore(%run_scoped3A : memref<!tpu.dma_semaphore, #tpu.memory_space<semaphore_mem>>)
      %dma_wait3A = arith.constant 0 : i32
      %dma_wait3A_14 = tpu.memref_slice %arg8[%mul3A_0, %dma_wait3A] : memref<10240x128xf32, #tpu.memory_space<vmem_shared>> -> memref<640x128xf32, #tpu.memory_space<vmem_shared>>
      %dma_wait3A_15 = arith.constant 0 : i32
      %dma_wait3A_16 = tpu.memref_slice %arg4[%mul3A_0, %dma_wait3A_15] : memref<10240x128xf32, #tpu.memory_space<hbm>> -> memref<640x128xf32, #tpu.memory_space<hbm>>
      tpu.wait_dma2 semaphore(%run_scoped3A : memref<!tpu.dma_semaphore, #tpu.memory_space<semaphore_mem>>) src(%dma_wait3A_16 : memref<640x128xf32, #tpu.memory_space<hbm>>) dst(%dma_wait3A_14 : memref<640x128xf32, #tpu.memory_space<vmem_shared>>)
      tpu.yield
    }) : () -> ()
    %barrier3A = arith.constant 0 : index
    tpu.barrier barrier_id(%barrier3A)
    %mul3A_1 = arith.constant 16 : i32
    %mul3A_2 = arith.muli %arg0, %mul3A_1 : i32
    %add3A = arith.addi %mul3A_2, %arg1 : i32
    %mul3A_3 = arith.constant 5000 : i32
    %mul3A_4 = arith.muli %add3A, %mul3A_3 : i32
    %scan3A = arith.constant 0 : i32
    %scan3A_5 = arith.constant 0 : i32
    %scan3A_6 = arith.constant 25 : i32
    %scan3A_7 = arith.addi %scan3A_5, %scan3A_6 : i32
    %scan3A_8 = arith.constant 1 : i32
    scf.for %scan3A_11 = %scan3A_5 to %scan3A_7 step %scan3A_8  : i32 {
      %mul3A_12 = arith.constant 200 : i32
      %mul3A_13 = arith.muli %scan3A_11, %mul3A_12 : i32
      %add3A_14 = arith.addi %mul3A_4, %mul3A_13 : i32
      "tpu.region"() ({
        %run_scoped3A = tpu.sem_alloc : memref<!tpu.dma_semaphore, #tpu.memory_space<semaphore_mem>>
        %dma_start3A = tpu.memref_slice %arg3[%add3A_14] : memref<160000xi32, #tpu.memory_space<hbm>> -> memref<200xi32, #tpu.memory_space<hbm>>
        %dma_start3A_15 = tpu.memref_slice %arg3[%add3A_14] : memref<160000xi32, #tpu.memory_space<hbm>> -> memref<200xi32, #tpu.memory_space<hbm>>
        tpu.enqueue_dma source(%dma_start3A_15 : memref<200xi32, #tpu.memory_space<hbm>>) target(%arg6 : memref<200xi32, #tpu.memory_space<vmem>>) target_semaphore(%run_scoped3A : memref<!tpu.dma_semaphore, #tpu.memory_space<semaphore_mem>>)
        %dma_wait3A = tpu.memref_slice %arg3[%add3A_14] : memref<160000xi32, #tpu.memory_space<hbm>> -> memref<200xi32, #tpu.memory_space<hbm>>
        %dma_wait3A_16 = tpu.memref_slice %arg3[%add3A_14] : memref<160000xi32, #tpu.memory_space<hbm>> -> memref<200xi32, #tpu.memory_space<hbm>>
        tpu.wait_dma2 semaphore(%run_scoped3A : memref<!tpu.dma_semaphore, #tpu.memory_space<semaphore_mem>>) src(%dma_wait3A_16 : memref<200xi32, #tpu.memory_space<hbm>>) dst(%arg6 : memref<200xi32, #tpu.memory_space<vmem>>)
        tpu.yield
      }) : () -> ()
      "tpu.region"() ({
        %run_scoped3A = tpu.sem_alloc : memref<!tpu.dma_semaphore, #tpu.memory_space<semaphore_mem>>
        %dma_start3A = arith.constant 0 : i32
        %dma_start3A_15 = tpu.memref_slice %arg2[%add3A_14, %dma_start3A] : memref<160000x128xf32, #tpu.memory_space<hbm>> -> memref<200x128xf32, #tpu.memory_space<hbm>>
        %dma_start3A_16 = arith.constant 0 : i32
        %dma_start3A_17 = tpu.memref_slice %arg2[%add3A_14, %dma_start3A_16] : memref<160000x128xf32, #tpu.memory_space<hbm>> -> memref<200x128xf32, #tpu.memory_space<hbm>>
        tpu.enqueue_dma source(%dma_start3A_17 : memref<200x128xf32, #tpu.memory_space<hbm>>) target(%arg7 : memref<200x128xf32, #tpu.memory_space<vmem>>) target_semaphore(%run_scoped3A : memref<!tpu.dma_semaphore, #tpu.memory_space<semaphore_mem>>)
        %dma_wait3A = arith.constant 0 : i32
        %dma_wait3A_18 = tpu.memref_slice %arg2[%add3A_14, %dma_wait3A] : memref<160000x128xf32, #tpu.memory_space<hbm>> -> memref<200x128xf32, #tpu.memory_space<hbm>>
        %dma_wait3A_19 = arith.constant 0 : i32
        %dma_wait3A_20 = tpu.memref_slice %arg2[%add3A_14, %dma_wait3A_19] : memref<160000x128xf32, #tpu.memory_space<hbm>> -> memref<200x128xf32, #tpu.memory_space<hbm>>
        tpu.wait_dma2 semaphore(%run_scoped3A : memref<!tpu.dma_semaphore, #tpu.memory_space<semaphore_mem>>) src(%dma_wait3A_20 : memref<200x128xf32, #tpu.memory_space<hbm>>) dst(%arg7 : memref<200x128xf32, #tpu.memory_space<vmem>>)
        tpu.yield
      }) : () -> ()
      "tpu.region"() ({
        %run_scoped3A = tpu.sem_alloc : memref<!tpu.dma_semaphore, #tpu.memory_space<semaphore_mem>>
        %dma_start3A = arith.constant 0 : i32
        %dma_start3A_15 = arith.constant 0 : i32
        %dma_start3A_16 = tpu.memref_slice %arg8[%dma_start3A, %dma_start3A_15] : memref<10240x128xf32, #tpu.memory_space<vmem_shared>> -> memref<10240x128xf32, #tpu.memory_space<vmem_shared>>
        tpu.enqueue_indirect_dma source(%arg7 : memref<200x128xf32, #tpu.memory_space<vmem>>) target(%dma_start3A_16 : memref<10240x128xf32, #tpu.memory_space<vmem_shared>>) offsets(%arg6 : memref<200xi32, #tpu.memory_space<vmem>>) semaphore(%run_scoped3A : memref<!tpu.dma_semaphore, #tpu.memory_space<semaphore_mem>>) {add = true}
        %dma_wait3A = arith.constant 0 : i32
        %dma_wait3A_17 = arith.constant 0 : i32
        %dma_wait3A_18 = tpu.memref_slice %arg8[%dma_wait3A, %dma_wait3A_17] : memref<10240x128xf32, #tpu.memory_space<vmem_shared>> -> memref<10240x128xf32, #tpu.memory_space<vmem_shared>>
        tpu.wait_indirect_dma semaphore(%run_scoped3A : memref<!tpu.dma_semaphore, #tpu.memory_space<semaphore_mem>>) src(%arg7 : memref<200x128xf32, #tpu.memory_space<vmem>>) dst(%dma_wait3A_18 : memref<10240x128xf32, #tpu.memory_space<vmem_shared>>)
        tpu.yield
      }) : () -> ()
    }
    %scan3A_9 = arith.constant 25 : i32
    %barrier3A_10 = arith.constant 0 : index
    tpu.barrier barrier_id(%barrier3A_10)
    "tpu.region"() ({
      %run_scoped3A = tpu.sem_alloc : memref<!tpu.dma_semaphore, #tpu.memory_space<semaphore_mem>>
      %dma_start3A = arith.constant 0 : i32
      %dma_start3A_11 = tpu.memref_slice %arg5[%arg0, %mul3A_0, %dma_start3A] : memref<2x10240x128xf32, #tpu.memory_space<hbm>> -> memref<1x640x128xf32, #tpu.memory_space<hbm>>
      %dma_start3A_12 = tpu.memref_squeeze %dma_start3A_11 : memref<1x640x128xf32, #tpu.memory_space<hbm>> -> memref<640x128xf32, #tpu.memory_space<hbm>>
      %dma_start3A_13 = arith.constant 0 : i32
      %dma_start3A_14 = tpu.memref_slice %arg8[%mul3A_0, %dma_start3A_13] : memref<10240x128xf32, #tpu.memory_space<vmem_shared>> -> memref<640x128xf32, #tpu.memory_space<vmem_shared>>
      tpu.enqueue_dma source(%dma_start3A_14 : memref<640x128xf32, #tpu.memory_space<vmem_shared>>) target(%dma_start3A_12 : memref<640x128xf32, #tpu.memory_space<hbm>>) target_semaphore(%run_scoped3A : memref<!tpu.dma_semaphore, #tpu.memory_space<semaphore_mem>>)
      %dma_wait3A = arith.constant 0 : i32
      %dma_wait3A_15 = tpu.memref_slice %arg5[%arg0, %mul3A_0, %dma_wait3A] : memref<2x10240x128xf32, #tpu.memory_space<hbm>> -> memref<1x640x128xf32, #tpu.memory_space<hbm>>
      %dma_wait3A_16 = tpu.memref_squeeze %dma_wait3A_15 : memref<1x640x128xf32, #tpu.memory_space<hbm>> -> memref<640x128xf32, #tpu.memory_space<hbm>>
      %dma_wait3A_17 = arith.constant 0 : i32
      %dma_wait3A_18 = tpu.memref_slice %arg8[%mul3A_0, %dma_wait3A_17] : memref<10240x128xf32, #tpu.memory_space<vmem_shared>> -> memref<640x128xf32, #tpu.memory_space<vmem_shared>>
      tpu.wait_dma2 semaphore(%run_scoped3A : memref<!tpu.dma_semaphore, #tpu.memory_space<semaphore_mem>>) src(%dma_wait3A_18 : memref<640x128xf32, #tpu.memory_space<vmem_shared>>) dst(%dma_wait3A_16 : memref<640x128xf32, #tpu.memory_space<hbm>>)
      tpu.yield
    }) : () -> ()
    return
  }
}

#map = affine_map<(d0, d1) -> (0, 0, 0)>
#map1 = affine_map<(d0, d1) -> (0)>
#map2 = affine_map<(d0, d1) -> (0, 0)>
module attributes {stable_mosaic.version = 14 : i64} {
  func.func @scat(%arg0: i32, %arg1: i32, %arg2: memref<2x160000x128xf32, #tpu.memory_space<hbm>>, %arg3: memref<160000xi32, #tpu.memory_space<hbm>>, %arg4: memref<10240x128xf32, #tpu.memory_space<hbm>>, %arg5: memref<2x10240x128xf32, #tpu.memory_space<hbm>>, %arg6: memref<200xi32, #tpu.memory_space<vmem>>, %arg7: memref<200x128xf32, #tpu.memory_space<vmem>>, %arg8: memref<10240x128xf32, #tpu.memory_space<vmem_shared>>, %arg9: memref<!tpu.dma_semaphore, #tpu.memory_space<semaphore_mem>>) attributes {dimension_semantics = [#tpu.dimension_semantics<core_parallel>, #tpu.dimension_semantics<subcore_parallel>], iteration_bounds = array<i64: 2, 16>, scalar_prefetch = 0 : i64, scratch_operands = 4 : i64, tpu.core_type = #tpu.core_type<sc_vector_subcore>, window_params = [{transform_indices = #map}, {transform_indices = #map1}, {transform_indices = #map2}, {transform_indices = #map}]} {
    %mul3A = arith.constant 640 : i32
    %mul3A_0 = arith.muli %arg1, %mul3A : i32
    "tpu.region"() ({
      %run_scoped3A = tpu.sem_alloc : memref<!tpu.dma_semaphore, #tpu.memory_space<semaphore_mem>>
      %dma_start3A = arith.constant 0 : i32
      %dma_start3A_9 = tpu.memref_slice %arg8[%mul3A_0, %dma_start3A] : memref<10240x128xf32, #tpu.memory_space<vmem_shared>> -> memref<640x128xf32, #tpu.memory_space<vmem_shared>>
      %dma_start3A_10 = arith.constant 0 : i32
      %dma_start3A_11 = tpu.memref_slice %arg4[%mul3A_0, %dma_start3A_10] : memref<10240x128xf32, #tpu.memory_space<hbm>> -> memref<640x128xf32, #tpu.memory_space<hbm>>
      tpu.enqueue_dma source(%dma_start3A_11 : memref<640x128xf32, #tpu.memory_space<hbm>>) target(%dma_start3A_9 : memref<640x128xf32, #tpu.memory_space<vmem_shared>>) target_semaphore(%run_scoped3A : memref<!tpu.dma_semaphore, #tpu.memory_space<semaphore_mem>>)
      %dma_wait3A = arith.constant 0 : i32
      %dma_wait3A_12 = tpu.memref_slice %arg8[%mul3A_0, %dma_wait3A] : memref<10240x128xf32, #tpu.memory_space<vmem_shared>> -> memref<640x128xf32, #tpu.memory_space<vmem_shared>>
      %dma_wait3A_13 = arith.constant 0 : i32
      %dma_wait3A_14 = tpu.memref_slice %arg4[%mul3A_0, %dma_wait3A_13] : memref<10240x128xf32, #tpu.memory_space<hbm>> -> memref<640x128xf32, #tpu.memory_space<hbm>>
      tpu.wait_dma2 semaphore(%run_scoped3A : memref<!tpu.dma_semaphore, #tpu.memory_space<semaphore_mem>>) src(%dma_wait3A_14 : memref<640x128xf32, #tpu.memory_space<hbm>>) dst(%dma_wait3A_12 : memref<640x128xf32, #tpu.memory_space<vmem_shared>>)
      tpu.yield
    }) : () -> ()
    %barrier3A = arith.constant 0 : index
    tpu.barrier barrier_id(%barrier3A)
    %mul3A_1 = arith.constant 10000 : i32
    %mul3A_2 = arith.muli %arg1, %mul3A_1 : i32
    %scan3A = arith.constant 0 : i32
    %scan3A_3 = arith.constant 0 : i32
    %scan3A_4 = arith.constant 50 : i32
    %scan3A_5 = arith.addi %scan3A_3, %scan3A_4 : i32
    %scan3A_6 = arith.constant 1 : i32
    scf.for %scan3A_9 = %scan3A_3 to %scan3A_5 step %scan3A_6  : i32 {
      %mul3A_10 = arith.constant 200 : i32
      %mul3A_11 = arith.muli %scan3A_9, %mul3A_10 : i32
      %add3A = arith.addi %mul3A_2, %mul3A_11 : i32
      "tpu.region"() ({
        %run_scoped3A = tpu.sem_alloc : memref<!tpu.dma_semaphore, #tpu.memory_space<semaphore_mem>>
        %dma_start3A = tpu.memref_slice %arg3[%add3A] : memref<160000xi32, #tpu.memory_space<hbm>> -> memref<200xi32, #tpu.memory_space<hbm>>
        %dma_start3A_12 = tpu.memref_slice %arg3[%add3A] : memref<160000xi32, #tpu.memory_space<hbm>> -> memref<200xi32, #tpu.memory_space<hbm>>
        tpu.enqueue_dma source(%dma_start3A_12 : memref<200xi32, #tpu.memory_space<hbm>>) target(%arg6 : memref<200xi32, #tpu.memory_space<vmem>>) target_semaphore(%run_scoped3A : memref<!tpu.dma_semaphore, #tpu.memory_space<semaphore_mem>>)
        %dma_wait3A = tpu.memref_slice %arg3[%add3A] : memref<160000xi32, #tpu.memory_space<hbm>> -> memref<200xi32, #tpu.memory_space<hbm>>
        %dma_wait3A_13 = tpu.memref_slice %arg3[%add3A] : memref<160000xi32, #tpu.memory_space<hbm>> -> memref<200xi32, #tpu.memory_space<hbm>>
        tpu.wait_dma2 semaphore(%run_scoped3A : memref<!tpu.dma_semaphore, #tpu.memory_space<semaphore_mem>>) src(%dma_wait3A_13 : memref<200xi32, #tpu.memory_space<hbm>>) dst(%arg6 : memref<200xi32, #tpu.memory_space<vmem>>)
        tpu.yield
      }) : () -> ()
      "tpu.region"() ({
        %run_scoped3A = tpu.sem_alloc : memref<!tpu.dma_semaphore, #tpu.memory_space<semaphore_mem>>
        %dma_start3A = arith.constant 0 : i32
        %dma_start3A_12 = tpu.memref_slice %arg2[%arg0, %add3A, %dma_start3A] : memref<2x160000x128xf32, #tpu.memory_space<hbm>> -> memref<1x200x128xf32, #tpu.memory_space<hbm>>
        %dma_start3A_13 = tpu.memref_squeeze %dma_start3A_12 : memref<1x200x128xf32, #tpu.memory_space<hbm>> -> memref<200x128xf32, #tpu.memory_space<hbm>>
        %dma_start3A_14 = arith.constant 0 : i32
        %dma_start3A_15 = tpu.memref_slice %arg2[%arg0, %add3A, %dma_start3A_14] : memref<2x160000x128xf32, #tpu.memory_space<hbm>> -> memref<1x200x128xf32, #tpu.memory_space<hbm>>
        %dma_start3A_16 = tpu.memref_squeeze %dma_start3A_15 : memref<1x200x128xf32, #tpu.memory_space<hbm>> -> memref<200x128xf32, #tpu.memory_space<hbm>>
        tpu.enqueue_dma source(%dma_start3A_16 : memref<200x128xf32, #tpu.memory_space<hbm>>) target(%arg7 : memref<200x128xf32, #tpu.memory_space<vmem>>) target_semaphore(%run_scoped3A : memref<!tpu.dma_semaphore, #tpu.memory_space<semaphore_mem>>)
        %dma_wait3A = arith.constant 0 : i32
        %dma_wait3A_17 = tpu.memref_slice %arg2[%arg0, %add3A, %dma_wait3A] : memref<2x160000x128xf32, #tpu.memory_space<hbm>> -> memref<1x200x128xf32, #tpu.memory_space<hbm>>
        %dma_wait3A_18 = tpu.memref_squeeze %dma_wait3A_17 : memref<1x200x128xf32, #tpu.memory_space<hbm>> -> memref<200x128xf32, #tpu.memory_space<hbm>>
        %dma_wait3A_19 = arith.constant 0 : i32
        %dma_wait3A_20 = tpu.memref_slice %arg2[%arg0, %add3A, %dma_wait3A_19] : memref<2x160000x128xf32, #tpu.memory_space<hbm>> -> memref<1x200x128xf32, #tpu.memory_space<hbm>>
        %dma_wait3A_21 = tpu.memref_squeeze %dma_wait3A_20 : memref<1x200x128xf32, #tpu.memory_space<hbm>> -> memref<200x128xf32, #tpu.memory_space<hbm>>
        tpu.wait_dma2 semaphore(%run_scoped3A : memref<!tpu.dma_semaphore, #tpu.memory_space<semaphore_mem>>) src(%dma_wait3A_21 : memref<200x128xf32, #tpu.memory_space<hbm>>) dst(%arg7 : memref<200x128xf32, #tpu.memory_space<vmem>>)
        tpu.yield
      }) : () -> ()
      "tpu.region"() ({
        %run_scoped3A = tpu.sem_alloc : memref<!tpu.dma_semaphore, #tpu.memory_space<semaphore_mem>>
        %dma_start3A = arith.constant 0 : i32
        %dma_start3A_12 = arith.constant 0 : i32
        %dma_start3A_13 = tpu.memref_slice %arg8[%dma_start3A, %dma_start3A_12] : memref<10240x128xf32, #tpu.memory_space<vmem_shared>> -> memref<10240x128xf32, #tpu.memory_space<vmem_shared>>
        tpu.enqueue_indirect_dma source(%arg7 : memref<200x128xf32, #tpu.memory_space<vmem>>) target(%dma_start3A_13 : memref<10240x128xf32, #tpu.memory_space<vmem_shared>>) offsets(%arg6 : memref<200xi32, #tpu.memory_space<vmem>>) semaphore(%run_scoped3A : memref<!tpu.dma_semaphore, #tpu.memory_space<semaphore_mem>>) {add = true}
        %dma_wait3A = arith.constant 0 : i32
        %dma_wait3A_14 = arith.constant 0 : i32
        %dma_wait3A_15 = tpu.memref_slice %arg8[%dma_wait3A, %dma_wait3A_14] : memref<10240x128xf32, #tpu.memory_space<vmem_shared>> -> memref<10240x128xf32, #tpu.memory_space<vmem_shared>>
        tpu.wait_indirect_dma semaphore(%run_scoped3A : memref<!tpu.dma_semaphore, #tpu.memory_space<semaphore_mem>>) src(%arg7 : memref<200x128xf32, #tpu.memory_space<vmem>>) dst(%dma_wait3A_15 : memref<10240x128xf32, #tpu.memory_space<vmem_shared>>)
        tpu.yield
      }) : () -> ()
    }
    %scan3A_7 = arith.constant 50 : i32
    %barrier3A_8 = arith.constant 0 : index
    tpu.barrier barrier_id(%barrier3A_8)
    "tpu.region"() ({
      %run_scoped3A = tpu.sem_alloc : memref<!tpu.dma_semaphore, #tpu.memory_space<semaphore_mem>>
      %dma_start3A = arith.constant 0 : i32
      %dma_start3A_9 = tpu.memref_slice %arg5[%arg0, %mul3A_0, %dma_start3A] : memref<2x10240x128xf32, #tpu.memory_space<hbm>> -> memref<1x640x128xf32, #tpu.memory_space<hbm>>
      %dma_start3A_10 = tpu.memref_squeeze %dma_start3A_9 : memref<1x640x128xf32, #tpu.memory_space<hbm>> -> memref<640x128xf32, #tpu.memory_space<hbm>>
      %dma_start3A_11 = arith.constant 0 : i32
      %dma_start3A_12 = tpu.memref_slice %arg8[%mul3A_0, %dma_start3A_11] : memref<10240x128xf32, #tpu.memory_space<vmem_shared>> -> memref<640x128xf32, #tpu.memory_space<vmem_shared>>
      tpu.enqueue_dma source(%dma_start3A_12 : memref<640x128xf32, #tpu.memory_space<vmem_shared>>) target(%dma_start3A_10 : memref<640x128xf32, #tpu.memory_space<hbm>>) target_semaphore(%run_scoped3A : memref<!tpu.dma_semaphore, #tpu.memory_space<semaphore_mem>>)
      %dma_wait3A = arith.constant 0 : i32
      %dma_wait3A_13 = tpu.memref_slice %arg5[%arg0, %mul3A_0, %dma_wait3A] : memref<2x10240x128xf32, #tpu.memory_space<hbm>> -> memref<1x640x128xf32, #tpu.memory_space<hbm>>
      %dma_wait3A_14 = tpu.memref_squeeze %dma_wait3A_13 : memref<1x640x128xf32, #tpu.memory_space<hbm>> -> memref<640x128xf32, #tpu.memory_space<hbm>>
      %dma_wait3A_15 = arith.constant 0 : i32
      %dma_wait3A_16 = tpu.memref_slice %arg8[%mul3A_0, %dma_wait3A_15] : memref<10240x128xf32, #tpu.memory_space<vmem_shared>> -> memref<640x128xf32, #tpu.memory_space<vmem_shared>>
      tpu.wait_dma2 semaphore(%run_scoped3A : memref<!tpu.dma_semaphore, #tpu.memory_space<semaphore_mem>>) src(%dma_wait3A_16 : memref<640x128xf32, #tpu.memory_space<vmem_shared>>) dst(%dma_wait3A_14 : memref<640x128xf32, #tpu.memory_space<hbm>>)
      tpu.yield
    }) : () -> ()
    return
  }
}

module attributes {stable_mosaic.version = 14 : i64} {
  func.func @_xw_body(%arg0: i32, %arg1: i32, %arg2: memref<2000x256xf32, #tpu.memory_space<vmem>>, %arg3: memref<1x256x256xf32, #tpu.memory_space<vmem>>, %arg4: memref<2000x256xf32, #tpu.memory_space<vmem>>) attributes {dimension_semantics = [#tpu.dimension_semantics<arbitrary>, #tpu.dimension_semantics<arbitrary>], iteration_bounds = array<i64: 6, 5>, scalar_prefetch = 0 : i64, scratch_operands = 0 : i64, tpu.core_type = #tpu.core_type<tc>, window_params = [{transform_indices = @transform_0, window_bounds = array<i64: 2000, 256>}, {transform_indices = @transform_1, window_bounds = array<i64: 1, 256, 256>}, {transform_indices = @transform_2, window_bounds = array<i64: 2000, 256>}]} {
    %get3A = arith.constant 0 : index
    %get3A_0 = arith.constant 0 : index
    %get3A_1 = vector.load %arg2[%get3A, %get3A_0] : memref<2000x256xf32, #tpu.memory_space<vmem>>, vector<2000x256xf32>
    %get3A_2 = arith.constant 0 : index
    %get3A_3 = arith.constant 0 : index
    %get3A_4 = arith.constant 0 : index
    %get3A_5 = vector.load %arg3[%get3A_2, %get3A_3, %get3A_4] : memref<1x256x256xf32, #tpu.memory_space<vmem>>, vector<1x256x256xf32>
    %get3A_6 = vector.shape_cast %get3A_5 : vector<1x256x256xf32> to vector<256x256xf32>
    %dot_general3A = arith.constant dense<0.000000e+00> : vector<2000x256xf32>
    %dot_general3A_7 = tpu.matmul %get3A_1, %get3A_6, %dot_general3A {dimension_numbers = #tpu.dot_dimension_numbers<[1], [0], [0], [1], [0, 0, 1, 1], [], []>, transpose_lhs_hint = false} : vector<2000x256xf32>, vector<256x256xf32>, vector<2000x256xf32> -> vector<2000x256xf32>
    %swap3A = arith.constant 0 : index
    %swap3A_8 = arith.constant 0 : index
    %swap3A_9 = vector.load %arg4[%swap3A, %swap3A_8] : memref<2000x256xf32, #tpu.memory_space<vmem>>, vector<2000x256xf32>
    tpu.vector_store %arg4[%swap3A, %swap3A_8], %dot_general3A_7 {strides = array<i32>} : memref<2000x256xf32, #tpu.memory_space<vmem>>, vector<2000x256xf32>,
    return
  }
  func.func @transform_0(%arg0: i32, %arg1: i32) -> (i32, i32) {
    %c0_i32 = arith.constant 0 : i32
    %c0_i32_0 = arith.constant 0 : i32
    return %arg1, %c0_i32 : i32, i32
  }
  func.func @transform_1(%arg0: i32, %arg1: i32) -> (i32, i32, i32) {
    %c0_i32 = arith.constant 0 : i32
    %c0_i32_0 = arith.constant 0 : i32
    %c0_i32_1 = arith.constant 0 : i32
    return %arg0, %c0_i32, %c0_i32_0 : i32, i32, i32
  }
  func.func @transform_2(%arg0: i32, %arg1: i32) -> (i32, i32) {
    %mul3A = arith.constant 5 : i32
    %mul3A_0 = arith.muli %arg0, %mul3A : i32
    %add3A = arith.addi %mul3A_0, %arg1 : i32
    %c0_i32 = arith.constant 0 : i32
    %c0_i32_1 = arith.constant 0 : i32
    return %add3A, %c0_i32 : i32, i32
  }
}

module attributes {stable_mosaic.version = 14 : i64} {
  func.func @_inv_body(%arg0: i32, %arg1: memref<320x128xf32, #tpu.memory_space<vmem>>, %arg2: memref<320x128xf32, #tpu.memory_space<vmem>>, %arg3: memref<1920x128xf32, #tpu.memory_space<vmem>>) attributes {dimension_semantics = [#tpu.dimension_semantics<arbitrary>], iteration_bounds = array<i64: 32>, scalar_prefetch = 0 : i64, scratch_operands = 0 : i64, tpu.core_type = #tpu.core_type<tc>, window_params = [{transform_indices = @transform_0, window_bounds = array<i64: 320, 128>}, {transform_indices = @transform_1, window_bounds = array<i64: 320, 128>}, {transform_indices = @transform_2, window_bounds = array<i64: 1920, 128>}]} {
    %get3A = arith.constant 0 : index
    %get3A_0 = arith.constant 0 : index
    %get3A_1 = vector.load %arg1[%get3A, %get3A_0] : memref<320x128xf32, #tpu.memory_space<vmem>>, vector<320x128xf32>
    %get3A_2 = arith.constant 0 : index
    %get3A_3 = arith.constant 0 : index
    %get3A_4 = vector.load %arg2[%get3A_2, %get3A_3] : memref<320x128xf32, #tpu.memory_space<vmem>>, vector<320x128xf32>
    %add3A = arith.addf %get3A_1, %get3A_4 : vector<320x128xf32>
    %slice3A = vector.extract_strided_slice %add3A {offsets = [0, 0], sizes = [320, 1], strides = [1, 1]} : vector<320x128xf32> to vector<320x1xf32>
    %max3A = arith.constant 1.000000e+00 : f32
    %max3A_5 = vector.broadcast %max3A : f32 to vector<320x1xf32>
    %max3A_6 = arith.maximumf %slice3A, %max3A_5 : vector<320x1xf32>
    %div3A = arith.constant 1.000000e+00 : f32
    %div3A_7 = vector.broadcast %div3A : f32 to vector<320x1xf32>
    %div3A_8 = arith.divf %div3A_7, %max3A_6 : vector<320x1xf32>
    %broadcast_in_dim3A = vector.shape_cast %div3A_8 : vector<320x1xf32> to vector<320x1x1xf32>
    %broadcast_in_dim3A_9 = vector.shape_cast %broadcast_in_dim3A : vector<320x1x1xf32> to vector<320x1x1xf32>
    %broadcast_in_dim3A_10 = vector.broadcast %broadcast_in_dim3A_9 : vector<320x1x1xf32> to vector<320x1x128xf32>
    %slice3A_11 = vector.extract_strided_slice %add3A {offsets = [0, 1], sizes = [320, 1], strides = [1, 1]} : vector<320x128xf32> to vector<320x1xf32>
    %max3A_12 = arith.constant 1.000000e+00 : f32
    %max3A_13 = vector.broadcast %max3A_12 : f32 to vector<320x1xf32>
    %max3A_14 = arith.maximumf %slice3A_11, %max3A_13 : vector<320x1xf32>
    %div3A_15 = arith.constant 1.000000e+00 : f32
    %div3A_16 = vector.broadcast %div3A_15 : f32 to vector<320x1xf32>
    %div3A_17 = arith.divf %div3A_16, %max3A_14 : vector<320x1xf32>
    %broadcast_in_dim3A_18 = vector.shape_cast %div3A_17 : vector<320x1xf32> to vector<320x1x1xf32>
    %broadcast_in_dim3A_19 = vector.shape_cast %broadcast_in_dim3A_18 : vector<320x1x1xf32> to vector<320x1x1xf32>
    %broadcast_in_dim3A_20 = vector.broadcast %broadcast_in_dim3A_19 : vector<320x1x1xf32> to vector<320x1x128xf32>
    %slice3A_21 = vector.extract_strided_slice %add3A {offsets = [0, 2], sizes = [320, 1], strides = [1, 1]} : vector<320x128xf32> to vector<320x1xf32>
    %max3A_22 = arith.constant 1.000000e+00 : f32
    %max3A_23 = vector.broadcast %max3A_22 : f32 to vector<320x1xf32>
    %max3A_24 = arith.maximumf %slice3A_21, %max3A_23 : vector<320x1xf32>
    %div3A_25 = arith.constant 1.000000e+00 : f32
    %div3A_26 = vector.broadcast %div3A_25 : f32 to vector<320x1xf32>
    %div3A_27 = arith.divf %div3A_26, %max3A_24 : vector<320x1xf32>
    %broadcast_in_dim3A_28 = vector.shape_cast %div3A_27 : vector<320x1xf32> to vector<320x1x1xf32>
    %broadcast_in_dim3A_29 = vector.shape_cast %broadcast_in_dim3A_28 : vector<320x1x1xf32> to vector<320x1x1xf32>
    %broadcast_in_dim3A_30 = vector.broadcast %broadcast_in_dim3A_29 : vector<320x1x1xf32> to vector<320x1x128xf32>
    %slice3A_31 = vector.extract_strided_slice %add3A {offsets = [0, 3], sizes = [320, 1], strides = [1, 1]} : vector<320x128xf32> to vector<320x1xf32>
    %max3A_32 = arith.constant 1.000000e+00 : f32
    %max3A_33 = vector.broadcast %max3A_32 : f32 to vector<320x1xf32>
    %max3A_34 = arith.maximumf %slice3A_31, %max3A_33 : vector<320x1xf32>
    %div3A_35 = arith.constant 1.000000e+00 : f32
    %div3A_36 = vector.broadcast %div3A_35 : f32 to vector<320x1xf32>
    %div3A_37 = arith.divf %div3A_36, %max3A_34 : vector<320x1xf32>
    %broadcast_in_dim3A_38 = vector.shape_cast %div3A_37 : vector<320x1xf32> to vector<320x1x1xf32>
    %broadcast_in_dim3A_39 = vector.shape_cast %broadcast_in_dim3A_38 : vector<320x1x1xf32> to vector<320x1x1xf32>
    %broadcast_in_dim3A_40 = vector.broadcast %broadcast_in_dim3A_39 : vector<320x1x1xf32> to vector<320x1x128xf32>
    %slice3A_41 = vector.extract_strided_slice %add3A {offsets = [0, 4], sizes = [320, 1], strides = [1, 1]} : vector<320x128xf32> to vector<320x1xf32>
    %max3A_42 = arith.constant 1.000000e+00 : f32
    %max3A_43 = vector.broadcast %max3A_42 : f32 to vector<320x1xf32>
    %max3A_44 = arith.maximumf %slice3A_41, %max3A_43 : vector<320x1xf32>
    %div3A_45 = arith.constant 1.000000e+00 : f32
    %div3A_46 = vector.broadcast %div3A_45 : f32 to vector<320x1xf32>
    %div3A_47 = arith.divf %div3A_46, %max3A_44 : vector<320x1xf32>
    %broadcast_in_dim3A_48 = vector.shape_cast %div3A_47 : vector<320x1xf32> to vector<320x1x1xf32>
    %broadcast_in_dim3A_49 = vector.shape_cast %broadcast_in_dim3A_48 : vector<320x1x1xf32> to vector<320x1x1xf32>
    %broadcast_in_dim3A_50 = vector.broadcast %broadcast_in_dim3A_49 : vector<320x1x1xf32> to vector<320x1x128xf32>
    %slice3A_51 = vector.extract_strided_slice %add3A {offsets = [0, 5], sizes = [320, 1], strides = [1, 1]} : vector<320x128xf32> to vector<320x1xf32>
    %max3A_52 = arith.constant 1.000000e+00 : f32
    %max3A_53 = vector.broadcast %max3A_52 : f32 to vector<320x1xf32>
    %max3A_54 = arith.maximumf %slice3A_51, %max3A_53 : vector<320x1xf32>
    %div3A_55 = arith.constant 1.000000e+00 : f32
    %div3A_56 = vector.broadcast %div3A_55 : f32 to vector<320x1xf32>
    %div3A_57 = arith.divf %div3A_56, %max3A_54 : vector<320x1xf32>
    %broadcast_in_dim3A_58 = vector.shape_cast %div3A_57 : vector<320x1xf32> to vector<320x1x1xf32>
    %broadcast_in_dim3A_59 = vector.shape_cast %broadcast_in_dim3A_58 : vector<320x1x1xf32> to vector<320x1x1xf32>
    %broadcast_in_dim3A_60 = vector.broadcast %broadcast_in_dim3A_59 : vector<320x1x1xf32> to vector<320x1x128xf32>
    %concatenate3A = tpu.concatenate %broadcast_in_dim3A_10, %broadcast_in_dim3A_20, %broadcast_in_dim3A_30, %broadcast_in_dim3A_40, %broadcast_in_dim3A_50, %broadcast_in_dim3A_60 in 1 : vector<320x1x128xf32>, vector<320x1x128xf32>, vector<320x1x128xf32>, vector<320x1x128xf32>, vector<320x1x128xf32>, vector<320x1x128xf32> -> vector<320x6x128xf32>
    %reshape3A = vector.shape_cast %concatenate3A : vector<320x6x128xf32> to vector<1920x128xf32>
    %swap3A = arith.constant 0 : index
    %swap3A_61 = arith.constant 0 : index
    %swap3A_62 = vector.load %arg3[%swap3A, %swap3A_61] : memref<1920x128xf32, #tpu.memory_space<vmem>>, vector<1920x128xf32>
    tpu.vector_store %arg3[%swap3A, %swap3A_61], %reshape3A {strides = array<i32>} : memref<1920x128xf32, #tpu.memory_space<vmem>>, vector<1920x128xf32>,
    return
  }
  func.func @transform_0(%arg0: i32) -> (i32, i32) {
    %c0_i32 = arith.constant 0 : i32
    %c0_i32_0 = arith.constant 0 : i32
    return %arg0, %c0_i32 : i32, i32
  }
  func.func @transform_1(%arg0: i32) -> (i32, i32) {
    %c0_i32 = arith.constant 0 : i32
    %c0_i32_0 = arith.constant 0 : i32
    return %arg0, %c0_i32 : i32, i32
  }
  func.func @transform_2(%arg0: i32) -> (i32, i32) {
    %c0_i32 = arith.constant 0 : i32
    %c0_i32_0 = arith.constant 0 : i32
    return %arg0, %c0_i32 : i32, i32
  }
}

module attributes {stable_mosaic.version = 14 : i64} {
  func.func @_scale_body(%arg0: i32, %arg1: memref<2000x256xf32, #tpu.memory_space<vmem>>, %arg2: memref<2000x128xf32, #tpu.memory_space<vmem>>, %arg3: memref<2000x256xf32, #tpu.memory_space<vmem>>) attributes {dimension_semantics = [#tpu.dimension_semantics<arbitrary>], iteration_bounds = array<i64: 80>, scalar_prefetch = 0 : i64, scratch_operands = 0 : i64, tpu.core_type = #tpu.core_type<tc>, window_params = [{transform_indices = @transform_0, window_bounds = array<i64: 2000, 256>}, {transform_indices = @transform_1, window_bounds = array<i64: 2000, 128>}, {transform_indices = @transform_2, window_bounds = array<i64: 2000, 256>}]} {
    %get3A = arith.constant 0 : index
    %get3A_0 = arith.constant 0 : index
    %get3A_1 = vector.load %arg1[%get3A, %get3A_0] : memref<2000x256xf32, #tpu.memory_space<vmem>>, vector<2000x256xf32>
    %get3A_2 = arith.constant 0 : index
    %get3A_3 = arith.constant 0 : index
    %get3A_4 = vector.load %arg2[%get3A_2, %get3A_3] : memref<2000x128xf32, #tpu.memory_space<vmem>>, vector<2000x1xf32>
    %mul3A = vector.broadcast %get3A_4 : vector<2000x1xf32> to vector<2000x256xf32>
    %mul3A_5 = arith.mulf %get3A_1, %mul3A : vector<2000x256xf32>
    %swap3A = arith.constant 0 : index
    %swap3A_6 = arith.constant 0 : index
    %swap3A_7 = vector.load %arg3[%swap3A, %swap3A_6] : memref<2000x256xf32, #tpu.memory_space<vmem>>, vector<2000x256xf32>
    tpu.vector_store %arg3[%swap3A, %swap3A_6], %mul3A_5 {strides = array<i32>} : memref<2000x256xf32, #tpu.memory_space<vmem>>, vector<2000x256xf32>,
    return
  }
  func.func @transform_0(%arg0: i32) -> (i32, i32) {
    %c0_i32 = arith.constant 0 : i32
    %c0_i32_0 = arith.constant 0 : i32
    return %arg0, %c0_i32 : i32, i32
  }
  func.func @transform_1(%arg0: i32) -> (i32, i32) {
    %c0_i32 = arith.constant 0 : i32
    %c0_i32_0 = arith.constant 0 : i32
    return %arg0, %c0_i32 : i32, i32
  }
  func.func @transform_2(%arg0: i32) -> (i32, i32) {
    %c0_i32 = arith.constant 0 : i32
    %c0_i32_0 = arith.constant 0 : i32
    return %arg0, %c0_i32 : i32, i32
  }
}

module attributes {stable_mosaic.version = 14 : i64} {
  func.func @_qkv_body(%arg0: i32, %arg1: memref<2000x256xf32, #tpu.memory_space<vmem>>, %arg2: memref<256x256xf32, #tpu.memory_space<vmem>>, %arg3: memref<1x256xf32, #tpu.memory_space<vmem>>, %arg4: memref<256x256xf32, #tpu.memory_space<vmem>>, %arg5: memref<1x256xf32, #tpu.memory_space<vmem>>, %arg6: memref<256x256xf32, #tpu.memory_space<vmem>>, %arg7: memref<1x256xf32, #tpu.memory_space<vmem>>, %arg8: memref<2000x256xf32, #tpu.memory_space<vmem>>, %arg9: memref<2000x256xf32, #tpu.memory_space<vmem>>, %arg10: memref<2000x256xf32, #tpu.memory_space<vmem>>) attributes {dimension_semantics = [#tpu.dimension_semantics<arbitrary>], iteration_bounds = array<i64: 5>, scalar_prefetch = 0 : i64, scratch_operands = 0 : i64, tpu.core_type = #tpu.core_type<tc>, window_params = [{transform_indices = @transform_0, window_bounds = array<i64: 2000, 256>}, {pipeline_mode = #tpu.pipeline_mode<synchronous>, transform_indices = @transform_1, window_bounds = array<i64: 256, 256>}, {pipeline_mode = #tpu.pipeline_mode<synchronous>, transform_indices = @transform_2, window_bounds = array<i64: 1, 256>}, {pipeline_mode = #tpu.pipeline_mode<synchronous>, transform_indices = @transform_3, window_bounds = array<i64: 256, 256>}, {pipeline_mode = #tpu.pipeline_mode<synchronous>, transform_indices = @transform_4, window_bounds = array<i64: 1, 256>}, {pipeline_mode = #tpu.pipeline_mode<synchronous>, transform_indices = @transform_5, window_bounds = array<i64: 256, 256>}, {pipeline_mode = #tpu.pipeline_mode<synchronous>, transform_indices = @transform_6, window_bounds = array<i64: 1, 256>}, {transform_indices = @transform_7, window_bounds = array<i64: 2000, 256>}, {transform_indices = @transform_8, window_bounds = array<i64: 2000, 256>}, {transform_indices = @transform_9, window_bounds = array<i64: 2000, 256>}]} {
    %get3A = arith.constant 0 : index
    %get3A_0 = arith.constant 0 : index
    %get3A_1 = vector.load %arg1[%get3A, %get3A_0] : memref<2000x256xf32, #tpu.memory_space<vmem>>, vector<2000x256xf32>
    %get3A_2 = arith.constant 0 : index
    %get3A_3 = arith.constant 0 : index
    %get3A_4 = vector.load %arg2[%get3A_2, %get3A_3] : memref<256x256xf32, #tpu.memory_space<vmem>>, vector<256x256xf32>
    %dot_general3A = arith.constant dense<0.000000e+00> : vector<2000x256xf32>
    %dot_general3A_5 = tpu.matmul %get3A_1, %get3A_4, %dot_general3A {dimension_numbers = #tpu.dot_dimension_numbers<[1], [0], [0], [1], [0, 0, 1, 1], [], []>, transpose_lhs_hint = false} : vector<2000x256xf32>, vector<256x256xf32>, vector<2000x256xf32> -> vector<2000x256xf32>
    %get3A_6 = arith.constant 0 : index
    %get3A_7 = arith.constant 0 : index
    %get3A_8 = vector.load %arg3[%get3A_6, %get3A_7] : memref<1x256xf32, #tpu.memory_space<vmem>>, vector<1x256xf32>
    %add3A = vector.broadcast %get3A_8 : vector<1x256xf32> to vector<2000x256xf32>
    %add3A_9 = arith.addf %dot_general3A_5, %add3A : vector<2000x256xf32>
    %swap3A = arith.constant 0 : index
    %swap3A_10 = arith.constant 0 : index
    %swap3A_11 = vector.load %arg8[%swap3A, %swap3A_10] : memref<2000x256xf32, #tpu.memory_space<vmem>>, vector<2000x256xf32>
    tpu.vector_store %arg8[%swap3A, %swap3A_10], %add3A_9 {strides = array<i32>} : memref<2000x256xf32, #tpu.memory_space<vmem>>, vector<2000x256xf32>,
    %get3A_12 = arith.constant 0 : index
    %get3A_13 = arith.constant 0 : index
    %get3A_14 = vector.load %arg4[%get3A_12, %get3A_13] : memref<256x256xf32, #tpu.memory_space<vmem>>, vector<256x256xf32>
    %dot_general3A_15 = arith.constant dense<0.000000e+00> : vector<2000x256xf32>
    %dot_general3A_16 = tpu.matmul %get3A_1, %get3A_14, %dot_general3A_15 {dimension_numbers = #tpu.dot_dimension_numbers<[1], [0], [0], [1], [0, 0, 1, 1], [], []>, transpose_lhs_hint = false} : vector<2000x256xf32>, vector<256x256xf32>, vector<2000x256xf32> -> vector<2000x256xf32>
    %get3A_17 = arith.constant 0 : index
    %get3A_18 = arith.constant 0 : index
    %get3A_19 = vector.load %arg5[%get3A_17, %get3A_18] : memref<1x256xf32, #tpu.memory_space<vmem>>, vector<1x256xf32>
    %add3A_20 = vector.broadcast %get3A_19 : vector<1x256xf32> to vector<2000x256xf32>
    %add3A_21 = arith.addf %dot_general3A_16, %add3A_20 : vector<2000x256xf32>
    %swap3A_22 = arith.constant 0 : index
    %swap3A_23 = arith.constant 0 : index
    %swap3A_24 = vector.load %arg9[%swap3A_22, %swap3A_23] : memref<2000x256xf32, #tpu.memory_space<vmem>>, vector<2000x256xf32>
    tpu.vector_store %arg9[%swap3A_22, %swap3A_23], %add3A_21 {strides = array<i32>} : memref<2000x256xf32, #tpu.memory_space<vmem>>, vector<2000x256xf32>,
    %get3A_25 = arith.constant 0 : index
    %get3A_26 = arith.constant 0 : index
    %get3A_27 = vector.load %arg6[%get3A_25, %get3A_26] : memref<256x256xf32, #tpu.memory_space<vmem>>, vector<256x256xf32>
    %dot_general3A_28 = arith.constant dense<0.000000e+00> : vector<2000x256xf32>
    %dot_general3A_29 = tpu.matmul %get3A_1, %get3A_27, %dot_general3A_28 {dimension_numbers = #tpu.dot_dimension_numbers<[1], [0], [0], [1], [0, 0, 1, 1], [], []>, transpose_lhs_hint = false} : vector<2000x256xf32>, vector<256x256xf32>, vector<2000x256xf32> -> vector<2000x256xf32>
    %get3A_30 = arith.constant 0 : index
    %get3A_31 = arith.constant 0 : index
    %get3A_32 = vector.load %arg7[%get3A_30, %get3A_31] : memref<1x256xf32, #tpu.memory_space<vmem>>, vector<1x256xf32>
    %add3A_33 = vector.broadcast %get3A_32 : vector<1x256xf32> to vector<2000x256xf32>
    %add3A_34 = arith.addf %dot_general3A_29, %add3A_33 : vector<2000x256xf32>
    %swap3A_35 = arith.constant 0 : index
    %swap3A_36 = arith.constant 0 : index
    %swap3A_37 = vector.load %arg10[%swap3A_35, %swap3A_36] : memref<2000x256xf32, #tpu.memory_space<vmem>>, vector<2000x256xf32>
    tpu.vector_store %arg10[%swap3A_35, %swap3A_36], %add3A_34 {strides = array<i32>} : memref<2000x256xf32, #tpu.memory_space<vmem>>, vector<2000x256xf32>,
    return
  }
  func.func @transform_0(%arg0: i32) -> (i32, i32) {
    %c0_i32 = arith.constant 0 : i32
    %c0_i32_0 = arith.constant 0 : i32
    return %arg0, %c0_i32 : i32, i32
  }
  func.func @transform_1(%arg0: i32) -> (i32, i32) {
    %c0_i32 = arith.constant 0 : i32
    %c0_i32_0 = arith.constant 0 : i32
    %c0_i32_1 = arith.constant 0 : i32
    return %c0_i32, %c0_i32_0 : i32, i32
  }
  func.func @transform_2(%arg0: i32) -> (i32, i32) {
    %c0_i32 = arith.constant 0 : i32
    %c0_i32_0 = arith.constant 0 : i32
    %c0_i32_1 = arith.constant 0 : i32
    return %c0_i32, %c0_i32_0 : i32, i32
  }
  func.func @transform_3(%arg0: i32) -> (i32, i32) {
    %c0_i32 = arith.constant 0 : i32
    %c0_i32_0 = arith.constant 0 : i32
    %c0_i32_1 = arith.constant 0 : i32
    return %c0_i32, %c0_i32_0 : i32, i32
  }
  func.func @transform_4(%arg0: i32) -> (i32, i32) {
    %c0_i32 = arith.constant 0 : i32
    %c0_i32_0 = arith.constant 0 : i32
    %c0_i32_1 = arith.constant 0 : i32
    return %c0_i32, %c0_i32_0 : i32, i32
  }
  func.func @transform_5(%arg0: i32) -> (i32, i32) {
    %c0_i32 = arith.constant 0 : i32
    %c0_i32_0 = arith.constant 0 : i32
    %c0_i32_1 = arith.constant 0 : i32
    return %c0_i32, %c0_i32_0 : i32, i32
  }
  func.func @transform_6(%arg0: i32) -> (i32, i32) {
    %c0_i32 = arith.constant 0 : i32
    %c0_i32_0 = arith.constant 0 : i32
    %c0_i32_1 = arith.constant 0 : i32
    return %c0_i32, %c0_i32_0 : i32, i32
  }
  func.func @transform_7(%arg0: i32) -> (i32, i32) {
    %c0_i32 = arith.constant 0 : i32
    %c0_i32_0 = arith.constant 0 : i32
    return %arg0, %c0_i32 : i32, i32
  }
  func.func @transform_8(%arg0: i32) -> (i32, i32) {
    %c0_i32 = arith.constant 0 : i32
    %c0_i32_0 = arith.constant 0 : i32
    return %arg0, %c0_i32 : i32, i32
  }
  func.func @transform_9(%arg0: i32) -> (i32, i32) {
    %c0_i32 = arith.constant 0 : i32
    %c0_i32_0 = arith.constant 0 : i32
    return %arg0, %c0_i32 : i32, i32
  }
}

module attributes {stable_mosaic.version = 14 : i64} {
  func.func @_h_body(%arg0: i32, %arg1: memref<2000x256xf32, #tpu.memory_space<vmem>>, %arg2: memref<2000x256xf32, #tpu.memory_space<vmem>>, %arg3: memref<256x256xf32, #tpu.memory_space<vmem>>, %arg4: memref<1x256xf32, #tpu.memory_space<vmem>>, %arg5: memref<2000x256xf32, #tpu.memory_space<vmem>>) attributes {dimension_semantics = [#tpu.dimension_semantics<arbitrary>], iteration_bounds = array<i64: 5>, scalar_prefetch = 0 : i64, scratch_operands = 0 : i64, tpu.core_type = #tpu.core_type<tc>, window_params = [{transform_indices = @transform_0, window_bounds = array<i64: 2000, 256>}, {transform_indices = @transform_1, window_bounds = array<i64: 2000, 256>}, {pipeline_mode = #tpu.pipeline_mode<synchronous>, transform_indices = @transform_2, window_bounds = array<i64: 256, 256>}, {pipeline_mode = #tpu.pipeline_mode<synchronous>, transform_indices = @transform_3, window_bounds = array<i64: 1, 256>}, {transform_indices = @transform_4, window_bounds = array<i64: 2000, 256>}]} {
    %get3A = arith.constant 0 : index
    %get3A_0 = arith.constant 0 : index
    %get3A_1 = vector.load %arg1[%get3A, %get3A_0] : memref<2000x256xf32, #tpu.memory_space<vmem>>, vector<2000x256xf32>
    %get3A_2 = arith.constant 0 : index
    %get3A_3 = arith.constant 0 : index
    %get3A_4 = vector.load %arg2[%get3A_2, %get3A_3] : memref<2000x256xf32, #tpu.memory_space<vmem>>, vector<2000x256xf32>
    %get3A_5 = arith.constant 0 : index
    %get3A_6 = arith.constant 0 : index
    %get3A_7 = vector.load %arg3[%get3A_5, %get3A_6] : memref<256x256xf32, #tpu.memory_space<vmem>>, vector<256x256xf32>
    %dot_general3A = arith.constant dense<0.000000e+00> : vector<2000x256xf32>
    %dot_general3A_8 = tpu.matmul %get3A_4, %get3A_7, %dot_general3A {dimension_numbers = #tpu.dot_dimension_numbers<[1], [0], [0], [1], [0, 0, 1, 1], [], []>, transpose_lhs_hint = false} : vector<2000x256xf32>, vector<256x256xf32>, vector<2000x256xf32> -> vector<2000x256xf32>
    %add3A = arith.addf %get3A_1, %dot_general3A_8 : vector<2000x256xf32>
    %get3A_9 = arith.constant 0 : index
    %get3A_10 = arith.constant 0 : index
    %get3A_11 = vector.load %arg4[%get3A_9, %get3A_10] : memref<1x256xf32, #tpu.memory_space<vmem>>, vector<1x256xf32>
    %add3A_12 = vector.broadcast %get3A_11 : vector<1x256xf32> to vector<2000x256xf32>
    %add3A_13 = arith.addf %add3A, %add3A_12 : vector<2000x256xf32>
    %max3A = arith.constant 0.000000e+00 : f32
    %max3A_14 = vector.broadcast %max3A : f32 to vector<2000x256xf32>
    %max3A_15 = arith.maximumf %add3A_13, %max3A_14 : vector<2000x256xf32>
    %swap3A = arith.constant 0 : index
    %swap3A_16 = arith.constant 0 : index
    %swap3A_17 = vector.load %arg5[%swap3A, %swap3A_16] : memref<2000x256xf32, #tpu.memory_space<vmem>>, vector<2000x256xf32>
    tpu.vector_store %arg5[%swap3A, %swap3A_16], %max3A_15 {strides = array<i32>} : memref<2000x256xf32, #tpu.memory_space<vmem>>, vector<2000x256xf32>,
    return
  }
  func.func @transform_0(%arg0: i32) -> (i32, i32) {
    %c0_i32 = arith.constant 0 : i32
    %c0_i32_0 = arith.constant 0 : i32
    return %arg0, %c0_i32 : i32, i32
  }
  func.func @transform_1(%arg0: i32) -> (i32, i32) {
    %c0_i32 = arith.constant 0 : i32
    %c0_i32_0 = arith.constant 0 : i32
    return %arg0, %c0_i32 : i32, i32
  }
  func.func @transform_2(%arg0: i32) -> (i32, i32) {
    %c0_i32 = arith.constant 0 : i32
    %c0_i32_0 = arith.constant 0 : i32
    %c0_i32_1 = arith.constant 0 : i32
    return %c0_i32, %c0_i32_0 : i32, i32
  }
  func.func @transform_3(%arg0: i32) -> (i32, i32) {
    %c0_i32 = arith.constant 0 : i32
    %c0_i32_0 = arith.constant 0 : i32
    %c0_i32_1 = arith.constant 0 : i32
    return %c0_i32, %c0_i32_0 : i32, i32
  }
  func.func @transform_4(%arg0: i32) -> (i32, i32) {
    %c0_i32 = arith.constant 0 : i32
    %c0_i32_0 = arith.constant 0 : i32
    return %arg0, %c0_i32 : i32, i32
  }
}

module attributes {stable_mosaic.version = 14 : i64} {
  func.func @_score_body(%arg0: i32, %arg1: memref<2000x256xf32, #tpu.memory_space<vmem>>, %arg2: memref<2000x256xf32, #tpu.memory_space<vmem>>, %arg3: memref<2000x128xf32, #tpu.memory_space<vmem>>) attributes {dimension_semantics = [#tpu.dimension_semantics<arbitrary>], iteration_bounds = array<i64: 80>, scalar_prefetch = 0 : i64, scratch_operands = 0 : i64, tpu.core_type = #tpu.core_type<tc>, window_params = [{transform_indices = @transform_0, window_bounds = array<i64: 2000, 256>}, {transform_indices = @transform_1, window_bounds = array<i64: 2000, 256>}, {transform_indices = @transform_2, window_bounds = array<i64: 2000, 128>}]} {
    %get3A = arith.constant 0 : index
    %get3A_0 = arith.constant 0 : index
    %get3A_1 = vector.load %arg1[%get3A, %get3A_0] : memref<2000x256xf32, #tpu.memory_space<vmem>>, vector<2000x256xf32>
    %get3A_2 = arith.constant 0 : index
    %get3A_3 = arith.constant 0 : index
    %get3A_4 = vector.load %arg2[%get3A_2, %get3A_3] : memref<2000x256xf32, #tpu.memory_space<vmem>>, vector<2000x256xf32>
    %mul3A = arith.mulf %get3A_1, %get3A_4 : vector<2000x256xf32>
    %reduce_sum3A = arith.constant dense<0.000000e+00> : vector<2000xf32>
    %reduce_sum3A_5 = vector.multi_reduction <add>, %mul3A, %reduce_sum3A [1] : vector<2000x256xf32> to vector<2000xf32>
    %broadcast_in_dim3A = vector.shape_cast %reduce_sum3A_5 : vector<2000xf32> to vector<2000x1xf32>
    %mul3A_6 = arith.constant 6.250000e-02 : f32
    %mul3A_7 = vector.broadcast %mul3A_6 : f32 to vector<2000x1xf32>
    %mul3A_8 = arith.mulf %broadcast_in_dim3A, %mul3A_7 : vector<2000x1xf32>
    %exp3A = math.exp %mul3A_8 : vector<2000x1xf32>
    %broadcast_in_dim3A_9 = vector.shape_cast %exp3A : vector<2000x1xf32> to vector<2000x1xf32>
    %broadcast_in_dim3A_10 = vector.broadcast %broadcast_in_dim3A_9 : vector<2000x1xf32> to vector<2000x128xf32>
    %swap3A = arith.constant 0 : index
    %swap3A_11 = arith.constant 0 : index
    %swap3A_12 = vector.load %arg3[%swap3A, %swap3A_11] : memref<2000x128xf32, #tpu.memory_space<vmem>>, vector<2000x128xf32>
    tpu.vector_store %arg3[%swap3A, %swap3A_11], %broadcast_in_dim3A_10 {strides = array<i32>} : memref<2000x128xf32, #tpu.memory_space<vmem>>, vector<2000x128xf32>,
    return
  }
  func.func @transform_0(%arg0: i32) -> (i32, i32) {
    %c0_i32 = arith.constant 0 : i32
    %c0_i32_0 = arith.constant 0 : i32
    return %arg0, %c0_i32 : i32, i32
  }
  func.func @transform_1(%arg0: i32) -> (i32, i32) {
    %c0_i32 = arith.constant 0 : i32
    %c0_i32_0 = arith.constant 0 : i32
    return %arg0, %c0_i32 : i32, i32
  }
  func.func @transform_2(%arg0: i32) -> (i32, i32) {
    %c0_i32 = arith.constant 0 : i32
    %c0_i32_0 = arith.constant 0 : i32
    return %arg0, %c0_i32 : i32, i32
  }
}

module attributes {stable_mosaic.version = 14 : i64} {
  func.func @_final_body(%arg0: memref<10000x256xf32, #tpu.memory_space<vmem>>, %arg1: memref<10000x128xf32, #tpu.memory_space<vmem>>, %arg2: memref<10000x128xf32, #tpu.memory_space<vmem>>, %arg3: memref<10000x256xf32, #tpu.memory_space<vmem>>, %arg4: memref<256x256xf32, #tpu.memory_space<vmem>>, %arg5: memref<1x256xf32, #tpu.memory_space<vmem>>, %arg6: memref<256x256xf32, #tpu.memory_space<vmem>>, %arg7: memref<1x256xf32, #tpu.memory_space<vmem>>, %arg8: memref<1x256xf32, #tpu.memory_space<vmem>>, %arg9: memref<1x256xf32, #tpu.memory_space<vmem>>, %arg10: memref<10000x256xf32, #tpu.memory_space<vmem>>) attributes {dimension_semantics = [], scalar_prefetch = 0 : i64, scratch_operands = 0 : i64, tpu.core_type = #tpu.core_type<tc>} {
    %get3A = arith.constant 0 : index
    %get3A_0 = arith.constant 0 : index
    %get3A_1 = vector.load %arg3[%get3A, %get3A_0] : memref<10000x256xf32, #tpu.memory_space<vmem>>, vector<10000x256xf32>
    %get3A_2 = arith.constant 0 : index
    %get3A_3 = arith.constant 0 : index
    %get3A_4 = vector.load %arg1[%get3A_2, %get3A_3] : memref<10000x128xf32, #tpu.memory_space<vmem>>, vector<10000x1xf32>
    %get3A_5 = arith.constant 0 : index
    %get3A_6 = arith.constant 0 : index
    %get3A_7 = vector.load %arg2[%get3A_5, %get3A_6] : memref<10000x128xf32, #tpu.memory_space<vmem>>, vector<10000x1xf32>
    %add3A = arith.addf %get3A_4, %get3A_7 : vector<10000x1xf32>
    %add3A_8 = arith.constant 1.000000e-16 : f32
    %add3A_9 = vector.broadcast %add3A_8 : f32 to vector<10000x1xf32>
    %add3A_10 = arith.addf %add3A, %add3A_9 : vector<10000x1xf32>
    %get3A_11 = arith.constant 0 : index
    %get3A_12 = arith.constant 0 : index
    %get3A_13 = vector.load %arg0[%get3A_11, %get3A_12] : memref<10000x256xf32, #tpu.memory_space<vmem>>, vector<10000x256xf32>
    %div3A = vector.broadcast %add3A_10 : vector<10000x1xf32> to vector<10000x256xf32>
    %div3A_14 = arith.divf %get3A_13, %div3A : vector<10000x256xf32>
    %get3A_15 = arith.constant 0 : index
    %get3A_16 = arith.constant 0 : index
    %get3A_17 = vector.load %arg4[%get3A_15, %get3A_16] : memref<256x256xf32, #tpu.memory_space<vmem>>, vector<256x256xf32>
    %dot_general3A = arith.constant dense<0.000000e+00> : vector<10000x256xf32>
    %dot_general3A_18 = tpu.matmul %get3A_1, %get3A_17, %dot_general3A {dimension_numbers = #tpu.dot_dimension_numbers<[1], [0], [0], [1], [0, 0, 1, 1], [], []>, transpose_lhs_hint = false} : vector<10000x256xf32>, vector<256x256xf32>, vector<10000x256xf32> -> vector<10000x256xf32>
    %add3A_19 = arith.addf %div3A_14, %dot_general3A_18 : vector<10000x256xf32>
    %get3A_20 = arith.constant 0 : index
    %get3A_21 = arith.constant 0 : index
    %get3A_22 = vector.load %arg5[%get3A_20, %get3A_21] : memref<1x256xf32, #tpu.memory_space<vmem>>, vector<1x256xf32>
    %add3A_23 = vector.broadcast %get3A_22 : vector<1x256xf32> to vector<10000x256xf32>
    %add3A_24 = arith.addf %add3A_19, %add3A_23 : vector<10000x256xf32>
    %get3A_25 = arith.constant 0 : index
    %get3A_26 = arith.constant 0 : index
    %get3A_27 = vector.load %arg6[%get3A_25, %get3A_26] : memref<256x256xf32, #tpu.memory_space<vmem>>, vector<256x256xf32>
    %dot_general3A_28 = arith.constant dense<0.000000e+00> : vector<10000x256xf32>
    %dot_general3A_29 = tpu.matmul %get3A_1, %get3A_27, %dot_general3A_28 {dimension_numbers = #tpu.dot_dimension_numbers<[1], [0], [0], [1], [0, 0, 1, 1], [], []>, transpose_lhs_hint = false} : vector<10000x256xf32>, vector<256x256xf32>, vector<10000x256xf32> -> vector<10000x256xf32>
    %add3A_30 = arith.addf %add3A_24, %dot_general3A_29 : vector<10000x256xf32>
    %get3A_31 = arith.constant 0 : index
    %get3A_32 = arith.constant 0 : index
    %get3A_33 = vector.load %arg7[%get3A_31, %get3A_32] : memref<1x256xf32, #tpu.memory_space<vmem>>, vector<1x256xf32>
    %add3A_34 = vector.broadcast %get3A_33 : vector<1x256xf32> to vector<10000x256xf32>
    %add3A_35 = arith.addf %add3A_30, %add3A_34 : vector<10000x256xf32>
    %max3A = arith.constant 0.000000e+00 : f32
    %max3A_36 = vector.broadcast %max3A : f32 to vector<10000x256xf32>
    %max3A_37 = arith.maximumf %add3A_35, %max3A_36 : vector<10000x256xf32>
    %reduce_sum3A = arith.constant dense<0.000000e+00> : vector<256xf32>
    %reduce_sum3A_38 = vector.multi_reduction <add>, %max3A_37, %reduce_sum3A [0] : vector<10000x256xf32> to vector<256xf32>
    %broadcast_in_dim3A = vector.shape_cast %reduce_sum3A_38 : vector<256xf32> to vector<1x256xf32>
    %div3A_39 = arith.constant 1.000000e+04 : f32
    %div3A_40 = vector.broadcast %div3A_39 : f32 to vector<1x256xf32>
    %div3A_41 = arith.divf %broadcast_in_dim3A, %div3A_40 : vector<1x256xf32>
    %sub3A = vector.broadcast %div3A_41 : vector<1x256xf32> to vector<10000x256xf32>
    %sub3A_42 = arith.subf %max3A_37, %sub3A : vector<10000x256xf32>
    %sub3A_43 = vector.broadcast %div3A_41 : vector<1x256xf32> to vector<10000x256xf32>
    %sub3A_44 = arith.subf %max3A_37, %sub3A_43 : vector<10000x256xf32>
    %mul3A = arith.mulf %sub3A_42, %sub3A_44 : vector<10000x256xf32>
    %reduce_sum3A_45 = arith.constant dense<0.000000e+00> : vector<256xf32>
    %reduce_sum3A_46 = vector.multi_reduction <add>, %mul3A, %reduce_sum3A_45 [0] : vector<10000x256xf32> to vector<256xf32>
    %broadcast_in_dim3A_47 = vector.shape_cast %reduce_sum3A_46 : vector<256xf32> to vector<1x256xf32>
    %div3A_48 = arith.constant 1.000000e+04 : f32
    %div3A_49 = vector.broadcast %div3A_48 : f32 to vector<1x256xf32>
    %div3A_50 = arith.divf %broadcast_in_dim3A_47, %div3A_49 : vector<1x256xf32>
    %sub3A_51 = vector.broadcast %div3A_41 : vector<1x256xf32> to vector<10000x256xf32>
    %sub3A_52 = arith.subf %max3A_37, %sub3A_51 : vector<10000x256xf32>
    %add3A_53 = arith.constant 9.99999974E-6 : f32
    %add3A_54 = vector.broadcast %add3A_53 : f32 to vector<1x256xf32>
    %add3A_55 = arith.addf %div3A_50, %add3A_54 : vector<1x256xf32>
    %rsqrt3A = math.rsqrt %add3A_55 : vector<1x256xf32>
    %mul3A_56 = vector.broadcast %rsqrt3A : vector<1x256xf32> to vector<10000x256xf32>
    %mul3A_57 = arith.mulf %sub3A_52, %mul3A_56 : vector<10000x256xf32>
    %get3A_58 = arith.constant 0 : index
    %get3A_59 = arith.constant 0 : index
    %get3A_60 = vector.load %arg8[%get3A_58, %get3A_59] : memref<1x256xf32, #tpu.memory_space<vmem>>, vector<1x256xf32>
    %mul3A_61 = vector.broadcast %get3A_60 : vector<1x256xf32> to vector<10000x256xf32>
    %mul3A_62 = arith.mulf %mul3A_57, %mul3A_61 : vector<10000x256xf32>
    %get3A_63 = arith.constant 0 : index
    %get3A_64 = arith.constant 0 : index
    %get3A_65 = vector.load %arg9[%get3A_63, %get3A_64] : memref<1x256xf32, #tpu.memory_space<vmem>>, vector<1x256xf32>
    %add3A_66 = vector.broadcast %get3A_65 : vector<1x256xf32> to vector<10000x256xf32>
    %add3A_67 = arith.addf %mul3A_62, %add3A_66 : vector<10000x256xf32>
    %swap3A = arith.constant 0 : index
    %swap3A_68 = arith.constant 0 : index
    %swap3A_69 = vector.load %arg10[%swap3A, %swap3A_68] : memref<10000x256xf32, #tpu.memory_space<vmem>>, vector<10000x256xf32>
    tpu.vector_store %arg10[%swap3A, %swap3A_68], %add3A_67 {strides = array<i32>} : memref<10000x256xf32, #tpu.memory_space<vmem>>, vector<10000x256xf32>,
    return
  }
}

</mosaic_0001>

<sc_bundles>
// kernel: kernel.19.cloned.1.call-start
scs
__scs_entry_jumppad:
0x0: {  	(pc) =	sbr.rel $0x88, $3  }
0x1: {  	(tag) =	ssettag $0x0;
	lr =	simm.s32 $0x1  }
0x2: {  	[smem:$0x3F8F] =	sst lr;
	_ =	strace $0xD0000000  }
0x3: {  	_ = 	snop  }
0x4: {  	_ = 	snop  }
0x5: {  	_ = 	snop  }
0x6: {  	_ = 	snop  }
0x7: {  	_ = 	snop  }
__scs_overlays_trampoline_lowered:
0x8: {  	[smem:$0x3F9E] =	sst s0  }
0x9: {  	[smem:$0x3F9F] =	sst s1  }
0xa: {  	[smem:$0x3FA0] =	sst s2  }
0xb: {  	[smem:$0x3FA1] =	sst s3  }
0xc: {  	[smem:$0x3FA2] =	sst s4  }
0xd: {  	[smem:$0x3FA3] =	sst s5  }
0xe: {  	[smem:$0x3FA4] =	sst s6  }
0xf: {  	[smem:$0x3FA5] =	sst s7  }
0x10: {  	[smem:$0x3FA6] =	sst s8  }
0x11: {  	[smem:$0x3FA7] =	sst s9;
	s0 =	simm.s32 @!p0 $0x0  }
0x12: {  	s1 =	sld [smem:$0x3F8D];
	s0 =	simm.s32 @p0 $0x1  }
0x13: {  	[smem:$0x3FA8] =	sst s0;
	s0 =	simm.s32 @!p1 $0x0  }
0x14: {  	s2 =	sld [smem:$0x3F8C];
	s0 =	simm.s32 @p1 $0x1  }
0x15: {  	[smem:$0x3FA9] =	sst s0;
	s0 =	simm.s32 @!p2 $0x0  }
0x16: {  	s3 =	sld [smem:$0x3FDB];
	s0 =	simm.s32 @p2 $0x1  }
0x17: {  	s4 =	simm.s32 $0x1BF5;
	[smem:$0x3FAB] =	sst s0  }
0x18: {  	s0 =	sld [smem:$0x3F8E];
	_ =	swait.ge [sflag:s4], $0x0  }
0x19: {  	s7 =	sld [smem:$0x3F8F]  }
0x1a: {  	s8 =	sadd.s32 $0xFFFFE003, lr  }
0x1b: {  	s9 =	sadd.s32 $0xFFFFFEF7, lr;
	s5 =	simm.s32 $0xFFFFFFFF;
	p2 =	slt.u32 s8, $0xFFFFF086  }
0x1c: {  	p1 =	slt.u32 s9, $0xF7A;
	s5 =	simm.s32 @!p2 $0x0  }
0x1d: {  	s5 =	simm.s32 @p1 $0x1;
	p0 =	seq.s32 s7, s2  }
0x1e: {  	s7 =	smul.u32 @!p0 $0xF7A, s2;
	p2 =	seq.s32 @!p0 s5, $0x0  }
0x1f: {  	s9 =	smul.u32 $0xF7A, s1;
	s8 =	simm.s32 @!p0 $0x1BF5;
	p2 =	por !p2, p0  }
0x20: {  	[sflag:s8] =	ssyncset.s32 @!p0 $0xFFFFF086;
	s6 =	sadd.s32 @!p0 s3, s7;
	s7 =	simm.s32 @!p0 $0x108  }
0x21: {  	s3 =	sadd.s32 s3, s9;
	s6 =	sadd.s32 @!p0 $0x88, s6;
	s7 =	simm.s32 @p2 $0x1082  }
0x22: {  	[simem:s7], [sflag:s8] =	dma.local @!p0 [hbm:s6], $0xF7A  }
0x23: {  	s9 =	sor.u32 $0xD0000000, s2;
	s6 =	simm.s32 $0x108;
	_ =	swait.ge @!p0 [sflag:s8], $0x0  }
0x24: {  	s3 =	sadd.s32 $0x88, s3;
	s6 =	simm.s32 @!p1 $0x1082;
	[sflag:s4] =	ssyncset.s32 $0xFFFFF086  }
0x25: {  	[simem:s6], [sflag:s4] =	dma.local [hbm:s3], $0xF7A  }
0x26: {  	[smem:$0x3F8F] =	sst s1;
	(tag) =	ssettag s2;
	_ =	strace s9  }
0x27: {  	s1 =	sld [smem:$0x3F9F]  }
0x28: {  	s2 =	sld [smem:$0x3FA0]  }
0x29: {  	s4 =	sld [smem:$0x3FA2]  }
0x2a: {  	p0 =	seq.s32 s5, $0x0;
	s5 =	sld [smem:$0x3FA3]  }
0x2b: {  	s6 =	sld [smem:$0x3FA4]  }
0x2c: {  	s7 =	sld [smem:$0x3FA5]  }
0x2d: {  	s3 =	simm.s32 $0x108;
	s8 =	sld [smem:$0x3FA6]  }
0x2e: {  	s3 =	simm.s32 @!p0 $0x1082;
	s9 =	sld [smem:$0x3FA7]  }
0x2f: {  	lr =	sadd.s32 s0, s3;
	s0 =	sld [smem:$0x3F9E]  }
0x30: {  	s3 =	sld [smem:$0x3FA1]  }
0x31: {  	[smem:$0x3FAA] =	sst s10  }
0x32: {  	s10 =	sld [smem:$0x3FA8];
	_ =	sdelay $0x3  }
0x33: {  	p0 =	seq.s32 s10, $0x1;
	s10 =	sld [smem:$0x3FAA];
	_ =	sdelay $0x3  }
0x34: {  	[smem:$0x3FAA] =	sst s10  }
0x35: {  	s10 =	sld [smem:$0x3FA9];
	_ =	sdelay $0x3  }
0x36: {  	p1 =	seq.s32 s10, $0x1;
	s10 =	sld [smem:$0x3FAA];
	_ =	sdelay $0x3  }
0x37: {  	[smem:$0x3FAA] =	sst s10  }
0x38: {  	s10 =	sld [smem:$0x3FAB]  }
0x39: {  	_ = 	snop;
	(pc) =	sbr.ind lr, $3  }
0x3a: {  	_ = 	snop  }
0x3b: {  	_ = 	snop  }
0x3c: {  	p2 =	seq.s32 s10, $0x1;
	s10 =	sld [smem:$0x3FAA]  }
0x3d: {  	_ =	shalt  }
0x3e: {  	_ =	shalt  }
0x3f: {  	_ =	shalt  }
0x40: {  	_ =	shalt  }
0x41: {  	_ =	shalt  }
0x42: {  	_ =	shalt  }
0x43: {  	_ =	shalt  }
0x44: {  	_ =	shalt  }
0x45: {  	_ =	shalt  }
0x46: {  	_ =	shalt  }
0x47: {  	_ =	shalt  }
0x48: {  	_ =	shalt  }
0x49: {  	_ =	shalt  }
0x4a: {  	_ =	shalt  }
0x4b: {  	_ =	shalt  }
0x4c: {  	_ =	shalt  }
0x4d: {  	_ =	shalt  }
0x4e: {  	_ =	shalt  }
0x4f: {  	_ =	shalt  }
0x50: {  	_ =	shalt  }
0x51: {  	_ =	shalt  }
0x52: {  	_ =	shalt  }
0x53: {  	_ =	shalt  }
0x54: {  	_ =	shalt  }
0x55: {  	_ =	shalt  }
0x56: {  	_ =	shalt  }
0x57: {  	_ =	shalt  }
0x58: {  	_ =	shalt  }
0x59: {  	_ =	shalt  }
0x5a: {  	_ =	shalt  }
0x5b: {  	_ =	shalt  }
0x5c: {  	_ =	shalt  }
0x5d: {  	_ =	shalt  }
0x5e: {  	_ =	shalt  }
0x5f: {  	_ =	shalt  }
0x60: {  	_ =	shalt  }
0x61: {  	_ =	shalt  }
0x62: {  	_ =	shalt  }
0x63: {  	_ =	shalt  }
0x64: {  	_ =	shalt  }
0x65: {  	_ =	shalt  }
0x66: {  	_ =	shalt  }
0x67: {  	_ =	shalt  }
0x68: {  	_ =	shalt  }
0x69: {  	_ =	shalt  }
0x6a: {  	_ =	shalt  }
0x6b: {  	_ =	shalt  }
0x6c: {  	_ =	shalt  }
0x6d: {  	_ =	shalt  }
0x6e: {  	_ =	shalt  }
0x6f: {  	_ =	shalt  }
0x70: {  	_ =	shalt  }
0x71: {  	_ =	shalt  }
0x72: {  	_ =	shalt  }
0x73: {  	_ =	shalt  }
0x74: {  	_ =	shalt  }
0x75: {  	_ =	shalt  }
0x76: {  	_ =	shalt  }
0x77: {  	_ =	shalt  }
0x78: {  	_ =	shalt  }
0x79: {  	_ =	shalt  }
0x7a: {  	_ =	shalt  }
0x7b: {  	_ =	shalt  }
0x7c: {  	_ =	shalt  }
0x7d: {  	_ =	shalt  }
0x7e: {  	_ =	shalt  }
0x7f: {  	_ =	shalt  }
0x80: {  	_ =	shalt  }
0x81: {  	_ =	shalt  }
0x82: {  	_ =	shalt  }
0x83: {  	_ =	shalt  }
0x84: {  	_ =	shalt  }
0x85: {  	_ =	shalt  }
0x86: {  	_ =	shalt  }
0x87: {  	_ =	shalt  }
.Lfunc_end0:
.L_simem_size_0:
called_computation.2_lowered:
.L_overlay_start_0:
0x88: {  	s2 =	sld [smem:$0x3FD9]  }
0x89: {  	s3 =	sld [smem:$0x3FFE];
	_ =	sdelay $0x1  }
0x8a: {  	s1 =	srdreg.scid  }
0x8b: {  	s0 =	sand.u32 $0x1, s1  }
0x8c: {  	s16 =	sshll.u32 s0, $0xA;
	s2 =	sadd.s32 s3, s2  }
0x8d: {  	s2 =	sadd.s32 s2, s16  }
0x8e: {  	[smem:$0x3FB6] =	sst s2  }
0x8f: {  	_ = 	snop  }
0x90: {  	(tm) =	ssettm $0x1  }
0x91: {  	s17 =	sld [smem:$0x3FFB];
	_ =	sdelay $0x3  }
0x92: {  	_ =	strace s17  }
0x93: {  	s2 =	sld [smem:$0x3FFC];
	_ =	sdelay $0x3  }
0x94: {  	_ =	strace s2  }
0x95: {  	s2 =	sld [smem:$0x3FFD];
	_ =	sdelay $0x3  }
0x96: {  	_ =	strace s2  }
0x97: {  	_ =	strace $0x8FFFFFFF  }
0x98: {  	s18 =	sld [smem:$0x3FDB];
	_ =	sdelay $0x1  }
0x99: {  	s19 =	simm.s32 $_scs_section_size  }
0x9a: {  	s4 =	simm.s32 $_size__tile_overlayer_lowered;
	s5 =	simm.s32 $_tile_overlayer_lowered  }
0x9b: {  	s22 =	simm.s32 $0x1BFF;
	s21 =	sshll.u32 s5, $0x1;
	s2 =	sadd.s32 s19, s18  }
0x9c: {  	s6 =	simm.s32 $0x0;
	s20 =	sshll.u32 s4, $0x1;
	s4 =	sadd.s32 s21, s2  }
0x9d: {  	[timem:s6], [sflag:s22] =	dma.local [hbm:s4], s20  }
0x9e: {  	_ =	swait.ge [sflag:s22], s20  }
0x9f: {  	s3 =	ssub.s32 $0x0, s20;
	[sflag:s22] =	ssyncset.done $0x0  }
0xa0: {  	[sflag:s22] =	ssyncadd.s32 s3;
	_ =	sdelay $0x1  }
0xa1: {  	s23 =	simm.s32 $0x1B8B  }
0xa2: {  	_ =	swait.ge [sflag:s23], $0x1  }
0xa3: {  	[sflag:s23] =	ssyncset.done $0x0  }
0xa4: {  	s25 =	simm.s32 $0x1B8E;
	s24 =	sld [smem:$0x3FFE];
	[sflag:s23] =	ssyncadd.s32 $0xFFFFFFFF  }
0xa5: {  	s26 =	simm.s32 $execute0_lowered;
	[smem:$0x3FD2] =	sst s25  }
0xa6: {  	s4 =	sshll.u32 s26, $0x1;
	_ =	strace $0x80000046;
	[dreg:$0x1] =	wrdreg $0xFFFFFFFF  }
0xa7: {  	s28 =	simm.s32 $_size_execute0_lowered;
	s2 =	sadd.s32 s2, s4;
	[dreg:$0x0] =	wrdreg $0x0  }
0xa8: {  	s4 =	sshll.u32 s28, $0x1;
	[dreg:$0x2] =	wrdreg s2  }
0xa9: {  	[dreg:$0x3] =	wrdreg s4  }
0xaa: {  	[dreg:$0x4] =	wrdreg $0xC0  }
0xab: {  	_ =	task [dreg:s6], $0x5FFFF  }
0xac: {  	[dreg:$0x1] =	wrdreg $0xFFFFFFFF  }
0xad: {  	[dreg:$0x0] =	wrdreg $0x60  }
0xae: {  	[dreg:$0x2] =	wrdreg s24  }
0xaf: {  	[dreg:$0x3] =	wrdreg $0x65000  }
0xb0: {  	[dreg:$0x4] =	wrdreg $0xA  }
0xb1: {  	_ =	task.clear_ibuf [dreg:s6], $0x5FFFF;
	_ =	strace $0x90000046  }
0xb2: {  	s29 =	simm.s32 $0xA;
	_ =	strace $0x80000048  }
0xb3: {  	_ =	swait.ge [sflag:s29], $0x1  }
0xb4: {  	[sflag:s29] =	ssyncadd.s32 $0xFFFFFFFF  }
0xb5: {  	_ =	strace $0x90000048  }
0xb6: {  	_ =	sfence  }
0xb7: {  	s30 =	sld [smem:$0x0];
	_ =	sdelay $0x2  }
0xb8: {  	s31 =	sshll.u32 s1, $0xD;
	s1 =	sshrl.u32 s1, $0x2  }
0xb9: {  	s3 =	sand.u32 $0x4000, s31;
	s1 =	sadd.s32 s1, s30  }
0xba: {  	s0 =	sor.u32 s3, s0;
	s1 =	sshll.u32 s1, $0x11  }
0xbb: {  	s0 =	sor.u32 s1, s0  }
0xbc: {  	s0 =	sadd.s32 $0x8F2B, s0  }
0xbd: {  	[sflag:s0] =	ssyncadd.remote.s32 $0x1  }
0xbe: {  	_ =	sfence.sel $0xFFFF  }
0xbf: {  	[dreg:$0x0] =	wrdreg $0xFFFFFFFF;
	(pc) =	sbr.abs _section_cstart, $3  }
0xc0: {  	[dreg:$0x1] =	wrdreg $0xFFFFFFFF  }
0xc1: {  	_ =	task.clear_ibuf [dreg:s6], $0x2FFFF;
	_ =	strace $0x9FFFFFFF  }
0xc2: {  	(tm) =	ssettm $0x7FFFFFFF  }
0xc3: {  	_ =	shalt  }
tec
execute0_lowered:
.L_overlay_start_1:
0x0: {  	(tag) =	ssettag $0x1  }
0x1: {  	s0 =	srdreg.scid  }
0x2: {  	s4 =	sand.u32 $0x1, s0  }
0x3: {  	s5 =	rddreg [dreg:$0x0];
	s6 =	smul.u32 $0x138800, s4  }
0x4: {  	s0 =	stileid.u32;
	s7 =	smul.u32 $0x13880, s4  }
0x5: {  	s2 =	rddreg [dreg:$0x1];
	s8 =	smul.u32 $0x1388, s0  }
0x6: {  	s1 =	rddreg [dreg:$0x2];
	s3 =	simm.s32 $0x0;
	s9 =	smul.u32 $0x14000, s0  }
0x7: {  	[smem:$0x7FF] =	sst s3;
	s24 =	smul.u32 $0x140000, s4  }
0x8: {  	s14 =	simm.s32 $0x0;
	_ =	strace $0x80000047;
	s28 =	smul.u32 $0x50000, s0  }
0x9: {  	s4 =	ssub.s32 $0x2, s4;
	s11 =	smul.u32 $0x13880, s0;
	s30 =	sshll.u32 s0, $0x6  }
0xa: {  	s29 =	sshrl.u32 s4, $0x1;
	s7 =	sadd.s32 s8, s7;
	s6 =	sadd.s32 s6, s5  }
0xb: {  	s25 =	sadd.s32 s9, s24;
	s26 =	sshrl.u32 s9, $0x3;
	s9 =	sshrl.u32 s28, $0x2  }
0xc: {  	s12 =	ssub.s32 s4, s29;
	s7 =	sshrl.u32 s7, $0x3;
	s8 =	sadd.s32 s26, s5  }
0xd: {  	s13 =	sadd.s32 s9, s2;
	s31 =	sadd.s32 s11, s6;
	s11 =	simm.s32 $0x1  }
0xe: {  	s10 =	sadd.s32 s7, s5;
	s7 =	sshrl.u32 s25, $0x3;
	s4 =	sadd.s32 $0x281200, s8  }
0xf: {  	s8 =	sadd.s32 $0x10200, s31;
	s7 =	sadd.s32 s7, s5;
	s5 =	sor.u32 $0x1C01, s30  }
0x10: {  	s9 =	sadd.s32 $0x6200, s10;
	s10 =	sshrl.u32 s13, $0x3;
	s13 =	simm.s32 $0xC8  }
0x11: {  	s6 =	sadd.s32 $0x2A9200, s7;
	s7 =	smax.u32 s12, $0x1;
	s12 =	simm.s32 $0x100  }
.LBB2_1:
0x12: {  	[spmem:s10], [sflag:s5] =	dma.local [hbm:s4], $0x2800  }
0x13: {  	_ =	swait.ge [sflag:s11], $0x2800  }
0x14: {  	[sflag:s11] =	ssyncset.done $0x0  }
0x15: {  	[sflag:s11] =	ssyncadd.s32 $0xFFFFD800  }
0x16: {  	s15 =	sadd.s32 $0x0, s9;
	[bflag:$0x0] =	sbarrier.arrive $0xFFFF  }
0x17: {  	[tilespmem:s3], [sflag:$0x1] =	stream.linear.gather [hbm4b:s15+s3], $0xC8, $0x38;
	[tilespmem:$0x1A500] =	vst v63  }
0x18: {  	_ =	swait.ge [sflag:s11], $0xC8  }
0x19: {  	[sflag:s11] =	ssyncset.done $0x0  }
0x1a: {  	[sflag:s11] =	ssyncadd.s32 $0xFFFFFF38  }
0x1b: {  	[tilespmem:s12], [sflag:$0x1] =	stream.linear.gather [hbm4b:s8+s3], $0x6400, $0x38;
	[tilespmem:$0x1A500] =	vst v63  }
0x1c: {  	_ =	swait.ge [sflag:s11], $0x6400  }
0x1d: {  	[sflag:s11] =	ssyncset.done $0x0  }
0x1e: {  	[sflag:s11] =	ssyncadd.s32 $0xFFFF9C00  }
0x1f: {  	[spmem:s2] =	stream.indirect.scatter.add.f32 [tilespmem:s12], [sflag:$0x1], $0x80, s3, s13, $0xb8;
	[tilespmem:$0x1A500] =	vst v63  }
0x20: {  	s16 =	simm.s32 $0x19;
	_ =	swait.ge [sflag:s11], $0x6400  }
0x21: {  	s17 =	simm.s32 $0x32;
	s15 =	sadd.s32 $0xC80, s8;
	[sflag:s11] =	ssyncset.done $0x0  }
.LBB2_2:
0x22: {  	s18 =	sadd.s32 s16, s9  }
0x23: {  	[sflag:s11] =	ssyncadd.s32 $0xFFFF9C00;
	s16 =	smov.u32 s17;
	s19 =	sadd.s32 $0x19, s17  }
0x24: {  	[tilespmem:s3], [sflag:$0x1] =	stream.linear.gather [hbm4b:s18+s3], $0xC8, $0x38;
	[tilespmem:$0x1A500] =	vst v63  }
0x25: {  	p0 =	sne.s32 s17, $0x258;
	_ =	swait.ge [sflag:s11], $0xC8  }
0x26: {  	[sflag:s11] =	ssyncset.done $0x0  }
0x27: {  	[sflag:s11] =	ssyncadd.s32 $0xFFFFFF38  }
0x28: {  	[tilespmem:s12], [sflag:$0x1] =	stream.linear.gather [hbm4b:s15+s3], $0x6400, $0x38;
	[tilespmem:$0x1A500] =	vst v63  }
0x29: {  	_ =	swait.ge [sflag:s11], $0x6400  }
.Ltmp0:
0x2a: {  	[sflag:s11] =	ssyncset.done $0x0;
	(pc) =	sbr.rel @p0 .LBB2_2-.Ltmp0, $4  }
0x2b: {  	[sflag:s11] =	ssyncadd.s32 $0xFFFF9C00  }
0x2c: {  	[spmem:s2] =	stream.indirect.scatter.add.f32 [tilespmem:s12], [sflag:$0x1], $0x80, s3, s13, $0xb8;
	[tilespmem:$0x1A500] =	vst v63  }
0x2d: {  	_ =	swait.ge [sflag:s11], $0x6400  }
0x2e: {  	s17 =	smov.u32 s19;
	s15 =	sadd.s32 $0xC80, s15;
	[sflag:s11] =	ssyncset.done $0x0  }
0x2f: {  	s16 =	sadd.s32 s16, s9;
	[sflag:s11] =	ssyncadd.s32 $0xFFFF9C00  }
0x30: {  	[tilespmem:s3], [sflag:$0x1] =	stream.linear.gather [hbm4b:s16+s3], $0xC8, $0x38;
	[tilespmem:$0x1A500] =	vst v63  }
0x31: {  	_ =	swait.ge [sflag:s11], $0xC8  }
0x32: {  	[sflag:s11] =	ssyncset.done $0x0  }
0x33: {  	[sflag:s11] =	ssyncadd.s32 $0xFFFFFF38  }
0x34: {  	[tilespmem:s12], [sflag:$0x1] =	stream.linear.gather [hbm4b:s15+s3], $0x6400, $0x38;
	[tilespmem:$0x1A500] =	vst v63  }
0x35: {  	_ =	swait.ge [sflag:s11], $0x6400  }
0x36: {  	[sflag:s11] =	ssyncset.done $0x0  }
0x37: {  	[sflag:s11] =	ssyncadd.s32 $0xFFFF9C00  }
0x38: {  	[spmem:s2] =	stream.indirect.scatter.add.f32 [tilespmem:s12], [sflag:$0x1], $0x80, s3, s13, $0xb8;
	[tilespmem:$0x1A500] =	vst v63  }
0x39: {  	_ =	swait.ge [sflag:s11], $0x6400  }
0x3a: {  	s14 =	sadd.s32 $0x1, s14;
	[sflag:s11] =	ssyncset.done $0x0  }
0x3b: {  	p0 =	sne.s32 s14, s7;
	[sflag:s11] =	ssyncadd.s32 $0xFFFF9C00  }
.Ltmp1:
0x3c: {  	[bflag:$0x0] =	sbarrier.arrive $0xFFFF;
	(pc) =	sbr.rel @p0 .LBB2_1-.Ltmp1, $4  }
0x3d: {  	[hbm:s6], [sflag:s5] =	dma.local [spmem:s10], $0x2800  }
0x3e: {  	_ =	swait.ge [sflag:s11], $0x2800  }
0x3f: {  	[sflag:s11] =	ssyncset.done $0x0  }
0x40: {  	[sflag:s11] =	ssyncadd.s32 $0xFFFFD800  }
0x41: {  	_ =	sfence.sel $0x180000  }
0x42: {  	[bflag:$0x0] =	sbarrier.arrive $0xFFFF  }
0x43: {  	p0 =	sne.s32 s0, $0x0;
	_ =	strace $0x90000047  }
0x44: {  	s0 =	sadd.s32 @!p0 $0x100000, s1;
	[bflag:$0x2] =	sbarrier.arrive $0xFFFF  }
0x45: {  	[sflag:s0] =	ssyncadd.tile.s32 @!p0 $0x1;
	_ =	shalt  }
.Lfunc_end2:
_tile_overlayer_lowered:
.L_overlay_start_2:
0x46: {  	(tag) =	ssettag $0x2  }
0x47: {  	s0 =	rddreg [dreg:$0x0];
	s2 =	stileid.u32  }
0x48: {  	s1 =	rddreg [dreg:$0x1];
	p0 =	sne.s32 s2, $0x0  }
0x49: {  	s3 =	rddreg [dreg:$0x2];
	[bflag:$0x3] =	sbarrier.arrive $0xFFFF;
	s2 =	simm.s32 @!p0 $0x1C01  }
0x4a: {  	[timem:s3], [sflag:s2] =	dma.local @!p0 [hbm:s0], s1  }
0x4b: {  	s0 =	simm.s32 @!p0 $0x1  }
0x4c: {  	_ =	swait.ge @!p0 [sflag:s0], s1  }
0x4d: {  	s1 =	ssub.s32 @!p0 $0x0, s1;
	[sflag:s0] =	ssyncset.done @!p0 $0x0  }
0x4e: {  	[sflag:s0] =	ssyncadd.s32 @!p0 s1  }
0x4f: {  	[bflag:$0x3] =	sbarrier.arrive $0xFFFF  }
0x50: {  	_ =	shalt  }

// kernel: kernel.22.cloned.1.call-start
scs
__scs_entry_jumppad:
0x0: {  	(pc) =	sbr.rel $0x88, $3  }
0x1: {  	(tag) =	ssettag $0x0;
	lr =	simm.s32 $0x1  }
0x2: {  	[smem:$0x3F8F] =	sst lr;
	_ =	strace $0xD0000000  }
0x3: {  	_ = 	snop  }
0x4: {  	_ = 	snop  }
0x5: {  	_ = 	snop  }
0x6: {  	_ = 	snop  }
0x7: {  	_ = 	snop  }
__scs_overlays_trampoline_lowered:
0x8: {  	[smem:$0x3F9E] =	sst s0  }
0x9: {  	[smem:$0x3F9F] =	sst s1  }
0xa: {  	[smem:$0x3FA0] =	sst s2  }
0xb: {  	[smem:$0x3FA1] =	sst s3  }
0xc: {  	[smem:$0x3FA2] =	sst s4  }
0xd: {  	[smem:$0x3FA3] =	sst s5  }
0xe: {  	[smem:$0x3FA4] =	sst s6  }
0xf: {  	[smem:$0x3FA5] =	sst s7  }
0x10: {  	[smem:$0x3FA6] =	sst s8  }
0x11: {  	[smem:$0x3FA7] =	sst s9;
	s0 =	simm.s32 @!p0 $0x0  }
0x12: {  	s1 =	sld [smem:$0x3F8D];
	s0 =	simm.s32 @p0 $0x1  }
0x13: {  	[smem:$0x3FA8] =	sst s0;
	s0 =	simm.s32 @!p1 $0x0  }
0x14: {  	s2 =	sld [smem:$0x3F8C];
	s0 =	simm.s32 @p1 $0x1  }
0x15: {  	[smem:$0x3FA9] =	sst s0;
	s0 =	simm.s32 @!p2 $0x0  }
0x16: {  	s3 =	sld [smem:$0x3FDB];
	s0 =	simm.s32 @p2 $0x1  }
0x17: {  	s4 =	simm.s32 $0x1BF5;
	[smem:$0x3FAB] =	sst s0  }
0x18: {  	s0 =	sld [smem:$0x3F8E];
	_ =	swait.ge [sflag:s4], $0x0  }
0x19: {  	s7 =	sld [smem:$0x3F8F]  }
0x1a: {  	s8 =	sadd.s32 $0xFFFFE003, lr  }
0x1b: {  	s9 =	sadd.s32 $0xFFFFFEF7, lr;
	s5 =	simm.s32 $0xFFFFFFFF;
	p2 =	slt.u32 s8, $0xFFFFF086  }
0x1c: {  	p1 =	slt.u32 s9, $0xF7A;
	s5 =	simm.s32 @!p2 $0x0  }
0x1d: {  	s5 =	simm.s32 @p1 $0x1;
	p0 =	seq.s32 s7, s2  }
0x1e: {  	s7 =	smul.u32 @!p0 $0xF7A, s2;
	p2 =	seq.s32 @!p0 s5, $0x0  }
0x1f: {  	s9 =	smul.u32 $0xF7A, s1;
	s8 =	simm.s32 @!p0 $0x1BF5;
	p2 =	por !p2, p0  }
0x20: {  	[sflag:s8] =	ssyncset.s32 @!p0 $0xFFFFF086;
	s6 =	sadd.s32 @!p0 s3, s7;
	s7 =	simm.s32 @!p0 $0x108  }
0x21: {  	s3 =	sadd.s32 s3, s9;
	s6 =	sadd.s32 @!p0 $0x88, s6;
	s7 =	simm.s32 @p2 $0x1082  }
0x22: {  	[simem:s7], [sflag:s8] =	dma.local @!p0 [hbm:s6], $0xF7A  }
0x23: {  	s9 =	sor.u32 $0xD0000000, s2;
	s6 =	simm.s32 $0x108;
	_ =	swait.ge @!p0 [sflag:s8], $0x0  }
0x24: {  	s3 =	sadd.s32 $0x88, s3;
	s6 =	simm.s32 @!p1 $0x1082;
	[sflag:s4] =	ssyncset.s32 $0xFFFFF086  }
0x25: {  	[simem:s6], [sflag:s4] =	dma.local [hbm:s3], $0xF7A  }
0x26: {  	[smem:$0x3F8F] =	sst s1;
	(tag) =	ssettag s2;
	_ =	strace s9  }
0x27: {  	s1 =	sld [smem:$0x3F9F]  }
0x28: {  	s2 =	sld [smem:$0x3FA0]  }
0x29: {  	s4 =	sld [smem:$0x3FA2]  }
0x2a: {  	p0 =	seq.s32 s5, $0x0;
	s5 =	sld [smem:$0x3FA3]  }
0x2b: {  	s6 =	sld [smem:$0x3FA4]  }
0x2c: {  	s7 =	sld [smem:$0x3FA5]  }
0x2d: {  	s3 =	simm.s32 $0x108;
	s8 =	sld [smem:$0x3FA6]  }
0x2e: {  	s3 =	simm.s32 @!p0 $0x1082;
	s9 =	sld [smem:$0x3FA7]  }
0x2f: {  	lr =	sadd.s32 s0, s3;
	s0 =	sld [smem:$0x3F9E]  }
0x30: {  	s3 =	sld [smem:$0x3FA1]  }
0x31: {  	[smem:$0x3FAA] =	sst s10  }
0x32: {  	s10 =	sld [smem:$0x3FA8];
	_ =	sdelay $0x3  }
0x33: {  	p0 =	seq.s32 s10, $0x1;
	s10 =	sld [smem:$0x3FAA];
	_ =	sdelay $0x3  }
0x34: {  	[smem:$0x3FAA] =	sst s10  }
0x35: {  	s10 =	sld [smem:$0x3FA9];
	_ =	sdelay $0x3  }
0x36: {  	p1 =	seq.s32 s10, $0x1;
	s10 =	sld [smem:$0x3FAA];
	_ =	sdelay $0x3  }
0x37: {  	[smem:$0x3FAA] =	sst s10  }
0x38: {  	s10 =	sld [smem:$0x3FAB]  }
0x39: {  	_ = 	snop;
	(pc) =	sbr.ind lr, $3  }
0x3a: {  	_ = 	snop  }
0x3b: {  	_ = 	snop  }
0x3c: {  	p2 =	seq.s32 s10, $0x1;
	s10 =	sld [smem:$0x3FAA]  }
0x3d: {  	_ =	shalt  }
0x3e: {  	_ =	shalt  }
0x3f: {  	_ =	shalt  }
0x40: {  	_ =	shalt  }
0x41: {  	_ =	shalt  }
0x42: {  	_ =	shalt  }
0x43: {  	_ =	shalt  }
0x44: {  	_ =	shalt  }
0x45: {  	_ =	shalt  }
0x46: {  	_ =	shalt  }
0x47: {  	_ =	shalt  }
0x48: {  	_ =	shalt  }
0x49: {  	_ =	shalt  }
0x4a: {  	_ =	shalt  }
0x4b: {  	_ =	shalt  }
0x4c: {  	_ =	shalt  }
0x4d: {  	_ =	shalt  }
0x4e: {  	_ =	shalt  }
0x4f: {  	_ =	shalt  }
0x50: {  	_ =	shalt  }
0x51: {  	_ =	shalt  }
0x52: {  	_ =	shalt  }
0x53: {  	_ =	shalt  }
0x54: {  	_ =	shalt  }
0x55: {  	_ =	shalt  }
0x56: {  	_ =	shalt  }
0x57: {  	_ =	shalt  }
0x58: {  	_ =	shalt  }
0x59: {  	_ =	shalt  }
0x5a: {  	_ =	shalt  }
0x5b: {  	_ =	shalt  }
0x5c: {  	_ =	shalt  }
0x5d: {  	_ =	shalt  }
0x5e: {  	_ =	shalt  }
0x5f: {  	_ =	shalt  }
0x60: {  	_ =	shalt  }
0x61: {  	_ =	shalt  }
0x62: {  	_ =	shalt  }
0x63: {  	_ =	shalt  }
0x64: {  	_ =	shalt  }
0x65: {  	_ =	shalt  }
0x66: {  	_ =	shalt  }
0x67: {  	_ =	shalt  }
0x68: {  	_ =	shalt  }
0x69: {  	_ =	shalt  }
0x6a: {  	_ =	shalt  }
0x6b: {  	_ =	shalt  }
0x6c: {  	_ =	shalt  }
0x6d: {  	_ =	shalt  }
0x6e: {  	_ =	shalt  }
0x6f: {  	_ =	shalt  }
0x70: {  	_ =	shalt  }
0x71: {  	_ =	shalt  }
0x72: {  	_ =	shalt  }
0x73: {  	_ =	shalt  }
0x74: {  	_ =	shalt  }
0x75: {  	_ =	shalt  }
0x76: {  	_ =	shalt  }
0x77: {  	_ =	shalt  }
0x78: {  	_ =	shalt  }
0x79: {  	_ =	shalt  }
0x7a: {  	_ =	shalt  }
0x7b: {  	_ =	shalt  }
0x7c: {  	_ =	shalt  }
0x7d: {  	_ =	shalt  }
0x7e: {  	_ =	shalt  }
0x7f: {  	_ =	shalt  }
0x80: {  	_ =	shalt  }
0x81: {  	_ =	shalt  }
0x82: {  	_ =	shalt  }
0x83: {  	_ =	shalt  }
0x84: {  	_ =	shalt  }
0x85: {  	_ =	shalt  }
0x86: {  	_ =	shalt  }
0x87: {  	_ =	shalt  }
.Lfunc_end0:
.L_simem_size_0:
called_computation.3_lowered:
.L_overlay_start_0:
0x88: {  	s2 =	sld [smem:$0x3FD9]  }
0x89: {  	s3 =	sld [smem:$0x3FFE];
	_ =	sdelay $0x1  }
0x8a: {  	s1 =	srdreg.scid  }
0x8b: {  	s0 =	sand.u32 $0x1, s1  }
0x8c: {  	s17 =	sshll.u32 s0, $0xA;
	s2 =	sadd.s32 s3, s2  }
0x8d: {  	s2 =	sadd.s32 s2, s17  }
0x8e: {  	[smem:$0x3FB6] =	sst s2  }
0x8f: {  	_ = 	snop  }
0x90: {  	s18 =	sld [smem:$0x3FD0];
	(tm) =	ssettm $0x1  }
0x91: {  	s19 =	sld [smem:$0x3FFB];
	_ =	sdelay $0x3  }
0x92: {  	_ =	strace s19  }
0x93: {  	s2 =	sld [smem:$0x3FFC];
	_ =	sdelay $0x3  }
0x94: {  	_ =	strace s2  }
0x95: {  	s2 =	sld [smem:$0x3FFD];
	_ =	sdelay $0x3  }
0x96: {  	_ =	strace s2  }
0x97: {  	_ =	strace $0x8FFFFFFF  }
0x98: {  	s20 =	sld [smem:$0x3FDB];
	_ =	sdelay $0x1  }
0x99: {  	s4 =	simm.s32 $_scs_section_size  }
0x9a: {  	s5 =	simm.s32 $_size__tile_overlayer_lowered;
	s6 =	simm.s32 $_tile_overlayer_lowered  }
0x9b: {  	s7 =	simm.s32 $0x1BFF;
	s21 =	sshll.u32 s6, $0x1;
	s4 =	sadd.s32 s4, s20  }
0x9c: {  	s22 =	simm.s32 $0x0;
	s5 =	sshll.u32 s5, $0x1;
	s6 =	sadd.s32 s21, s4  }
0x9d: {  	[timem:s22], [sflag:s7] =	dma.local [hbm:s6], s5  }
0x9e: {  	_ =	swait.ge [sflag:s7], s5  }
0x9f: {  	s5 =	ssub.s32 $0x0, s5;
	[sflag:s7] =	ssyncset.done $0x0  }
0xa0: {  	[sflag:s7] =	ssyncadd.s32 s5;
	_ =	sdelay $0x1  }
0xa1: {  	s23 =	simm.s32 $0x1B8B  }
0xa2: {  	_ =	swait.ge [sflag:s23], $0x1  }
0xa3: {  	[sflag:s23] =	ssyncset.done $0x0  }
0xa4: {  	[sflag:s23] =	ssyncadd.s32 $0xFFFFFFFF  }
0xa5: {  	s5 =	sld [smem:$0x0]  }
0xa6: {  	s6 =	sand.u32 $0xFFFFFFFE, s1  }
0xa7: {  	p0 =	sne.s32 s1, s6  }
0xa8: {  	s6 =	sshll.u32 @p0 s6, $0xE  }
0xa9: {  	s6 =	sadd.s32 @p0 $0x11B8D, s6;
	s7 =	sshll.u32 @p0 s5, $0x11  }
0xaa: {  	s6 =	sor.u32 @p0 s7, s6  }
0xab: {  	[sflag:s6] =	ssyncadd.remote.s32 @p0 $0x1;
	_ =	sdelay $0x1  }
0xac: {  	s6 =	simm.s32 @p0 $0x1B8D  }
0xad: {  	_ =	swait.eq @p0 [sflag:s6], $0x1  }
0xae: {  	[sflag:s6] =	ssyncadd.s32 @p0 $0xFFFFFFFF  }
0xaf: {  	s7 =	sshll.u32 @!p0 s1, $0xE  }
0xb0: {  	s7 =	sor.u32 @!p0 $0x4000, s7;
	s6 =	simm.s32 @!p0 $0x1B8D  }
0xb1: {  	s5 =	sshll.u32 @!p0 s5, $0x11;
	s7 =	sadd.s32 @!p0 $0x11B8D, s7;
	_ =	swait.eq @!p0 [sflag:s6], $0x1  }
0xb2: {  	s5 =	sor.u32 @!p0 s5, s7;
	[sflag:s6] =	ssyncadd.s32 @!p0 $0xFFFFFFFF  }
0xb3: {  	s25 =	simm.s32 $0x1B8E;
	s24 =	sld [smem:$0x3FFE];
	[sflag:s5] =	ssyncadd.remote.s32 @!p0 $0x1  }
0xb4: {  	s26 =	simm.s32 $execute0_lowered;
	[smem:$0x3FD2] =	sst s25  }
0xb5: {  	s6 =	sshll.u32 s26, $0x1;
	_ =	strace $0x8000004C;
	[dreg:$0x1] =	wrdreg $0xFFFFFFFF  }
0xb6: {  	s28 =	simm.s32 $_size_execute0_lowered;
	s4 =	sadd.s32 s4, s6;
	[dreg:$0x0] =	wrdreg $0x0  }
0xb7: {  	s6 =	sshll.u32 s28, $0x1;
	[dreg:$0x2] =	wrdreg s4  }
0xb8: {  	[dreg:$0x3] =	wrdreg s6  }
0xb9: {  	[dreg:$0x4] =	wrdreg $0xC0  }
0xba: {  	_ =	task [dreg:s22], $0x5FFFF  }
0xbb: {  	[dreg:$0x1] =	wrdreg $0xFFFFFFFF  }
0xbc: {  	[dreg:$0x0] =	wrdreg $0x60  }
0xbd: {  	[dreg:$0x2] =	wrdreg s24  }
0xbe: {  	[dreg:$0x3] =	wrdreg s18  }
0xbf: {  	[dreg:$0x4] =	wrdreg $0xA  }
0xc0: {  	_ =	task.clear_ibuf [dreg:s22], $0x5FFFF;
	_ =	strace $0x9000004C  }
0xc1: {  	s29 =	simm.s32 $0xA;
	_ =	strace $0x8000004E  }
0xc2: {  	_ =	swait.ge [sflag:s29], $0x1  }
0xc3: {  	[sflag:s29] =	ssyncadd.s32 $0xFFFFFFFF  }
0xc4: {  	_ =	strace $0x9000004E  }
0xc5: {  	_ =	sfence  }
0xc6: {  	s30 =	sld [smem:$0x0];
	_ =	sdelay $0x2  }
0xc7: {  	s31 =	sshll.u32 s1, $0xD;
	s1 =	sshrl.u32 s1, $0x2  }
0xc8: {  	s4 =	sand.u32 $0x4000, s31;
	s1 =	sadd.s32 s1, s30  }
0xc9: {  	s0 =	sor.u32 s4, s0;
	s1 =	sshll.u32 s1, $0x11  }
0xca: {  	s0 =	sor.u32 s1, s0  }
0xcb: {  	s0 =	sadd.s32 $0x8F2B, s0  }
0xcc: {  	[sflag:s0] =	ssyncadd.remote.s32 $0x1  }
0xcd: {  	_ =	sfence.sel $0xFFFF  }
0xce: {  	[dreg:$0x0] =	wrdreg $0xFFFFFFFF;
	(pc) =	sbr.abs _section_cstart, $3  }
0xcf: {  	[dreg:$0x1] =	wrdreg $0xFFFFFFFF  }
0xd0: {  	_ =	task.clear_ibuf [dreg:s22], $0x2FFFF;
	_ =	strace $0x9FFFFFFF  }
0xd1: {  	(tm) =	ssettm $0x7FFFFFFF  }
tec
execute0_lowered:
.L_overlay_start_1:
0x0: {  	(tag) =	ssettag $0x1  }
0x1: {  	s4 =	rddreg [dreg:$0x0]  }
0x2: {  	s0 =	stileid.u32;
	s1 =	srdreg.scid  }
0x3: {  	s6 =	rddreg [dreg:$0x1];
	s5 =	smul.u32 $0x27100, s0  }
0x4: {  	s2 =	simm.s32 $0x0;
	s3 =	sand.u32 $0x1, s1;
	s8 =	smul.u32 $0x2710, s0  }
0x5: {  	s11 =	simm.s32 $0x0;
	s1 =	rddreg [dreg:$0x2];
	s7 =	smul.u32 $0x13880, s3  }
0x6: {  	[smem:$0x7FF] =	sst s2;
	s9 =	ssub.s32 $0x2, s3;
	s10 =	smul.u32 $0x1388, s3  }
0x7: {  	s3 =	sadd.s32 $0x10200, s4;
	s4 =	sadd.s32 s5, s4;
	s30 =	sshrl.u32 s9, $0x1  }
0x8: {  	_ =	strace $0x8000004D;
	s5 =	ssub.s32 s9, s30;
	s7 =	sadd.s32 s7, s4  }
0x9: {  	s8 =	sadd.s32 s10, s8;
	s9 =	simm.s32 $0x100;
	s10 =	simm.s32 $0x1  }
0xa: {  	s4 =	smax.u32 s5, $0x1;
	s5 =	sadd.s32 $0x9B4E00, s7;
	s31 =	sshrl.u32 s8, $0x3  }
0xb: {  	s7 =	simm.s32 $0x2;
	s8 =	simm.s32 $0xC8;
	s6 =	sadd.s32 s31, s6  }
.LBB2_1:
0xc: {  	s12 =	sadd.s32 $0x0, s6  }
0xd: {  	[tilespmem:s2], [sflag:$0x2] =	stream.linear.gather [hbm4b:s12+s2], $0xC8, $0x38;
	[tilespmem:$0x6500] =	vst v63  }
0xe: {  	_ =	swait.ge [sflag:s7], $0xC8  }
0xf: {  	[sflag:s7] =	ssyncset.done $0x0  }
0x10: {  	[sflag:s7] =	ssyncadd.s32 $0xFFFFFF38  }
0x11: {  	[tilespmem:s9], [sflag:$0x1] =	stream.indirect.gather [hbm4b:s3+s8], $0x80, s2, s8, $0xb8;
	[tilespmem:$0x6500] =	vst v63  }
0x12: {  	_ =	swait.ge [sflag:s10], $0x6400  }
0x13: {  	[sflag:s10] =	ssyncset.done $0x0  }
0x14: {  	[sflag:s10] =	ssyncadd.s32 $0xFFFF9C00  }
0x15: {  	[hbm4b:s5+s2] =	stream.linear.scatter [tilespmem:s9], [sflag:$0x2], $0x6400, $0x38;
	[tilespmem:$0x6500] =	vst v63  }
0x16: {  	s13 =	simm.s32 $0x19;
	_ =	swait.ge [sflag:s7], $0x6400  }
0x17: {  	s14 =	simm.s32 $0x32;
	s12 =	sadd.s32 $0xC80, s5;
	[sflag:s7] =	ssyncset.done $0x0  }
.LBB2_2:
0x18: {  	s15 =	sadd.s32 s13, s6  }
0x19: {  	[sflag:s7] =	ssyncadd.s32 $0xFFFF9C00;
	s13 =	smov.u32 s14;
	s16 =	sadd.s32 $0x19, s14  }
0x1a: {  	[tilespmem:s2], [sflag:$0x2] =	stream.linear.gather [hbm4b:s15+s2], $0xC8, $0x38;
	[tilespmem:$0x6500] =	vst v63  }
0x1b: {  	p0 =	sne.s32 s14, $0x258;
	_ =	swait.ge [sflag:s7], $0xC8  }
0x1c: {  	[sflag:s7] =	ssyncset.done $0x0  }
0x1d: {  	[sflag:s7] =	ssyncadd.s32 $0xFFFFFF38  }
0x1e: {  	[tilespmem:s9], [sflag:$0x1] =	stream.indirect.gather [hbm4b:s3+s8], $0x80, s2, s8, $0xb8;
	[tilespmem:$0x6500] =	vst v63  }
0x1f: {  	_ =	swait.ge [sflag:s10], $0x6400  }
.Ltmp0:
0x20: {  	[sflag:s10] =	ssyncset.done $0x0;
	(pc) =	sbr.rel @p0 .LBB2_2-.Ltmp0, $4  }
0x21: {  	[sflag:s10] =	ssyncadd.s32 $0xFFFF9C00  }
0x22: {  	[hbm4b:s12+s2] =	stream.linear.scatter [tilespmem:s9], [sflag:$0x2], $0x6400, $0x38;
	[tilespmem:$0x6500] =	vst v63  }
0x23: {  	_ =	swait.ge [sflag:s7], $0x6400  }
0x24: {  	s14 =	smov.u32 s16;
	s12 =	sadd.s32 $0xC80, s12;
	[sflag:s7] =	ssyncset.done $0x0  }
0x25: {  	s13 =	sadd.s32 s13, s6;
	[sflag:s7] =	ssyncadd.s32 $0xFFFF9C00  }
0x26: {  	[tilespmem:s2], [sflag:$0x2] =	stream.linear.gather [hbm4b:s13+s2], $0xC8, $0x38;
	[tilespmem:$0x6500] =	vst v63  }
0x27: {  	_ =	swait.ge [sflag:s7], $0xC8  }
0x28: {  	[sflag:s7] =	ssyncset.done $0x0  }
0x29: {  	[sflag:s7] =	ssyncadd.s32 $0xFFFFFF38  }
0x2a: {  	[tilespmem:s9], [sflag:$0x1] =	stream.indirect.gather [hbm4b:s3+s8], $0x80, s2, s8, $0xb8;
	[tilespmem:$0x6500] =	vst v63  }
0x2b: {  	s11 =	sadd.s32 $0x1, s11;
	_ =	swait.ge [sflag:s10], $0x6400  }
0x2c: {  	p0 =	sne.s32 s11, s4;
	[sflag:s10] =	ssyncset.done $0x0  }
.Ltmp1:
0x2d: {  	[sflag:s10] =	ssyncadd.s32 $0xFFFF9C00;
	(pc) =	sbr.rel @p0 .LBB2_1-.Ltmp1, $4  }
0x2e: {  	[hbm4b:s12+s2] =	stream.linear.scatter [tilespmem:s9], [sflag:$0x2], $0x6400, $0x38;
	[tilespmem:$0x6500] =	vst v63  }
0x2f: {  	_ =	swait.ge [sflag:s7], $0x6400  }
0x30: {  	[sflag:s7] =	ssyncset.done $0x0  }
0x31: {  	[sflag:s7] =	ssyncadd.s32 $0xFFFF9C00  }
0x32: {  	_ =	sfence.sel $0x180000  }
0x33: {  	[bflag:$0x0] =	sbarrier.arrive $0xFFFF  }
0x34: {  	p0 =	sne.s32 s0, $0x0;
	_ =	strace $0x9000004D  }
0x35: {  	s0 =	sadd.s32 @!p0 $0x100000, s1;
	[bflag:$0x2] =	sbarrier.arrive $0xFFFF  }
0x36: {  	[sflag:s0] =	ssyncadd.tile.s32 @!p0 $0x1;
	_ =	shalt  }
.Lfunc_end2:
_tile_overlayer_lowered:
.L_overlay_start_2:
0x37: {  	(tag) =	ssettag $0x2  }
0x38: {  	s0 =	rddreg [dreg:$0x0];
	s2 =	stileid.u32  }
0x39: {  	s1 =	rddreg [dreg:$0x1];
	p0 =	sne.s32 s2, $0x0  }
0x3a: {  	s3 =	rddreg [dreg:$0x2];
	[bflag:$0x3] =	sbarrier.arrive $0xFFFF;
	s2 =	simm.s32 @!p0 $0x1C02  }
0x3b: {  	[timem:s3], [sflag:s2] =	dma.local @!p0 [hbm:s0], s1  }
0x3c: {  	s0 =	simm.s32 @!p0 $0x2  }
0x3d: {  	_ =	swait.ge @!p0 [sflag:s0], s1  }
0x3e: {  	s1 =	ssub.s32 @!p0 $0x0, s1;
	[sflag:s0] =	ssyncset.done @!p0 $0x0  }
0x3f: {  	[sflag:s0] =	ssyncadd.s32 @!p0 s1  }
0x40: {  	[bflag:$0x3] =	sbarrier.arrive $0xFFFF  }
0x41: {  	_ =	shalt  }

// kernel: kernel.25.cloned.1.call-start
scs
__scs_entry_jumppad:
0x0: {  	(pc) =	sbr.rel $0x88, $3  }
0x1: {  	(tag) =	ssettag $0x0;
	lr =	simm.s32 $0x1  }
0x2: {  	[smem:$0x3F8F] =	sst lr;
	_ =	strace $0xD0000000  }
0x3: {  	_ = 	snop  }
0x4: {  	_ = 	snop  }
0x5: {  	_ = 	snop  }
0x6: {  	_ = 	snop  }
0x7: {  	_ = 	snop  }
__scs_overlays_trampoline_lowered:
0x8: {  	[smem:$0x3F9E] =	sst s0  }
0x9: {  	[smem:$0x3F9F] =	sst s1  }
0xa: {  	[smem:$0x3FA0] =	sst s2  }
0xb: {  	[smem:$0x3FA1] =	sst s3  }
0xc: {  	[smem:$0x3FA2] =	sst s4  }
0xd: {  	[smem:$0x3FA3] =	sst s5  }
0xe: {  	[smem:$0x3FA4] =	sst s6  }
0xf: {  	[smem:$0x3FA5] =	sst s7  }
0x10: {  	[smem:$0x3FA6] =	sst s8  }
0x11: {  	[smem:$0x3FA7] =	sst s9;
	s0 =	simm.s32 @!p0 $0x0  }
0x12: {  	s1 =	sld [smem:$0x3F8D];
	s0 =	simm.s32 @p0 $0x1  }
0x13: {  	[smem:$0x3FA8] =	sst s0;
	s0 =	simm.s32 @!p1 $0x0  }
0x14: {  	s2 =	sld [smem:$0x3F8C];
	s0 =	simm.s32 @p1 $0x1  }
0x15: {  	[smem:$0x3FA9] =	sst s0;
	s0 =	simm.s32 @!p2 $0x0  }
0x16: {  	s3 =	sld [smem:$0x3FDB];
	s0 =	simm.s32 @p2 $0x1  }
0x17: {  	s4 =	simm.s32 $0x1BF5;
	[smem:$0x3FAB] =	sst s0  }
0x18: {  	s0 =	sld [smem:$0x3F8E];
	_ =	swait.ge [sflag:s4], $0x0  }
0x19: {  	s7 =	sld [smem:$0x3F8F]  }
0x1a: {  	s8 =	sadd.s32 $0xFFFFE003, lr  }
0x1b: {  	s9 =	sadd.s32 $0xFFFFFEF7, lr;
	s5 =	simm.s32 $0xFFFFFFFF;
	p2 =	slt.u32 s8, $0xFFFFF086  }
0x1c: {  	p1 =	slt.u32 s9, $0xF7A;
	s5 =	simm.s32 @!p2 $0x0  }
0x1d: {  	s5 =	simm.s32 @p1 $0x1;
	p0 =	seq.s32 s7, s2  }
0x1e: {  	s7 =	smul.u32 @!p0 $0xF7A, s2;
	p2 =	seq.s32 @!p0 s5, $0x0  }
0x1f: {  	s9 =	smul.u32 $0xF7A, s1;
	s8 =	simm.s32 @!p0 $0x1BF5;
	p2 =	por !p2, p0  }
0x20: {  	[sflag:s8] =	ssyncset.s32 @!p0 $0xFFFFF086;
	s6 =	sadd.s32 @!p0 s3, s7;
	s7 =	simm.s32 @!p0 $0x108  }
0x21: {  	s3 =	sadd.s32 s3, s9;
	s6 =	sadd.s32 @!p0 $0x88, s6;
	s7 =	simm.s32 @p2 $0x1082  }
0x22: {  	[simem:s7], [sflag:s8] =	dma.local @!p0 [hbm:s6], $0xF7A  }
0x23: {  	s9 =	sor.u32 $0xD0000000, s2;
	s6 =	simm.s32 $0x108;
	_ =	swait.ge @!p0 [sflag:s8], $0x0  }
0x24: {  	s3 =	sadd.s32 $0x88, s3;
	s6 =	simm.s32 @!p1 $0x1082;
	[sflag:s4] =	ssyncset.s32 $0xFFFFF086  }
0x25: {  	[simem:s6], [sflag:s4] =	dma.local [hbm:s3], $0xF7A  }
0x26: {  	[smem:$0x3F8F] =	sst s1;
	(tag) =	ssettag s2;
	_ =	strace s9  }
0x27: {  	s1 =	sld [smem:$0x3F9F]  }
0x28: {  	s2 =	sld [smem:$0x3FA0]  }
0x29: {  	s4 =	sld [smem:$0x3FA2]  }
0x2a: {  	p0 =	seq.s32 s5, $0x0;
	s5 =	sld [smem:$0x3FA3]  }
0x2b: {  	s6 =	sld [smem:$0x3FA4]  }
0x2c: {  	s7 =	sld [smem:$0x3FA5]  }
0x2d: {  	s3 =	simm.s32 $0x108;
	s8 =	sld [smem:$0x3FA6]  }
0x2e: {  	s3 =	simm.s32 @!p0 $0x1082;
	s9 =	sld [smem:$0x3FA7]  }
0x2f: {  	lr =	sadd.s32 s0, s3;
	s0 =	sld [smem:$0x3F9E]  }
0x30: {  	s3 =	sld [smem:$0x3FA1]  }
0x31: {  	[smem:$0x3FAA] =	sst s10  }
0x32: {  	s10 =	sld [smem:$0x3FA8];
	_ =	sdelay $0x3  }
0x33: {  	p0 =	seq.s32 s10, $0x1;
	s10 =	sld [smem:$0x3FAA];
	_ =	sdelay $0x3  }
0x34: {  	[smem:$0x3FAA] =	sst s10  }
0x35: {  	s10 =	sld [smem:$0x3FA9];
	_ =	sdelay $0x3  }
0x36: {  	p1 =	seq.s32 s10, $0x1;
	s10 =	sld [smem:$0x3FAA];
	_ =	sdelay $0x3  }
0x37: {  	[smem:$0x3FAA] =	sst s10  }
0x38: {  	s10 =	sld [smem:$0x3FAB]  }
0x39: {  	_ = 	snop;
	(pc) =	sbr.ind lr, $3  }
0x3a: {  	_ = 	snop  }
0x3b: {  	_ = 	snop  }
0x3c: {  	p2 =	seq.s32 s10, $0x1;
	s10 =	sld [smem:$0x3FAA]  }
0x3d: {  	_ =	shalt  }
0x3e: {  	_ =	shalt  }
0x3f: {  	_ =	shalt  }
0x40: {  	_ =	shalt  }
0x41: {  	_ =	shalt  }
0x42: {  	_ =	shalt  }
0x43: {  	_ =	shalt  }
0x44: {  	_ =	shalt  }
0x45: {  	_ =	shalt  }
0x46: {  	_ =	shalt  }
0x47: {  	_ =	shalt  }
0x48: {  	_ =	shalt  }
0x49: {  	_ =	shalt  }
0x4a: {  	_ =	shalt  }
0x4b: {  	_ =	shalt  }
0x4c: {  	_ =	shalt  }
0x4d: {  	_ =	shalt  }
0x4e: {  	_ =	shalt  }
0x4f: {  	_ =	shalt  }
0x50: {  	_ =	shalt  }
0x51: {  	_ =	shalt  }
0x52: {  	_ =	shalt  }
0x53: {  	_ =	shalt  }
0x54: {  	_ =	shalt  }
0x55: {  	_ =	shalt  }
0x56: {  	_ =	shalt  }
0x57: {  	_ =	shalt  }
0x58: {  	_ =	shalt  }
0x59: {  	_ =	shalt  }
0x5a: {  	_ =	shalt  }
0x5b: {  	_ =	shalt  }
0x5c: {  	_ =	shalt  }
0x5d: {  	_ =	shalt  }
0x5e: {  	_ =	shalt  }
0x5f: {  	_ =	shalt  }
0x60: {  	_ =	shalt  }
0x61: {  	_ =	shalt  }
0x62: {  	_ =	shalt  }
0x63: {  	_ =	shalt  }
0x64: {  	_ =	shalt  }
0x65: {  	_ =	shalt  }
0x66: {  	_ =	shalt  }
0x67: {  	_ =	shalt  }
0x68: {  	_ =	shalt  }
0x69: {  	_ =	shalt  }
0x6a: {  	_ =	shalt  }
0x6b: {  	_ =	shalt  }
0x6c: {  	_ =	shalt  }
0x6d: {  	_ =	shalt  }
0x6e: {  	_ =	shalt  }
0x6f: {  	_ =	shalt  }
0x70: {  	_ =	shalt  }
0x71: {  	_ =	shalt  }
0x72: {  	_ =	shalt  }
0x73: {  	_ =	shalt  }
0x74: {  	_ =	shalt  }
0x75: {  	_ =	shalt  }
0x76: {  	_ =	shalt  }
0x77: {  	_ =	shalt  }
0x78: {  	_ =	shalt  }
0x79: {  	_ =	shalt  }
0x7a: {  	_ =	shalt  }
0x7b: {  	_ =	shalt  }
0x7c: {  	_ =	shalt  }
0x7d: {  	_ =	shalt  }
0x7e: {  	_ =	shalt  }
0x7f: {  	_ =	shalt  }
0x80: {  	_ =	shalt  }
0x81: {  	_ =	shalt  }
0x82: {  	_ =	shalt  }
0x83: {  	_ =	shalt  }
0x84: {  	_ =	shalt  }
0x85: {  	_ =	shalt  }
0x86: {  	_ =	shalt  }
0x87: {  	_ =	shalt  }
.Lfunc_end0:
.L_simem_size_0:
called_computation.4_lowered:
.L_overlay_start_0:
0x88: {  	s2 =	sld [smem:$0x3FD9]  }
0x89: {  	s3 =	sld [smem:$0x3FFE];
	_ =	sdelay $0x1  }
0x8a: {  	s1 =	srdreg.scid  }
0x8b: {  	s0 =	sand.u32 $0x1, s1  }
0x8c: {  	s17 =	sshll.u32 s0, $0xA;
	s2 =	sadd.s32 s3, s2  }
0x8d: {  	s2 =	sadd.s32 s2, s17  }
0x8e: {  	[smem:$0x3FB6] =	sst s2  }
0x8f: {  	_ = 	snop  }
0x90: {  	(tm) =	ssettm $0x1  }
0x91: {  	s18 =	sld [smem:$0x3FFB];
	_ =	sdelay $0x3  }
0x92: {  	_ =	strace s18  }
0x93: {  	s2 =	sld [smem:$0x3FFC];
	_ =	sdelay $0x3  }
0x94: {  	_ =	strace s2  }
0x95: {  	s2 =	sld [smem:$0x3FFD];
	_ =	sdelay $0x3  }
0x96: {  	_ =	strace s2  }
0x97: {  	_ =	strace $0x8FFFFFFF  }
0x98: {  	s19 =	sld [smem:$0x3FDB];
	_ =	sdelay $0x1  }
0x99: {  	s20 =	simm.s32 $_scs_section_size  }
0x9a: {  	s4 =	simm.s32 $_size__tile_overlayer_lowered;
	s5 =	simm.s32 $_tile_overlayer_lowered  }
0x9b: {  	s6 =	simm.s32 $0x1BFF;
	s21 =	sshll.u32 s5, $0x1;
	s3 =	sadd.s32 s20, s19  }
0x9c: {  	s22 =	simm.s32 $0x0;
	s4 =	sshll.u32 s4, $0x1;
	s5 =	sadd.s32 s21, s3  }
0x9d: {  	[timem:s22], [sflag:s6] =	dma.local [hbm:s5], s4  }
0x9e: {  	_ =	swait.ge [sflag:s6], s4  }
0x9f: {  	s4 =	ssub.s32 $0x0, s4;
	[sflag:s6] =	ssyncset.done $0x0  }
0xa0: {  	[sflag:s6] =	ssyncadd.s32 s4;
	_ =	sdelay $0x1  }
0xa1: {  	s23 =	simm.s32 $0x1B8B  }
0xa2: {  	_ =	swait.ge [sflag:s23], $0x1  }
0xa3: {  	[sflag:s23] =	ssyncset.done $0x0  }
0xa4: {  	[sflag:s23] =	ssyncadd.s32 $0xFFFFFFFF  }
0xa5: {  	s4 =	sld [smem:$0x0]  }
0xa6: {  	s5 =	sand.u32 $0xFFFFFFFE, s1  }
0xa7: {  	p0 =	sne.s32 s1, s5  }
0xa8: {  	s5 =	sshll.u32 @p0 s5, $0xE  }
0xa9: {  	s5 =	sadd.s32 @p0 $0x11B8D, s5;
	s6 =	sshll.u32 @p0 s4, $0x11  }
0xaa: {  	s5 =	sor.u32 @p0 s6, s5  }
0xab: {  	[sflag:s5] =	ssyncadd.remote.s32 @p0 $0x1;
	_ =	sdelay $0x1  }
0xac: {  	s5 =	simm.s32 @p0 $0x1B8D  }
0xad: {  	_ =	swait.eq @p0 [sflag:s5], $0x1  }
0xae: {  	[sflag:s5] =	ssyncadd.s32 @p0 $0xFFFFFFFF  }
0xaf: {  	s6 =	sshll.u32 @!p0 s1, $0xE  }
0xb0: {  	s6 =	sor.u32 @!p0 $0x4000, s6;
	s5 =	simm.s32 @!p0 $0x1B8D  }
0xb1: {  	s4 =	sshll.u32 @!p0 s4, $0x11;
	s6 =	sadd.s32 @!p0 $0x11B8D, s6;
	_ =	swait.eq @!p0 [sflag:s5], $0x1  }
0xb2: {  	s4 =	sor.u32 @!p0 s4, s6;
	[sflag:s5] =	ssyncadd.s32 @!p0 $0xFFFFFFFF  }
0xb3: {  	s25 =	simm.s32 $0x1B8E;
	s24 =	sld [smem:$0x3FFE];
	[sflag:s4] =	ssyncadd.remote.s32 @!p0 $0x1  }
0xb4: {  	s26 =	simm.s32 $execute0_lowered;
	[smem:$0x3FD2] =	sst s25  }
0xb5: {  	s5 =	sshll.u32 s26, $0x1;
	_ =	strace $0x80000049;
	[dreg:$0x1] =	wrdreg $0xFFFFFFFF  }
0xb6: {  	s28 =	simm.s32 $_size_execute0_lowered;
	s3 =	sadd.s32 s3, s5;
	[dreg:$0x0] =	wrdreg $0x0  }
0xb7: {  	s5 =	sshll.u32 s28, $0x1;
	[dreg:$0x2] =	wrdreg s3  }
0xb8: {  	[dreg:$0x3] =	wrdreg s5  }
0xb9: {  	[dreg:$0x4] =	wrdreg $0xC0  }
0xba: {  	_ =	task [dreg:s22], $0x5FFFF  }
0xbb: {  	[dreg:$0x1] =	wrdreg $0xFFFFFFFF  }
0xbc: {  	[dreg:$0x0] =	wrdreg $0x60  }
0xbd: {  	[dreg:$0x2] =	wrdreg s24  }
0xbe: {  	[dreg:$0x3] =	wrdreg $0x9  }
0xbf: {  	_ =	task.clear_ibuf [dreg:s22], $0x4FFFF;
	_ =	strace $0x90000049  }
0xc0: {  	s29 =	simm.s32 $0x9;
	_ =	strace $0x8000004B  }
0xc1: {  	_ =	swait.ge [sflag:s29], $0x1  }
0xc2: {  	[sflag:s29] =	ssyncadd.s32 $0xFFFFFFFF  }
0xc3: {  	_ =	strace $0x9000004B  }
0xc4: {  	_ =	sfence  }
0xc5: {  	s30 =	sld [smem:$0x0];
	_ =	sdelay $0x2  }
0xc6: {  	s31 =	sshll.u32 s1, $0xD;
	s1 =	sshrl.u32 s1, $0x2  }
0xc7: {  	s4 =	sand.u32 $0x4000, s31;
	s1 =	sadd.s32 s1, s30  }
0xc8: {  	s0 =	sor.u32 s4, s0;
	s1 =	sshll.u32 s1, $0x11  }
0xc9: {  	s0 =	sor.u32 s1, s0  }
0xca: {  	s0 =	sadd.s32 $0x8F2B, s0  }
0xcb: {  	[sflag:s0] =	ssyncadd.remote.s32 $0x1  }
0xcc: {  	_ =	sfence.sel $0xFFFF  }
0xcd: {  	[dreg:$0x0] =	wrdreg $0xFFFFFFFF;
	(pc) =	sbr.abs _section_cstart, $3  }
0xce: {  	[dreg:$0x1] =	wrdreg $0xFFFFFFFF  }
0xcf: {  	_ =	task.clear_ibuf [dreg:s22], $0x2FFFF;
	_ =	strace $0x9FFFFFFF  }
0xd0: {  	(tm) =	ssettm $0x7FFFFFFF  }
0xd1: {  	_ =	shalt  }
tec
execute0_lowered:
.L_overlay_start_1:
0x0: {  	(tag) =	ssettag $0x1  }
0x1: {  	s0 =	rddreg [dreg:$0x0]  }
0x2: {  	s1 =	srdreg.scid;
	s6 =	stileid.u32  }
0x3: {  	s2 =	simm.s32 $0x0;
	s24 =	simm.s32 $0x900;
	s25 =	simm.s32 $0x1100  }
0x4: {  	s26 =	simm.s32 $0x1900;
	s9 =	simm.s32 $0x2900;
	s10 =	simm.s32 $0x3100  }
0x5: {  	s11 =	simm.s32 $0x3900;
	s12 =	simm.s32 $0x4100;
	s13 =	simm.s32 $0x4900  }
0x6: {  	s14 =	simm.s32 $0x5100;
	s15 =	simm.s32 $0x5900;
	s16 =	simm.s32 $0x6100  }
0x7: {  	s17 =	simm.s32 $0x6900;
	s18 =	simm.s32 $0x7100;
	s19 =	simm.s32 $0x7900  }
0x8: {  	s28 =	simm.s32 $0xB900;
	s29 =	simm.s32 $0xC100;
	s30 =	simm.s32 $0x1  }
0x9: {  	s31 =	simm.s32 $0x0;
	s1 =	sand.u32 $0x1, s1;
	s4 =	smul.u32 $0x2710, s6  }
0xa: {  	[smem:$0x7FF] =	sst s2;
	s3 =	sadd.s32 $0x2F9200, s0;
	s20 =	smul.u32 $0x4E200, s6  }
0xb: {  	s6 =	simm.s32 $0x2;
	_ =	strace $0x8000004A;
	[dreg:$0x3] =	wrdreg s24  }
0xc: {  	s5 =	smul.u32 $0x1388, s1;
	s21 =	ssub.s32 $0x2, s1;
	[dreg:$0x4] =	wrdreg s25  }
0xd: {  	s1 =	smul.u32 $0x27100, s1;
	[dreg:$0x5] =	wrdreg s26;
	s24 =	simm.s32 $0xA100  }
0xe: {  	s25 =	simm.s32 $0xA900;
	s7 =	sshrl.u32 s21, $0x1;
	s4 =	sadd.s32 s5, s4  }
0xf: {  	s26 =	simm.s32 $0xB100;
	s22 =	ssub.s32 s21, s7;
	s4 =	sshrl.u32 s4, $0x3  }
0x10: {  	s7 =	simm.s32 $0x100;
	s21 =	simm.s32 $0x8900;
	s8 =	sadd.s32 s4, s0  }
0x11: {  	s0 =	sadd.s32 s20, s0;
	s4 =	smax.u32 s22, $0x1;
	s20 =	simm.s32 $0x8100  }
0x12: {  	v2 =	vlaneseq.u32;
	[dreg:$0x6] =	wrdreg s4;
	s0 =	sadd.s32 s1, s0;
	s23 =	sadd.s32 $0x4CDE00, s8  }
0x13: {  	vm0 =	vmmov $0xffff;
	v1 =	vshrl.u32 v2, $0x3;
	s22 =	simm.s32 $0x9100;
	s0 =	sadd.s32 $0x4D2E00, s0;
	[dreg:$0x2] =	wrdreg s23  }
0x14: {  	v0 =	vand.u32 $0x7, v2;
	v2 =	vor.u32 $0x8, v2;
	v1 =	vmul.u32 $0x8, v1;
	s8 =	simm.s32 $0x2100;
	s23 =	simm.s32 $0x9900;
	[dreg:$0x7] =	wrdreg s0  }
.LBB2_1:
0x15: {  	s5 =	rddreg [dreg:$0x7];
	s1 =	simm.s32 $0x0  }
.LBB2_2:
0x16: {  	s4 =	rddreg [dreg:$0x2]  }
0x17: {  	s4 =	sadd.s32 s1, s4  }
0x18: {  	[tilespmem:s2], [sflag:$0x2] =	stream.linear.gather [hbm4b:s4+s2], $0xC8, $0x38;
	[tilespmem:$0xC900] =	vst v63  }
0x19: {  	_ =	swait.ge [sflag:s6], $0xC8  }
0x1a: {  	[sflag:s6] =	ssyncset.done $0x0  }
0x1b: {  	[sflag:s6] =	ssyncadd.s32 $0xFFFFFF38  }
0x1c: {  	v3 =	vld [tilespmem:$0x0];
	_ =	sdelay $0x4  }
0x1d: {  	v4 =	vshll.u32 v3, $0x1  }
0x1e: {  	v3 =	vand.u32 $0x7, v3;
	v4 =	vand.u32 $0xFFFFFFF0, v4  }
0x1f: {  	v3 =	vor.u32 v3, v4  }
0x20: {  	v4 =	vperm.xlane v3, v0;
	_ =	sdelay $0x1  }
0x21: {  	v3 =	vperm.xlane v3, v2;
	v4 =	vadd.s32 v1, v4;
	_ =	sdelay $0x1  }
0x22: {  	v3 =	vadd.s32 v1, v3;
	_ =	sdelay $0x2  }
0x23: {  	[tilespmem:s7], [sflag:$0x1] =	stream.indirect_vreg.gather [hbm4b:s3+s2], $0x80, v4, vm0, $0xb8;
	[tilespmem:$0xC900] =	vst v63  }
0x24: {  	s0 =	rddreg [dreg:$0x3]  }
0x25: {  	[tilespmem:s0], [sflag:$0x1] =	stream.indirect_vreg.gather [hbm4b:s3+s2], $0x80, v3, vm0, $0xb8;
	[tilespmem:$0xC900] =	vst v63  }
0x26: {  	v3 =	vld [tilespmem:$0x10];
	_ =	sdelay $0x4  }
0x27: {  	v52 =	vshll.u32 v3, $0x1  }
0x28: {  	v3 =	vand.u32 $0x7, v3;
	v4 =	vand.u32 $0xFFFFFFF0, v52  }
0x29: {  	v3 =	vor.u32 v3, v4  }
0x2a: {  	v4 =	vperm.xlane v3, v0;
	_ =	sdelay $0x1  }
0x2b: {  	v3 =	vperm.xlane v3, v2;
	v4 =	vadd.s32 v1, v4;
	_ =	sdelay $0x1  }
0x2c: {  	v3 =	vadd.s32 v1, v3;
	_ =	sdelay $0x1  }
0x2d: {  	s4 =	rddreg [dreg:$0x4]  }
0x2e: {  	[tilespmem:s4], [sflag:$0x1] =	stream.indirect_vreg.gather [hbm4b:s3+s2], $0x80, v4, vm0, $0xb8;
	[tilespmem:$0xC900] =	vst v63  }
0x2f: {  	s0 =	rddreg [dreg:$0x5]  }
0x30: {  	[tilespmem:s0], [sflag:$0x1] =	stream.indirect_vreg.gather [hbm4b:s3+s2], $0x80, v3, vm0, $0xb8;
	[tilespmem:$0xC900] =	vst v63  }
0x31: {  	v3 =	vld [tilespmem:$0x20];
	_ =	sdelay $0x4  }
0x32: {  	v53 =	vshll.u32 v3, $0x1  }
0x33: {  	v3 =	vand.u32 $0x7, v3;
	v4 =	vand.u32 $0xFFFFFFF0, v53  }
0x34: {  	v3 =	vor.u32 v3, v4  }
0x35: {  	v4 =	vperm.xlane v3, v0;
	_ =	sdelay $0x1  }
0x36: {  	v3 =	vperm.xlane v3, v2;
	v4 =	vadd.s32 v1, v4;
	_ =	sdelay $0x1  }
0x37: {  	v3 =	vadd.s32 v1, v3;
	_ =	sdelay $0x2  }
0x38: {  	[tilespmem:s8], [sflag:$0x1] =	stream.indirect_vreg.gather [hbm4b:s3+s2], $0x80, v4, vm0, $0xb8;
	[tilespmem:$0xC900] =	vst v63  }
0x39: {  	_ = 	snop  }
0x3a: {  	[tilespmem:s9], [sflag:$0x1] =	stream.indirect_vreg.gather [hbm4b:s3+s2], $0x80, v3, vm0, $0xb8;
	[tilespmem:$0xC900] =	vst v63  }
0x3b: {  	v3 =	vld [tilespmem:$0x30];
	_ =	sdelay $0x4  }
0x3c: {  	v54 =	vshll.u32 v3, $0x1  }
0x3d: {  	v3 =	vand.u32 $0x7, v3;
	v4 =	vand.u32 $0xFFFFFFF0, v54  }
0x3e: {  	v3 =	vor.u32 v3, v4  }
0x3f: {  	v4 =	vperm.xlane v3, v0;
	_ =	sdelay $0x1  }
0x40: {  	v3 =	vperm.xlane v3, v2;
	v4 =	vadd.s32 v1, v4;
	_ =	sdelay $0x1  }
0x41: {  	v3 =	vadd.s32 v1, v3;
	_ =	sdelay $0x2  }
0x42: {  	[tilespmem:s10], [sflag:$0x1] =	stream.indirect_vreg.gather [hbm4b:s3+s2], $0x80, v4, vm0, $0xb8;
	[tilespmem:$0xC900] =	vst v63  }
0x43: {  	_ = 	snop  }
0x44: {  	[tilespmem:s11], [sflag:$0x1] =	stream.indirect_vreg.gather [hbm4b:s3+s2], $0x80, v3, vm0, $0xb8;
	[tilespmem:$0xC900] =	vst v63  }
0x45: {  	v3 =	vld [tilespmem:$0x40];
	_ =	sdelay $0x4  }
0x46: {  	v55 =	vshll.u32 v3, $0x1  }
0x47: {  	v3 =	vand.u32 $0x7, v3;
	v4 =	vand.u32 $0xFFFFFFF0, v55  }
0x48: {  	v3 =	vor.u32 v3, v4  }
0x49: {  	v4 =	vperm.xlane v3, v0;
	_ =	sdelay $0x1  }
0x4a: {  	v3 =	vperm.xlane v3, v2;
	v4 =	vadd.s32 v1, v4;
	_ =	sdelay $0x1  }
0x4b: {  	v3 =	vadd.s32 v1, v3;
	_ =	sdelay $0x2  }
0x4c: {  	[tilespmem:s12], [sflag:$0x1] =	stream.indirect_vreg.gather [hbm4b:s3+s2], $0x80, v4, vm0, $0xb8;
	[tilespmem:$0xC900] =	vst v63  }
0x4d: {  	_ = 	snop  }
0x4e: {  	[tilespmem:s13], [sflag:$0x1] =	stream.indirect_vreg.gather [hbm4b:s3+s2], $0x80, v3, vm0, $0xb8;
	[tilespmem:$0xC900] =	vst v63  }
0x4f: {  	v3 =	vld [tilespmem:$0x50];
	_ =	sdelay $0x4  }
0x50: {  	v56 =	vshll.u32 v3, $0x1  }
0x51: {  	v3 =	vand.u32 $0x7, v3;
	v4 =	vand.u32 $0xFFFFFFF0, v56  }
0x52: {  	v3 =	vor.u32 v3, v4  }
0x53: {  	v4 =	vperm.xlane v3, v0;
	_ =	sdelay $0x1  }
0x54: {  	v3 =	vperm.xlane v3, v2;
	v4 =	vadd.s32 v1, v4;
	_ =	sdelay $0x1  }
0x55: {  	v3 =	vadd.s32 v1, v3;
	_ =	sdelay $0x2  }
0x56: {  	[tilespmem:s14], [sflag:$0x1] =	stream.indirect_vreg.gather [hbm4b:s3+s2], $0x80, v4, vm0, $0xb8;
	[tilespmem:$0xC900] =	vst v63  }
0x57: {  	_ = 	snop  }
0x58: {  	[tilespmem:s15], [sflag:$0x1] =	stream.indirect_vreg.gather [hbm4b:s3+s2], $0x80, v3, vm0, $0xb8;
	[tilespmem:$0xC900] =	vst v63  }
0x59: {  	v3 =	vld [tilespmem:$0x60];
	_ =	sdelay $0x4  }
0x5a: {  	v57 =	vshll.u32 v3, $0x1  }
0x5b: {  	v3 =	vand.u32 $0x7, v3;
	v4 =	vand.u32 $0xFFFFFFF0, v57  }
0x5c: {  	v3 =	vor.u32 v3, v4  }
0x5d: {  	v4 =	vperm.xlane v3, v0;
	_ =	sdelay $0x1  }
0x5e: {  	v3 =	vperm.xlane v3, v2;
	v4 =	vadd.s32 v1, v4;
	_ =	sdelay $0x1  }
0x5f: {  	v3 =	vadd.s32 v1, v3;
	_ =	sdelay $0x2  }
0x60: {  	[tilespmem:s16], [sflag:$0x1] =	stream.indirect_vreg.gather [hbm4b:s3+s2], $0x80, v4, vm0, $0xb8;
	[tilespmem:$0xC900] =	vst v63  }
0x61: {  	_ = 	snop  }
0x62: {  	[tilespmem:s17], [sflag:$0x1] =	stream.indirect_vreg.gather [hbm4b:s3+s2], $0x80, v3, vm0, $0xb8;
	[tilespmem:$0xC900] =	vst v63  }
0x63: {  	v3 =	vld [tilespmem:$0x70];
	_ =	sdelay $0x4  }
0x64: {  	v58 =	vshll.u32 v3, $0x1  }
0x65: {  	v3 =	vand.u32 $0x7, v3;
	v4 =	vand.u32 $0xFFFFFFF0, v58  }
0x66: {  	v3 =	vor.u32 v3, v4  }
0x67: {  	v4 =	vperm.xlane v3, v0;
	_ =	sdelay $0x1  }
0x68: {  	v3 =	vperm.xlane v3, v2;
	v4 =	vadd.s32 v1, v4;
	_ =	sdelay $0x1  }
0x69: {  	v3 =	vadd.s32 v1, v3;
	_ =	sdelay $0x2  }
0x6a: {  	[tilespmem:s18], [sflag:$0x1] =	stream.indirect_vreg.gather [hbm4b:s3+s2], $0x80, v4, vm0, $0xb8;
	[tilespmem:$0xC900] =	vst v63  }
0x6b: {  	_ = 	snop  }
0x6c: {  	[tilespmem:s19], [sflag:$0x1] =	stream.indirect_vreg.gather [hbm4b:s3+s2], $0x80, v3, vm0, $0xb8;
	[tilespmem:$0xC900] =	vst v63  }
0x6d: {  	v3 =	vld [tilespmem:$0x80];
	_ =	sdelay $0x4  }
0x6e: {  	v59 =	vshll.u32 v3, $0x1  }
0x6f: {  	v3 =	vand.u32 $0x7, v3;
	v4 =	vand.u32 $0xFFFFFFF0, v59  }
0x70: {  	v3 =	vor.u32 v3, v4  }
0x71: {  	v4 =	vperm.xlane v3, v0;
	_ =	sdelay $0x1  }
0x72: {  	v3 =	vperm.xlane v3, v2;
	v4 =	vadd.s32 v1, v4;
	_ =	sdelay $0x1  }
0x73: {  	v3 =	vadd.s32 v1, v3;
	_ =	sdelay $0x2  }
0x74: {  	[tilespmem:s20], [sflag:$0x1] =	stream.indirect_vreg.gather [hbm4b:s3+s2], $0x80, v4, vm0, $0xb8;
	[tilespmem:$0xC900] =	vst v63  }
0x75: {  	_ = 	snop  }
0x76: {  	[tilespmem:s21], [sflag:$0x1] =	stream.indirect_vreg.gather [hbm4b:s3+s2], $0x80, v3, vm0, $0xb8;
	[tilespmem:$0xC900] =	vst v63  }
0x77: {  	v3 =	vld [tilespmem:$0x90];
	_ =	sdelay $0x4  }
0x78: {  	v60 =	vshll.u32 v3, $0x1  }
0x79: {  	v3 =	vand.u32 $0x7, v3;
	v4 =	vand.u32 $0xFFFFFFF0, v60  }
0x7a: {  	v3 =	vor.u32 v3, v4  }
0x7b: {  	v4 =	vperm.xlane v3, v0;
	_ =	sdelay $0x1  }
0x7c: {  	v3 =	vperm.xlane v3, v2;
	v4 =	vadd.s32 v1, v4;
	_ =	sdelay $0x1  }
0x7d: {  	v3 =	vadd.s32 v1, v3;
	_ =	sdelay $0x2  }
0x7e: {  	[tilespmem:s22], [sflag:$0x1] =	stream.indirect_vreg.gather [hbm4b:s3+s2], $0x80, v4, vm0, $0xb8;
	[tilespmem:$0xC900] =	vst v63  }
0x7f: {  	_ = 	snop  }
0x80: {  	[tilespmem:s23], [sflag:$0x1] =	stream.indirect_vreg.gather [hbm4b:s3+s2], $0x80, v3, vm0, $0xb8;
	[tilespmem:$0xC900] =	vst v63  }
0x81: {  	v3 =	vld [tilespmem:$0xA0];
	_ =	sdelay $0x4  }
0x82: {  	v61 =	vshll.u32 v3, $0x1  }
0x83: {  	v3 =	vand.u32 $0x7, v3;
	v4 =	vand.u32 $0xFFFFFFF0, v61  }
0x84: {  	v3 =	vor.u32 v3, v4  }
0x85: {  	v4 =	vperm.xlane v3, v0;
	_ =	sdelay $0x1  }
0x86: {  	v3 =	vperm.xlane v3, v2;
	v4 =	vadd.s32 v1, v4;
	_ =	sdelay $0x1  }
0x87: {  	v3 =	vadd.s32 v1, v3;
	_ =	sdelay $0x2  }
0x88: {  	[tilespmem:s24], [sflag:$0x1] =	stream.indirect_vreg.gather [hbm4b:s3+s2], $0x80, v4, vm0, $0xb8;
	[tilespmem:$0xC900] =	vst v63  }
0x89: {  	_ = 	snop  }
0x8a: {  	[tilespmem:s25], [sflag:$0x1] =	stream.indirect_vreg.gather [hbm4b:s3+s2], $0x80, v3, vm0, $0xb8;
	[tilespmem:$0xC900] =	vst v63  }
0x8b: {  	v3 =	vld [tilespmem:$0xB0];
	_ =	sdelay $0x4  }
0x8c: {  	v62 =	vshll.u32 v3, $0x1  }
0x8d: {  	v3 =	vand.u32 $0x7, v3;
	v4 =	vand.u32 $0xFFFFFFF0, v62  }
0x8e: {  	v3 =	vor.u32 v3, v4  }
0x8f: {  	v4 =	vperm.xlane v3, v0;
	_ =	sdelay $0x1  }
0x90: {  	v3 =	vperm.xlane v3, v2;
	v4 =	vadd.s32 v1, v4;
	_ =	sdelay $0x1  }
0x91: {  	v3 =	vadd.s32 v1, v3;
	_ =	sdelay $0x2  }
0x92: {  	[tilespmem:s26], [sflag:$0x1] =	stream.indirect_vreg.gather [hbm4b:s3+s2], $0x80, v4, vm0, $0xb8;
	[tilespmem:$0xC900] =	vst v63  }
0x93: {  	_ = 	snop  }
0x94: {  	[tilespmem:s28], [sflag:$0x1] =	stream.indirect_vreg.gather [hbm4b:s3+s2], $0x80, v3, vm0, $0xb8;
	[tilespmem:$0xC900] =	vst v63  }
0x95: {  	v3 =	vld.msk [tilespmem:$0xC0], $0xff;
	_ =	sdelay $0x4  }
0x96: {  	v63 =	vshll.u32 v3, $0x1  }
0x97: {  	v3 =	vand.u32 $0x7, v3;
	v4 =	vand.u32 $0xFFFFFFF0, v63  }
0x98: {  	v3 =	vor.u32 v3, v4  }
0x99: {  	v3 =	vperm.xlane v3, v0;
	_ =	sdelay $0x1  }
0x9a: {  	v3 =	vadd.s32 v1, v3;
	_ =	sdelay $0x4  }
0x9b: {  	[tilespmem:s29], [sflag:$0x1] =	stream.indirect_vreg.gather [hbm4b:s3+s2], $0x80, v3, vm0, $0xb8;
	[tilespmem:$0xC900] =	vst v63  }
0x9c: {  	_ =	swait.ge [sflag:s30], $0xC800  }
0x9d: {  	p0 =	sne.s32 s1, $0x258;
	[sflag:s30] =	ssyncset.done $0x0  }
.Ltmp0:
0x9e: {  	[sflag:s30] =	ssyncadd.s32 $0xFFFF3800;
	(pc) =	sbr.rel @p0 .LBB2_2-.Ltmp0, $4  }
0x9f: {  	[hbm4b:s5+s2] =	stream.linear.scatter [tilespmem:s7], [sflag:$0x2], $0xC800, $0x38;
	[tilespmem:$0xC900] =	vst v63  }
0xa0: {  	_ =	swait.ge [sflag:s6], $0xC800  }
0xa1: {  	[sflag:s6] =	ssyncset.done $0x0  }
0xa2: {  	s1 =	sadd.s32 $0x19, s1;
	s5 =	sadd.s32 $0x1900, s5;
	[sflag:s6] =	ssyncadd.s32 $0xFFFF3800  }
0xa3: {  	s31 =	sadd.s32 $0x1, s31;
	s0 =	rddreg [dreg:$0x6]  }
0xa4: {  	p0 =	sne.s32 s31, s0  }
.Ltmp1:
0xa5: {  	_ = 	snop;
	(pc) =	sbr.rel @p0 .LBB2_1-.Ltmp1, $1  }
0xa6: {  	_ =	sdelay $0x3  }
0xa7: {  	_ =	sfence.sel $0x180000  }
0xa8: {  	[bflag:$0x0] =	sbarrier.arrive $0xFFFF  }
0xa9: {  	_ =	strace $0x9000004A  }
0xaa: {  	s0 =	stileid.u32;
	[bflag:$0x2] =	sbarrier.arrive $0xFFFF  }
0xab: {  	p0 =	sne.s32 s0, $0x0;
	s0 =	rddreg [dreg:$0x1]  }
0xac: {  	s0 =	sadd.s32 @!p0 $0x100000, s0  }
0xad: {  	[sflag:s0] =	ssyncadd.tile.s32 @!p0 $0x1;
	_ =	shalt  }
.Lfunc_end2:
_tile_overlayer_lowered:
.L_overlay_start_2:
0xae: {  	(tag) =	ssettag $0x2  }
0xaf: {  	s0 =	rddreg [dreg:$0x0];
	s2 =	stileid.u32  }
0xb0: {  	s1 =	rddreg [dreg:$0x1];
	p0 =	sne.s32 s2, $0x0  }
0xb1: {  	s3 =	rddreg [dreg:$0x2];
	[bflag:$0x3] =	sbarrier.arrive $0xFFFF;
	s2 =	simm.s32 @!p0 $0x1C02  }
0xb2: {  	[timem:s3], [sflag:s2] =	dma.local @!p0 [hbm:s0], s1  }
0xb3: {  	s0 =	simm.s32 @!p0 $0x2  }
0xb4: {  	_ =	swait.ge @!p0 [sflag:s0], s1  }
0xb5: {  	s1 =	ssub.s32 @!p0 $0x0, s1;
	[sflag:s0] =	ssyncset.done @!p0 $0x0  }
0xb6: {  	[sflag:s0] =	ssyncadd.s32 @!p0 s1  }
0xb7: {  	[bflag:$0x3] =	sbarrier.arrive $0xFFFF  }
0xb8: {  	_ =	shalt  }

// kernel: kernel.28.cloned.1.call-start
scs
__scs_entry_jumppad:
0x0: {  	(pc) =	sbr.rel $0x88, $3  }
0x1: {  	(tag) =	ssettag $0x0;
	lr =	simm.s32 $0x1  }
0x2: {  	[smem:$0x3F8F] =	sst lr;
	_ =	strace $0xD0000000  }
0x3: {  	_ = 	snop  }
0x4: {  	_ = 	snop  }
0x5: {  	_ = 	snop  }
0x6: {  	_ = 	snop  }
0x7: {  	_ = 	snop  }
__scs_overlays_trampoline_lowered:
0x8: {  	[smem:$0x3F9E] =	sst s0  }
0x9: {  	[smem:$0x3F9F] =	sst s1  }
0xa: {  	[smem:$0x3FA0] =	sst s2  }
0xb: {  	[smem:$0x3FA1] =	sst s3  }
0xc: {  	[smem:$0x3FA2] =	sst s4  }
0xd: {  	[smem:$0x3FA3] =	sst s5  }
0xe: {  	[smem:$0x3FA4] =	sst s6  }
0xf: {  	[smem:$0x3FA5] =	sst s7  }
0x10: {  	[smem:$0x3FA6] =	sst s8  }
0x11: {  	[smem:$0x3FA7] =	sst s9;
	s0 =	simm.s32 @!p0 $0x0  }
0x12: {  	s1 =	sld [smem:$0x3F8D];
	s0 =	simm.s32 @p0 $0x1  }
0x13: {  	[smem:$0x3FA8] =	sst s0;
	s0 =	simm.s32 @!p1 $0x0  }
0x14: {  	s2 =	sld [smem:$0x3F8C];
	s0 =	simm.s32 @p1 $0x1  }
0x15: {  	[smem:$0x3FA9] =	sst s0;
	s0 =	simm.s32 @!p2 $0x0  }
0x16: {  	s3 =	sld [smem:$0x3FDB];
	s0 =	simm.s32 @p2 $0x1  }
0x17: {  	s4 =	simm.s32 $0x1BF5;
	[smem:$0x3FAB] =	sst s0  }
0x18: {  	s0 =	sld [smem:$0x3F8E];
	_ =	swait.ge [sflag:s4], $0x0  }
0x19: {  	s7 =	sld [smem:$0x3F8F]  }
0x1a: {  	s8 =	sadd.s32 $0xFFFFE003, lr  }
0x1b: {  	s9 =	sadd.s32 $0xFFFFFEF7, lr;
	s5 =	simm.s32 $0xFFFFFFFF;
	p2 =	slt.u32 s8, $0xFFFFF086  }
0x1c: {  	p1 =	slt.u32 s9, $0xF7A;
	s5 =	simm.s32 @!p2 $0x0  }
0x1d: {  	s5 =	simm.s32 @p1 $0x1;
	p0 =	seq.s32 s7, s2  }
0x1e: {  	s7 =	smul.u32 @!p0 $0xF7A, s2;
	p2 =	seq.s32 @!p0 s5, $0x0  }
0x1f: {  	s9 =	smul.u32 $0xF7A, s1;
	s8 =	simm.s32 @!p0 $0x1BF5;
	p2 =	por !p2, p0  }
0x20: {  	[sflag:s8] =	ssyncset.s32 @!p0 $0xFFFFF086;
	s6 =	sadd.s32 @!p0 s3, s7;
	s7 =	simm.s32 @!p0 $0x108  }
0x21: {  	s3 =	sadd.s32 s3, s9;
	s6 =	sadd.s32 @!p0 $0x88, s6;
	s7 =	simm.s32 @p2 $0x1082  }
0x22: {  	[simem:s7], [sflag:s8] =	dma.local @!p0 [hbm:s6], $0xF7A  }
0x23: {  	s9 =	sor.u32 $0xD0000000, s2;
	s6 =	simm.s32 $0x108;
	_ =	swait.ge @!p0 [sflag:s8], $0x0  }
0x24: {  	s3 =	sadd.s32 $0x88, s3;
	s6 =	simm.s32 @!p1 $0x1082;
	[sflag:s4] =	ssyncset.s32 $0xFFFFF086  }
0x25: {  	[simem:s6], [sflag:s4] =	dma.local [hbm:s3], $0xF7A  }
0x26: {  	[smem:$0x3F8F] =	sst s1;
	(tag) =	ssettag s2;
	_ =	strace s9  }
0x27: {  	s1 =	sld [smem:$0x3F9F]  }
0x28: {  	s2 =	sld [smem:$0x3FA0]  }
0x29: {  	s4 =	sld [smem:$0x3FA2]  }
0x2a: {  	p0 =	seq.s32 s5, $0x0;
	s5 =	sld [smem:$0x3FA3]  }
0x2b: {  	s6 =	sld [smem:$0x3FA4]  }
0x2c: {  	s7 =	sld [smem:$0x3FA5]  }
0x2d: {  	s3 =	simm.s32 $0x108;
	s8 =	sld [smem:$0x3FA6]  }
0x2e: {  	s3 =	simm.s32 @!p0 $0x1082;
	s9 =	sld [smem:$0x3FA7]  }
0x2f: {  	lr =	sadd.s32 s0, s3;
	s0 =	sld [smem:$0x3F9E]  }
0x30: {  	s3 =	sld [smem:$0x3FA1]  }
0x31: {  	[smem:$0x3FAA] =	sst s10  }
0x32: {  	s10 =	sld [smem:$0x3FA8];
	_ =	sdelay $0x3  }
0x33: {  	p0 =	seq.s32 s10, $0x1;
	s10 =	sld [smem:$0x3FAA];
	_ =	sdelay $0x3  }
0x34: {  	[smem:$0x3FAA] =	sst s10  }
0x35: {  	s10 =	sld [smem:$0x3FA9];
	_ =	sdelay $0x3  }
0x36: {  	p1 =	seq.s32 s10, $0x1;
	s10 =	sld [smem:$0x3FAA];
	_ =	sdelay $0x3  }
0x37: {  	[smem:$0x3FAA] =	sst s10  }
0x38: {  	s10 =	sld [smem:$0x3FAB]  }
0x39: {  	_ = 	snop;
	(pc) =	sbr.ind lr, $3  }
0x3a: {  	_ = 	snop  }
0x3b: {  	_ = 	snop  }
0x3c: {  	p2 =	seq.s32 s10, $0x1;
	s10 =	sld [smem:$0x3FAA]  }
0x3d: {  	_ =	shalt  }
0x3e: {  	_ =	shalt  }
0x3f: {  	_ =	shalt  }
0x40: {  	_ =	shalt  }
0x41: {  	_ =	shalt  }
0x42: {  	_ =	shalt  }
0x43: {  	_ =	shalt  }
0x44: {  	_ =	shalt  }
0x45: {  	_ =	shalt  }
0x46: {  	_ =	shalt  }
0x47: {  	_ =	shalt  }
0x48: {  	_ =	shalt  }
0x49: {  	_ =	shalt  }
0x4a: {  	_ =	shalt  }
0x4b: {  	_ =	shalt  }
0x4c: {  	_ =	shalt  }
0x4d: {  	_ =	shalt  }
0x4e: {  	_ =	shalt  }
0x4f: {  	_ =	shalt  }
0x50: {  	_ =	shalt  }
0x51: {  	_ =	shalt  }
0x52: {  	_ =	shalt  }
0x53: {  	_ =	shalt  }
0x54: {  	_ =	shalt  }
0x55: {  	_ =	shalt  }
0x56: {  	_ =	shalt  }
0x57: {  	_ =	shalt  }
0x58: {  	_ =	shalt  }
0x59: {  	_ =	shalt  }
0x5a: {  	_ =	shalt  }
0x5b: {  	_ =	shalt  }
0x5c: {  	_ =	shalt  }
0x5d: {  	_ =	shalt  }
0x5e: {  	_ =	shalt  }
0x5f: {  	_ =	shalt  }
0x60: {  	_ =	shalt  }
0x61: {  	_ =	shalt  }
0x62: {  	_ =	shalt  }
0x63: {  	_ =	shalt  }
0x64: {  	_ =	shalt  }
0x65: {  	_ =	shalt  }
0x66: {  	_ =	shalt  }
0x67: {  	_ =	shalt  }
0x68: {  	_ =	shalt  }
0x69: {  	_ =	shalt  }
0x6a: {  	_ =	shalt  }
0x6b: {  	_ =	shalt  }
0x6c: {  	_ =	shalt  }
0x6d: {  	_ =	shalt  }
0x6e: {  	_ =	shalt  }
0x6f: {  	_ =	shalt  }
0x70: {  	_ =	shalt  }
0x71: {  	_ =	shalt  }
0x72: {  	_ =	shalt  }
0x73: {  	_ =	shalt  }
0x74: {  	_ =	shalt  }
0x75: {  	_ =	shalt  }
0x76: {  	_ =	shalt  }
0x77: {  	_ =	shalt  }
0x78: {  	_ =	shalt  }
0x79: {  	_ =	shalt  }
0x7a: {  	_ =	shalt  }
0x7b: {  	_ =	shalt  }
0x7c: {  	_ =	shalt  }
0x7d: {  	_ =	shalt  }
0x7e: {  	_ =	shalt  }
0x7f: {  	_ =	shalt  }
0x80: {  	_ =	shalt  }
0x81: {  	_ =	shalt  }
0x82: {  	_ =	shalt  }
0x83: {  	_ =	shalt  }
0x84: {  	_ =	shalt  }
0x85: {  	_ =	shalt  }
0x86: {  	_ =	shalt  }
0x87: {  	_ =	shalt  }
.Lfunc_end0:
.L_simem_size_0:
called_computation.5_lowered:
.L_overlay_start_0:
0x88: {  	s2 =	sld [smem:$0x3FD9]  }
0x89: {  	s3 =	sld [smem:$0x3FFE];
	_ =	sdelay $0x1  }
0x8a: {  	s1 =	srdreg.scid  }
0x8b: {  	s0 =	sand.u32 $0x1, s1  }
0x8c: {  	s16 =	sshll.u32 s0, $0xA;
	s2 =	sadd.s32 s3, s2  }
0x8d: {  	s2 =	sadd.s32 s2, s16  }
0x8e: {  	[smem:$0x3FB6] =	sst s2  }
0x8f: {  	_ = 	snop  }
0x90: {  	(tm) =	ssettm $0x1  }
0x91: {  	s17 =	sld [smem:$0x3FFB];
	_ =	sdelay $0x3  }
0x92: {  	_ =	strace s17  }
0x93: {  	s2 =	sld [smem:$0x3FFC];
	_ =	sdelay $0x3  }
0x94: {  	_ =	strace s2  }
0x95: {  	s2 =	sld [smem:$0x3FFD];
	_ =	sdelay $0x3  }
0x96: {  	_ =	strace s2  }
0x97: {  	_ =	strace $0x8FFFFFFF  }
0x98: {  	s18 =	sld [smem:$0x3FDB];
	_ =	sdelay $0x1  }
0x99: {  	s19 =	simm.s32 $_scs_section_size  }
0x9a: {  	s4 =	simm.s32 $_size__tile_overlayer_lowered;
	s5 =	simm.s32 $_tile_overlayer_lowered  }
0x9b: {  	s22 =	simm.s32 $0x1BFF;
	s21 =	sshll.u32 s5, $0x1;
	s2 =	sadd.s32 s19, s18  }
0x9c: {  	s6 =	simm.s32 $0x0;
	s20 =	sshll.u32 s4, $0x1;
	s4 =	sadd.s32 s21, s2  }
0x9d: {  	[timem:s6], [sflag:s22] =	dma.local [hbm:s4], s20  }
0x9e: {  	_ =	swait.ge [sflag:s22], s20  }
0x9f: {  	s3 =	ssub.s32 $0x0, s20;
	[sflag:s22] =	ssyncset.done $0x0  }
0xa0: {  	[sflag:s22] =	ssyncadd.s32 s3;
	_ =	sdelay $0x1  }
0xa1: {  	s23 =	simm.s32 $0x1B8B  }
0xa2: {  	_ =	swait.ge [sflag:s23], $0x1  }
0xa3: {  	[sflag:s23] =	ssyncset.done $0x0  }
0xa4: {  	s25 =	simm.s32 $0x1B8E;
	s24 =	sld [smem:$0x3FFE];
	[sflag:s23] =	ssyncadd.s32 $0xFFFFFFFF  }
0xa5: {  	s26 =	simm.s32 $execute0_lowered;
	[smem:$0x3FD2] =	sst s25  }
0xa6: {  	s4 =	sshll.u32 s26, $0x1;
	_ =	strace $0x80000052;
	[dreg:$0x1] =	wrdreg $0xFFFFFFFF  }
0xa7: {  	s28 =	simm.s32 $_size_execute0_lowered;
	s2 =	sadd.s32 s2, s4;
	[dreg:$0x0] =	wrdreg $0x0  }
0xa8: {  	s4 =	sshll.u32 s28, $0x1;
	[dreg:$0x2] =	wrdreg s2  }
0xa9: {  	[dreg:$0x3] =	wrdreg s4  }
0xaa: {  	[dreg:$0x4] =	wrdreg $0xC0  }
0xab: {  	_ =	task [dreg:s6], $0x5FFFF  }
0xac: {  	[dreg:$0x1] =	wrdreg $0xFFFFFFFF  }
0xad: {  	[dreg:$0x0] =	wrdreg $0x60  }
0xae: {  	[dreg:$0x2] =	wrdreg s24  }
0xaf: {  	[dreg:$0x3] =	wrdreg $0x65000  }
0xb0: {  	[dreg:$0x4] =	wrdreg $0x9  }
0xb1: {  	_ =	task.clear_ibuf [dreg:s6], $0x5FFFF;
	_ =	strace $0x90000052  }
0xb2: {  	s29 =	simm.s32 $0x9;
	_ =	strace $0x80000054  }
0xb3: {  	_ =	swait.ge [sflag:s29], $0x1  }
0xb4: {  	[sflag:s29] =	ssyncadd.s32 $0xFFFFFFFF  }
0xb5: {  	_ =	strace $0x90000054  }
0xb6: {  	_ =	sfence  }
0xb7: {  	s30 =	sld [smem:$0x0];
	_ =	sdelay $0x2  }
0xb8: {  	s31 =	sshll.u32 s1, $0xD;
	s1 =	sshrl.u32 s1, $0x2  }
0xb9: {  	s3 =	sand.u32 $0x4000, s31;
	s1 =	sadd.s32 s1, s30  }
0xba: {  	s0 =	sor.u32 s3, s0;
	s1 =	sshll.u32 s1, $0x11  }
0xbb: {  	s0 =	sor.u32 s1, s0  }
0xbc: {  	s0 =	sadd.s32 $0x8F2B, s0  }
0xbd: {  	[sflag:s0] =	ssyncadd.remote.s32 $0x1  }
0xbe: {  	_ =	sfence.sel $0xFFFF  }
0xbf: {  	[dreg:$0x0] =	wrdreg $0xFFFFFFFF;
	(pc) =	sbr.abs _section_cstart, $3  }
0xc0: {  	[dreg:$0x1] =	wrdreg $0xFFFFFFFF  }
0xc1: {  	_ =	task.clear_ibuf [dreg:s6], $0x2FFFF;
	_ =	strace $0x9FFFFFFF  }
0xc2: {  	(tm) =	ssettm $0x7FFFFFFF  }
0xc3: {  	_ =	shalt  }
tec
execute0_lowered:
.L_overlay_start_1:
0x0: {  	(tag) =	ssettag $0x1  }
0x1: {  	s0 =	srdreg.scid;
	s4 =	rddreg [dreg:$0x0]  }
0x2: {  	s2 =	rddreg [dreg:$0x1];
	s5 =	sand.u32 $0x1, s0  }
0x3: {  	s0 =	stileid.u32;
	s6 =	smul.u32 $0x1388000, s5  }
0x4: {  	s1 =	rddreg [dreg:$0x2];
	s7 =	smul.u32 $0x138800, s0  }
0x5: {  	s3 =	simm.s32 $0x0;
	s13 =	simm.s32 $0xC8;
	s8 =	smul.u32 $0x4E2, s0  }
0x6: {  	s14 =	simm.s32 $0x0;
	[smem:$0x7FF] =	sst s3;
	s24 =	smul.u32 $0x14000, s0  }
0x7: {  	s9 =	smul.u32 $0x140000, s5;
	_ =	strace $0x80000053;
	s5 =	ssub.s32 $0x2, s5  }
0x8: {  	s26 =	smul.u32 $0x50000, s0;
	s31 =	sshll.u32 s0, $0x6;
	s28 =	sshrl.u32 s5, $0x1  }
0x9: {  	s6 =	sadd.s32 s7, s6;
	s11 =	sadd.s32 s8, s4;
	s25 =	sshrl.u32 s24, $0x3  }
0xa: {  	s7 =	sadd.s32 s24, s9;
	s29 =	ssub.s32 s5, s28;
	s30 =	sshrl.u32 s26, $0x2  }
0xb: {  	s5 =	sor.u32 $0x1C01, s31;
	s6 =	sshrl.u32 s6, $0x3;
	s7 =	sshrl.u32 s7, $0x3  }
0xc: {  	s12 =	sadd.s32 s30, s2;
	s9 =	sadd.s32 $0x6200, s11;
	s11 =	simm.s32 $0x1  }
0xd: {  	s10 =	sadd.s32 s6, s4;
	s6 =	sadd.s32 s25, s4;
	s7 =	sadd.s32 s7, s4  }
0xe: {  	s4 =	sadd.s32 $0x281200, s6;
	s6 =	sadd.s32 $0x10200, s7;
	s7 =	smax.u32 s29, $0x1  }
0xf: {  	s8 =	sadd.s32 $0x78B200, s10;
	s10 =	sshrl.u32 s12, $0x3;
	s12 =	simm.s32 $0x100  }
.LBB2_1:
0x10: {  	[spmem:s10], [sflag:s5] =	dma.local [hbm:s4], $0x2800  }
0x11: {  	_ =	swait.ge [sflag:s11], $0x2800  }
0x12: {  	[sflag:s11] =	ssyncset.done $0x0  }
0x13: {  	[sflag:s11] =	ssyncadd.s32 $0xFFFFD800  }
0x14: {  	s15 =	sadd.s32 $0x0, s9;
	[bflag:$0x0] =	sbarrier.arrive $0xFFFF  }
0x15: {  	[tilespmem:s3], [sflag:$0x1] =	stream.linear.gather [hbm4b:s15+s3], $0xC8, $0x38;
	[tilespmem:$0x1A500] =	vst v63  }
0x16: {  	_ =	swait.ge [sflag:s11], $0xC8  }
0x17: {  	[sflag:s11] =	ssyncset.done $0x0  }
0x18: {  	[sflag:s11] =	ssyncadd.s32 $0xFFFFFF38  }
0x19: {  	[tilespmem:s12], [sflag:$0x1] =	stream.linear.gather [hbm4b:s8+s3], $0x6400, $0x38;
	[tilespmem:$0x1A500] =	vst v63  }
0x1a: {  	_ =	swait.ge [sflag:s11], $0x6400  }
0x1b: {  	[sflag:s11] =	ssyncset.done $0x0  }
0x1c: {  	[sflag:s11] =	ssyncadd.s32 $0xFFFF9C00  }
0x1d: {  	[spmem:s2] =	stream.indirect.scatter.add.f32 [tilespmem:s12], [sflag:$0x1], $0x80, s3, s13, $0xb8;
	[tilespmem:$0x1A500] =	vst v63  }
0x1e: {  	s16 =	simm.s32 $0x19;
	_ =	swait.ge [sflag:s11], $0x6400  }
0x1f: {  	s17 =	simm.s32 $0x32;
	s15 =	sadd.s32 $0xC80, s8;
	[sflag:s11] =	ssyncset.done $0x0  }
.LBB2_2:
0x20: {  	s18 =	sadd.s32 s16, s9  }
0x21: {  	[sflag:s11] =	ssyncadd.s32 $0xFFFF9C00;
	s16 =	smov.u32 s17;
	s19 =	sadd.s32 $0x19, s17  }
0x22: {  	[tilespmem:s3], [sflag:$0x1] =	stream.linear.gather [hbm4b:s18+s3], $0xC8, $0x38;
	[tilespmem:$0x1A500] =	vst v63  }
0x23: {  	p0 =	sne.s32 s17, $0x4C9;
	_ =	swait.ge [sflag:s11], $0xC8  }
0x24: {  	[sflag:s11] =	ssyncset.done $0x0  }
0x25: {  	[sflag:s11] =	ssyncadd.s32 $0xFFFFFF38  }
0x26: {  	[tilespmem:s12], [sflag:$0x1] =	stream.linear.gather [hbm4b:s15+s3], $0x6400, $0x38;
	[tilespmem:$0x1A500] =	vst v63  }
0x27: {  	_ =	swait.ge [sflag:s11], $0x6400  }
.Ltmp0:
0x28: {  	[sflag:s11] =	ssyncset.done $0x0;
	(pc) =	sbr.rel @p0 .LBB2_2-.Ltmp0, $4  }
0x29: {  	[sflag:s11] =	ssyncadd.s32 $0xFFFF9C00  }
0x2a: {  	[spmem:s2] =	stream.indirect.scatter.add.f32 [tilespmem:s12], [sflag:$0x1], $0x80, s3, s13, $0xb8;
	[tilespmem:$0x1A500] =	vst v63  }
0x2b: {  	_ =	swait.ge [sflag:s11], $0x6400  }
0x2c: {  	s17 =	smov.u32 s19;
	s15 =	sadd.s32 $0xC80, s15;
	[sflag:s11] =	ssyncset.done $0x0  }
0x2d: {  	s16 =	sadd.s32 s16, s9;
	[sflag:s11] =	ssyncadd.s32 $0xFFFF9C00  }
0x2e: {  	[tilespmem:s3], [sflag:$0x1] =	stream.linear.gather [hbm4b:s16+s3], $0xC8, $0x38;
	[tilespmem:$0x1A500] =	vst v63  }
0x2f: {  	_ =	swait.ge [sflag:s11], $0xC8  }
0x30: {  	[sflag:s11] =	ssyncset.done $0x0  }
0x31: {  	[sflag:s11] =	ssyncadd.s32 $0xFFFFFF38  }
0x32: {  	[tilespmem:s12], [sflag:$0x1] =	stream.linear.gather [hbm4b:s15+s3], $0x6400, $0x38;
	[tilespmem:$0x1A500] =	vst v63  }
0x33: {  	_ =	swait.ge [sflag:s11], $0x6400  }
0x34: {  	[sflag:s11] =	ssyncset.done $0x0  }
0x35: {  	[sflag:s11] =	ssyncadd.s32 $0xFFFF9C00  }
0x36: {  	[spmem:s2] =	stream.indirect.scatter.add.f32 [tilespmem:s12], [sflag:$0x1], $0x80, s3, s13, $0xb8;
	[tilespmem:$0x1A500] =	vst v63  }
0x37: {  	_ =	swait.ge [sflag:s11], $0x6400  }
0x38: {  	s14 =	sadd.s32 $0x1, s14;
	[sflag:s11] =	ssyncset.done $0x0  }
0x39: {  	p0 =	sne.s32 s14, s7;
	[sflag:s11] =	ssyncadd.s32 $0xFFFF9C00  }
.Ltmp1:
0x3a: {  	[bflag:$0x0] =	sbarrier.arrive $0xFFFF;
	(pc) =	sbr.rel @p0 .LBB2_1-.Ltmp1, $4  }
0x3b: {  	[hbm:s6], [sflag:s5] =	dma.local [spmem:s10], $0x2800  }
0x3c: {  	_ =	swait.ge [sflag:s11], $0x2800  }
0x3d: {  	[sflag:s11] =	ssyncset.done $0x0  }
0x3e: {  	[sflag:s11] =	ssyncadd.s32 $0xFFFFD800  }
0x3f: {  	_ =	sfence.sel $0x180000  }
0x40: {  	[bflag:$0x0] =	sbarrier.arrive $0xFFFF  }
0x41: {  	p0 =	sne.s32 s0, $0x0;
	_ =	strace $0x90000053  }
0x42: {  	s0 =	sadd.s32 @!p0 $0x100000, s1;
	[bflag:$0x2] =	sbarrier.arrive $0xFFFF  }
0x43: {  	[sflag:s0] =	ssyncadd.tile.s32 @!p0 $0x1;
	_ =	shalt  }
.Lfunc_end2:
_tile_overlayer_lowered:
.L_overlay_start_2:
0x44: {  	(tag) =	ssettag $0x2  }
0x45: {  	s0 =	rddreg [dreg:$0x0];
	s2 =	stileid.u32  }
0x46: {  	s1 =	rddreg [dreg:$0x1];
	p0 =	sne.s32 s2, $0x0  }
0x47: {  	s3 =	rddreg [dreg:$0x2];
	[bflag:$0x3] =	sbarrier.arrive $0xFFFF;
	s2 =	simm.s32 @!p0 $0x1C01  }
0x48: {  	[timem:s3], [sflag:s2] =	dma.local @!p0 [hbm:s0], s1  }
0x49: {  	s0 =	simm.s32 @!p0 $0x1  }
0x4a: {  	_ =	swait.ge @!p0 [sflag:s0], s1  }
0x4b: {  	s1 =	ssub.s32 @!p0 $0x0, s1;
	[sflag:s0] =	ssyncset.done @!p0 $0x0  }
0x4c: {  	[sflag:s0] =	ssyncadd.s32 @!p0 s1  }
0x4d: {  	[bflag:$0x3] =	sbarrier.arrive $0xFFFF  }
0x4e: {  	_ =	shalt  }

// kernel: kernel.31.cloned.1.call-start
scs
__scs_entry_jumppad:
0x0: {  	(pc) =	sbr.rel $0x88, $3  }
0x1: {  	(tag) =	ssettag $0x0;
	lr =	simm.s32 $0x1  }
0x2: {  	[smem:$0x3F8F] =	sst lr;
	_ =	strace $0xD0000000  }
0x3: {  	_ = 	snop  }
0x4: {  	_ = 	snop  }
0x5: {  	_ = 	snop  }
0x6: {  	_ = 	snop  }
0x7: {  	_ = 	snop  }
__scs_overlays_trampoline_lowered:
0x8: {  	[smem:$0x3F9E] =	sst s0  }
0x9: {  	[smem:$0x3F9F] =	sst s1  }
0xa: {  	[smem:$0x3FA0] =	sst s2  }
0xb: {  	[smem:$0x3FA1] =	sst s3  }
0xc: {  	[smem:$0x3FA2] =	sst s4  }
0xd: {  	[smem:$0x3FA3] =	sst s5  }
0xe: {  	[smem:$0x3FA4] =	sst s6  }
0xf: {  	[smem:$0x3FA5] =	sst s7  }
0x10: {  	[smem:$0x3FA6] =	sst s8  }
0x11: {  	[smem:$0x3FA7] =	sst s9;
	s0 =	simm.s32 @!p0 $0x0  }
0x12: {  	s1 =	sld [smem:$0x3F8D];
	s0 =	simm.s32 @p0 $0x1  }
0x13: {  	[smem:$0x3FA8] =	sst s0;
	s0 =	simm.s32 @!p1 $0x0  }
0x14: {  	s2 =	sld [smem:$0x3F8C];
	s0 =	simm.s32 @p1 $0x1  }
0x15: {  	[smem:$0x3FA9] =	sst s0;
	s0 =	simm.s32 @!p2 $0x0  }
0x16: {  	s3 =	sld [smem:$0x3FDB];
	s0 =	simm.s32 @p2 $0x1  }
0x17: {  	s4 =	simm.s32 $0x1BF5;
	[smem:$0x3FAB] =	sst s0  }
0x18: {  	s0 =	sld [smem:$0x3F8E];
	_ =	swait.ge [sflag:s4], $0x0  }
0x19: {  	s7 =	sld [smem:$0x3F8F]  }
0x1a: {  	s8 =	sadd.s32 $0xFFFFE003, lr  }
0x1b: {  	s9 =	sadd.s32 $0xFFFFFEF7, lr;
	s5 =	simm.s32 $0xFFFFFFFF;
	p2 =	slt.u32 s8, $0xFFFFF086  }
0x1c: {  	p1 =	slt.u32 s9, $0xF7A;
	s5 =	simm.s32 @!p2 $0x0  }
0x1d: {  	s5 =	simm.s32 @p1 $0x1;
	p0 =	seq.s32 s7, s2  }
0x1e: {  	s7 =	smul.u32 @!p0 $0xF7A, s2;
	p2 =	seq.s32 @!p0 s5, $0x0  }
0x1f: {  	s9 =	smul.u32 $0xF7A, s1;
	s8 =	simm.s32 @!p0 $0x1BF5;
	p2 =	por !p2, p0  }
0x20: {  	[sflag:s8] =	ssyncset.s32 @!p0 $0xFFFFF086;
	s6 =	sadd.s32 @!p0 s3, s7;
	s7 =	simm.s32 @!p0 $0x108  }
0x21: {  	s3 =	sadd.s32 s3, s9;
	s6 =	sadd.s32 @!p0 $0x88, s6;
	s7 =	simm.s32 @p2 $0x1082  }
0x22: {  	[simem:s7], [sflag:s8] =	dma.local @!p0 [hbm:s6], $0xF7A  }
0x23: {  	s9 =	sor.u32 $0xD0000000, s2;
	s6 =	simm.s32 $0x108;
	_ =	swait.ge @!p0 [sflag:s8], $0x0  }
0x24: {  	s3 =	sadd.s32 $0x88, s3;
	s6 =	simm.s32 @!p1 $0x1082;
	[sflag:s4] =	ssyncset.s32 $0xFFFFF086  }
0x25: {  	[simem:s6], [sflag:s4] =	dma.local [hbm:s3], $0xF7A  }
0x26: {  	[smem:$0x3F8F] =	sst s1;
	(tag) =	ssettag s2;
	_ =	strace s9  }
0x27: {  	s1 =	sld [smem:$0x3F9F]  }
0x28: {  	s2 =	sld [smem:$0x3FA0]  }
0x29: {  	s4 =	sld [smem:$0x3FA2]  }
0x2a: {  	p0 =	seq.s32 s5, $0x0;
	s5 =	sld [smem:$0x3FA3]  }
0x2b: {  	s6 =	sld [smem:$0x3FA4]  }
0x2c: {  	s7 =	sld [smem:$0x3FA5]  }
0x2d: {  	s3 =	simm.s32 $0x108;
	s8 =	sld [smem:$0x3FA6]  }
0x2e: {  	s3 =	simm.s32 @!p0 $0x1082;
	s9 =	sld [smem:$0x3FA7]  }
0x2f: {  	lr =	sadd.s32 s0, s3;
	s0 =	sld [smem:$0x3F9E]  }
0x30: {  	s3 =	sld [smem:$0x3FA1]  }
0x31: {  	[smem:$0x3FAA] =	sst s10  }
0x32: {  	s10 =	sld [smem:$0x3FA8];
	_ =	sdelay $0x3  }
0x33: {  	p0 =	seq.s32 s10, $0x1;
	s10 =	sld [smem:$0x3FAA];
	_ =	sdelay $0x3  }
0x34: {  	[smem:$0x3FAA] =	sst s10  }
0x35: {  	s10 =	sld [smem:$0x3FA9];
	_ =	sdelay $0x3  }
0x36: {  	p1 =	seq.s32 s10, $0x1;
	s10 =	sld [smem:$0x3FAA];
	_ =	sdelay $0x3  }
0x37: {  	[smem:$0x3FAA] =	sst s10  }
0x38: {  	s10 =	sld [smem:$0x3FAB]  }
0x39: {  	_ = 	snop;
	(pc) =	sbr.ind lr, $3  }
0x3a: {  	_ = 	snop  }
0x3b: {  	_ = 	snop  }
0x3c: {  	p2 =	seq.s32 s10, $0x1;
	s10 =	sld [smem:$0x3FAA]  }
0x3d: {  	_ =	shalt  }
0x3e: {  	_ =	shalt  }
0x3f: {  	_ =	shalt  }
0x40: {  	_ =	shalt  }
0x41: {  	_ =	shalt  }
0x42: {  	_ =	shalt  }
0x43: {  	_ =	shalt  }
0x44: {  	_ =	shalt  }
0x45: {  	_ =	shalt  }
0x46: {  	_ =	shalt  }
0x47: {  	_ =	shalt  }
0x48: {  	_ =	shalt  }
0x49: {  	_ =	shalt  }
0x4a: {  	_ =	shalt  }
0x4b: {  	_ =	shalt  }
0x4c: {  	_ =	shalt  }
0x4d: {  	_ =	shalt  }
0x4e: {  	_ =	shalt  }
0x4f: {  	_ =	shalt  }
0x50: {  	_ =	shalt  }
0x51: {  	_ =	shalt  }
0x52: {  	_ =	shalt  }
0x53: {  	_ =	shalt  }
0x54: {  	_ =	shalt  }
0x55: {  	_ =	shalt  }
0x56: {  	_ =	shalt  }
0x57: {  	_ =	shalt  }
0x58: {  	_ =	shalt  }
0x59: {  	_ =	shalt  }
0x5a: {  	_ =	shalt  }
0x5b: {  	_ =	shalt  }
0x5c: {  	_ =	shalt  }
0x5d: {  	_ =	shalt  }
0x5e: {  	_ =	shalt  }
0x5f: {  	_ =	shalt  }
0x60: {  	_ =	shalt  }
0x61: {  	_ =	shalt  }
0x62: {  	_ =	shalt  }
0x63: {  	_ =	shalt  }
0x64: {  	_ =	shalt  }
0x65: {  	_ =	shalt  }
0x66: {  	_ =	shalt  }
0x67: {  	_ =	shalt  }
0x68: {  	_ =	shalt  }
0x69: {  	_ =	shalt  }
0x6a: {  	_ =	shalt  }
0x6b: {  	_ =	shalt  }
0x6c: {  	_ =	shalt  }
0x6d: {  	_ =	shalt  }
0x6e: {  	_ =	shalt  }
0x6f: {  	_ =	shalt  }
0x70: {  	_ =	shalt  }
0x71: {  	_ =	shalt  }
0x72: {  	_ =	shalt  }
0x73: {  	_ =	shalt  }
0x74: {  	_ =	shalt  }
0x75: {  	_ =	shalt  }
0x76: {  	_ =	shalt  }
0x77: {  	_ =	shalt  }
0x78: {  	_ =	shalt  }
0x79: {  	_ =	shalt  }
0x7a: {  	_ =	shalt  }
0x7b: {  	_ =	shalt  }
0x7c: {  	_ =	shalt  }
0x7d: {  	_ =	shalt  }
0x7e: {  	_ =	shalt  }
0x7f: {  	_ =	shalt  }
0x80: {  	_ =	shalt  }
0x81: {  	_ =	shalt  }
0x82: {  	_ =	shalt  }
0x83: {  	_ =	shalt  }
0x84: {  	_ =	shalt  }
0x85: {  	_ =	shalt  }
0x86: {  	_ =	shalt  }
0x87: {  	_ =	shalt  }
.Lfunc_end0:
.L_simem_size_0:
called_computation.6_lowered:
.L_overlay_start_0:
0x88: {  	s2 =	sld [smem:$0x3FD9]  }
0x89: {  	s3 =	sld [smem:$0x3FFE];
	_ =	sdelay $0x1  }
0x8a: {  	s1 =	srdreg.scid  }
0x8b: {  	s0 =	sand.u32 $0x1, s1  }
0x8c: {  	s16 =	sshll.u32 s0, $0xA;
	s2 =	sadd.s32 s3, s2  }
0x8d: {  	s2 =	sadd.s32 s2, s16  }
0x8e: {  	[smem:$0x3FB6] =	sst s2  }
0x8f: {  	_ = 	snop  }
0x90: {  	(tm) =	ssettm $0x1  }
0x91: {  	s17 =	sld [smem:$0x3FFB];
	_ =	sdelay $0x3  }
0x92: {  	_ =	strace s17  }
0x93: {  	s2 =	sld [smem:$0x3FFC];
	_ =	sdelay $0x3  }
0x94: {  	_ =	strace s2  }
0x95: {  	s2 =	sld [smem:$0x3FFD];
	_ =	sdelay $0x3  }
0x96: {  	_ =	strace s2  }
0x97: {  	_ =	strace $0x8FFFFFFF  }
0x98: {  	s18 =	sld [smem:$0x3FDB];
	_ =	sdelay $0x1  }
0x99: {  	s19 =	simm.s32 $_scs_section_size  }
0x9a: {  	s4 =	simm.s32 $_size__tile_overlayer_lowered;
	s5 =	simm.s32 $_tile_overlayer_lowered  }
0x9b: {  	s22 =	simm.s32 $0x1BFF;
	s21 =	sshll.u32 s5, $0x1;
	s2 =	sadd.s32 s19, s18  }
0x9c: {  	s6 =	simm.s32 $0x0;
	s20 =	sshll.u32 s4, $0x1;
	s4 =	sadd.s32 s21, s2  }
0x9d: {  	[timem:s6], [sflag:s22] =	dma.local [hbm:s4], s20  }
0x9e: {  	_ =	swait.ge [sflag:s22], s20  }
0x9f: {  	s3 =	ssub.s32 $0x0, s20;
	[sflag:s22] =	ssyncset.done $0x0  }
0xa0: {  	[sflag:s22] =	ssyncadd.s32 s3;
	_ =	sdelay $0x1  }
0xa1: {  	s23 =	simm.s32 $0x1B8B  }
0xa2: {  	_ =	swait.ge [sflag:s23], $0x1  }
0xa3: {  	[sflag:s23] =	ssyncset.done $0x0  }
0xa4: {  	s25 =	simm.s32 $0x1B8E;
	s24 =	sld [smem:$0x3FFE];
	[sflag:s23] =	ssyncadd.s32 $0xFFFFFFFF  }
0xa5: {  	s26 =	simm.s32 $execute0_lowered;
	[smem:$0x3FD2] =	sst s25  }
0xa6: {  	s4 =	sshll.u32 s26, $0x1;
	_ =	strace $0x80000055;
	[dreg:$0x1] =	wrdreg $0xFFFFFFFF  }
0xa7: {  	s28 =	simm.s32 $_size_execute0_lowered;
	s2 =	sadd.s32 s2, s4;
	[dreg:$0x0] =	wrdreg $0x0  }
0xa8: {  	s4 =	sshll.u32 s28, $0x1;
	[dreg:$0x2] =	wrdreg s2  }
0xa9: {  	[dreg:$0x3] =	wrdreg s4  }
0xaa: {  	[dreg:$0x4] =	wrdreg $0xC0  }
0xab: {  	_ =	task [dreg:s6], $0x5FFFF  }
0xac: {  	[dreg:$0x1] =	wrdreg $0xFFFFFFFF  }
0xad: {  	[dreg:$0x0] =	wrdreg $0x60  }
0xae: {  	[dreg:$0x2] =	wrdreg s24  }
0xaf: {  	[dreg:$0x3] =	wrdreg $0x9  }
0xb0: {  	_ =	task.clear_ibuf [dreg:s6], $0x4FFFF;
	_ =	strace $0x90000055  }
0xb1: {  	s29 =	simm.s32 $0x9;
	_ =	strace $0x80000057  }
0xb2: {  	_ =	swait.ge [sflag:s29], $0x1  }
0xb3: {  	[sflag:s29] =	ssyncadd.s32 $0xFFFFFFFF  }
0xb4: {  	_ =	strace $0x90000057  }
0xb5: {  	_ =	sfence  }
0xb6: {  	s30 =	sld [smem:$0x0];
	_ =	sdelay $0x2  }
0xb7: {  	s31 =	sshll.u32 s1, $0xD;
	s1 =	sshrl.u32 s1, $0x2  }
0xb8: {  	s3 =	sand.u32 $0x4000, s31;
	s1 =	sadd.s32 s1, s30  }
0xb9: {  	s0 =	sor.u32 s3, s0;
	s1 =	sshll.u32 s1, $0x11  }
0xba: {  	s0 =	sor.u32 s1, s0  }
0xbb: {  	s0 =	sadd.s32 $0x8F2B, s0  }
0xbc: {  	[sflag:s0] =	ssyncadd.remote.s32 $0x1  }
0xbd: {  	_ =	sfence.sel $0xFFFF  }
0xbe: {  	[dreg:$0x0] =	wrdreg $0xFFFFFFFF;
	(pc) =	sbr.abs _section_cstart, $3  }
0xbf: {  	[dreg:$0x1] =	wrdreg $0xFFFFFFFF  }
0xc0: {  	_ =	task.clear_ibuf [dreg:s6], $0x2FFFF;
	_ =	strace $0x9FFFFFFF  }
0xc1: {  	(tm) =	ssettm $0x7FFFFFFF  }
tec
execute0_lowered:
.L_overlay_start_1:
0x0: {  	(tag) =	ssettag $0x1  }
0x1: {  	s0 =	rddreg [dreg:$0x0]  }
0x2: {  	s1 =	srdreg.scid;
	s6 =	stileid.u32  }
0x3: {  	s2 =	simm.s32 $0x0;
	s24 =	simm.s32 $0x900;
	s25 =	simm.s32 $0x1100  }
0x4: {  	s26 =	simm.s32 $0x1900;
	s9 =	simm.s32 $0x2900;
	s10 =	simm.s32 $0x3100  }
0x5: {  	s11 =	simm.s32 $0x3900;
	s12 =	simm.s32 $0x4100;
	s13 =	simm.s32 $0x4900  }
0x6: {  	s14 =	simm.s32 $0x5100;
	s15 =	simm.s32 $0x5900;
	s16 =	simm.s32 $0x6100  }
0x7: {  	s17 =	simm.s32 $0x6900;
	s18 =	simm.s32 $0x7100;
	s19 =	simm.s32 $0x7900  }
0x8: {  	s28 =	simm.s32 $0xB900;
	s29 =	simm.s32 $0xC100;
	s30 =	simm.s32 $0x1  }
0x9: {  	s31 =	simm.s32 $0x0;
	s1 =	sand.u32 $0x1, s1;
	s4 =	smul.u32 $0x2710, s6  }
0xa: {  	[smem:$0x7FF] =	sst s2;
	s3 =	sadd.s32 $0x5E400, s0;
	s20 =	smul.u32 $0x4E200, s6  }
0xb: {  	s6 =	simm.s32 $0x2;
	_ =	strace $0x80000056;
	[dreg:$0x3] =	wrdreg s24  }
0xc: {  	s5 =	smul.u32 $0x1388, s1;
	s21 =	ssub.s32 $0x2, s1;
	[dreg:$0x4] =	wrdreg s25  }
0xd: {  	s1 =	smul.u32 $0x27100, s1;
	[dreg:$0x5] =	wrdreg s26;
	s24 =	simm.s32 $0xA100  }
0xe: {  	s25 =	simm.s32 $0xA900;
	s7 =	sshrl.u32 s21, $0x1;
	s4 =	sadd.s32 s5, s4  }
0xf: {  	s26 =	simm.s32 $0xB100;
	s22 =	ssub.s32 s21, s7;
	s4 =	sshrl.u32 s4, $0x3  }
0x10: {  	s7 =	simm.s32 $0x100;
	s21 =	simm.s32 $0x8900;
	s8 =	sadd.s32 s4, s0  }
0x11: {  	s0 =	sadd.s32 s20, s0;
	s4 =	smax.u32 s22, $0x1;
	s20 =	simm.s32 $0x8100  }
0x12: {  	v2 =	vlaneseq.u32;
	[dreg:$0x6] =	wrdreg s4;
	s0 =	sadd.s32 s1, s0;
	s23 =	sadd.s32 $0x6200, s8  }
0x13: {  	vm0 =	vmmov $0xffff;
	v1 =	vshrl.u32 v2, $0x3;
	s22 =	simm.s32 $0x9100;
	s0 =	sadd.s32 $0x2A9200, s0;
	[dreg:$0x2] =	wrdreg s23  }
0x14: {  	v0 =	vand.u32 $0x7, v2;
	v2 =	vor.u32 $0x8, v2;
	v1 =	vmul.u32 $0x8, v1;
	s8 =	simm.s32 $0x2100;
	s23 =	simm.s32 $0x9900;
	[dreg:$0x7] =	wrdreg s0  }
.LBB2_1:
0x15: {  	s5 =	rddreg [dreg:$0x7];
	s1 =	simm.s32 $0x0  }
.LBB2_2:
0x16: {  	s4 =	rddreg [dreg:$0x2]  }
0x17: {  	s4 =	sadd.s32 s1, s4  }
0x18: {  	[tilespmem:s2], [sflag:$0x2] =	stream.linear.gather [hbm4b:s4+s2], $0xC8, $0x38;
	[tilespmem:$0xC900] =	vst v63  }
0x19: {  	_ =	swait.ge [sflag:s6], $0xC8  }
0x1a: {  	[sflag:s6] =	ssyncset.done $0x0  }
0x1b: {  	[sflag:s6] =	ssyncadd.s32 $0xFFFFFF38  }
0x1c: {  	v3 =	vld [tilespmem:$0x0];
	_ =	sdelay $0x4  }
0x1d: {  	v4 =	vshll.u32 v3, $0x1  }
0x1e: {  	v3 =	vand.u32 $0x7, v3;
	v4 =	vand.u32 $0xFFFFFFF0, v4  }
0x1f: {  	v3 =	vor.u32 v3, v4  }
0x20: {  	v4 =	vperm.xlane v3, v0;
	_ =	sdelay $0x1  }
0x21: {  	v3 =	vperm.xlane v3, v2;
	v4 =	vadd.s32 v1, v4;
	_ =	sdelay $0x1  }
0x22: {  	v3 =	vadd.s32 v1, v3;
	_ =	sdelay $0x2  }
0x23: {  	[tilespmem:s7], [sflag:$0x1] =	stream.indirect_vreg.gather [hbm4b:s3+s2], $0x80, v4, vm0, $0xb8;
	[tilespmem:$0xC900] =	vst v63  }
0x24: {  	s0 =	rddreg [dreg:$0x3]  }
0x25: {  	[tilespmem:s0], [sflag:$0x1] =	stream.indirect_vreg.gather [hbm4b:s3+s2], $0x80, v3, vm0, $0xb8;
	[tilespmem:$0xC900] =	vst v63  }
0x26: {  	v3 =	vld [tilespmem:$0x10];
	_ =	sdelay $0x4  }
0x27: {  	v52 =	vshll.u32 v3, $0x1  }
0x28: {  	v3 =	vand.u32 $0x7, v3;
	v4 =	vand.u32 $0xFFFFFFF0, v52  }
0x29: {  	v3 =	vor.u32 v3, v4  }
0x2a: {  	v4 =	vperm.xlane v3, v0;
	_ =	sdelay $0x1  }
0x2b: {  	v3 =	vperm.xlane v3, v2;
	v4 =	vadd.s32 v1, v4;
	_ =	sdelay $0x1  }
0x2c: {  	v3 =	vadd.s32 v1, v3;
	_ =	sdelay $0x1  }
0x2d: {  	s4 =	rddreg [dreg:$0x4]  }
0x2e: {  	[tilespmem:s4], [sflag:$0x1] =	stream.indirect_vreg.gather [hbm4b:s3+s2], $0x80, v4, vm0, $0xb8;
	[tilespmem:$0xC900] =	vst v63  }
0x2f: {  	s0 =	rddreg [dreg:$0x5]  }
0x30: {  	[tilespmem:s0], [sflag:$0x1] =	stream.indirect_vreg.gather [hbm4b:s3+s2], $0x80, v3, vm0, $0xb8;
	[tilespmem:$0xC900] =	vst v63  }
0x31: {  	v3 =	vld [tilespmem:$0x20];
	_ =	sdelay $0x4  }
0x32: {  	v53 =	vshll.u32 v3, $0x1  }
0x33: {  	v3 =	vand.u32 $0x7, v3;
	v4 =	vand.u32 $0xFFFFFFF0, v53  }
0x34: {  	v3 =	vor.u32 v3, v4  }
0x35: {  	v4 =	vperm.xlane v3, v0;
	_ =	sdelay $0x1  }
0x36: {  	v3 =	vperm.xlane v3, v2;
	v4 =	vadd.s32 v1, v4;
	_ =	sdelay $0x1  }
0x37: {  	v3 =	vadd.s32 v1, v3;
	_ =	sdelay $0x2  }
0x38: {  	[tilespmem:s8], [sflag:$0x1] =	stream.indirect_vreg.gather [hbm4b:s3+s2], $0x80, v4, vm0, $0xb8;
	[tilespmem:$0xC900] =	vst v63  }
0x39: {  	_ = 	snop  }
0x3a: {  	[tilespmem:s9], [sflag:$0x1] =	stream.indirect_vreg.gather [hbm4b:s3+s2], $0x80, v3, vm0, $0xb8;
	[tilespmem:$0xC900] =	vst v63  }
0x3b: {  	v3 =	vld [tilespmem:$0x30];
	_ =	sdelay $0x4  }
0x3c: {  	v54 =	vshll.u32 v3, $0x1  }
0x3d: {  	v3 =	vand.u32 $0x7, v3;
	v4 =	vand.u32 $0xFFFFFFF0, v54  }
0x3e: {  	v3 =	vor.u32 v3, v4  }
0x3f: {  	v4 =	vperm.xlane v3, v0;
	_ =	sdelay $0x1  }
0x40: {  	v3 =	vperm.xlane v3, v2;
	v4 =	vadd.s32 v1, v4;
	_ =	sdelay $0x1  }
0x41: {  	v3 =	vadd.s32 v1, v3;
	_ =	sdelay $0x2  }
0x42: {  	[tilespmem:s10], [sflag:$0x1] =	stream.indirect_vreg.gather [hbm4b:s3+s2], $0x80, v4, vm0, $0xb8;
	[tilespmem:$0xC900] =	vst v63  }
0x43: {  	_ = 	snop  }
0x44: {  	[tilespmem:s11], [sflag:$0x1] =	stream.indirect_vreg.gather [hbm4b:s3+s2], $0x80, v3, vm0, $0xb8;
	[tilespmem:$0xC900] =	vst v63  }
0x45: {  	v3 =	vld [tilespmem:$0x40];
	_ =	sdelay $0x4  }
0x46: {  	v55 =	vshll.u32 v3, $0x1  }
0x47: {  	v3 =	vand.u32 $0x7, v3;
	v4 =	vand.u32 $0xFFFFFFF0, v55  }
0x48: {  	v3 =	vor.u32 v3, v4  }
0x49: {  	v4 =	vperm.xlane v3, v0;
	_ =	sdelay $0x1  }
0x4a: {  	v3 =	vperm.xlane v3, v2;
	v4 =	vadd.s32 v1, v4;
	_ =	sdelay $0x1  }
0x4b: {  	v3 =	vadd.s32 v1, v3;
	_ =	sdelay $0x2  }
0x4c: {  	[tilespmem:s12], [sflag:$0x1] =	stream.indirect_vreg.gather [hbm4b:s3+s2], $0x80, v4, vm0, $0xb8;
	[tilespmem:$0xC900] =	vst v63  }
0x4d: {  	_ = 	snop  }
0x4e: {  	[tilespmem:s13], [sflag:$0x1] =	stream.indirect_vreg.gather [hbm4b:s3+s2], $0x80, v3, vm0, $0xb8;
	[tilespmem:$0xC900] =	vst v63  }
0x4f: {  	v3 =	vld [tilespmem:$0x50];
	_ =	sdelay $0x4  }
0x50: {  	v56 =	vshll.u32 v3, $0x1  }
0x51: {  	v3 =	vand.u32 $0x7, v3;
	v4 =	vand.u32 $0xFFFFFFF0, v56  }
0x52: {  	v3 =	vor.u32 v3, v4  }
0x53: {  	v4 =	vperm.xlane v3, v0;
	_ =	sdelay $0x1  }
0x54: {  	v3 =	vperm.xlane v3, v2;
	v4 =	vadd.s32 v1, v4;
	_ =	sdelay $0x1  }
0x55: {  	v3 =	vadd.s32 v1, v3;
	_ =	sdelay $0x2  }
0x56: {  	[tilespmem:s14], [sflag:$0x1] =	stream.indirect_vreg.gather [hbm4b:s3+s2], $0x80, v4, vm0, $0xb8;
	[tilespmem:$0xC900] =	vst v63  }
0x57: {  	_ = 	snop  }
0x58: {  	[tilespmem:s15], [sflag:$0x1] =	stream.indirect_vreg.gather [hbm4b:s3+s2], $0x80, v3, vm0, $0xb8;
	[tilespmem:$0xC900] =	vst v63  }
0x59: {  	v3 =	vld [tilespmem:$0x60];
	_ =	sdelay $0x4  }
0x5a: {  	v57 =	vshll.u32 v3, $0x1  }
0x5b: {  	v3 =	vand.u32 $0x7, v3;
	v4 =	vand.u32 $0xFFFFFFF0, v57  }
0x5c: {  	v3 =	vor.u32 v3, v4  }
0x5d: {  	v4 =	vperm.xlane v3, v0;
	_ =	sdelay $0x1  }
0x5e: {  	v3 =	vperm.xlane v3, v2;
	v4 =	vadd.s32 v1, v4;
	_ =	sdelay $0x1  }
0x5f: {  	v3 =	vadd.s32 v1, v3;
	_ =	sdelay $0x2  }
0x60: {  	[tilespmem:s16], [sflag:$0x1] =	stream.indirect_vreg.gather [hbm4b:s3+s2], $0x80, v4, vm0, $0xb8;
	[tilespmem:$0xC900] =	vst v63  }
0x61: {  	_ = 	snop  }
0x62: {  	[tilespmem:s17], [sflag:$0x1] =	stream.indirect_vreg.gather [hbm4b:s3+s2], $0x80, v3, vm0, $0xb8;
	[tilespmem:$0xC900] =	vst v63  }
0x63: {  	v3 =	vld [tilespmem:$0x70];
	_ =	sdelay $0x4  }
0x64: {  	v58 =	vshll.u32 v3, $0x1  }
0x65: {  	v3 =	vand.u32 $0x7, v3;
	v4 =	vand.u32 $0xFFFFFFF0, v58  }
0x66: {  	v3 =	vor.u32 v3, v4  }
0x67: {  	v4 =	vperm.xlane v3, v0;
	_ =	sdelay $0x1  }
0x68: {  	v3 =	vperm.xlane v3, v2;
	v4 =	vadd.s32 v1, v4;
	_ =	sdelay $0x1  }
0x69: {  	v3 =	vadd.s32 v1, v3;
	_ =	sdelay $0x2  }
0x6a: {  	[tilespmem:s18], [sflag:$0x1] =	stream.indirect_vreg.gather [hbm4b:s3+s2], $0x80, v4, vm0, $0xb8;
	[tilespmem:$0xC900] =	vst v63  }
0x6b: {  	_ = 	snop  }
0x6c: {  	[tilespmem:s19], [sflag:$0x1] =	stream.indirect_vreg.gather [hbm4b:s3+s2], $0x80, v3, vm0, $0xb8;
	[tilespmem:$0xC900] =	vst v63  }
0x6d: {  	v3 =	vld [tilespmem:$0x80];
	_ =	sdelay $0x4  }
0x6e: {  	v59 =	vshll.u32 v3, $0x1  }
0x6f: {  	v3 =	vand.u32 $0x7, v3;
	v4 =	vand.u32 $0xFFFFFFF0, v59  }
0x70: {  	v3 =	vor.u32 v3, v4  }
0x71: {  	v4 =	vperm.xlane v3, v0;
	_ =	sdelay $0x1  }
0x72: {  	v3 =	vperm.xlane v3, v2;
	v4 =	vadd.s32 v1, v4;
	_ =	sdelay $0x1  }
0x73: {  	v3 =	vadd.s32 v1, v3;
	_ =	sdelay $0x2  }
0x74: {  	[tilespmem:s20], [sflag:$0x1] =	stream.indirect_vreg.gather [hbm4b:s3+s2], $0x80, v4, vm0, $0xb8;
	[tilespmem:$0xC900] =	vst v63  }
0x75: {  	_ = 	snop  }
0x76: {  	[tilespmem:s21], [sflag:$0x1] =	stream.indirect_vreg.gather [hbm4b:s3+s2], $0x80, v3, vm0, $0xb8;
	[tilespmem:$0xC900] =	vst v63  }
0x77: {  	v3 =	vld [tilespmem:$0x90];
	_ =	sdelay $0x4  }
0x78: {  	v60 =	vshll.u32 v3, $0x1  }
0x79: {  	v3 =	vand.u32 $0x7, v3;
	v4 =	vand.u32 $0xFFFFFFF0, v60  }
0x7a: {  	v3 =	vor.u32 v3, v4  }
0x7b: {  	v4 =	vperm.xlane v3, v0;
	_ =	sdelay $0x1  }
0x7c: {  	v3 =	vperm.xlane v3, v2;
	v4 =	vadd.s32 v1, v4;
	_ =	sdelay $0x1  }
0x7d: {  	v3 =	vadd.s32 v1, v3;
	_ =	sdelay $0x2  }
0x7e: {  	[tilespmem:s22], [sflag:$0x1] =	stream.indirect_vreg.gather [hbm4b:s3+s2], $0x80, v4, vm0, $0xb8;
	[tilespmem:$0xC900] =	vst v63  }
0x7f: {  	_ = 	snop  }
0x80: {  	[tilespmem:s23], [sflag:$0x1] =	stream.indirect_vreg.gather [hbm4b:s3+s2], $0x80, v3, vm0, $0xb8;
	[tilespmem:$0xC900] =	vst v63  }
0x81: {  	v3 =	vld [tilespmem:$0xA0];
	_ =	sdelay $0x4  }
0x82: {  	v61 =	vshll.u32 v3, $0x1  }
0x83: {  	v3 =	vand.u32 $0x7, v3;
	v4 =	vand.u32 $0xFFFFFFF0, v61  }
0x84: {  	v3 =	vor.u32 v3, v4  }
0x85: {  	v4 =	vperm.xlane v3, v0;
	_ =	sdelay $0x1  }
0x86: {  	v3 =	vperm.xlane v3, v2;
	v4 =	vadd.s32 v1, v4;
	_ =	sdelay $0x1  }
0x87: {  	v3 =	vadd.s32 v1, v3;
	_ =	sdelay $0x2  }
0x88: {  	[tilespmem:s24], [sflag:$0x1] =	stream.indirect_vreg.gather [hbm4b:s3+s2], $0x80, v4, vm0, $0xb8;
	[tilespmem:$0xC900] =	vst v63  }
0x89: {  	_ = 	snop  }
0x8a: {  	[tilespmem:s25], [sflag:$0x1] =	stream.indirect_vreg.gather [hbm4b:s3+s2], $0x80, v3, vm0, $0xb8;
	[tilespmem:$0xC900] =	vst v63  }
0x8b: {  	v3 =	vld [tilespmem:$0xB0];
	_ =	sdelay $0x4  }
0x8c: {  	v62 =	vshll.u32 v3, $0x1  }
0x8d: {  	v3 =	vand.u32 $0x7, v3;
	v4 =	vand.u32 $0xFFFFFFF0, v62  }
0x8e: {  	v3 =	vor.u32 v3, v4  }
0x8f: {  	v4 =	vperm.xlane v3, v0;
	_ =	sdelay $0x1  }
0x90: {  	v3 =	vperm.xlane v3, v2;
	v4 =	vadd.s32 v1, v4;
	_ =	sdelay $0x1  }
0x91: {  	v3 =	vadd.s32 v1, v3;
	_ =	sdelay $0x2  }
0x92: {  	[tilespmem:s26], [sflag:$0x1] =	stream.indirect_vreg.gather [hbm4b:s3+s2], $0x80, v4, vm0, $0xb8;
	[tilespmem:$0xC900] =	vst v63  }
0x93: {  	_ = 	snop  }
0x94: {  	[tilespmem:s28], [sflag:$0x1] =	stream.indirect_vreg.gather [hbm4b:s3+s2], $0x80, v3, vm0, $0xb8;
	[tilespmem:$0xC900] =	vst v63  }
0x95: {  	v3 =	vld.msk [tilespmem:$0xC0], $0xff;
	_ =	sdelay $0x4  }
0x96: {  	v63 =	vshll.u32 v3, $0x1  }
0x97: {  	v3 =	vand.u32 $0x7, v3;
	v4 =	vand.u32 $0xFFFFFFF0, v63  }
0x98: {  	v3 =	vor.u32 v3, v4  }
0x99: {  	v3 =	vperm.xlane v3, v0;
	_ =	sdelay $0x1  }
0x9a: {  	v3 =	vadd.s32 v1, v3;
	_ =	sdelay $0x4  }
0x9b: {  	[tilespmem:s29], [sflag:$0x1] =	stream.indirect_vreg.gather [hbm4b:s3+s2], $0x80, v3, vm0, $0xb8;
	[tilespmem:$0xC900] =	vst v63  }
0x9c: {  	_ =	swait.ge [sflag:s30], $0xC800  }
0x9d: {  	p0 =	sne.s32 s1, $0x258;
	[sflag:s30] =	ssyncset.done $0x0  }
.Ltmp0:
0x9e: {  	[sflag:s30] =	ssyncadd.s32 $0xFFFF3800;
	(pc) =	sbr.rel @p0 .LBB2_2-.Ltmp0, $4  }
0x9f: {  	[hbm4b:s5+s2] =	stream.linear.scatter [tilespmem:s7], [sflag:$0x2], $0xC800, $0x38;
	[tilespmem:$0xC900] =	vst v63  }
0xa0: {  	_ =	swait.ge [sflag:s6], $0xC800  }
0xa1: {  	[sflag:s6] =	ssyncset.done $0x0  }
0xa2: {  	s1 =	sadd.s32 $0x19, s1;
	s5 =	sadd.s32 $0x1900, s5;
	[sflag:s6] =	ssyncadd.s32 $0xFFFF3800  }
0xa3: {  	s31 =	sadd.s32 $0x1, s31;
	s0 =	rddreg [dreg:$0x6]  }
0xa4: {  	p0 =	sne.s32 s31, s0  }
.Ltmp1:
0xa5: {  	_ = 	snop;
	(pc) =	sbr.rel @p0 .LBB2_1-.Ltmp1, $1  }
0xa6: {  	_ =	sdelay $0x3  }
0xa7: {  	_ =	sfence.sel $0x180000  }
0xa8: {  	[bflag:$0x0] =	sbarrier.arrive $0xFFFF  }
0xa9: {  	_ =	strace $0x90000056  }
0xaa: {  	s0 =	stileid.u32;
	[bflag:$0x2] =	sbarrier.arrive $0xFFFF  }
0xab: {  	p0 =	sne.s32 s0, $0x0;
	s0 =	rddreg [dreg:$0x1]  }
0xac: {  	s0 =	sadd.s32 @!p0 $0x100000, s0  }
0xad: {  	[sflag:s0] =	ssyncadd.tile.s32 @!p0 $0x1;
	_ =	shalt  }
.Lfunc_end2:
_tile_overlayer_lowered:
.L_overlay_start_2:
0xae: {  	(tag) =	ssettag $0x2  }
0xaf: {  	s0 =	rddreg [dreg:$0x0];
	s2 =	stileid.u32  }
0xb0: {  	s1 =	rddreg [dreg:$0x1];
	p0 =	sne.s32 s2, $0x0  }
0xb1: {  	s3 =	rddreg [dreg:$0x2];
	[bflag:$0x3] =	sbarrier.arrive $0xFFFF;
	s2 =	simm.s32 @!p0 $0x1C02  }
0xb2: {  	[timem:s3], [sflag:s2] =	dma.local @!p0 [hbm:s0], s1  }
0xb3: {  	s0 =	simm.s32 @!p0 $0x2  }
0xb4: {  	_ =	swait.ge @!p0 [sflag:s0], s1  }
0xb5: {  	s1 =	ssub.s32 @!p0 $0x0, s1;
	[sflag:s0] =	ssyncset.done @!p0 $0x0  }
0xb6: {  	[sflag:s0] =	ssyncadd.s32 @!p0 s1  }
0xb7: {  	[bflag:$0x3] =	sbarrier.arrive $0xFFFF  }
0xb8: {  	_ =	shalt  }

// kernel: kernel.34.cloned.1.call-start
scs
__scs_entry_jumppad:
0x0: {  	(pc) =	sbr.rel $0x88, $3  }
0x1: {  	(tag) =	ssettag $0x0;
	lr =	simm.s32 $0x1  }
0x2: {  	[smem:$0x3F8F] =	sst lr;
	_ =	strace $0xD0000000  }
0x3: {  	_ = 	snop  }
0x4: {  	_ = 	snop  }
0x5: {  	_ = 	snop  }
0x6: {  	_ = 	snop  }
0x7: {  	_ = 	snop  }
__scs_overlays_trampoline_lowered:
0x8: {  	[smem:$0x3F9E] =	sst s0  }
0x9: {  	[smem:$0x3F9F] =	sst s1  }
0xa: {  	[smem:$0x3FA0] =	sst s2  }
0xb: {  	[smem:$0x3FA1] =	sst s3  }
0xc: {  	[smem:$0x3FA2] =	sst s4  }
0xd: {  	[smem:$0x3FA3] =	sst s5  }
0xe: {  	[smem:$0x3FA4] =	sst s6  }
0xf: {  	[smem:$0x3FA5] =	sst s7  }
0x10: {  	[smem:$0x3FA6] =	sst s8  }
0x11: {  	[smem:$0x3FA7] =	sst s9;
	s0 =	simm.s32 @!p0 $0x0  }
0x12: {  	s1 =	sld [smem:$0x3F8D];
	s0 =	simm.s32 @p0 $0x1  }
0x13: {  	[smem:$0x3FA8] =	sst s0;
	s0 =	simm.s32 @!p1 $0x0  }
0x14: {  	s2 =	sld [smem:$0x3F8C];
	s0 =	simm.s32 @p1 $0x1  }
0x15: {  	[smem:$0x3FA9] =	sst s0;
	s0 =	simm.s32 @!p2 $0x0  }
0x16: {  	s3 =	sld [smem:$0x3FDB];
	s0 =	simm.s32 @p2 $0x1  }
0x17: {  	s4 =	simm.s32 $0x1BF5;
	[smem:$0x3FAB] =	sst s0  }
0x18: {  	s0 =	sld [smem:$0x3F8E];
	_ =	swait.ge [sflag:s4], $0x0  }
0x19: {  	s7 =	sld [smem:$0x3F8F]  }
0x1a: {  	s8 =	sadd.s32 $0xFFFFE003, lr  }
0x1b: {  	s9 =	sadd.s32 $0xFFFFFEF7, lr;
	s5 =	simm.s32 $0xFFFFFFFF;
	p2 =	slt.u32 s8, $0xFFFFF086  }
0x1c: {  	p1 =	slt.u32 s9, $0xF7A;
	s5 =	simm.s32 @!p2 $0x0  }
0x1d: {  	s5 =	simm.s32 @p1 $0x1;
	p0 =	seq.s32 s7, s2  }
0x1e: {  	s7 =	smul.u32 @!p0 $0xF7A, s2;
	p2 =	seq.s32 @!p0 s5, $0x0  }
0x1f: {  	s9 =	smul.u32 $0xF7A, s1;
	s8 =	simm.s32 @!p0 $0x1BF5;
	p2 =	por !p2, p0  }
0x20: {  	[sflag:s8] =	ssyncset.s32 @!p0 $0xFFFFF086;
	s6 =	sadd.s32 @!p0 s3, s7;
	s7 =	simm.s32 @!p0 $0x108  }
0x21: {  	s3 =	sadd.s32 s3, s9;
	s6 =	sadd.s32 @!p0 $0x88, s6;
	s7 =	simm.s32 @p2 $0x1082  }
0x22: {  	[simem:s7], [sflag:s8] =	dma.local @!p0 [hbm:s6], $0xF7A  }
0x23: {  	s9 =	sor.u32 $0xD0000000, s2;
	s6 =	simm.s32 $0x108;
	_ =	swait.ge @!p0 [sflag:s8], $0x0  }
0x24: {  	s3 =	sadd.s32 $0x88, s3;
	s6 =	simm.s32 @!p1 $0x1082;
	[sflag:s4] =	ssyncset.s32 $0xFFFFF086  }
0x25: {  	[simem:s6], [sflag:s4] =	dma.local [hbm:s3], $0xF7A  }
0x26: {  	[smem:$0x3F8F] =	sst s1;
	(tag) =	ssettag s2;
	_ =	strace s9  }
0x27: {  	s1 =	sld [smem:$0x3F9F]  }
0x28: {  	s2 =	sld [smem:$0x3FA0]  }
0x29: {  	s4 =	sld [smem:$0x3FA2]  }
0x2a: {  	p0 =	seq.s32 s5, $0x0;
	s5 =	sld [smem:$0x3FA3]  }
0x2b: {  	s6 =	sld [smem:$0x3FA4]  }
0x2c: {  	s7 =	sld [smem:$0x3FA5]  }
0x2d: {  	s3 =	simm.s32 $0x108;
	s8 =	sld [smem:$0x3FA6]  }
0x2e: {  	s3 =	simm.s32 @!p0 $0x1082;
	s9 =	sld [smem:$0x3FA7]  }
0x2f: {  	lr =	sadd.s32 s0, s3;
	s0 =	sld [smem:$0x3F9E]  }
0x30: {  	s3 =	sld [smem:$0x3FA1]  }
0x31: {  	[smem:$0x3FAA] =	sst s10  }
0x32: {  	s10 =	sld [smem:$0x3FA8];
	_ =	sdelay $0x3  }
0x33: {  	p0 =	seq.s32 s10, $0x1;
	s10 =	sld [smem:$0x3FAA];
	_ =	sdelay $0x3  }
0x34: {  	[smem:$0x3FAA] =	sst s10  }
0x35: {  	s10 =	sld [smem:$0x3FA9];
	_ =	sdelay $0x3  }
0x36: {  	p1 =	seq.s32 s10, $0x1;
	s10 =	sld [smem:$0x3FAA];
	_ =	sdelay $0x3  }
0x37: {  	[smem:$0x3FAA] =	sst s10  }
0x38: {  	s10 =	sld [smem:$0x3FAB]  }
0x39: {  	_ = 	snop;
	(pc) =	sbr.ind lr, $3  }
0x3a: {  	_ = 	snop  }
0x3b: {  	_ = 	snop  }
0x3c: {  	p2 =	seq.s32 s10, $0x1;
	s10 =	sld [smem:$0x3FAA]  }
0x3d: {  	_ =	shalt  }
0x3e: {  	_ =	shalt  }
0x3f: {  	_ =	shalt  }
0x40: {  	_ =	shalt  }
0x41: {  	_ =	shalt  }
0x42: {  	_ =	shalt  }
0x43: {  	_ =	shalt  }
0x44: {  	_ =	shalt  }
0x45: {  	_ =	shalt  }
0x46: {  	_ =	shalt  }
0x47: {  	_ =	shalt  }
0x48: {  	_ =	shalt  }
0x49: {  	_ =	shalt  }
0x4a: {  	_ =	shalt  }
0x4b: {  	_ =	shalt  }
0x4c: {  	_ =	shalt  }
0x4d: {  	_ =	shalt  }
0x4e: {  	_ =	shalt  }
0x4f: {  	_ =	shalt  }
0x50: {  	_ =	shalt  }
0x51: {  	_ =	shalt  }
0x52: {  	_ =	shalt  }
0x53: {  	_ =	shalt  }
0x54: {  	_ =	shalt  }
0x55: {  	_ =	shalt  }
0x56: {  	_ =	shalt  }
0x57: {  	_ =	shalt  }
0x58: {  	_ =	shalt  }
0x59: {  	_ =	shalt  }
0x5a: {  	_ =	shalt  }
0x5b: {  	_ =	shalt  }
0x5c: {  	_ =	shalt  }
0x5d: {  	_ =	shalt  }
0x5e: {  	_ =	shalt  }
0x5f: {  	_ =	shalt  }
0x60: {  	_ =	shalt  }
0x61: {  	_ =	shalt  }
0x62: {  	_ =	shalt  }
0x63: {  	_ =	shalt  }
0x64: {  	_ =	shalt  }
0x65: {  	_ =	shalt  }
0x66: {  	_ =	shalt  }
0x67: {  	_ =	shalt  }
0x68: {  	_ =	shalt  }
0x69: {  	_ =	shalt  }
0x6a: {  	_ =	shalt  }
0x6b: {  	_ =	shalt  }
0x6c: {  	_ =	shalt  }
0x6d: {  	_ =	shalt  }
0x6e: {  	_ =	shalt  }
0x6f: {  	_ =	shalt  }
0x70: {  	_ =	shalt  }
0x71: {  	_ =	shalt  }
0x72: {  	_ =	shalt  }
0x73: {  	_ =	shalt  }
0x74: {  	_ =	shalt  }
0x75: {  	_ =	shalt  }
0x76: {  	_ =	shalt  }
0x77: {  	_ =	shalt  }
0x78: {  	_ =	shalt  }
0x79: {  	_ =	shalt  }
0x7a: {  	_ =	shalt  }
0x7b: {  	_ =	shalt  }
0x7c: {  	_ =	shalt  }
0x7d: {  	_ =	shalt  }
0x7e: {  	_ =	shalt  }
0x7f: {  	_ =	shalt  }
0x80: {  	_ =	shalt  }
0x81: {  	_ =	shalt  }
0x82: {  	_ =	shalt  }
0x83: {  	_ =	shalt  }
0x84: {  	_ =	shalt  }
0x85: {  	_ =	shalt  }
0x86: {  	_ =	shalt  }
0x87: {  	_ =	shalt  }
.Lfunc_end0:
.L_simem_size_0:
called_computation.7_lowered:
.L_overlay_start_0:
0x88: {  	s2 =	sld [smem:$0x3FD9]  }
0x89: {  	s3 =	sld [smem:$0x3FFE];
	_ =	sdelay $0x1  }
0x8a: {  	s1 =	srdreg.scid  }
0x8b: {  	s0 =	sand.u32 $0x1, s1  }
0x8c: {  	s17 =	sshll.u32 s0, $0xA;
	s2 =	sadd.s32 s3, s2  }
0x8d: {  	s2 =	sadd.s32 s2, s17  }
0x8e: {  	[smem:$0x3FB6] =	sst s2  }
0x8f: {  	_ = 	snop  }
0x90: {  	(tm) =	ssettm $0x1  }
0x91: {  	s18 =	sld [smem:$0x3FFB];
	_ =	sdelay $0x3  }
0x92: {  	_ =	strace s18  }
0x93: {  	s2 =	sld [smem:$0x3FFC];
	_ =	sdelay $0x3  }
0x94: {  	_ =	strace s2  }
0x95: {  	s2 =	sld [smem:$0x3FFD];
	_ =	sdelay $0x3  }
0x96: {  	_ =	strace s2  }
0x97: {  	_ =	strace $0x8FFFFFFF  }
0x98: {  	s19 =	sld [smem:$0x3FDB];
	_ =	sdelay $0x1  }
0x99: {  	s20 =	simm.s32 $_scs_section_size  }
0x9a: {  	s4 =	simm.s32 $_size__tile_overlayer_lowered;
	s5 =	simm.s32 $_tile_overlayer_lowered  }
0x9b: {  	s6 =	simm.s32 $0x1BFF;
	s21 =	sshll.u32 s5, $0x1;
	s3 =	sadd.s32 s20, s19  }
0x9c: {  	s22 =	simm.s32 $0x0;
	s4 =	sshll.u32 s4, $0x1;
	s5 =	sadd.s32 s21, s3  }
0x9d: {  	[timem:s22], [sflag:s6] =	dma.local [hbm:s5], s4  }
0x9e: {  	_ =	swait.ge [sflag:s6], s4  }
0x9f: {  	s4 =	ssub.s32 $0x0, s4;
	[sflag:s6] =	ssyncset.done $0x0  }
0xa0: {  	[sflag:s6] =	ssyncadd.s32 s4;
	_ =	sdelay $0x1  }
0xa1: {  	s23 =	simm.s32 $0x1B8B  }
0xa2: {  	_ =	swait.ge [sflag:s23], $0x1  }
0xa3: {  	[sflag:s23] =	ssyncset.done $0x0  }
0xa4: {  	[sflag:s23] =	ssyncadd.s32 $0xFFFFFFFF  }
0xa5: {  	s4 =	sld [smem:$0x0]  }
0xa6: {  	s5 =	sand.u32 $0xFFFFFFFE, s1  }
0xa7: {  	p0 =	sne.s32 s1, s5  }
0xa8: {  	s5 =	sshll.u32 @p0 s5, $0xE  }
0xa9: {  	s5 =	sadd.s32 @p0 $0x11B8D, s5;
	s6 =	sshll.u32 @p0 s4, $0x11  }
0xaa: {  	s5 =	sor.u32 @p0 s6, s5  }
0xab: {  	[sflag:s5] =	ssyncadd.remote.s32 @p0 $0x1;
	_ =	sdelay $0x1  }
0xac: {  	s5 =	simm.s32 @p0 $0x1B8D  }
0xad: {  	_ =	swait.eq @p0 [sflag:s5], $0x1  }
0xae: {  	[sflag:s5] =	ssyncadd.s32 @p0 $0xFFFFFFFF  }
0xaf: {  	s6 =	sshll.u32 @!p0 s1, $0xE  }
0xb0: {  	s6 =	sor.u32 @!p0 $0x4000, s6;
	s5 =	simm.s32 @!p0 $0x1B8D  }
0xb1: {  	s4 =	sshll.u32 @!p0 s4, $0x11;
	s6 =	sadd.s32 @!p0 $0x11B8D, s6;
	_ =	swait.eq @!p0 [sflag:s5], $0x1  }
0xb2: {  	s4 =	sor.u32 @!p0 s4, s6;
	[sflag:s5] =	ssyncadd.s32 @!p0 $0xFFFFFFFF  }
0xb3: {  	s25 =	simm.s32 $0x1B8E;
	s24 =	sld [smem:$0x3FFE];
	[sflag:s4] =	ssyncadd.remote.s32 @!p0 $0x1  }
0xb4: {  	s26 =	simm.s32 $execute0_lowered;
	[smem:$0x3FD2] =	sst s25  }
0xb5: {  	s5 =	sshll.u32 s26, $0x1;
	_ =	strace $0x80000058;
	[dreg:$0x1] =	wrdreg $0xFFFFFFFF  }
0xb6: {  	s28 =	simm.s32 $_size_execute0_lowered;
	s3 =	sadd.s32 s3, s5;
	[dreg:$0x0] =	wrdreg $0x0  }
0xb7: {  	s5 =	sshll.u32 s28, $0x1;
	[dreg:$0x2] =	wrdreg s3  }
0xb8: {  	[dreg:$0x3] =	wrdreg s5  }
0xb9: {  	[dreg:$0x4] =	wrdreg $0xC0  }
0xba: {  	_ =	task [dreg:s22], $0x5FFFF  }
0xbb: {  	[dreg:$0x1] =	wrdreg $0xFFFFFFFF  }
0xbc: {  	[dreg:$0x0] =	wrdreg $0x60  }
0xbd: {  	[dreg:$0x2] =	wrdreg s24  }
0xbe: {  	[dreg:$0x3] =	wrdreg $0xA  }
0xbf: {  	_ =	task.clear_ibuf [dreg:s22], $0x4FFFF;
	_ =	strace $0x90000058  }
0xc0: {  	s29 =	simm.s32 $0xA;
	_ =	strace $0x8000005A  }
0xc1: {  	_ =	swait.ge [sflag:s29], $0x1  }
0xc2: {  	[sflag:s29] =	ssyncadd.s32 $0xFFFFFFFF  }
0xc3: {  	_ =	strace $0x9000005A  }
0xc4: {  	_ =	sfence  }
0xc5: {  	s30 =	sld [smem:$0x0];
	_ =	sdelay $0x2  }
0xc6: {  	s31 =	sshll.u32 s1, $0xD;
	s1 =	sshrl.u32 s1, $0x2  }
0xc7: {  	s4 =	sand.u32 $0x4000, s31;
	s1 =	sadd.s32 s1, s30  }
0xc8: {  	s0 =	sor.u32 s4, s0;
	s1 =	sshll.u32 s1, $0x11  }
0xc9: {  	s0 =	sor.u32 s1, s0  }
0xca: {  	s0 =	sadd.s32 $0x8F2B, s0  }
0xcb: {  	[sflag:s0] =	ssyncadd.remote.s32 $0x1  }
0xcc: {  	_ =	sfence.sel $0xFFFF  }
0xcd: {  	[dreg:$0x0] =	wrdreg $0xFFFFFFFF;
	(pc) =	sbr.abs _section_cstart, $3  }
0xce: {  	[dreg:$0x1] =	wrdreg $0xFFFFFFFF  }
0xcf: {  	_ =	task.clear_ibuf [dreg:s22], $0x2FFFF;
	_ =	strace $0x9FFFFFFF  }
0xd0: {  	(tm) =	ssettm $0x7FFFFFFF  }
0xd1: {  	_ =	shalt  }
tec
execute0_lowered:
.L_overlay_start_1:
0x0: {  	(tag) =	ssettag $0x1  }
0x1: {  	s0 =	rddreg [dreg:$0x0]  }
0x2: {  	s1 =	srdreg.scid;
	s6 =	stileid.u32  }
0x3: {  	s2 =	simm.s32 $0x0;
	s24 =	simm.s32 $0x900;
	s25 =	simm.s32 $0x1100  }
0x4: {  	s26 =	simm.s32 $0x1900;
	s9 =	simm.s32 $0x2900;
	s10 =	simm.s32 $0x3100  }
0x5: {  	s11 =	simm.s32 $0x3900;
	s12 =	simm.s32 $0x4100;
	s13 =	simm.s32 $0x4900  }
0x6: {  	s14 =	simm.s32 $0x5100;
	s15 =	simm.s32 $0x5900;
	s16 =	simm.s32 $0x6100  }
0x7: {  	s17 =	simm.s32 $0x6900;
	s18 =	simm.s32 $0x7100;
	s19 =	simm.s32 $0x7900  }
0x8: {  	s28 =	simm.s32 $0xB900;
	s29 =	simm.s32 $0xC100;
	s30 =	simm.s32 $0x1  }
0x9: {  	s31 =	simm.s32 $0x0;
	s1 =	sand.u32 $0x1, s1;
	s4 =	smul.u32 $0x2710, s6  }
0xa: {  	[smem:$0x7FF] =	sst s2;
	s3 =	sadd.s32 $0xAC600, s0;
	s20 =	smul.u32 $0x4E200, s6  }
0xb: {  	s6 =	simm.s32 $0x2;
	_ =	strace $0x80000059;
	[dreg:$0x3] =	wrdreg s24  }
0xc: {  	s5 =	smul.u32 $0x1388, s1;
	s21 =	ssub.s32 $0x2, s1;
	[dreg:$0x4] =	wrdreg s25  }
0xd: {  	s1 =	smul.u32 $0x27100, s1;
	[dreg:$0x5] =	wrdreg s26;
	s24 =	simm.s32 $0xA100  }
0xe: {  	s25 =	simm.s32 $0xA900;
	s7 =	sshrl.u32 s21, $0x1;
	s4 =	sadd.s32 s5, s4  }
0xf: {  	s26 =	simm.s32 $0xB100;
	s22 =	ssub.s32 s21, s7;
	s4 =	sshrl.u32 s4, $0x3  }
0x10: {  	s7 =	simm.s32 $0x100;
	s21 =	simm.s32 $0x8900;
	s8 =	sadd.s32 s4, s0  }
0x11: {  	s0 =	sadd.s32 s20, s0;
	s4 =	smax.u32 s22, $0x1;
	s20 =	simm.s32 $0x8100  }
0x12: {  	v2 =	vlaneseq.u32;
	[dreg:$0x6] =	wrdreg s4;
	s0 =	sadd.s32 s1, s0;
	s23 =	sadd.s32 $0xB200, s8  }
0x13: {  	vm0 =	vmmov $0xffff;
	v1 =	vshrl.u32 v2, $0x3;
	s22 =	simm.s32 $0x9100;
	s0 =	sadd.s32 $0x78B200, s0;
	[dreg:$0x2] =	wrdreg s23  }
0x14: {  	v0 =	vand.u32 $0x7, v2;
	v2 =	vor.u32 $0x8, v2;
	v1 =	vmul.u32 $0x8, v1;
	s8 =	simm.s32 $0x2100;
	s23 =	simm.s32 $0x9900;
	[dreg:$0x7] =	wrdreg s0  }
.LBB2_1:
0x15: {  	s5 =	rddreg [dreg:$0x7];
	s1 =	simm.s32 $0x0  }
.LBB2_2:
0x16: {  	s4 =	rddreg [dreg:$0x2]  }
0x17: {  	s4 =	sadd.s32 s1, s4  }
0x18: {  	[tilespmem:s2], [sflag:$0x2] =	stream.linear.gather [hbm4b:s4+s2], $0xC8, $0x38;
	[tilespmem:$0xC900] =	vst v63  }
0x19: {  	_ =	swait.ge [sflag:s6], $0xC8  }
0x1a: {  	[sflag:s6] =	ssyncset.done $0x0  }
0x1b: {  	[sflag:s6] =	ssyncadd.s32 $0xFFFFFF38  }
0x1c: {  	v3 =	vld [tilespmem:$0x0];
	_ =	sdelay $0x4  }
0x1d: {  	v4 =	vshll.u32 v3, $0x1  }
0x1e: {  	v3 =	vand.u32 $0x7, v3;
	v4 =	vand.u32 $0xFFFFFFF0, v4  }
0x1f: {  	v3 =	vor.u32 v3, v4  }
0x20: {  	v4 =	vperm.xlane v3, v0;
	_ =	sdelay $0x1  }
0x21: {  	v3 =	vperm.xlane v3, v2;
	v4 =	vadd.s32 v1, v4;
	_ =	sdelay $0x1  }
0x22: {  	v3 =	vadd.s32 v1, v3;
	_ =	sdelay $0x2  }
0x23: {  	[tilespmem:s7], [sflag:$0x1] =	stream.indirect_vreg.gather [hbm4b:s3+s2], $0x80, v4, vm0, $0xb8;
	[tilespmem:$0xC900] =	vst v63  }
0x24: {  	s0 =	rddreg [dreg:$0x3]  }
0x25: {  	[tilespmem:s0], [sflag:$0x1] =	stream.indirect_vreg.gather [hbm4b:s3+s2], $0x80, v3, vm0, $0xb8;
	[tilespmem:$0xC900] =	vst v63  }
0x26: {  	v3 =	vld [tilespmem:$0x10];
	_ =	sdelay $0x4  }
0x27: {  	v52 =	vshll.u32 v3, $0x1  }
0x28: {  	v3 =	vand.u32 $0x7, v3;
	v4 =	vand.u32 $0xFFFFFFF0, v52  }
0x29: {  	v3 =	vor.u32 v3, v4  }
0x2a: {  	v4 =	vperm.xlane v3, v0;
	_ =	sdelay $0x1  }
0x2b: {  	v3 =	vperm.xlane v3, v2;
	v4 =	vadd.s32 v1, v4;
	_ =	sdelay $0x1  }
0x2c: {  	v3 =	vadd.s32 v1, v3;
	_ =	sdelay $0x1  }
0x2d: {  	s4 =	rddreg [dreg:$0x4]  }
0x2e: {  	[tilespmem:s4], [sflag:$0x1] =	stream.indirect_vreg.gather [hbm4b:s3+s2], $0x80, v4, vm0, $0xb8;
	[tilespmem:$0xC900] =	vst v63  }
0x2f: {  	s0 =	rddreg [dreg:$0x5]  }
0x30: {  	[tilespmem:s0], [sflag:$0x1] =	stream.indirect_vreg.gather [hbm4b:s3+s2], $0x80, v3, vm0, $0xb8;
	[tilespmem:$0xC900] =	vst v63  }
0x31: {  	v3 =	vld [tilespmem:$0x20];
	_ =	sdelay $0x4  }
0x32: {  	v53 =	vshll.u32 v3, $0x1  }
0x33: {  	v3 =	vand.u32 $0x7, v3;
	v4 =	vand.u32 $0xFFFFFFF0, v53  }
0x34: {  	v3 =	vor.u32 v3, v4  }
0x35: {  	v4 =	vperm.xlane v3, v0;
	_ =	sdelay $0x1  }
0x36: {  	v3 =	vperm.xlane v3, v2;
	v4 =	vadd.s32 v1, v4;
	_ =	sdelay $0x1  }
0x37: {  	v3 =	vadd.s32 v1, v3;
	_ =	sdelay $0x2  }
0x38: {  	[tilespmem:s8], [sflag:$0x1] =	stream.indirect_vreg.gather [hbm4b:s3+s2], $0x80, v4, vm0, $0xb8;
	[tilespmem:$0xC900] =	vst v63  }
0x39: {  	_ = 	snop  }
0x3a: {  	[tilespmem:s9], [sflag:$0x1] =	stream.indirect_vreg.gather [hbm4b:s3+s2], $0x80, v3, vm0, $0xb8;
	[tilespmem:$0xC900] =	vst v63  }
0x3b: {  	v3 =	vld [tilespmem:$0x30];
	_ =	sdelay $0x4  }
0x3c: {  	v54 =	vshll.u32 v3, $0x1  }
0x3d: {  	v3 =	vand.u32 $0x7, v3;
	v4 =	vand.u32 $0xFFFFFFF0, v54  }
0x3e: {  	v3 =	vor.u32 v3, v4  }
0x3f: {  	v4 =	vperm.xlane v3, v0;
	_ =	sdelay $0x1  }
0x40: {  	v3 =	vperm.xlane v3, v2;
	v4 =	vadd.s32 v1, v4;
	_ =	sdelay $0x1  }
0x41: {  	v3 =	vadd.s32 v1, v3;
	_ =	sdelay $0x2  }
0x42: {  	[tilespmem:s10], [sflag:$0x1] =	stream.indirect_vreg.gather [hbm4b:s3+s2], $0x80, v4, vm0, $0xb8;
	[tilespmem:$0xC900] =	vst v63  }
0x43: {  	_ = 	snop  }
0x44: {  	[tilespmem:s11], [sflag:$0x1] =	stream.indirect_vreg.gather [hbm4b:s3+s2], $0x80, v3, vm0, $0xb8;
	[tilespmem:$0xC900] =	vst v63  }
0x45: {  	v3 =	vld [tilespmem:$0x40];
	_ =	sdelay $0x4  }
0x46: {  	v55 =	vshll.u32 v3, $0x1  }
0x47: {  	v3 =	vand.u32 $0x7, v3;
	v4 =	vand.u32 $0xFFFFFFF0, v55  }
0x48: {  	v3 =	vor.u32 v3, v4  }
0x49: {  	v4 =	vperm.xlane v3, v0;
	_ =	sdelay $0x1  }
0x4a: {  	v3 =	vperm.xlane v3, v2;
	v4 =	vadd.s32 v1, v4;
	_ =	sdelay $0x1  }
0x4b: {  	v3 =	vadd.s32 v1, v3;
	_ =	sdelay $0x2  }
0x4c: {  	[tilespmem:s12], [sflag:$0x1] =	stream.indirect_vreg.gather [hbm4b:s3+s2], $0x80, v4, vm0, $0xb8;
	[tilespmem:$0xC900] =	vst v63  }
0x4d: {  	_ = 	snop  }
0x4e: {  	[tilespmem:s13], [sflag:$0x1] =	stream.indirect_vreg.gather [hbm4b:s3+s2], $0x80, v3, vm0, $0xb8;
	[tilespmem:$0xC900] =	vst v63  }
0x4f: {  	v3 =	vld [tilespmem:$0x50];
	_ =	sdelay $0x4  }
0x50: {  	v56 =	vshll.u32 v3, $0x1  }
0x51: {  	v3 =	vand.u32 $0x7, v3;
	v4 =	vand.u32 $0xFFFFFFF0, v56  }
0x52: {  	v3 =	vor.u32 v3, v4  }
0x53: {  	v4 =	vperm.xlane v3, v0;
	_ =	sdelay $0x1  }
0x54: {  	v3 =	vperm.xlane v3, v2;
	v4 =	vadd.s32 v1, v4;
	_ =	sdelay $0x1  }
0x55: {  	v3 =	vadd.s32 v1, v3;
	_ =	sdelay $0x2  }
0x56: {  	[tilespmem:s14], [sflag:$0x1] =	stream.indirect_vreg.gather [hbm4b:s3+s2], $0x80, v4, vm0, $0xb8;
	[tilespmem:$0xC900] =	vst v63  }
0x57: {  	_ = 	snop  }
0x58: {  	[tilespmem:s15], [sflag:$0x1] =	stream.indirect_vreg.gather [hbm4b:s3+s2], $0x80, v3, vm0, $0xb8;
	[tilespmem:$0xC900] =	vst v63  }
0x59: {  	v3 =	vld [tilespmem:$0x60];
	_ =	sdelay $0x4  }
0x5a: {  	v57 =	vshll.u32 v3, $0x1  }
0x5b: {  	v3 =	vand.u32 $0x7, v3;
	v4 =	vand.u32 $0xFFFFFFF0, v57  }
0x5c: {  	v3 =	vor.u32 v3, v4  }
0x5d: {  	v4 =	vperm.xlane v3, v0;
	_ =	sdelay $0x1  }
0x5e: {  	v3 =	vperm.xlane v3, v2;
	v4 =	vadd.s32 v1, v4;
	_ =	sdelay $0x1  }
0x5f: {  	v3 =	vadd.s32 v1, v3;
	_ =	sdelay $0x2  }
0x60: {  	[tilespmem:s16], [sflag:$0x1] =	stream.indirect_vreg.gather [hbm4b:s3+s2], $0x80, v4, vm0, $0xb8;
	[tilespmem:$0xC900] =	vst v63  }
0x61: {  	_ = 	snop  }
0x62: {  	[tilespmem:s17], [sflag:$0x1] =	stream.indirect_vreg.gather [hbm4b:s3+s2], $0x80, v3, vm0, $0xb8;
	[tilespmem:$0xC900] =	vst v63  }
0x63: {  	v3 =	vld [tilespmem:$0x70];
	_ =	sdelay $0x4  }
0x64: {  	v58 =	vshll.u32 v3, $0x1  }
0x65: {  	v3 =	vand.u32 $0x7, v3;
	v4 =	vand.u32 $0xFFFFFFF0, v58  }
0x66: {  	v3 =	vor.u32 v3, v4  }
0x67: {  	v4 =	vperm.xlane v3, v0;
	_ =	sdelay $0x1  }
0x68: {  	v3 =	vperm.xlane v3, v2;
	v4 =	vadd.s32 v1, v4;
	_ =	sdelay $0x1  }
0x69: {  	v3 =	vadd.s32 v1, v3;
	_ =	sdelay $0x2  }
0x6a: {  	[tilespmem:s18], [sflag:$0x1] =	stream.indirect_vreg.gather [hbm4b:s3+s2], $0x80, v4, vm0, $0xb8;
	[tilespmem:$0xC900] =	vst v63  }
0x6b: {  	_ = 	snop  }
0x6c: {  	[tilespmem:s19], [sflag:$0x1] =	stream.indirect_vreg.gather [hbm4b:s3+s2], $0x80, v3, vm0, $0xb8;
	[tilespmem:$0xC900] =	vst v63  }
0x6d: {  	v3 =	vld [tilespmem:$0x80];
	_ =	sdelay $0x4  }
0x6e: {  	v59 =	vshll.u32 v3, $0x1  }
0x6f: {  	v3 =	vand.u32 $0x7, v3;
	v4 =	vand.u32 $0xFFFFFFF0, v59  }
0x70: {  	v3 =	vor.u32 v3, v4  }
0x71: {  	v4 =	vperm.xlane v3, v0;
	_ =	sdelay $0x1  }
0x72: {  	v3 =	vperm.xlane v3, v2;
	v4 =	vadd.s32 v1, v4;
	_ =	sdelay $0x1  }
0x73: {  	v3 =	vadd.s32 v1, v3;
	_ =	sdelay $0x2  }
0x74: {  	[tilespmem:s20], [sflag:$0x1] =	stream.indirect_vreg.gather [hbm4b:s3+s2], $0x80, v4, vm0, $0xb8;
	[tilespmem:$0xC900] =	vst v63  }
0x75: {  	_ = 	snop  }
0x76: {  	[tilespmem:s21], [sflag:$0x1] =	stream.indirect_vreg.gather [hbm4b:s3+s2], $0x80, v3, vm0, $0xb8;
	[tilespmem:$0xC900] =	vst v63  }
0x77: {  	v3 =	vld [tilespmem:$0x90];
	_ =	sdelay $0x4  }
0x78: {  	v60 =	vshll.u32 v3, $0x1  }
0x79: {  	v3 =	vand.u32 $0x7, v3;
	v4 =	vand.u32 $0xFFFFFFF0, v60  }
0x7a: {  	v3 =	vor.u32 v3, v4  }
0x7b: {  	v4 =	vperm.xlane v3, v0;
	_ =	sdelay $0x1  }
0x7c: {  	v3 =	vperm.xlane v3, v2;
	v4 =	vadd.s32 v1, v4;
	_ =	sdelay $0x1  }
0x7d: {  	v3 =	vadd.s32 v1, v3;
	_ =	sdelay $0x2  }
0x7e: {  	[tilespmem:s22], [sflag:$0x1] =	stream.indirect_vreg.gather [hbm4b:s3+s2], $0x80, v4, vm0, $0xb8;
	[tilespmem:$0xC900] =	vst v63  }
0x7f: {  	_ = 	snop  }
0x80: {  	[tilespmem:s23], [sflag:$0x1] =	stream.indirect_vreg.gather [hbm4b:s3+s2], $0x80, v3, vm0, $0xb8;
	[tilespmem:$0xC900] =	vst v63  }
0x81: {  	v3 =	vld [tilespmem:$0xA0];
	_ =	sdelay $0x4  }
0x82: {  	v61 =	vshll.u32 v3, $0x1  }
0x83: {  	v3 =	vand.u32 $0x7, v3;
	v4 =	vand.u32 $0xFFFFFFF0, v61  }
0x84: {  	v3 =	vor.u32 v3, v4  }
0x85: {  	v4 =	vperm.xlane v3, v0;
	_ =	sdelay $0x1  }
0x86: {  	v3 =	vperm.xlane v3, v2;
	v4 =	vadd.s32 v1, v4;
	_ =	sdelay $0x1  }
0x87: {  	v3 =	vadd.s32 v1, v3;
	_ =	sdelay $0x2  }
0x88: {  	[tilespmem:s24], [sflag:$0x1] =	stream.indirect_vreg.gather [hbm4b:s3+s2], $0x80, v4, vm0, $0xb8;
	[tilespmem:$0xC900] =	vst v63  }
0x89: {  	_ = 	snop  }
0x8a: {  	[tilespmem:s25], [sflag:$0x1] =	stream.indirect_vreg.gather [hbm4b:s3+s2], $0x80, v3, vm0, $0xb8;
	[tilespmem:$0xC900] =	vst v63  }
0x8b: {  	v3 =	vld [tilespmem:$0xB0];
	_ =	sdelay $0x4  }
0x8c: {  	v62 =	vshll.u32 v3, $0x1  }
0x8d: {  	v3 =	vand.u32 $0x7, v3;
	v4 =	vand.u32 $0xFFFFFFF0, v62  }
0x8e: {  	v3 =	vor.u32 v3, v4  }
0x8f: {  	v4 =	vperm.xlane v3, v0;
	_ =	sdelay $0x1  }
0x90: {  	v3 =	vperm.xlane v3, v2;
	v4 =	vadd.s32 v1, v4;
	_ =	sdelay $0x1  }
0x91: {  	v3 =	vadd.s32 v1, v3;
	_ =	sdelay $0x2  }
0x92: {  	[tilespmem:s26], [sflag:$0x1] =	stream.indirect_vreg.gather [hbm4b:s3+s2], $0x80, v4, vm0, $0xb8;
	[tilespmem:$0xC900] =	vst v63  }
0x93: {  	_ = 	snop  }
0x94: {  	[tilespmem:s28], [sflag:$0x1] =	stream.indirect_vreg.gather [hbm4b:s3+s2], $0x80, v3, vm0, $0xb8;
	[tilespmem:$0xC900] =	vst v63  }
0x95: {  	v3 =	vld.msk [tilespmem:$0xC0], $0xff;
	_ =	sdelay $0x4  }
0x96: {  	v63 =	vshll.u32 v3, $0x1  }
0x97: {  	v3 =	vand.u32 $0x7, v3;
	v4 =	vand.u32 $0xFFFFFFF0, v63  }
0x98: {  	v3 =	vor.u32 v3, v4  }
0x99: {  	v3 =	vperm.xlane v3, v0;
	_ =	sdelay $0x1  }
0x9a: {  	v3 =	vadd.s32 v1, v3;
	_ =	sdelay $0x4  }
0x9b: {  	[tilespmem:s29], [sflag:$0x1] =	stream.indirect_vreg.gather [hbm4b:s3+s2], $0x80, v3, vm0, $0xb8;
	[tilespmem:$0xC900] =	vst v63  }
0x9c: {  	_ =	swait.ge [sflag:s30], $0xC800  }
0x9d: {  	p0 =	sne.s32 s1, $0x258;
	[sflag:s30] =	ssyncset.done $0x0  }
.Ltmp0:
0x9e: {  	[sflag:s30] =	ssyncadd.s32 $0xFFFF3800;
	(pc) =	sbr.rel @p0 .LBB2_2-.Ltmp0, $4  }
0x9f: {  	[hbm4b:s5+s2] =	stream.linear.scatter [tilespmem:s7], [sflag:$0x2], $0xC800, $0x38;
	[tilespmem:$0xC900] =	vst v63  }
0xa0: {  	_ =	swait.ge [sflag:s6], $0xC800  }
0xa1: {  	[sflag:s6] =	ssyncset.done $0x0  }
0xa2: {  	s1 =	sadd.s32 $0x19, s1;
	s5 =	sadd.s32 $0x1900, s5;
	[sflag:s6] =	ssyncadd.s32 $0xFFFF3800  }
0xa3: {  	s31 =	sadd.s32 $0x1, s31;
	s0 =	rddreg [dreg:$0x6]  }
0xa4: {  	p0 =	sne.s32 s31, s0  }
.Ltmp1:
0xa5: {  	_ = 	snop;
	(pc) =	sbr.rel @p0 .LBB2_1-.Ltmp1, $1  }
0xa6: {  	_ =	sdelay $0x3  }
0xa7: {  	_ =	sfence.sel $0x180000  }
0xa8: {  	[bflag:$0x0] =	sbarrier.arrive $0xFFFF  }
0xa9: {  	_ =	strace $0x90000059  }
0xaa: {  	s0 =	stileid.u32;
	[bflag:$0x2] =	sbarrier.arrive $0xFFFF  }
0xab: {  	p0 =	sne.s32 s0, $0x0;
	s0 =	rddreg [dreg:$0x1]  }
0xac: {  	s0 =	sadd.s32 @!p0 $0x100000, s0  }
0xad: {  	[sflag:s0] =	ssyncadd.tile.s32 @!p0 $0x1;
	_ =	shalt  }
.Lfunc_end2:
_tile_overlayer_lowered:
.L_overlay_start_2:
0xae: {  	(tag) =	ssettag $0x2  }
0xaf: {  	s0 =	rddreg [dreg:$0x0];
	s2 =	stileid.u32  }
0xb0: {  	s1 =	rddreg [dreg:$0x1];
	p0 =	sne.s32 s2, $0x0  }
0xb1: {  	s3 =	rddreg [dreg:$0x2];
	[bflag:$0x3] =	sbarrier.arrive $0xFFFF;
	s2 =	simm.s32 @!p0 $0x1C02  }
0xb2: {  	[timem:s3], [sflag:s2] =	dma.local @!p0 [hbm:s0], s1  }
0xb3: {  	s0 =	simm.s32 @!p0 $0x2  }
0xb4: {  	_ =	swait.ge @!p0 [sflag:s0], s1  }
0xb5: {  	s1 =	ssub.s32 @!p0 $0x0, s1;
	[sflag:s0] =	ssyncset.done @!p0 $0x0  }
0xb6: {  	[sflag:s0] =	ssyncadd.s32 @!p0 s1  }
0xb7: {  	[bflag:$0x3] =	sbarrier.arrive $0xFFFF  }
0xb8: {  	_ =	shalt  }

// kernel: kernel.37.cloned.1.call-start
scs
__scs_entry_jumppad:
0x0: {  	(pc) =	sbr.rel $0x88, $3  }
0x1: {  	(tag) =	ssettag $0x0;
	lr =	simm.s32 $0x1  }
0x2: {  	[smem:$0x3F8F] =	sst lr;
	_ =	strace $0xD0000000  }
0x3: {  	_ = 	snop  }
0x4: {  	_ = 	snop  }
0x5: {  	_ = 	snop  }
0x6: {  	_ = 	snop  }
0x7: {  	_ = 	snop  }
__scs_overlays_trampoline_lowered:
0x8: {  	[smem:$0x3F9E] =	sst s0  }
0x9: {  	[smem:$0x3F9F] =	sst s1  }
0xa: {  	[smem:$0x3FA0] =	sst s2  }
0xb: {  	[smem:$0x3FA1] =	sst s3  }
0xc: {  	[smem:$0x3FA2] =	sst s4  }
0xd: {  	[smem:$0x3FA3] =	sst s5  }
0xe: {  	[smem:$0x3FA4] =	sst s6  }
0xf: {  	[smem:$0x3FA5] =	sst s7  }
0x10: {  	[smem:$0x3FA6] =	sst s8  }
0x11: {  	[smem:$0x3FA7] =	sst s9;
	s0 =	simm.s32 @!p0 $0x0  }
0x12: {  	s1 =	sld [smem:$0x3F8D];
	s0 =	simm.s32 @p0 $0x1  }
0x13: {  	[smem:$0x3FA8] =	sst s0;
	s0 =	simm.s32 @!p1 $0x0  }
0x14: {  	s2 =	sld [smem:$0x3F8C];
	s0 =	simm.s32 @p1 $0x1  }
0x15: {  	[smem:$0x3FA9] =	sst s0;
	s0 =	simm.s32 @!p2 $0x0  }
0x16: {  	s3 =	sld [smem:$0x3FDB];
	s0 =	simm.s32 @p2 $0x1  }
0x17: {  	s4 =	simm.s32 $0x1BF5;
	[smem:$0x3FAB] =	sst s0  }
0x18: {  	s0 =	sld [smem:$0x3F8E];
	_ =	swait.ge [sflag:s4], $0x0  }
0x19: {  	s7 =	sld [smem:$0x3F8F]  }
0x1a: {  	s8 =	sadd.s32 $0xFFFFE003, lr  }
0x1b: {  	s9 =	sadd.s32 $0xFFFFFEF7, lr;
	s5 =	simm.s32 $0xFFFFFFFF;
	p2 =	slt.u32 s8, $0xFFFFF086  }
0x1c: {  	p1 =	slt.u32 s9, $0xF7A;
	s5 =	simm.s32 @!p2 $0x0  }
0x1d: {  	s5 =	simm.s32 @p1 $0x1;
	p0 =	seq.s32 s7, s2  }
0x1e: {  	s7 =	smul.u32 @!p0 $0xF7A, s2;
	p2 =	seq.s32 @!p0 s5, $0x0  }
0x1f: {  	s9 =	smul.u32 $0xF7A, s1;
	s8 =	simm.s32 @!p0 $0x1BF5;
	p2 =	por !p2, p0  }
0x20: {  	[sflag:s8] =	ssyncset.s32 @!p0 $0xFFFFF086;
	s6 =	sadd.s32 @!p0 s3, s7;
	s7 =	simm.s32 @!p0 $0x108  }
0x21: {  	s3 =	sadd.s32 s3, s9;
	s6 =	sadd.s32 @!p0 $0x88, s6;
	s7 =	simm.s32 @p2 $0x1082  }
0x22: {  	[simem:s7], [sflag:s8] =	dma.local @!p0 [hbm:s6], $0xF7A  }
0x23: {  	s9 =	sor.u32 $0xD0000000, s2;
	s6 =	simm.s32 $0x108;
	_ =	swait.ge @!p0 [sflag:s8], $0x0  }
0x24: {  	s3 =	sadd.s32 $0x88, s3;
	s6 =	simm.s32 @!p1 $0x1082;
	[sflag:s4] =	ssyncset.s32 $0xFFFFF086  }
0x25: {  	[simem:s6], [sflag:s4] =	dma.local [hbm:s3], $0xF7A  }
0x26: {  	[smem:$0x3F8F] =	sst s1;
	(tag) =	ssettag s2;
	_ =	strace s9  }
0x27: {  	s1 =	sld [smem:$0x3F9F]  }
0x28: {  	s2 =	sld [smem:$0x3FA0]  }
0x29: {  	s4 =	sld [smem:$0x3FA2]  }
0x2a: {  	p0 =	seq.s32 s5, $0x0;
	s5 =	sld [smem:$0x3FA3]  }
0x2b: {  	s6 =	sld [smem:$0x3FA4]  }
0x2c: {  	s7 =	sld [smem:$0x3FA5]  }
0x2d: {  	s3 =	simm.s32 $0x108;
	s8 =	sld [smem:$0x3FA6]  }
0x2e: {  	s3 =	simm.s32 @!p0 $0x1082;
	s9 =	sld [smem:$0x3FA7]  }
0x2f: {  	lr =	sadd.s32 s0, s3;
	s0 =	sld [smem:$0x3F9E]  }
0x30: {  	s3 =	sld [smem:$0x3FA1]  }
0x31: {  	[smem:$0x3FAA] =	sst s10  }
0x32: {  	s10 =	sld [smem:$0x3FA8];
	_ =	sdelay $0x3  }
0x33: {  	p0 =	seq.s32 s10, $0x1;
	s10 =	sld [smem:$0x3FAA];
	_ =	sdelay $0x3  }
0x34: {  	[smem:$0x3FAA] =	sst s10  }
0x35: {  	s10 =	sld [smem:$0x3FA9];
	_ =	sdelay $0x3  }
0x36: {  	p1 =	seq.s32 s10, $0x1;
	s10 =	sld [smem:$0x3FAA];
	_ =	sdelay $0x3  }
0x37: {  	[smem:$0x3FAA] =	sst s10  }
0x38: {  	s10 =	sld [smem:$0x3FAB]  }
0x39: {  	_ = 	snop;
	(pc) =	sbr.ind lr, $3  }
0x3a: {  	_ = 	snop  }
0x3b: {  	_ = 	snop  }
0x3c: {  	p2 =	seq.s32 s10, $0x1;
	s10 =	sld [smem:$0x3FAA]  }
0x3d: {  	_ =	shalt  }
0x3e: {  	_ =	shalt  }
0x3f: {  	_ =	shalt  }
0x40: {  	_ =	shalt  }
0x41: {  	_ =	shalt  }
0x42: {  	_ =	shalt  }
0x43: {  	_ =	shalt  }
0x44: {  	_ =	shalt  }
0x45: {  	_ =	shalt  }
0x46: {  	_ =	shalt  }
0x47: {  	_ =	shalt  }
0x48: {  	_ =	shalt  }
0x49: {  	_ =	shalt  }
0x4a: {  	_ =	shalt  }
0x4b: {  	_ =	shalt  }
0x4c: {  	_ =	shalt  }
0x4d: {  	_ =	shalt  }
0x4e: {  	_ =	shalt  }
0x4f: {  	_ =	shalt  }
0x50: {  	_ =	shalt  }
0x51: {  	_ =	shalt  }
0x52: {  	_ =	shalt  }
0x53: {  	_ =	shalt  }
0x54: {  	_ =	shalt  }
0x55: {  	_ =	shalt  }
0x56: {  	_ =	shalt  }
0x57: {  	_ =	shalt  }
0x58: {  	_ =	shalt  }
0x59: {  	_ =	shalt  }
0x5a: {  	_ =	shalt  }
0x5b: {  	_ =	shalt  }
0x5c: {  	_ =	shalt  }
0x5d: {  	_ =	shalt  }
0x5e: {  	_ =	shalt  }
0x5f: {  	_ =	shalt  }
0x60: {  	_ =	shalt  }
0x61: {  	_ =	shalt  }
0x62: {  	_ =	shalt  }
0x63: {  	_ =	shalt  }
0x64: {  	_ =	shalt  }
0x65: {  	_ =	shalt  }
0x66: {  	_ =	shalt  }
0x67: {  	_ =	shalt  }
0x68: {  	_ =	shalt  }
0x69: {  	_ =	shalt  }
0x6a: {  	_ =	shalt  }
0x6b: {  	_ =	shalt  }
0x6c: {  	_ =	shalt  }
0x6d: {  	_ =	shalt  }
0x6e: {  	_ =	shalt  }
0x6f: {  	_ =	shalt  }
0x70: {  	_ =	shalt  }
0x71: {  	_ =	shalt  }
0x72: {  	_ =	shalt  }
0x73: {  	_ =	shalt  }
0x74: {  	_ =	shalt  }
0x75: {  	_ =	shalt  }
0x76: {  	_ =	shalt  }
0x77: {  	_ =	shalt  }
0x78: {  	_ =	shalt  }
0x79: {  	_ =	shalt  }
0x7a: {  	_ =	shalt  }
0x7b: {  	_ =	shalt  }
0x7c: {  	_ =	shalt  }
0x7d: {  	_ =	shalt  }
0x7e: {  	_ =	shalt  }
0x7f: {  	_ =	shalt  }
0x80: {  	_ =	shalt  }
0x81: {  	_ =	shalt  }
0x82: {  	_ =	shalt  }
0x83: {  	_ =	shalt  }
0x84: {  	_ =	shalt  }
0x85: {  	_ =	shalt  }
0x86: {  	_ =	shalt  }
0x87: {  	_ =	shalt  }
.Lfunc_end0:
.L_simem_size_0:
called_computation.8_lowered:
.L_overlay_start_0:
0x88: {  	s2 =	sld [smem:$0x3FD9]  }
0x89: {  	s3 =	sld [smem:$0x3FFE];
	_ =	sdelay $0x1  }
0x8a: {  	s1 =	srdreg.scid  }
0x8b: {  	s0 =	sand.u32 $0x1, s1  }
0x8c: {  	s17 =	sshll.u32 s0, $0xA;
	s2 =	sadd.s32 s3, s2  }
0x8d: {  	s2 =	sadd.s32 s2, s17  }
0x8e: {  	[smem:$0x3FB6] =	sst s2  }
0x8f: {  	_ = 	snop  }
0x90: {  	s18 =	sld [smem:$0x3FD0];
	(tm) =	ssettm $0x1  }
0x91: {  	s19 =	sld [smem:$0x3FFB];
	_ =	sdelay $0x3  }
0x92: {  	_ =	strace s19  }
0x93: {  	s2 =	sld [smem:$0x3FFC];
	_ =	sdelay $0x3  }
0x94: {  	_ =	strace s2  }
0x95: {  	s2 =	sld [smem:$0x3FFD];
	_ =	sdelay $0x3  }
0x96: {  	_ =	strace s2  }
0x97: {  	_ =	strace $0x8FFFFFFF  }
0x98: {  	s20 =	sld [smem:$0x3FDB];
	_ =	sdelay $0x1  }
0x99: {  	s4 =	simm.s32 $_scs_section_size  }
0x9a: {  	s5 =	simm.s32 $_size__tile_overlayer_lowered;
	s6 =	simm.s32 $_tile_overlayer_lowered  }
0x9b: {  	s7 =	simm.s32 $0x1BFF;
	s21 =	sshll.u32 s6, $0x1;
	s4 =	sadd.s32 s4, s20  }
0x9c: {  	s22 =	simm.s32 $0x0;
	s5 =	sshll.u32 s5, $0x1;
	s6 =	sadd.s32 s21, s4  }
0x9d: {  	[timem:s22], [sflag:s7] =	dma.local [hbm:s6], s5  }
0x9e: {  	_ =	swait.ge [sflag:s7], s5  }
0x9f: {  	s5 =	ssub.s32 $0x0, s5;
	[sflag:s7] =	ssyncset.done $0x0  }
0xa0: {  	[sflag:s7] =	ssyncadd.s32 s5;
	_ =	sdelay $0x1  }
0xa1: {  	s23 =	simm.s32 $0x1B8B  }
0xa2: {  	_ =	swait.ge [sflag:s23], $0x1  }
0xa3: {  	[sflag:s23] =	ssyncset.done $0x0  }
0xa4: {  	[sflag:s23] =	ssyncadd.s32 $0xFFFFFFFF  }
0xa5: {  	s5 =	sld [smem:$0x0]  }
0xa6: {  	s6 =	sand.u32 $0xFFFFFFFE, s1  }
0xa7: {  	p0 =	sne.s32 s1, s6  }
0xa8: {  	s6 =	sshll.u32 @p0 s6, $0xE  }
0xa9: {  	s6 =	sadd.s32 @p0 $0x11B8D, s6;
	s7 =	sshll.u32 @p0 s5, $0x11  }
0xaa: {  	s6 =	sor.u32 @p0 s7, s6  }
0xab: {  	[sflag:s6] =	ssyncadd.remote.s32 @p0 $0x1;
	_ =	sdelay $0x1  }
0xac: {  	s6 =	simm.s32 @p0 $0x1B8D  }
0xad: {  	_ =	swait.eq @p0 [sflag:s6], $0x1  }
0xae: {  	[sflag:s6] =	ssyncadd.s32 @p0 $0xFFFFFFFF  }
0xaf: {  	s7 =	sshll.u32 @!p0 s1, $0xE  }
0xb0: {  	s7 =	sor.u32 @!p0 $0x4000, s7;
	s6 =	simm.s32 @!p0 $0x1B8D  }
0xb1: {  	s5 =	sshll.u32 @!p0 s5, $0x11;
	s7 =	sadd.s32 @!p0 $0x11B8D, s7;
	_ =	swait.eq @!p0 [sflag:s6], $0x1  }
0xb2: {  	s5 =	sor.u32 @!p0 s5, s7;
	[sflag:s6] =	ssyncadd.s32 @!p0 $0xFFFFFFFF  }
0xb3: {  	s25 =	simm.s32 $0x1B8E;
	s24 =	sld [smem:$0x3FFE];
	[sflag:s5] =	ssyncadd.remote.s32 @!p0 $0x1  }
0xb4: {  	s26 =	simm.s32 $execute0_lowered;
	[smem:$0x3FD2] =	sst s25  }
0xb5: {  	s6 =	sshll.u32 s26, $0x1;
	_ =	strace $0x8000005B;
	[dreg:$0x1] =	wrdreg $0xFFFFFFFF  }
0xb6: {  	s28 =	simm.s32 $_size_execute0_lowered;
	s4 =	sadd.s32 s4, s6;
	[dreg:$0x0] =	wrdreg $0x0  }
0xb7: {  	s6 =	sshll.u32 s28, $0x1;
	[dreg:$0x2] =	wrdreg s4  }
0xb8: {  	[dreg:$0x3] =	wrdreg s6  }
0xb9: {  	[dreg:$0x4] =	wrdreg $0xC0  }
0xba: {  	_ =	task [dreg:s22], $0x5FFFF  }
0xbb: {  	[dreg:$0x1] =	wrdreg $0xFFFFFFFF  }
0xbc: {  	[dreg:$0x0] =	wrdreg $0x60  }
0xbd: {  	[dreg:$0x2] =	wrdreg s18  }
0xbe: {  	[dreg:$0x3] =	wrdreg s24  }
0xbf: {  	[dreg:$0x4] =	wrdreg $0xB  }
0xc0: {  	_ =	task.clear_ibuf [dreg:s22], $0x5FFFF;
	_ =	strace $0x9000005B  }
0xc1: {  	s29 =	simm.s32 $0xB;
	_ =	strace $0x8000005D  }
0xc2: {  	_ =	swait.ge [sflag:s29], $0x1  }
0xc3: {  	[sflag:s29] =	ssyncadd.s32 $0xFFFFFFFF  }
0xc4: {  	_ =	strace $0x9000005D  }
0xc5: {  	_ =	sfence  }
0xc6: {  	s30 =	sld [smem:$0x0];
	_ =	sdelay $0x2  }
0xc7: {  	s31 =	sshll.u32 s1, $0xD;
	s1 =	sshrl.u32 s1, $0x2  }
0xc8: {  	s4 =	sand.u32 $0x4000, s31;
	s1 =	sadd.s32 s1, s30  }
0xc9: {  	s0 =	sor.u32 s4, s0;
	s1 =	sshll.u32 s1, $0x11  }
0xca: {  	s0 =	sor.u32 s1, s0  }
0xcb: {  	s0 =	sadd.s32 $0x8F2B, s0  }
0xcc: {  	[sflag:s0] =	ssyncadd.remote.s32 $0x1  }
0xcd: {  	_ =	sfence.sel $0xFFFF  }
0xce: {  	[dreg:$0x0] =	wrdreg $0xFFFFFFFF;
	(pc) =	sbr.abs _section_cstart, $3  }
0xcf: {  	[dreg:$0x1] =	wrdreg $0xFFFFFFFF  }
0xd0: {  	_ =	task.clear_ibuf [dreg:s22], $0x2FFFF;
	_ =	strace $0x9FFFFFFF  }
0xd1: {  	(tm) =	ssettm $0x7FFFFFFF  }
tec
execute0_lowered:
.L_overlay_start_1:
0x0: {  	(tag) =	ssettag $0x1  }
0x1: {  	s2 =	rddreg [dreg:$0x0]  }
0x2: {  	s0 =	rddreg [dreg:$0x1];
	s1 =	srdreg.scid  }
0x3: {  	s6 =	stileid.u32;
	s3 =	simm.s32 $0x0;
	s24 =	simm.s32 $0x900  }
0x4: {  	s25 =	simm.s32 $0x1100;
	s26 =	simm.s32 $0x1900;
	s9 =	simm.s32 $0x2900  }
0x5: {  	s10 =	simm.s32 $0x3100;
	s11 =	simm.s32 $0x3900;
	s12 =	simm.s32 $0x4100  }
0x6: {  	s13 =	simm.s32 $0x4900;
	s14 =	simm.s32 $0x5100;
	s15 =	simm.s32 $0x5900  }
0x7: {  	s16 =	simm.s32 $0x6100;
	s17 =	simm.s32 $0x6900;
	s18 =	simm.s32 $0x7100  }
0x8: {  	s19 =	simm.s32 $0x7900;
	s28 =	simm.s32 $0xB900;
	s29 =	simm.s32 $0xC100  }
0x9: {  	s30 =	simm.s32 $0x1;
	s31 =	simm.s32 $0x0;
	s4 =	smul.u32 $0x2710, s6  }
0xa: {  	s1 =	sand.u32 $0x1, s1;
	[smem:$0x7FF] =	sst s3;
	s20 =	smul.u32 $0x4E200, s6  }
0xb: {  	s6 =	simm.s32 $0x2;
	_ =	strace $0x8000005C;
	[dreg:$0x4] =	wrdreg s24  }
0xc: {  	s5 =	smul.u32 $0x1388, s1;
	s21 =	ssub.s32 $0x2, s1;
	[dreg:$0x5] =	wrdreg s25  }
0xd: {  	s1 =	smul.u32 $0x27100, s1;
	[dreg:$0x6] =	wrdreg s26;
	s24 =	simm.s32 $0xA100  }
0xe: {  	s25 =	simm.s32 $0xA900;
	s7 =	sshrl.u32 s21, $0x1;
	s4 =	sadd.s32 s5, s4  }
0xf: {  	s26 =	simm.s32 $0xB100;
	s22 =	ssub.s32 s21, s7;
	s4 =	sshrl.u32 s4, $0x3  }
0x10: {  	s7 =	simm.s32 $0x100;
	s21 =	simm.s32 $0x8900;
	s8 =	sadd.s32 s4, s0  }
0x11: {  	s0 =	sadd.s32 s20, s0;
	s4 =	smax.u32 s22, $0x1;
	s20 =	simm.s32 $0x8100  }
0x12: {  	v2 =	vlaneseq.u32;
	[dreg:$0x7] =	wrdreg s4;
	s0 =	sadd.s32 s1, s0;
	s23 =	sadd.s32 $0xB200, s8  }
0x13: {  	vm0 =	vmmov $0xffff;
	v1 =	vshrl.u32 v2, $0x3;
	s22 =	simm.s32 $0x9100;
	s0 =	sadd.s32 $0xC6D200, s0;
	[dreg:$0x3] =	wrdreg s23  }
0x14: {  	v0 =	vand.u32 $0x7, v2;
	v2 =	vor.u32 $0x8, v2;
	v1 =	vmul.u32 $0x8, v1;
	s8 =	simm.s32 $0x2100;
	s23 =	simm.s32 $0x9900;
	[dreg:$0x8] =	wrdreg s0  }
.LBB2_1:
0x15: {  	s5 =	rddreg [dreg:$0x8];
	s1 =	simm.s32 $0x0  }
.LBB2_2:
0x16: {  	s4 =	rddreg [dreg:$0x3]  }
0x17: {  	s4 =	sadd.s32 s1, s4  }
0x18: {  	[tilespmem:s3], [sflag:$0x2] =	stream.linear.gather [hbm4b:s4+s3], $0xC8, $0x38;
	[tilespmem:$0xC900] =	vst v63  }
0x19: {  	_ =	swait.ge [sflag:s6], $0xC8  }
0x1a: {  	[sflag:s6] =	ssyncset.done $0x0  }
0x1b: {  	[sflag:s6] =	ssyncadd.s32 $0xFFFFFF38  }
0x1c: {  	v3 =	vld [tilespmem:$0x0];
	_ =	sdelay $0x4  }
0x1d: {  	v4 =	vshll.u32 v3, $0x1  }
0x1e: {  	v3 =	vand.u32 $0x7, v3;
	v4 =	vand.u32 $0xFFFFFFF0, v4  }
0x1f: {  	v3 =	vor.u32 v3, v4  }
0x20: {  	v4 =	vperm.xlane v3, v0;
	_ =	sdelay $0x1  }
0x21: {  	v3 =	vperm.xlane v3, v2;
	v4 =	vadd.s32 v1, v4;
	_ =	sdelay $0x1  }
0x22: {  	v3 =	vadd.s32 v1, v3;
	_ =	sdelay $0x2  }
0x23: {  	[tilespmem:s7], [sflag:$0x1] =	stream.indirect_vreg.gather [hbm4b:s2+s3], $0x80, v4, vm0, $0xb8;
	[tilespmem:$0xC900] =	vst v63  }
0x24: {  	s0 =	rddreg [dreg:$0x4]  }
0x25: {  	[tilespmem:s0], [sflag:$0x1] =	stream.indirect_vreg.gather [hbm4b:s2+s3], $0x80, v3, vm0, $0xb8;
	[tilespmem:$0xC900] =	vst v63  }
0x26: {  	v3 =	vld [tilespmem:$0x10];
	_ =	sdelay $0x4  }
0x27: {  	v52 =	vshll.u32 v3, $0x1  }
0x28: {  	v3 =	vand.u32 $0x7, v3;
	v4 =	vand.u32 $0xFFFFFFF0, v52  }
0x29: {  	v3 =	vor.u32 v3, v4  }
0x2a: {  	v4 =	vperm.xlane v3, v0;
	_ =	sdelay $0x1  }
0x2b: {  	v3 =	vperm.xlane v3, v2;
	v4 =	vadd.s32 v1, v4;
	_ =	sdelay $0x1  }
0x2c: {  	v3 =	vadd.s32 v1, v3;
	_ =	sdelay $0x1  }
0x2d: {  	s4 =	rddreg [dreg:$0x5]  }
0x2e: {  	[tilespmem:s4], [sflag:$0x1] =	stream.indirect_vreg.gather [hbm4b:s2+s3], $0x80, v4, vm0, $0xb8;
	[tilespmem:$0xC900] =	vst v63  }
0x2f: {  	s0 =	rddreg [dreg:$0x6]  }
0x30: {  	[tilespmem:s0], [sflag:$0x1] =	stream.indirect_vreg.gather [hbm4b:s2+s3], $0x80, v3, vm0, $0xb8;
	[tilespmem:$0xC900] =	vst v63  }
0x31: {  	v3 =	vld [tilespmem:$0x20];
	_ =	sdelay $0x4  }
0x32: {  	v53 =	vshll.u32 v3, $0x1  }
0x33: {  	v3 =	vand.u32 $0x7, v3;
	v4 =	vand.u32 $0xFFFFFFF0, v53  }
0x34: {  	v3 =	vor.u32 v3, v4  }
0x35: {  	v4 =	vperm.xlane v3, v0;
	_ =	sdelay $0x1  }
0x36: {  	v3 =	vperm.xlane v3, v2;
	v4 =	vadd.s32 v1, v4;
	_ =	sdelay $0x1  }
0x37: {  	v3 =	vadd.s32 v1, v3;
	_ =	sdelay $0x2  }
0x38: {  	[tilespmem:s8], [sflag:$0x1] =	stream.indirect_vreg.gather [hbm4b:s2+s3], $0x80, v4, vm0, $0xb8;
	[tilespmem:$0xC900] =	vst v63  }
0x39: {  	_ = 	snop  }
0x3a: {  	[tilespmem:s9], [sflag:$0x1] =	stream.indirect_vreg.gather [hbm4b:s2+s3], $0x80, v3, vm0, $0xb8;
	[tilespmem:$0xC900] =	vst v63  }
0x3b: {  	v3 =	vld [tilespmem:$0x30];
	_ =	sdelay $0x4  }
0x3c: {  	v54 =	vshll.u32 v3, $0x1  }
0x3d: {  	v3 =	vand.u32 $0x7, v3;
	v4 =	vand.u32 $0xFFFFFFF0, v54  }
0x3e: {  	v3 =	vor.u32 v3, v4  }
0x3f: {  	v4 =	vperm.xlane v3, v0;
	_ =	sdelay $0x1  }
0x40: {  	v3 =	vperm.xlane v3, v2;
	v4 =	vadd.s32 v1, v4;
	_ =	sdelay $0x1  }
0x41: {  	v3 =	vadd.s32 v1, v3;
	_ =	sdelay $0x2  }
0x42: {  	[tilespmem:s10], [sflag:$0x1] =	stream.indirect_vreg.gather [hbm4b:s2+s3], $0x80, v4, vm0, $0xb8;
	[tilespmem:$0xC900] =	vst v63  }
0x43: {  	_ = 	snop  }
0x44: {  	[tilespmem:s11], [sflag:$0x1] =	stream.indirect_vreg.gather [hbm4b:s2+s3], $0x80, v3, vm0, $0xb8;
	[tilespmem:$0xC900] =	vst v63  }
0x45: {  	v3 =	vld [tilespmem:$0x40];
	_ =	sdelay $0x4  }
0x46: {  	v55 =	vshll.u32 v3, $0x1  }
0x47: {  	v3 =	vand.u32 $0x7, v3;
	v4 =	vand.u32 $0xFFFFFFF0, v55  }
0x48: {  	v3 =	vor.u32 v3, v4  }
0x49: {  	v4 =	vperm.xlane v3, v0;
	_ =	sdelay $0x1  }
0x4a: {  	v3 =	vperm.xlane v3, v2;
	v4 =	vadd.s32 v1, v4;
	_ =	sdelay $0x1  }
0x4b: {  	v3 =	vadd.s32 v1, v3;
	_ =	sdelay $0x2  }
0x4c: {  	[tilespmem:s12], [sflag:$0x1] =	stream.indirect_vreg.gather [hbm4b:s2+s3], $0x80, v4, vm0, $0xb8;
	[tilespmem:$0xC900] =	vst v63  }
0x4d: {  	_ = 	snop  }
0x4e: {  	[tilespmem:s13], [sflag:$0x1] =	stream.indirect_vreg.gather [hbm4b:s2+s3], $0x80, v3, vm0, $0xb8;
	[tilespmem:$0xC900] =	vst v63  }
0x4f: {  	v3 =	vld [tilespmem:$0x50];
	_ =	sdelay $0x4  }
0x50: {  	v56 =	vshll.u32 v3, $0x1  }
0x51: {  	v3 =	vand.u32 $0x7, v3;
	v4 =	vand.u32 $0xFFFFFFF0, v56  }
0x52: {  	v3 =	vor.u32 v3, v4  }
0x53: {  	v4 =	vperm.xlane v3, v0;
	_ =	sdelay $0x1  }
0x54: {  	v3 =	vperm.xlane v3, v2;
	v4 =	vadd.s32 v1, v4;
	_ =	sdelay $0x1  }
0x55: {  	v3 =	vadd.s32 v1, v3;
	_ =	sdelay $0x2  }
0x56: {  	[tilespmem:s14], [sflag:$0x1] =	stream.indirect_vreg.gather [hbm4b:s2+s3], $0x80, v4, vm0, $0xb8;
	[tilespmem:$0xC900] =	vst v63  }
0x57: {  	_ = 	snop  }
0x58: {  	[tilespmem:s15], [sflag:$0x1] =	stream.indirect_vreg.gather [hbm4b:s2+s3], $0x80, v3, vm0, $0xb8;
	[tilespmem:$0xC900] =	vst v63  }
0x59: {  	v3 =	vld [tilespmem:$0x60];
	_ =	sdelay $0x4  }
0x5a: {  	v57 =	vshll.u32 v3, $0x1  }
0x5b: {  	v3 =	vand.u32 $0x7, v3;
	v4 =	vand.u32 $0xFFFFFFF0, v57  }
0x5c: {  	v3 =	vor.u32 v3, v4  }
0x5d: {  	v4 =	vperm.xlane v3, v0;
	_ =	sdelay $0x1  }
0x5e: {  	v3 =	vperm.xlane v3, v2;
	v4 =	vadd.s32 v1, v4;
	_ =	sdelay $0x1  }
0x5f: {  	v3 =	vadd.s32 v1, v3;
	_ =	sdelay $0x2  }
0x60: {  	[tilespmem:s16], [sflag:$0x1] =	stream.indirect_vreg.gather [hbm4b:s2+s3], $0x80, v4, vm0, $0xb8;
	[tilespmem:$0xC900] =	vst v63  }
0x61: {  	_ = 	snop  }
0x62: {  	[tilespmem:s17], [sflag:$0x1] =	stream.indirect_vreg.gather [hbm4b:s2+s3], $0x80, v3, vm0, $0xb8;
	[tilespmem:$0xC900] =	vst v63  }
0x63: {  	v3 =	vld [tilespmem:$0x70];
	_ =	sdelay $0x4  }
0x64: {  	v58 =	vshll.u32 v3, $0x1  }
0x65: {  	v3 =	vand.u32 $0x7, v3;
	v4 =	vand.u32 $0xFFFFFFF0, v58  }
0x66: {  	v3 =	vor.u32 v3, v4  }
0x67: {  	v4 =	vperm.xlane v3, v0;
	_ =	sdelay $0x1  }
0x68: {  	v3 =	vperm.xlane v3, v2;
	v4 =	vadd.s32 v1, v4;
	_ =	sdelay $0x1  }
0x69: {  	v3 =	vadd.s32 v1, v3;
	_ =	sdelay $0x2  }
0x6a: {  	[tilespmem:s18], [sflag:$0x1] =	stream.indirect_vreg.gather [hbm4b:s2+s3], $0x80, v4, vm0, $0xb8;
	[tilespmem:$0xC900] =	vst v63  }
0x6b: {  	_ = 	snop  }
0x6c: {  	[tilespmem:s19], [sflag:$0x1] =	stream.indirect_vreg.gather [hbm4b:s2+s3], $0x80, v3, vm0, $0xb8;
	[tilespmem:$0xC900] =	vst v63  }
0x6d: {  	v3 =	vld [tilespmem:$0x80];
	_ =	sdelay $0x4  }
0x6e: {  	v59 =	vshll.u32 v3, $0x1  }
0x6f: {  	v3 =	vand.u32 $0x7, v3;
	v4 =	vand.u32 $0xFFFFFFF0, v59  }
0x70: {  	v3 =	vor.u32 v3, v4  }
0x71: {  	v4 =	vperm.xlane v3, v0;
	_ =	sdelay $0x1  }
0x72: {  	v3 =	vperm.xlane v3, v2;
	v4 =	vadd.s32 v1, v4;
	_ =	sdelay $0x1  }
0x73: {  	v3 =	vadd.s32 v1, v3;
	_ =	sdelay $0x2  }
0x74: {  	[tilespmem:s20], [sflag:$0x1] =	stream.indirect_vreg.gather [hbm4b:s2+s3], $0x80, v4, vm0, $0xb8;
	[tilespmem:$0xC900] =	vst v63  }
0x75: {  	_ = 	snop  }
0x76: {  	[tilespmem:s21], [sflag:$0x1] =	stream.indirect_vreg.gather [hbm4b:s2+s3], $0x80, v3, vm0, $0xb8;
	[tilespmem:$0xC900] =	vst v63  }
0x77: {  	v3 =	vld [tilespmem:$0x90];
	_ =	sdelay $0x4  }
0x78: {  	v60 =	vshll.u32 v3, $0x1  }
0x79: {  	v3 =	vand.u32 $0x7, v3;
	v4 =	vand.u32 $0xFFFFFFF0, v60  }
0x7a: {  	v3 =	vor.u32 v3, v4  }
0x7b: {  	v4 =	vperm.xlane v3, v0;
	_ =	sdelay $0x1  }
0x7c: {  	v3 =	vperm.xlane v3, v2;
	v4 =	vadd.s32 v1, v4;
	_ =	sdelay $0x1  }
0x7d: {  	v3 =	vadd.s32 v1, v3;
	_ =	sdelay $0x2  }
0x7e: {  	[tilespmem:s22], [sflag:$0x1] =	stream.indirect_vreg.gather [hbm4b:s2+s3], $0x80, v4, vm0, $0xb8;
	[tilespmem:$0xC900] =	vst v63  }
0x7f: {  	_ = 	snop  }
0x80: {  	[tilespmem:s23], [sflag:$0x1] =	stream.indirect_vreg.gather [hbm4b:s2+s3], $0x80, v3, vm0, $0xb8;
	[tilespmem:$0xC900] =	vst v63  }
0x81: {  	v3 =	vld [tilespmem:$0xA0];
	_ =	sdelay $0x4  }
0x82: {  	v61 =	vshll.u32 v3, $0x1  }
0x83: {  	v3 =	vand.u32 $0x7, v3;
	v4 =	vand.u32 $0xFFFFFFF0, v61  }
0x84: {  	v3 =	vor.u32 v3, v4  }
0x85: {  	v4 =	vperm.xlane v3, v0;
	_ =	sdelay $0x1  }
0x86: {  	v3 =	vperm.xlane v3, v2;
	v4 =	vadd.s32 v1, v4;
	_ =	sdelay $0x1  }
0x87: {  	v3 =	vadd.s32 v1, v3;
	_ =	sdelay $0x2  }
0x88: {  	[tilespmem:s24], [sflag:$0x1] =	stream.indirect_vreg.gather [hbm4b:s2+s3], $0x80, v4, vm0, $0xb8;
	[tilespmem:$0xC900] =	vst v63  }
0x89: {  	_ = 	snop  }
0x8a: {  	[tilespmem:s25], [sflag:$0x1] =	stream.indirect_vreg.gather [hbm4b:s2+s3], $0x80, v3, vm0, $0xb8;
	[tilespmem:$0xC900] =	vst v63  }
0x8b: {  	v3 =	vld [tilespmem:$0xB0];
	_ =	sdelay $0x4  }
0x8c: {  	v62 =	vshll.u32 v3, $0x1  }
0x8d: {  	v3 =	vand.u32 $0x7, v3;
	v4 =	vand.u32 $0xFFFFFFF0, v62  }
0x8e: {  	v3 =	vor.u32 v3, v4  }
0x8f: {  	v4 =	vperm.xlane v3, v0;
	_ =	sdelay $0x1  }
0x90: {  	v3 =	vperm.xlane v3, v2;
	v4 =	vadd.s32 v1, v4;
	_ =	sdelay $0x1  }
0x91: {  	v3 =	vadd.s32 v1, v3;
	_ =	sdelay $0x2  }
0x92: {  	[tilespmem:s26], [sflag:$0x1] =	stream.indirect_vreg.gather [hbm4b:s2+s3], $0x80, v4, vm0, $0xb8;
	[tilespmem:$0xC900] =	vst v63  }
0x93: {  	_ = 	snop  }
0x94: {  	[tilespmem:s28], [sflag:$0x1] =	stream.indirect_vreg.gather [hbm4b:s2+s3], $0x80, v3, vm0, $0xb8;
	[tilespmem:$0xC900] =	vst v63  }
0x95: {  	v3 =	vld.msk [tilespmem:$0xC0], $0xff;
	_ =	sdelay $0x4  }
0x96: {  	v63 =	vshll.u32 v3, $0x1  }
0x97: {  	v3 =	vand.u32 $0x7, v3;
	v4 =	vand.u32 $0xFFFFFFF0, v63  }
0x98: {  	v3 =	vor.u32 v3, v4  }
0x99: {  	v3 =	vperm.xlane v3, v0;
	_ =	sdelay $0x1  }
0x9a: {  	v3 =	vadd.s32 v1, v3;
	_ =	sdelay $0x4  }
0x9b: {  	[tilespmem:s29], [sflag:$0x1] =	stream.indirect_vreg.gather [hbm4b:s2+s3], $0x80, v3, vm0, $0xb8;
	[tilespmem:$0xC900] =	vst v63  }
0x9c: {  	_ =	swait.ge [sflag:s30], $0xC800  }
0x9d: {  	p0 =	sne.s32 s1, $0x258;
	[sflag:s30] =	ssyncset.done $0x0  }
.Ltmp0:
0x9e: {  	[sflag:s30] =	ssyncadd.s32 $0xFFFF3800;
	(pc) =	sbr.rel @p0 .LBB2_2-.Ltmp0, $4  }
0x9f: {  	[hbm4b:s5+s3] =	stream.linear.scatter [tilespmem:s7], [sflag:$0x2], $0xC800, $0x38;
	[tilespmem:$0xC900] =	vst v63  }
0xa0: {  	_ =	swait.ge [sflag:s6], $0xC800  }
0xa1: {  	[sflag:s6] =	ssyncset.done $0x0  }
0xa2: {  	s1 =	sadd.s32 $0x19, s1;
	s5 =	sadd.s32 $0x1900, s5;
	[sflag:s6] =	ssyncadd.s32 $0xFFFF3800  }
0xa3: {  	s31 =	sadd.s32 $0x1, s31;
	s0 =	rddreg [dreg:$0x7]  }
0xa4: {  	p0 =	sne.s32 s31, s0  }
.Ltmp1:
0xa5: {  	_ = 	snop;
	(pc) =	sbr.rel @p0 .LBB2_1-.Ltmp1, $1  }
0xa6: {  	_ =	sdelay $0x3  }
0xa7: {  	_ =	sfence.sel $0x180000  }
0xa8: {  	[bflag:$0x0] =	sbarrier.arrive $0xFFFF  }
0xa9: {  	_ =	strace $0x9000005C  }
0xaa: {  	s0 =	stileid.u32;
	[bflag:$0x2] =	sbarrier.arrive $0xFFFF  }
0xab: {  	p0 =	sne.s32 s0, $0x0;
	s0 =	rddreg [dreg:$0x2]  }
0xac: {  	s0 =	sadd.s32 @!p0 $0x100000, s0  }
0xad: {  	[sflag:s0] =	ssyncadd.tile.s32 @!p0 $0x1;
	_ =	shalt  }
.Lfunc_end2:
_tile_overlayer_lowered:
.L_overlay_start_2:
0xae: {  	(tag) =	ssettag $0x2  }
0xaf: {  	s0 =	rddreg [dreg:$0x0];
	s2 =	stileid.u32  }
0xb0: {  	s1 =	rddreg [dreg:$0x1];
	p0 =	sne.s32 s2, $0x0  }
0xb1: {  	s3 =	rddreg [dreg:$0x2];
	[bflag:$0x3] =	sbarrier.arrive $0xFFFF;
	s2 =	simm.s32 @!p0 $0x1C02  }
0xb2: {  	[timem:s3], [sflag:s2] =	dma.local @!p0 [hbm:s0], s1  }
0xb3: {  	s0 =	simm.s32 @!p0 $0x2  }
0xb4: {  	_ =	swait.ge @!p0 [sflag:s0], s1  }
0xb5: {  	s1 =	ssub.s32 @!p0 $0x0, s1;
	[sflag:s0] =	ssyncset.done @!p0 $0x0  }
0xb6: {  	[sflag:s0] =	ssyncadd.s32 @!p0 s1  }
0xb7: {  	[bflag:$0x3] =	sbarrier.arrive $0xFFFF  }
0xb8: {  	_ =	shalt  }

// kernel: kernel.40.cloned.1.call-start
scs
__scs_entry_jumppad:
0x0: {  	(pc) =	sbr.rel $0x88, $3  }
0x1: {  	(tag) =	ssettag $0x0;
	lr =	simm.s32 $0x1  }
0x2: {  	[smem:$0x3F8F] =	sst lr;
	_ =	strace $0xD0000000  }
0x3: {  	_ = 	snop  }
0x4: {  	_ = 	snop  }
0x5: {  	_ = 	snop  }
0x6: {  	_ = 	snop  }
0x7: {  	_ = 	snop  }
__scs_overlays_trampoline_lowered:
0x8: {  	[smem:$0x3F9E] =	sst s0  }
0x9: {  	[smem:$0x3F9F] =	sst s1  }
0xa: {  	[smem:$0x3FA0] =	sst s2  }
0xb: {  	[smem:$0x3FA1] =	sst s3  }
0xc: {  	[smem:$0x3FA2] =	sst s4  }
0xd: {  	[smem:$0x3FA3] =	sst s5  }
0xe: {  	[smem:$0x3FA4] =	sst s6  }
0xf: {  	[smem:$0x3FA5] =	sst s7  }
0x10: {  	[smem:$0x3FA6] =	sst s8  }
0x11: {  	[smem:$0x3FA7] =	sst s9;
	s0 =	simm.s32 @!p0 $0x0  }
0x12: {  	s1 =	sld [smem:$0x3F8D];
	s0 =	simm.s32 @p0 $0x1  }
0x13: {  	[smem:$0x3FA8] =	sst s0;
	s0 =	simm.s32 @!p1 $0x0  }
0x14: {  	s2 =	sld [smem:$0x3F8C];
	s0 =	simm.s32 @p1 $0x1  }
0x15: {  	[smem:$0x3FA9] =	sst s0;
	s0 =	simm.s32 @!p2 $0x0  }
0x16: {  	s3 =	sld [smem:$0x3FDB];
	s0 =	simm.s32 @p2 $0x1  }
0x17: {  	s4 =	simm.s32 $0x1BF5;
	[smem:$0x3FAB] =	sst s0  }
0x18: {  	s0 =	sld [smem:$0x3F8E];
	_ =	swait.ge [sflag:s4], $0x0  }
0x19: {  	s7 =	sld [smem:$0x3F8F]  }
0x1a: {  	s8 =	sadd.s32 $0xFFFFE003, lr  }
0x1b: {  	s9 =	sadd.s32 $0xFFFFFEF7, lr;
	s5 =	simm.s32 $0xFFFFFFFF;
	p2 =	slt.u32 s8, $0xFFFFF086  }
0x1c: {  	p1 =	slt.u32 s9, $0xF7A;
	s5 =	simm.s32 @!p2 $0x0  }
0x1d: {  	s5 =	simm.s32 @p1 $0x1;
	p0 =	seq.s32 s7, s2  }
0x1e: {  	s7 =	smul.u32 @!p0 $0xF7A, s2;
	p2 =	seq.s32 @!p0 s5, $0x0  }
0x1f: {  	s9 =	smul.u32 $0xF7A, s1;
	s8 =	simm.s32 @!p0 $0x1BF5;
	p2 =	por !p2, p0  }
0x20: {  	[sflag:s8] =	ssyncset.s32 @!p0 $0xFFFFF086;
	s6 =	sadd.s32 @!p0 s3, s7;
	s7 =	simm.s32 @!p0 $0x108  }
0x21: {  	s3 =	sadd.s32 s3, s9;
	s6 =	sadd.s32 @!p0 $0x88, s6;
	s7 =	simm.s32 @p2 $0x1082  }
0x22: {  	[simem:s7], [sflag:s8] =	dma.local @!p0 [hbm:s6], $0xF7A  }
0x23: {  	s9 =	sor.u32 $0xD0000000, s2;
	s6 =	simm.s32 $0x108;
	_ =	swait.ge @!p0 [sflag:s8], $0x0  }
0x24: {  	s3 =	sadd.s32 $0x88, s3;
	s6 =	simm.s32 @!p1 $0x1082;
	[sflag:s4] =	ssyncset.s32 $0xFFFFF086  }
0x25: {  	[simem:s6], [sflag:s4] =	dma.local [hbm:s3], $0xF7A  }
0x26: {  	[smem:$0x3F8F] =	sst s1;
	(tag) =	ssettag s2;
	_ =	strace s9  }
0x27: {  	s1 =	sld [smem:$0x3F9F]  }
0x28: {  	s2 =	sld [smem:$0x3FA0]  }
0x29: {  	s4 =	sld [smem:$0x3FA2]  }
0x2a: {  	p0 =	seq.s32 s5, $0x0;
	s5 =	sld [smem:$0x3FA3]  }
0x2b: {  	s6 =	sld [smem:$0x3FA4]  }
0x2c: {  	s7 =	sld [smem:$0x3FA5]  }
0x2d: {  	s3 =	simm.s32 $0x108;
	s8 =	sld [smem:$0x3FA6]  }
0x2e: {  	s3 =	simm.s32 @!p0 $0x1082;
	s9 =	sld [smem:$0x3FA7]  }
0x2f: {  	lr =	sadd.s32 s0, s3;
	s0 =	sld [smem:$0x3F9E]  }
0x30: {  	s3 =	sld [smem:$0x3FA1]  }
0x31: {  	[smem:$0x3FAA] =	sst s10  }
0x32: {  	s10 =	sld [smem:$0x3FA8];
	_ =	sdelay $0x3  }
0x33: {  	p0 =	seq.s32 s10, $0x1;
	s10 =	sld [smem:$0x3FAA];
	_ =	sdelay $0x3  }
0x34: {  	[smem:$0x3FAA] =	sst s10  }
0x35: {  	s10 =	sld [smem:$0x3FA9];
	_ =	sdelay $0x3  }
0x36: {  	p1 =	seq.s32 s10, $0x1;
	s10 =	sld [smem:$0x3FAA];
	_ =	sdelay $0x3  }
0x37: {  	[smem:$0x3FAA] =	sst s10  }
0x38: {  	s10 =	sld [smem:$0x3FAB]  }
0x39: {  	_ = 	snop;
	(pc) =	sbr.ind lr, $3  }
0x3a: {  	_ = 	snop  }
0x3b: {  	_ = 	snop  }
0x3c: {  	p2 =	seq.s32 s10, $0x1;
	s10 =	sld [smem:$0x3FAA]  }
0x3d: {  	_ =	shalt  }
0x3e: {  	_ =	shalt  }
0x3f: {  	_ =	shalt  }
0x40: {  	_ =	shalt  }
0x41: {  	_ =	shalt  }
0x42: {  	_ =	shalt  }
0x43: {  	_ =	shalt  }
0x44: {  	_ =	shalt  }
0x45: {  	_ =	shalt  }
0x46: {  	_ =	shalt  }
0x47: {  	_ =	shalt  }
0x48: {  	_ =	shalt  }
0x49: {  	_ =	shalt  }
0x4a: {  	_ =	shalt  }
0x4b: {  	_ =	shalt  }
0x4c: {  	_ =	shalt  }
0x4d: {  	_ =	shalt  }
0x4e: {  	_ =	shalt  }
0x4f: {  	_ =	shalt  }
0x50: {  	_ =	shalt  }
0x51: {  	_ =	shalt  }
0x52: {  	_ =	shalt  }
0x53: {  	_ =	shalt  }
0x54: {  	_ =	shalt  }
0x55: {  	_ =	shalt  }
0x56: {  	_ =	shalt  }
0x57: {  	_ =	shalt  }
0x58: {  	_ =	shalt  }
0x59: {  	_ =	shalt  }
0x5a: {  	_ =	shalt  }
0x5b: {  	_ =	shalt  }
0x5c: {  	_ =	shalt  }
0x5d: {  	_ =	shalt  }
0x5e: {  	_ =	shalt  }
0x5f: {  	_ =	shalt  }
0x60: {  	_ =	shalt  }
0x61: {  	_ =	shalt  }
0x62: {  	_ =	shalt  }
0x63: {  	_ =	shalt  }
0x64: {  	_ =	shalt  }
0x65: {  	_ =	shalt  }
0x66: {  	_ =	shalt  }
0x67: {  	_ =	shalt  }
0x68: {  	_ =	shalt  }
0x69: {  	_ =	shalt  }
0x6a: {  	_ =	shalt  }
0x6b: {  	_ =	shalt  }
0x6c: {  	_ =	shalt  }
0x6d: {  	_ =	shalt  }
0x6e: {  	_ =	shalt  }
0x6f: {  	_ =	shalt  }
0x70: {  	_ =	shalt  }
0x71: {  	_ =	shalt  }
0x72: {  	_ =	shalt  }
0x73: {  	_ =	shalt  }
0x74: {  	_ =	shalt  }
0x75: {  	_ =	shalt  }
0x76: {  	_ =	shalt  }
0x77: {  	_ =	shalt  }
0x78: {  	_ =	shalt  }
0x79: {  	_ =	shalt  }
0x7a: {  	_ =	shalt  }
0x7b: {  	_ =	shalt  }
0x7c: {  	_ =	shalt  }
0x7d: {  	_ =	shalt  }
0x7e: {  	_ =	shalt  }
0x7f: {  	_ =	shalt  }
0x80: {  	_ =	shalt  }
0x81: {  	_ =	shalt  }
0x82: {  	_ =	shalt  }
0x83: {  	_ =	shalt  }
0x84: {  	_ =	shalt  }
0x85: {  	_ =	shalt  }
0x86: {  	_ =	shalt  }
0x87: {  	_ =	shalt  }
.Lfunc_end0:
.L_simem_size_0:
called_computation.9_lowered:
.L_overlay_start_0:
0x88: {  	s2 =	sld [smem:$0x3FD9]  }
0x89: {  	s3 =	sld [smem:$0x3FFE];
	_ =	sdelay $0x1  }
0x8a: {  	s1 =	srdreg.scid  }
0x8b: {  	s0 =	sand.u32 $0x1, s1  }
0x8c: {  	s17 =	sshll.u32 s0, $0xA;
	s2 =	sadd.s32 s3, s2  }
0x8d: {  	s2 =	sadd.s32 s2, s17  }
0x8e: {  	[smem:$0x3FB6] =	sst s2  }
0x8f: {  	_ = 	snop  }
0x90: {  	(tm) =	ssettm $0x1  }
0x91: {  	s18 =	sld [smem:$0x3FFB];
	_ =	sdelay $0x3  }
0x92: {  	_ =	strace s18  }
0x93: {  	s2 =	sld [smem:$0x3FFC];
	_ =	sdelay $0x3  }
0x94: {  	_ =	strace s2  }
0x95: {  	s2 =	sld [smem:$0x3FFD];
	_ =	sdelay $0x3  }
0x96: {  	_ =	strace s2  }
0x97: {  	_ =	strace $0x8FFFFFFF  }
0x98: {  	s19 =	sld [smem:$0x3FDB];
	_ =	sdelay $0x1  }
0x99: {  	s20 =	simm.s32 $_scs_section_size  }
0x9a: {  	s4 =	simm.s32 $_size__tile_overlayer_lowered;
	s5 =	simm.s32 $_tile_overlayer_lowered  }
0x9b: {  	s6 =	simm.s32 $0x1BFF;
	s21 =	sshll.u32 s5, $0x1;
	s3 =	sadd.s32 s20, s19  }
0x9c: {  	s22 =	simm.s32 $0x0;
	s4 =	sshll.u32 s4, $0x1;
	s5 =	sadd.s32 s21, s3  }
0x9d: {  	[timem:s22], [sflag:s6] =	dma.local [hbm:s5], s4  }
0x9e: {  	_ =	swait.ge [sflag:s6], s4  }
0x9f: {  	s4 =	ssub.s32 $0x0, s4;
	[sflag:s6] =	ssyncset.done $0x0  }
0xa0: {  	[sflag:s6] =	ssyncadd.s32 s4;
	_ =	sdelay $0x1  }
0xa1: {  	s23 =	simm.s32 $0x1B8B  }
0xa2: {  	_ =	swait.ge [sflag:s23], $0x1  }
0xa3: {  	[sflag:s23] =	ssyncset.done $0x0  }
0xa4: {  	[sflag:s23] =	ssyncadd.s32 $0xFFFFFFFF  }
0xa5: {  	s4 =	sld [smem:$0x0]  }
0xa6: {  	s5 =	sand.u32 $0xFFFFFFFE, s1  }
0xa7: {  	p0 =	sne.s32 s1, s5  }
0xa8: {  	s5 =	sshll.u32 @p0 s5, $0xE  }
0xa9: {  	s5 =	sadd.s32 @p0 $0x11B8D, s5;
	s6 =	sshll.u32 @p0 s4, $0x11  }
0xaa: {  	s5 =	sor.u32 @p0 s6, s5  }
0xab: {  	[sflag:s5] =	ssyncadd.remote.s32 @p0 $0x1;
	_ =	sdelay $0x1  }
0xac: {  	s5 =	simm.s32 @p0 $0x1B8D  }
0xad: {  	_ =	swait.eq @p0 [sflag:s5], $0x1  }
0xae: {  	[sflag:s5] =	ssyncadd.s32 @p0 $0xFFFFFFFF  }
0xaf: {  	s6 =	sshll.u32 @!p0 s1, $0xE  }
0xb0: {  	s6 =	sor.u32 @!p0 $0x4000, s6;
	s5 =	simm.s32 @!p0 $0x1B8D  }
0xb1: {  	s4 =	sshll.u32 @!p0 s4, $0x11;
	s6 =	sadd.s32 @!p0 $0x11B8D, s6;
	_ =	swait.eq @!p0 [sflag:s5], $0x1  }
0xb2: {  	s4 =	sor.u32 @!p0 s4, s6;
	[sflag:s5] =	ssyncadd.s32 @!p0 $0xFFFFFFFF  }
0xb3: {  	s25 =	simm.s32 $0x1B8E;
	s24 =	sld [smem:$0x3FFE];
	[sflag:s4] =	ssyncadd.remote.s32 @!p0 $0x1  }
0xb4: {  	s26 =	simm.s32 $execute0_lowered;
	[smem:$0x3FD2] =	sst s25  }
0xb5: {  	s5 =	sshll.u32 s26, $0x1;
	_ =	strace $0x80000061;
	[dreg:$0x1] =	wrdreg $0xFFFFFFFF  }
0xb6: {  	s28 =	simm.s32 $_size_execute0_lowered;
	s3 =	sadd.s32 s3, s5;
	[dreg:$0x0] =	wrdreg $0x0  }
0xb7: {  	s5 =	sshll.u32 s28, $0x1;
	[dreg:$0x2] =	wrdreg s3  }
0xb8: {  	[dreg:$0x3] =	wrdreg s5  }
0xb9: {  	[dreg:$0x4] =	wrdreg $0xC0  }
0xba: {  	_ =	task [dreg:s22], $0x5FFFF  }
0xbb: {  	[dreg:$0x1] =	wrdreg $0xFFFFFFFF  }
0xbc: {  	[dreg:$0x0] =	wrdreg $0x60  }
0xbd: {  	[dreg:$0x2] =	wrdreg s24  }
0xbe: {  	[dreg:$0x3] =	wrdreg $0x65000  }
0xbf: {  	[dreg:$0x4] =	wrdreg $0x9  }
0xc0: {  	_ =	task.clear_ibuf [dreg:s22], $0x5FFFF;
	_ =	strace $0x90000061  }
0xc1: {  	s29 =	simm.s32 $0x9;
	_ =	strace $0x80000063  }
0xc2: {  	_ =	swait.ge [sflag:s29], $0x1  }
0xc3: {  	[sflag:s29] =	ssyncadd.s32 $0xFFFFFFFF  }
0xc4: {  	_ =	strace $0x90000063  }
0xc5: {  	_ =	sfence  }
0xc6: {  	s30 =	sld [smem:$0x0];
	_ =	sdelay $0x2  }
0xc7: {  	s31 =	sshll.u32 s1, $0xD;
	s1 =	sshrl.u32 s1, $0x2  }
0xc8: {  	s4 =	sand.u32 $0x4000, s31;
	s1 =	sadd.s32 s1, s30  }
0xc9: {  	s0 =	sor.u32 s4, s0;
	s1 =	sshll.u32 s1, $0x11  }
0xca: {  	s0 =	sor.u32 s1, s0  }
0xcb: {  	s0 =	sadd.s32 $0x8F2B, s0  }
0xcc: {  	[sflag:s0] =	ssyncadd.remote.s32 $0x1  }
0xcd: {  	_ =	sfence.sel $0xFFFF  }
0xce: {  	[dreg:$0x0] =	wrdreg $0xFFFFFFFF;
	(pc) =	sbr.abs _section_cstart, $3  }
0xcf: {  	[dreg:$0x1] =	wrdreg $0xFFFFFFFF  }
0xd0: {  	_ =	task.clear_ibuf [dreg:s22], $0x2FFFF;
	_ =	strace $0x9FFFFFFF  }
0xd1: {  	(tm) =	ssettm $0x7FFFFFFF  }
tec
execute0_lowered:
.L_overlay_start_1:
0x0: {  	(tag) =	ssettag $0x1  }
0x1: {  	s0 =	srdreg.scid  }
0x2: {  	s4 =	sand.u32 $0x1, s0  }
0x3: {  	s5 =	rddreg [dreg:$0x0];
	s6 =	smul.u32 $0x138800, s4  }
0x4: {  	s0 =	stileid.u32;
	s7 =	smul.u32 $0x13880, s4  }
0x5: {  	s2 =	rddreg [dreg:$0x1];
	s8 =	smul.u32 $0x1388, s0  }
0x6: {  	s1 =	rddreg [dreg:$0x2];
	s3 =	simm.s32 $0x0;
	s9 =	smul.u32 $0x14000, s0  }
0x7: {  	[smem:$0x7FF] =	sst s3;
	s24 =	smul.u32 $0x140000, s4  }
0x8: {  	s14 =	simm.s32 $0x0;
	_ =	strace $0x80000062;
	s28 =	smul.u32 $0x50000, s0  }
0x9: {  	s4 =	ssub.s32 $0x2, s4;
	s11 =	smul.u32 $0x13880, s0;
	s30 =	sshll.u32 s0, $0x6  }
0xa: {  	s29 =	sshrl.u32 s4, $0x1;
	s7 =	sadd.s32 s8, s7;
	s6 =	sadd.s32 s6, s5  }
0xb: {  	s25 =	sadd.s32 s9, s24;
	s26 =	sshrl.u32 s9, $0x3;
	s9 =	sshrl.u32 s28, $0x2  }
0xc: {  	s12 =	ssub.s32 s4, s29;
	s7 =	sshrl.u32 s7, $0x3;
	s8 =	sadd.s32 s26, s5  }
0xd: {  	s13 =	sadd.s32 s9, s2;
	s31 =	sadd.s32 s11, s6;
	s11 =	simm.s32 $0x1  }
0xe: {  	s10 =	sadd.s32 s7, s5;
	s7 =	sshrl.u32 s25, $0x3;
	s4 =	sadd.s32 $0x281200, s8  }
0xf: {  	s8 =	sadd.s32 $0x114F200, s31;
	s7 =	sadd.s32 s7, s5;
	s5 =	sor.u32 $0x1C01, s30  }
0x10: {  	s9 =	sadd.s32 $0x6200, s10;
	s10 =	sshrl.u32 s13, $0x3;
	s13 =	simm.s32 $0xC8  }
0x11: {  	s6 =	sadd.s32 $0x5E400, s7;
	s7 =	smax.u32 s12, $0x1;
	s12 =	simm.s32 $0x100  }
.LBB2_1:
0x12: {  	[spmem:s10], [sflag:s5] =	dma.local [hbm:s4], $0x2800  }
0x13: {  	_ =	swait.ge [sflag:s11], $0x2800  }
0x14: {  	[sflag:s11] =	ssyncset.done $0x0  }
0x15: {  	[sflag:s11] =	ssyncadd.s32 $0xFFFFD800  }
0x16: {  	s15 =	sadd.s32 $0x0, s9;
	[bflag:$0x0] =	sbarrier.arrive $0xFFFF  }
0x17: {  	[tilespmem:s3], [sflag:$0x1] =	stream.linear.gather [hbm4b:s15+s3], $0xC8, $0x38;
	[tilespmem:$0x1A500] =	vst v63  }
0x18: {  	_ =	swait.ge [sflag:s11], $0xC8  }
0x19: {  	[sflag:s11] =	ssyncset.done $0x0  }
0x1a: {  	[sflag:s11] =	ssyncadd.s32 $0xFFFFFF38  }
0x1b: {  	[tilespmem:s12], [sflag:$0x1] =	stream.linear.gather [hbm4b:s8+s3], $0x6400, $0x38;
	[tilespmem:$0x1A500] =	vst v63  }
0x1c: {  	_ =	swait.ge [sflag:s11], $0x6400  }
0x1d: {  	[sflag:s11] =	ssyncset.done $0x0  }
0x1e: {  	[sflag:s11] =	ssyncadd.s32 $0xFFFF9C00  }
0x1f: {  	[spmem:s2] =	stream.indirect.scatter.add.f32 [tilespmem:s12], [sflag:$0x1], $0x80, s3, s13, $0xb8;
	[tilespmem:$0x1A500] =	vst v63  }
0x20: {  	s16 =	simm.s32 $0x19;
	_ =	swait.ge [sflag:s11], $0x6400  }
0x21: {  	s17 =	simm.s32 $0x32;
	s15 =	sadd.s32 $0xC80, s8;
	[sflag:s11] =	ssyncset.done $0x0  }
.LBB2_2:
0x22: {  	s18 =	sadd.s32 s16, s9  }
0x23: {  	[sflag:s11] =	ssyncadd.s32 $0xFFFF9C00;
	s16 =	smov.u32 s17;
	s19 =	sadd.s32 $0x19, s17  }
0x24: {  	[tilespmem:s3], [sflag:$0x1] =	stream.linear.gather [hbm4b:s18+s3], $0xC8, $0x38;
	[tilespmem:$0x1A500] =	vst v63  }
0x25: {  	p0 =	sne.s32 s17, $0x258;
	_ =	swait.ge [sflag:s11], $0xC8  }
0x26: {  	[sflag:s11] =	ssyncset.done $0x0  }
0x27: {  	[sflag:s11] =	ssyncadd.s32 $0xFFFFFF38  }
0x28: {  	[tilespmem:s12], [sflag:$0x1] =	stream.linear.gather [hbm4b:s15+s3], $0x6400, $0x38;
	[tilespmem:$0x1A500] =	vst v63  }
0x29: {  	_ =	swait.ge [sflag:s11], $0x6400  }
.Ltmp0:
0x2a: {  	[sflag:s11] =	ssyncset.done $0x0;
	(pc) =	sbr.rel @p0 .LBB2_2-.Ltmp0, $4  }
0x2b: {  	[sflag:s11] =	ssyncadd.s32 $0xFFFF9C00  }
0x2c: {  	[spmem:s2] =	stream.indirect.scatter.add.f32 [tilespmem:s12], [sflag:$0x1], $0x80, s3, s13, $0xb8;
	[tilespmem:$0x1A500] =	vst v63  }
0x2d: {  	_ =	swait.ge [sflag:s11], $0x6400  }
0x2e: {  	s17 =	smov.u32 s19;
	s15 =	sadd.s32 $0xC80, s15;
	[sflag:s11] =	ssyncset.done $0x0  }
0x2f: {  	s16 =	sadd.s32 s16, s9;
	[sflag:s11] =	ssyncadd.s32 $0xFFFF9C00  }
0x30: {  	[tilespmem:s3], [sflag:$0x1] =	stream.linear.gather [hbm4b:s16+s3], $0xC8, $0x38;
	[tilespmem:$0x1A500] =	vst v63  }
0x31: {  	_ =	swait.ge [sflag:s11], $0xC8  }
0x32: {  	[sflag:s11] =	ssyncset.done $0x0  }
0x33: {  	[sflag:s11] =	ssyncadd.s32 $0xFFFFFF38  }
0x34: {  	[tilespmem:s12], [sflag:$0x1] =	stream.linear.gather [hbm4b:s15+s3], $0x6400, $0x38;
	[tilespmem:$0x1A500] =	vst v63  }
0x35: {  	_ =	swait.ge [sflag:s11], $0x6400  }
0x36: {  	[sflag:s11] =	ssyncset.done $0x0  }
0x37: {  	[sflag:s11] =	ssyncadd.s32 $0xFFFF9C00  }
0x38: {  	[spmem:s2] =	stream.indirect.scatter.add.f32 [tilespmem:s12], [sflag:$0x1], $0x80, s3, s13, $0xb8;
	[tilespmem:$0x1A500] =	vst v63  }
0x39: {  	_ =	swait.ge [sflag:s11], $0x6400  }
0x3a: {  	s14 =	sadd.s32 $0x1, s14;
	[sflag:s11] =	ssyncset.done $0x0  }
0x3b: {  	p0 =	sne.s32 s14, s7;
	[sflag:s11] =	ssyncadd.s32 $0xFFFF9C00  }
.Ltmp1:
0x3c: {  	[bflag:$0x0] =	sbarrier.arrive $0xFFFF;
	(pc) =	sbr.rel @p0 .LBB2_1-.Ltmp1, $4  }
0x3d: {  	[hbm:s6], [sflag:s5] =	dma.local [spmem:s10], $0x2800  }
0x3e: {  	_ =	swait.ge [sflag:s11], $0x2800  }
0x3f: {  	[sflag:s11] =	ssyncset.done $0x0  }
0x40: {  	[sflag:s11] =	ssyncadd.s32 $0xFFFFD800  }
0x41: {  	_ =	sfence.sel $0x180000  }
0x42: {  	[bflag:$0x0] =	sbarrier.arrive $0xFFFF  }
0x43: {  	p0 =	sne.s32 s0, $0x0;
	_ =	strace $0x90000062  }
0x44: {  	s0 =	sadd.s32 @!p0 $0x100000, s1;
	[bflag:$0x2] =	sbarrier.arrive $0xFFFF  }
0x45: {  	[sflag:s0] =	ssyncadd.tile.s32 @!p0 $0x1;
	_ =	shalt  }
.Lfunc_end2:
_tile_overlayer_lowered:
.L_overlay_start_2:
0x46: {  	(tag) =	ssettag $0x2  }
0x47: {  	s0 =	rddreg [dreg:$0x0];
	s2 =	stileid.u32  }
0x48: {  	s1 =	rddreg [dreg:$0x1];
	p0 =	sne.s32 s2, $0x0  }
0x49: {  	s3 =	rddreg [dreg:$0x2];
	[bflag:$0x3] =	sbarrier.arrive $0xFFFF;
	s2 =	simm.s32 @!p0 $0x1C01  }
0x4a: {  	[timem:s3], [sflag:s2] =	dma.local @!p0 [hbm:s0], s1  }
0x4b: {  	s0 =	simm.s32 @!p0 $0x1  }
0x4c: {  	_ =	swait.ge @!p0 [sflag:s0], s1  }
0x4d: {  	s1 =	ssub.s32 @!p0 $0x0, s1;
	[sflag:s0] =	ssyncset.done @!p0 $0x0  }
0x4e: {  	[sflag:s0] =	ssyncadd.s32 @!p0 s1  }
0x4f: {  	[bflag:$0x3] =	sbarrier.arrive $0xFFFF  }
0x50: {  	_ =	shalt  }

// kernel: kernel.43.cloned.1.call-start
scs
__scs_entry_jumppad:
0x0: {  	(pc) =	sbr.rel $0x88, $3  }
0x1: {  	(tag) =	ssettag $0x0;
	lr =	simm.s32 $0x1  }
0x2: {  	[smem:$0x3F8F] =	sst lr;
	_ =	strace $0xD0000000  }
0x3: {  	_ = 	snop  }
0x4: {  	_ = 	snop  }
0x5: {  	_ = 	snop  }
0x6: {  	_ = 	snop  }
0x7: {  	_ = 	snop  }
__scs_overlays_trampoline_lowered:
0x8: {  	[smem:$0x3F9E] =	sst s0  }
0x9: {  	[smem:$0x3F9F] =	sst s1  }
0xa: {  	[smem:$0x3FA0] =	sst s2  }
0xb: {  	[smem:$0x3FA1] =	sst s3  }
0xc: {  	[smem:$0x3FA2] =	sst s4  }
0xd: {  	[smem:$0x3FA3] =	sst s5  }
0xe: {  	[smem:$0x3FA4] =	sst s6  }
0xf: {  	[smem:$0x3FA5] =	sst s7  }
0x10: {  	[smem:$0x3FA6] =	sst s8  }
0x11: {  	[smem:$0x3FA7] =	sst s9;
	s0 =	simm.s32 @!p0 $0x0  }
0x12: {  	s1 =	sld [smem:$0x3F8D];
	s0 =	simm.s32 @p0 $0x1  }
0x13: {  	[smem:$0x3FA8] =	sst s0;
	s0 =	simm.s32 @!p1 $0x0  }
0x14: {  	s2 =	sld [smem:$0x3F8C];
	s0 =	simm.s32 @p1 $0x1  }
0x15: {  	[smem:$0x3FA9] =	sst s0;
	s0 =	simm.s32 @!p2 $0x0  }
0x16: {  	s3 =	sld [smem:$0x3FDB];
	s0 =	simm.s32 @p2 $0x1  }
0x17: {  	s4 =	simm.s32 $0x1BF5;
	[smem:$0x3FAB] =	sst s0  }
0x18: {  	s0 =	sld [smem:$0x3F8E];
	_ =	swait.ge [sflag:s4], $0x0  }
0x19: {  	s7 =	sld [smem:$0x3F8F]  }
0x1a: {  	s8 =	sadd.s32 $0xFFFFE003, lr  }
0x1b: {  	s9 =	sadd.s32 $0xFFFFFEF7, lr;
	s5 =	simm.s32 $0xFFFFFFFF;
	p2 =	slt.u32 s8, $0xFFFFF086  }
0x1c: {  	p1 =	slt.u32 s9, $0xF7A;
	s5 =	simm.s32 @!p2 $0x0  }
0x1d: {  	s5 =	simm.s32 @p1 $0x1;
	p0 =	seq.s32 s7, s2  }
0x1e: {  	s7 =	smul.u32 @!p0 $0xF7A, s2;
	p2 =	seq.s32 @!p0 s5, $0x0  }
0x1f: {  	s9 =	smul.u32 $0xF7A, s1;
	s8 =	simm.s32 @!p0 $0x1BF5;
	p2 =	por !p2, p0  }
0x20: {  	[sflag:s8] =	ssyncset.s32 @!p0 $0xFFFFF086;
	s6 =	sadd.s32 @!p0 s3, s7;
	s7 =	simm.s32 @!p0 $0x108  }
0x21: {  	s3 =	sadd.s32 s3, s9;
	s6 =	sadd.s32 @!p0 $0x88, s6;
	s7 =	simm.s32 @p2 $0x1082  }
0x22: {  	[simem:s7], [sflag:s8] =	dma.local @!p0 [hbm:s6], $0xF7A  }
0x23: {  	s9 =	sor.u32 $0xD0000000, s2;
	s6 =	simm.s32 $0x108;
	_ =	swait.ge @!p0 [sflag:s8], $0x0  }
0x24: {  	s3 =	sadd.s32 $0x88, s3;
	s6 =	simm.s32 @!p1 $0x1082;
	[sflag:s4] =	ssyncset.s32 $0xFFFFF086  }
0x25: {  	[simem:s6], [sflag:s4] =	dma.local [hbm:s3], $0xF7A  }
0x26: {  	[smem:$0x3F8F] =	sst s1;
	(tag) =	ssettag s2;
	_ =	strace s9  }
0x27: {  	s1 =	sld [smem:$0x3F9F]  }
0x28: {  	s2 =	sld [smem:$0x3FA0]  }
0x29: {  	s4 =	sld [smem:$0x3FA2]  }
0x2a: {  	p0 =	seq.s32 s5, $0x0;
	s5 =	sld [smem:$0x3FA3]  }
0x2b: {  	s6 =	sld [smem:$0x3FA4]  }
0x2c: {  	s7 =	sld [smem:$0x3FA5]  }
0x2d: {  	s3 =	simm.s32 $0x108;
	s8 =	sld [smem:$0x3FA6]  }
0x2e: {  	s3 =	simm.s32 @!p0 $0x1082;
	s9 =	sld [smem:$0x3FA7]  }
0x2f: {  	lr =	sadd.s32 s0, s3;
	s0 =	sld [smem:$0x3F9E]  }
0x30: {  	s3 =	sld [smem:$0x3FA1]  }
0x31: {  	[smem:$0x3FAA] =	sst s10  }
0x32: {  	s10 =	sld [smem:$0x3FA8];
	_ =	sdelay $0x3  }
0x33: {  	p0 =	seq.s32 s10, $0x1;
	s10 =	sld [smem:$0x3FAA];
	_ =	sdelay $0x3  }
0x34: {  	[smem:$0x3FAA] =	sst s10  }
0x35: {  	s10 =	sld [smem:$0x3FA9];
	_ =	sdelay $0x3  }
0x36: {  	p1 =	seq.s32 s10, $0x1;
	s10 =	sld [smem:$0x3FAA];
	_ =	sdelay $0x3  }
0x37: {  	[smem:$0x3FAA] =	sst s10  }
0x38: {  	s10 =	sld [smem:$0x3FAB]  }
0x39: {  	_ = 	snop;
	(pc) =	sbr.ind lr, $3  }
0x3a: {  	_ = 	snop  }
0x3b: {  	_ = 	snop  }
0x3c: {  	p2 =	seq.s32 s10, $0x1;
	s10 =	sld [smem:$0x3FAA]  }
0x3d: {  	_ =	shalt  }
0x3e: {  	_ =	shalt  }
0x3f: {  	_ =	shalt  }
0x40: {  	_ =	shalt  }
0x41: {  	_ =	shalt  }
0x42: {  	_ =	shalt  }
0x43: {  	_ =	shalt  }
0x44: {  	_ =	shalt  }
0x45: {  	_ =	shalt  }
0x46: {  	_ =	shalt  }
0x47: {  	_ =	shalt  }
0x48: {  	_ =	shalt  }
0x49: {  	_ =	shalt  }
0x4a: {  	_ =	shalt  }
0x4b: {  	_ =	shalt  }
0x4c: {  	_ =	shalt  }
0x4d: {  	_ =	shalt  }
0x4e: {  	_ =	shalt  }
0x4f: {  	_ =	shalt  }
0x50: {  	_ =	shalt  }
0x51: {  	_ =	shalt  }
0x52: {  	_ =	shalt  }
0x53: {  	_ =	shalt  }
0x54: {  	_ =	shalt  }
0x55: {  	_ =	shalt  }
0x56: {  	_ =	shalt  }
0x57: {  	_ =	shalt  }
0x58: {  	_ =	shalt  }
0x59: {  	_ =	shalt  }
0x5a: {  	_ =	shalt  }
0x5b: {  	_ =	shalt  }
0x5c: {  	_ =	shalt  }
0x5d: {  	_ =	shalt  }
0x5e: {  	_ =	shalt  }
0x5f: {  	_ =	shalt  }
0x60: {  	_ =	shalt  }
0x61: {  	_ =	shalt  }
0x62: {  	_ =	shalt  }
0x63: {  	_ =	shalt  }
0x64: {  	_ =	shalt  }
0x65: {  	_ =	shalt  }
0x66: {  	_ =	shalt  }
0x67: {  	_ =	shalt  }
0x68: {  	_ =	shalt  }
0x69: {  	_ =	shalt  }
0x6a: {  	_ =	shalt  }
0x6b: {  	_ =	shalt  }
0x6c: {  	_ =	shalt  }
0x6d: {  	_ =	shalt  }
0x6e: {  	_ =	shalt  }
0x6f: {  	_ =	shalt  }
0x70: {  	_ =	shalt  }
0x71: {  	_ =	shalt  }
0x72: {  	_ =	shalt  }
0x73: {  	_ =	shalt  }
0x74: {  	_ =	shalt  }
0x75: {  	_ =	shalt  }
0x76: {  	_ =	shalt  }
0x77: {  	_ =	shalt  }
0x78: {  	_ =	shalt  }
0x79: {  	_ =	shalt  }
0x7a: {  	_ =	shalt  }
0x7b: {  	_ =	shalt  }
0x7c: {  	_ =	shalt  }
0x7d: {  	_ =	shalt  }
0x7e: {  	_ =	shalt  }
0x7f: {  	_ =	shalt  }
0x80: {  	_ =	shalt  }
0x81: {  	_ =	shalt  }
0x82: {  	_ =	shalt  }
0x83: {  	_ =	shalt  }
0x84: {  	_ =	shalt  }
0x85: {  	_ =	shalt  }
0x86: {  	_ =	shalt  }
0x87: {  	_ =	shalt  }
.Lfunc_end0:
.L_simem_size_0:
called_computation.10_lowered:
.L_overlay_start_0:
0x88: {  	s2 =	sld [smem:$0x3FD9]  }
0x89: {  	s3 =	sld [smem:$0x3FFE];
	_ =	sdelay $0x1  }
0x8a: {  	s1 =	srdreg.scid  }
0x8b: {  	s0 =	sand.u32 $0x1, s1  }
0x8c: {  	s17 =	sshll.u32 s0, $0xA;
	s2 =	sadd.s32 s3, s2  }
0x8d: {  	s2 =	sadd.s32 s2, s17  }
0x8e: {  	[smem:$0x3FB6] =	sst s2  }
0x8f: {  	_ = 	snop  }
0x90: {  	(tm) =	ssettm $0x1  }
0x91: {  	s18 =	sld [smem:$0x3FFB];
	_ =	sdelay $0x3  }
0x92: {  	_ =	strace s18  }
0x93: {  	s2 =	sld [smem:$0x3FFC];
	_ =	sdelay $0x3  }
0x94: {  	_ =	strace s2  }
0x95: {  	s2 =	sld [smem:$0x3FFD];
	_ =	sdelay $0x3  }
0x96: {  	_ =	strace s2  }
0x97: {  	_ =	strace $0x8FFFFFFF  }
0x98: {  	s19 =	sld [smem:$0x3FDB];
	_ =	sdelay $0x1  }
0x99: {  	s20 =	simm.s32 $_scs_section_size  }
0x9a: {  	s4 =	simm.s32 $_size__tile_overlayer_lowered;
	s5 =	simm.s32 $_tile_overlayer_lowered  }
0x9b: {  	s6 =	simm.s32 $0x1BFF;
	s21 =	sshll.u32 s5, $0x1;
	s3 =	sadd.s32 s20, s19  }
0x9c: {  	s22 =	simm.s32 $0x0;
	s4 =	sshll.u32 s4, $0x1;
	s5 =	sadd.s32 s21, s3  }
0x9d: {  	[timem:s22], [sflag:s6] =	dma.local [hbm:s5], s4  }
0x9e: {  	_ =	swait.ge [sflag:s6], s4  }
0x9f: {  	s4 =	ssub.s32 $0x0, s4;
	[sflag:s6] =	ssyncset.done $0x0  }
0xa0: {  	[sflag:s6] =	ssyncadd.s32 s4;
	_ =	sdelay $0x1  }
0xa1: {  	s23 =	simm.s32 $0x1B8B  }
0xa2: {  	_ =	swait.ge [sflag:s23], $0x1  }
0xa3: {  	[sflag:s23] =	ssyncset.done $0x0  }
0xa4: {  	[sflag:s23] =	ssyncadd.s32 $0xFFFFFFFF  }
0xa5: {  	s4 =	sld [smem:$0x0]  }
0xa6: {  	s5 =	sand.u32 $0xFFFFFFFE, s1  }
0xa7: {  	p0 =	sne.s32 s1, s5  }
0xa8: {  	s5 =	sshll.u32 @p0 s5, $0xE  }
0xa9: {  	s5 =	sadd.s32 @p0 $0x11B8D, s5;
	s6 =	sshll.u32 @p0 s4, $0x11  }
0xaa: {  	s5 =	sor.u32 @p0 s6, s5  }
0xab: {  	[sflag:s5] =	ssyncadd.remote.s32 @p0 $0x1;
	_ =	sdelay $0x1  }
0xac: {  	s5 =	simm.s32 @p0 $0x1B8D  }
0xad: {  	_ =	swait.eq @p0 [sflag:s5], $0x1  }
0xae: {  	[sflag:s5] =	ssyncadd.s32 @p0 $0xFFFFFFFF  }
0xaf: {  	s6 =	sshll.u32 @!p0 s1, $0xE  }
0xb0: {  	s6 =	sor.u32 @!p0 $0x4000, s6;
	s5 =	simm.s32 @!p0 $0x1B8D  }
0xb1: {  	s4 =	sshll.u32 @!p0 s4, $0x11;
	s6 =	sadd.s32 @!p0 $0x11B8D, s6;
	_ =	swait.eq @!p0 [sflag:s5], $0x1  }
0xb2: {  	s4 =	sor.u32 @!p0 s4, s6;
	[sflag:s5] =	ssyncadd.s32 @!p0 $0xFFFFFFFF  }
0xb3: {  	s25 =	simm.s32 $0x1B8E;
	s24 =	sld [smem:$0x3FFE];
	[sflag:s4] =	ssyncadd.remote.s32 @!p0 $0x1  }
0xb4: {  	s26 =	simm.s32 $execute0_lowered;
	[smem:$0x3FD2] =	sst s25  }
0xb5: {  	s5 =	sshll.u32 s26, $0x1;
	_ =	strace $0x80000064;
	[dreg:$0x1] =	wrdreg $0xFFFFFFFF  }
0xb6: {  	s28 =	simm.s32 $_size_execute0_lowered;
	s3 =	sadd.s32 s3, s5;
	[dreg:$0x0] =	wrdreg $0x0  }
0xb7: {  	s5 =	sshll.u32 s28, $0x1;
	[dreg:$0x2] =	wrdreg s3  }
0xb8: {  	[dreg:$0x3] =	wrdreg s5  }
0xb9: {  	[dreg:$0x4] =	wrdreg $0xC0  }
0xba: {  	_ =	task [dreg:s22], $0x5FFFF  }
0xbb: {  	[dreg:$0x1] =	wrdreg $0xFFFFFFFF  }
0xbc: {  	[dreg:$0x0] =	wrdreg $0x60  }
0xbd: {  	[dreg:$0x2] =	wrdreg s24  }
0xbe: {  	[dreg:$0x3] =	wrdreg $0x65000  }
0xbf: {  	[dreg:$0x4] =	wrdreg $0xA  }
0xc0: {  	_ =	task.clear_ibuf [dreg:s22], $0x5FFFF;
	_ =	strace $0x90000064  }
0xc1: {  	s29 =	simm.s32 $0xA;
	_ =	strace $0x80000066  }
0xc2: {  	_ =	swait.ge [sflag:s29], $0x1  }
0xc3: {  	[sflag:s29] =	ssyncadd.s32 $0xFFFFFFFF  }
0xc4: {  	_ =	strace $0x90000066  }
0xc5: {  	_ =	sfence  }
0xc6: {  	s30 =	sld [smem:$0x0];
	_ =	sdelay $0x2  }
0xc7: {  	s31 =	sshll.u32 s1, $0xD;
	s1 =	sshrl.u32 s1, $0x2  }
0xc8: {  	s4 =	sand.u32 $0x4000, s31;
	s1 =	sadd.s32 s1, s30  }
0xc9: {  	s0 =	sor.u32 s4, s0;
	s1 =	sshll.u32 s1, $0x11  }
0xca: {  	s0 =	sor.u32 s1, s0  }
0xcb: {  	s0 =	sadd.s32 $0x8F2B, s0  }
0xcc: {  	[sflag:s0] =	ssyncadd.remote.s32 $0x1  }
0xcd: {  	_ =	sfence.sel $0xFFFF  }
0xce: {  	[dreg:$0x0] =	wrdreg $0xFFFFFFFF;
	(pc) =	sbr.abs _section_cstart, $3  }
0xcf: {  	[dreg:$0x1] =	wrdreg $0xFFFFFFFF  }
0xd0: {  	_ =	task.clear_ibuf [dreg:s22], $0x2FFFF;
	_ =	strace $0x9FFFFFFF  }
0xd1: {  	(tm) =	ssettm $0x7FFFFFFF  }
tec
execute0_lowered:
.L_overlay_start_1:
0x0: {  	(tag) =	ssettag $0x1  }
0x1: {  	s0 =	srdreg.scid;
	s4 =	rddreg [dreg:$0x0]  }
0x2: {  	s2 =	rddreg [dreg:$0x1];
	s5 =	sand.u32 $0x1, s0  }
0x3: {  	s0 =	stileid.u32;
	s6 =	smul.u32 $0x1388000, s5  }
0x4: {  	s1 =	rddreg [dreg:$0x2];
	s7 =	smul.u32 $0x138800, s0  }
0x5: {  	s3 =	simm.s32 $0x0;
	s13 =	simm.s32 $0xC8;
	s8 =	smul.u32 $0x4E2, s0  }
0x6: {  	s14 =	simm.s32 $0x0;
	[smem:$0x7FF] =	sst s3;
	s24 =	smul.u32 $0x14000, s0  }
0x7: {  	s9 =	smul.u32 $0x140000, s5;
	_ =	strace $0x80000065;
	s5 =	ssub.s32 $0x2, s5  }
0x8: {  	s26 =	smul.u32 $0x50000, s0;
	s31 =	sshll.u32 s0, $0x6;
	s28 =	sshrl.u32 s5, $0x1  }
0x9: {  	s6 =	sadd.s32 s7, s6;
	s11 =	sadd.s32 s8, s4;
	s25 =	sshrl.u32 s24, $0x3  }
0xa: {  	s7 =	sadd.s32 s24, s9;
	s29 =	ssub.s32 s5, s28;
	s30 =	sshrl.u32 s26, $0x2  }
0xb: {  	s5 =	sor.u32 $0x1C01, s31;
	s6 =	sshrl.u32 s6, $0x3;
	s7 =	sshrl.u32 s7, $0x3  }
0xc: {  	s12 =	sadd.s32 s30, s2;
	s9 =	sadd.s32 $0x6200, s11;
	s11 =	simm.s32 $0x1  }
0xd: {  	s10 =	sadd.s32 s6, s4;
	s6 =	sadd.s32 s25, s4;
	s7 =	sadd.s32 s7, s4  }
0xe: {  	s4 =	sadd.s32 $0x281200, s6;
	s6 =	sadd.s32 $0xAE400, s7;
	s7 =	smax.u32 s29, $0x1  }
0xf: {  	s8 =	sadd.s32 $0x2A9200, s10;
	s10 =	sshrl.u32 s12, $0x3;
	s12 =	simm.s32 $0x100  }
.LBB2_1:
0x10: {  	[spmem:s10], [sflag:s5] =	dma.local [hbm:s4], $0x2800  }
0x11: {  	_ =	swait.ge [sflag:s11], $0x2800  }
0x12: {  	[sflag:s11] =	ssyncset.done $0x0  }
0x13: {  	[sflag:s11] =	ssyncadd.s32 $0xFFFFD800  }
0x14: {  	s15 =	sadd.s32 $0x0, s9;
	[bflag:$0x0] =	sbarrier.arrive $0xFFFF  }
0x15: {  	[tilespmem:s3], [sflag:$0x1] =	stream.linear.gather [hbm4b:s15+s3], $0xC8, $0x38;
	[tilespmem:$0x1A500] =	vst v63  }
0x16: {  	_ =	swait.ge [sflag:s11], $0xC8  }
0x17: {  	[sflag:s11] =	ssyncset.done $0x0  }
0x18: {  	[sflag:s11] =	ssyncadd.s32 $0xFFFFFF38  }
0x19: {  	[tilespmem:s12], [sflag:$0x1] =	stream.linear.gather [hbm4b:s8+s3], $0x6400, $0x38;
	[tilespmem:$0x1A500] =	vst v63  }
0x1a: {  	_ =	swait.ge [sflag:s11], $0x6400  }
0x1b: {  	[sflag:s11] =	ssyncset.done $0x0  }
0x1c: {  	[sflag:s11] =	ssyncadd.s32 $0xFFFF9C00  }
0x1d: {  	[spmem:s2] =	stream.indirect.scatter.add.f32 [tilespmem:s12], [sflag:$0x1], $0x80, s3, s13, $0xb8;
	[tilespmem:$0x1A500] =	vst v63  }
0x1e: {  	s16 =	simm.s32 $0x19;
	_ =	swait.ge [sflag:s11], $0x6400  }
0x1f: {  	s17 =	simm.s32 $0x32;
	s15 =	sadd.s32 $0xC80, s8;
	[sflag:s11] =	ssyncset.done $0x0  }
.LBB2_2:
0x20: {  	s18 =	sadd.s32 s16, s9  }
0x21: {  	[sflag:s11] =	ssyncadd.s32 $0xFFFF9C00;
	s16 =	smov.u32 s17;
	s19 =	sadd.s32 $0x19, s17  }
0x22: {  	[tilespmem:s3], [sflag:$0x1] =	stream.linear.gather [hbm4b:s18+s3], $0xC8, $0x38;
	[tilespmem:$0x1A500] =	vst v63  }
0x23: {  	p0 =	sne.s32 s17, $0x4C9;
	_ =	swait.ge [sflag:s11], $0xC8  }
0x24: {  	[sflag:s11] =	ssyncset.done $0x0  }
0x25: {  	[sflag:s11] =	ssyncadd.s32 $0xFFFFFF38  }
0x26: {  	[tilespmem:s12], [sflag:$0x1] =	stream.linear.gather [hbm4b:s15+s3], $0x6400, $0x38;
	[tilespmem:$0x1A500] =	vst v63  }
0x27: {  	_ =	swait.ge [sflag:s11], $0x6400  }
.Ltmp0:
0x28: {  	[sflag:s11] =	ssyncset.done $0x0;
	(pc) =	sbr.rel @p0 .LBB2_2-.Ltmp0, $4  }
0x29: {  	[sflag:s11] =	ssyncadd.s32 $0xFFFF9C00  }
0x2a: {  	[spmem:s2] =	stream.indirect.scatter.add.f32 [tilespmem:s12], [sflag:$0x1], $0x80, s3, s13, $0xb8;
	[tilespmem:$0x1A500] =	vst v63  }
0x2b: {  	_ =	swait.ge [sflag:s11], $0x6400  }
0x2c: {  	s17 =	smov.u32 s19;
	s15 =	sadd.s32 $0xC80, s15;
	[sflag:s11] =	ssyncset.done $0x0  }
0x2d: {  	s16 =	sadd.s32 s16, s9;
	[sflag:s11] =	ssyncadd.s32 $0xFFFF9C00  }
0x2e: {  	[tilespmem:s3], [sflag:$0x1] =	stream.linear.gather [hbm4b:s16+s3], $0xC8, $0x38;
	[tilespmem:$0x1A500] =	vst v63  }
0x2f: {  	_ =	swait.ge [sflag:s11], $0xC8  }
0x30: {  	[sflag:s11] =	ssyncset.done $0x0  }
0x31: {  	[sflag:s11] =	ssyncadd.s32 $0xFFFFFF38  }
0x32: {  	[tilespmem:s12], [sflag:$0x1] =	stream.linear.gather [hbm4b:s15+s3], $0x6400, $0x38;
	[tilespmem:$0x1A500] =	vst v63  }
0x33: {  	_ =	swait.ge [sflag:s11], $0x6400  }
0x34: {  	[sflag:s11] =	ssyncset.done $0x0  }
0x35: {  	[sflag:s11] =	ssyncadd.s32 $0xFFFF9C00  }
0x36: {  	[spmem:s2] =	stream.indirect.scatter.add.f32 [tilespmem:s12], [sflag:$0x1], $0x80, s3, s13, $0xb8;
	[tilespmem:$0x1A500] =	vst v63  }
0x37: {  	_ =	swait.ge [sflag:s11], $0x6400  }
0x38: {  	s14 =	sadd.s32 $0x1, s14;
	[sflag:s11] =	ssyncset.done $0x0  }
0x39: {  	p0 =	sne.s32 s14, s7;
	[sflag:s11] =	ssyncadd.s32 $0xFFFF9C00  }
.Ltmp1:
0x3a: {  	[bflag:$0x0] =	sbarrier.arrive $0xFFFF;
	(pc) =	sbr.rel @p0 .LBB2_1-.Ltmp1, $4  }
0x3b: {  	[hbm:s6], [sflag:s5] =	dma.local [spmem:s10], $0x2800  }
0x3c: {  	_ =	swait.ge [sflag:s11], $0x2800  }
0x3d: {  	[sflag:s11] =	ssyncset.done $0x0  }
0x3e: {  	[sflag:s11] =	ssyncadd.s32 $0xFFFFD800  }
0x3f: {  	_ =	sfence.sel $0x180000  }
0x40: {  	[bflag:$0x0] =	sbarrier.arrive $0xFFFF  }
0x41: {  	p0 =	sne.s32 s0, $0x0;
	_ =	strace $0x90000065  }
0x42: {  	s0 =	sadd.s32 @!p0 $0x100000, s1;
	[bflag:$0x2] =	sbarrier.arrive $0xFFFF  }
0x43: {  	[sflag:s0] =	ssyncadd.tile.s32 @!p0 $0x1;
	_ =	shalt  }
.Lfunc_end2:
_tile_overlayer_lowered:
.L_overlay_start_2:
0x44: {  	(tag) =	ssettag $0x2  }
0x45: {  	s0 =	rddreg [dreg:$0x0];
	s2 =	stileid.u32  }
0x46: {  	s1 =	rddreg [dreg:$0x1];
	p0 =	sne.s32 s2, $0x0  }
0x47: {  	s3 =	rddreg [dreg:$0x2];
	[bflag:$0x3] =	sbarrier.arrive $0xFFFF;
	s2 =	simm.s32 @!p0 $0x1C01  }
0x48: {  	[timem:s3], [sflag:s2] =	dma.local @!p0 [hbm:s0], s1  }
0x49: {  	s0 =	simm.s32 @!p0 $0x1  }
0x4a: {  	_ =	swait.ge @!p0 [sflag:s0], s1  }
0x4b: {  	s1 =	ssub.s32 @!p0 $0x0, s1;
	[sflag:s0] =	ssyncset.done @!p0 $0x0  }
0x4c: {  	[sflag:s0] =	ssyncadd.s32 @!p0 s1  }
0x4d: {  	[bflag:$0x3] =	sbarrier.arrive $0xFFFF  }
0x4e: {  	_ =	shalt  }

// kernel: sparse-core-data-format-call.1.cloned.1.call-start
scs
called_computation.1_lowered:
.L_overlay_start_0:
0x0: {  	s1 =	sld [smem:$0x3FD9]  }
0x1: {  	s2 =	sld [smem:$0x3FFE];
	_ =	sdelay $0x1  }
0x2: {  	s3 =	srdreg.scid  }
0x3: {  	s0 =	sand.u32 $0x1, s3  }
0x4: {  	s17 =	sshll.u32 s0, $0xA;
	s1 =	sadd.s32 s2, s1  }
0x5: {  	s1 =	sadd.s32 s1, s17  }
0x6: {  	[smem:$0x3FB6] =	sst s1  }
0x7: {  	_ = 	snop  }
0x8: {  	(tm) =	ssettm $0x1  }
0x9: {  	s18 =	sld [smem:$0x3FFB];
	_ =	sdelay $0x3  }
0xa: {  	_ =	strace s18  }
0xb: {  	s1 =	sld [smem:$0x3FFC];
	_ =	sdelay $0x3  }
0xc: {  	_ =	strace s1  }
0xd: {  	s1 =	sld [smem:$0x3FFD];
	_ =	sdelay $0x3  }
0xe: {  	_ =	strace s1  }
0xf: {  	_ =	strace $0x8FFFFFFF  }
0x10: {  	s19 =	sld [smem:$0x3FDB];
	_ =	sdelay $0x1  }
0x11: {  	s20 =	simm.s32 $_scs_section_size  }
0x12: {  	s4 =	simm.s32 $_size__tile_overlayer_lowered;
	s5 =	simm.s32 $_tile_overlayer_lowered  }
0x13: {  	s23 =	simm.s32 $0x1BFF;
	s22 =	sshll.u32 s5, $0x1;
	s1 =	sadd.s32 s20, s19  }
0x14: {  	s6 =	simm.s32 $0x0;
	s21 =	sshll.u32 s4, $0x1;
	s4 =	sadd.s32 s22, s1  }
0x15: {  	[timem:s6], [sflag:s23] =	dma.local [hbm:s4], s21  }
0x16: {  	_ =	swait.ge [sflag:s23], s21  }
0x17: {  	s2 =	ssub.s32 $0x0, s21;
	[sflag:s23] =	ssyncset.done $0x0  }
0x18: {  	[sflag:s23] =	ssyncadd.s32 s2;
	_ =	sdelay $0x1  }
0x19: {  	s24 =	simm.s32 $0x1B8B  }
0x1a: {  	_ =	swait.ge [sflag:s24], $0x1  }
0x1b: {  	[sflag:s24] =	ssyncset.done $0x0  }
0x1c: {  	s26 =	simm.s32 $0x1B8E;
	s25 =	sld [smem:$0x3FFE];
	[sflag:s24] =	ssyncadd.s32 $0xFFFFFFFF  }
0x1d: {  	s27 =	simm.s32 $execute0_lowered;
	[smem:$0x3FD2] =	sst s26  }
0x1e: {  	s4 =	sshll.u32 s27, $0x1;
	_ =	strace $0x8000004F;
	[dreg:$0x1] =	wrdreg $0xFFFFFFFF  }
0x1f: {  	s28 =	simm.s32 $_size_execute0_lowered;
	s1 =	sadd.s32 s1, s4;
	[dreg:$0x0] =	wrdreg $0x0  }
0x20: {  	s4 =	sshll.u32 s28, $0x1;
	[dreg:$0x2] =	wrdreg s1  }
0x21: {  	[dreg:$0x3] =	wrdreg s4  }
0x22: {  	[dreg:$0x4] =	wrdreg $0xC0  }
0x23: {  	_ =	task [dreg:s6], $0x5FFFF  }
0x24: {  	[dreg:$0x1] =	wrdreg $0xFFFFFFFF  }
0x25: {  	[dreg:$0x0] =	wrdreg $0x60  }
0x26: {  	[dreg:$0x2] =	wrdreg s25  }
0x27: {  	[dreg:$0x3] =	wrdreg $0x9  }
0x28: {  	_ =	task.clear_ibuf [dreg:s6], $0x4FFFF;
	_ =	strace $0x9000004F  }
0x29: {  	s29 =	simm.s32 $0x9;
	_ =	strace $0x80000051  }
0x2a: {  	_ =	swait.ge [sflag:s29], $0x1  }
0x2b: {  	[sflag:s29] =	ssyncadd.s32 $0xFFFFFFFF  }
0x2c: {  	_ =	strace $0x90000051  }
0x2d: {  	_ =	sfence  }
0x2e: {  	s30 =	sld [smem:$0x0];
	_ =	sdelay $0x2  }
0x2f: {  	s31 =	sshll.u32 s3, $0xD;
	s3 =	sshrl.u32 s3, $0x2  }
0x30: {  	s2 =	sand.u32 $0x4000, s31;
	s1 =	sadd.s32 s3, s30  }
0x31: {  	s0 =	sor.u32 s2, s0;
	s1 =	sshll.u32 s1, $0x11  }
0x32: {  	s0 =	sor.u32 s1, s0  }
0x33: {  	s0 =	sadd.s32 $0x8F2B, s0  }
0x34: {  	[sflag:s0] =	ssyncadd.remote.s32 $0x1  }
0x35: {  	_ =	sfence.sel $0xFFFF  }
0x36: {  	[dreg:$0x0] =	wrdreg $0xFFFFFFFF;
	(pc) =	sbr.abs _section_cstart, $3  }
0x37: {  	[dreg:$0x1] =	wrdreg $0xFFFFFFFF  }
0x38: {  	_ =	task.clear_ibuf [dreg:s6], $0x2FFFF;
	_ =	strace $0x9FFFFFFF  }
0x39: {  	(tm) =	ssettm $0x7FFFFFFF  }
tec
execute0_lowered:
.L_overlay_start_1:
0x0: {  	(tag) =	ssettag $0x1  }
0x1: {  	s0 =	stileid.u32;
	s1 =	srdreg.scid  }
0x2: {  	s7 =	rddreg [dreg:$0x0];
	s31 =	simm.s32 $0x2;
	s15 =	simm.s32 $0x0  }
0x3: {  	s13 =	simm.s32 $0x0;
	s2 =	sshll.u32 s0, $0x6;
	s1 =	sshll.u32 s1, $0xA  }
0x4: {  	s14 =	simm.s32 $0x0;
	s1 =	sor.u32 s2, s1;
	s2 =	sand.u32 $0x1, s0  }
0x5: {  	s10 =	simm.s32 $0x0;
	s1 =	sand.u32 $0x780, s1;
	s4 =	ssub.s32 $0x2, s2  }
0x6: {  	s12 =	simm.s32 $0x0;
	s3 =	ssub.s32 $0x27100, s1;
	s6 =	sshrl.u32 s4, $0x1  }
0x7: {  	s4 =	sand.u32 $0x1, s4;
	s5 =	sand.u32 $0x780, s3;
	s8 =	sshrl.u32 s3, $0xB  }
0x8: {  	s3 =	rddreg [dreg:$0x1];
	p0 =	sne.s32 s5, $0x0;
	s5 =	simm.s32 $0x1  }
.Ltmp0:
0x9: {  	s6 =	sadd.s32 s4, s6;
	s5 =	simm.s32 @!p0 $0x0;
	(pc) =	sbr.rel .LBB1_1-.Ltmp0, $4  }
0xa: {  	_ =	strace $0x80000050;
	s4 =	simm.s32 $0x1;
	s5 =	sadd.s32 s5, s8  }
0xb: {  	s11 =	smov.u32 s2;
	[sflag:s4] =	ssyncpa.u1 $0x0;
	s5 =	smul.u32 s6, s5  }
0xc: {  	s9 =	smov.u32 s1;
	[sflag:s31] =	ssyncpa.u1 $0x0;
	p0 =	por $0x0, $0x0  }
0xd: {  	s6 =	sadd.s32 $0x2A9200, s7;
	s7 =	sadd.s32 $0x78B200, s7;
	s8 =	sadd.s32 $0x1, s5  }
.LBB1_4:
0xe: {  	s15 =	sshll.u32 s15, $0x7;
	s21 =	sshll.u32 s13, $0x3  }
0xf: {  	v5 =	vld [tilespmem:s19+$0xFFFFFFD0];
	[tilespmem:s18+$0x2040 ss:$0x81] =	vst.msk $0xffff, v4;
	s22 =	sand.u32 $0xFFFFFC00, s15;
	s21 =	sand.u32 $0xFFFFFC00, s21  }
0x10: {  	v58 =	vld [tilespmem:s19+$0xFFFFFFE0];
	[tilespmem:s18+$0x2850 ss:$0x81] =	vst.msk $0xffff, v2;
	s15 =	sand.u32 $0x380, s15;
	s21 =	sadd.s32 s21, s22  }
0x11: {  	s20 =	sshra.s32 s20, $0x2;
	v59 =	vld [tilespmem:s19+$0xFFFFFFF0];
	[tilespmem:s18+$0x3060 ss:$0x81] =	vst.msk $0xffff, v3;
	s15 =	sor.u32 s15, s21  }
0x12: {  	v60 =	vld [tilespmem:s19+$0x0];
	[tilespmem:s18+$0x0 ss:$0x81] =	vst.msk $0xffff, v0;
	s17 =	sadd.s32 s20, s17;
	s15 =	sshrl.u32 s15, $0x7  }
0x13: {  	v61 =	vld [tilespmem:s19+$0x10];
	[tilespmem:s17+$0x3870 ss:$0x81] =	vst.msk $0xffff, v1;
	s28 =	smulhi.u32 $0x1A36E2F, s15  }
0x14: {  	v62 =	vld [tilespmem:s19+$0x20];
	[tilespmem:s17+$0x810 ss:$0x81] =	vst.msk $0xffff, v5  }
0x15: {  	v63 =	vld [tilespmem:s19+$0xFFFFFFC0];
	s14 =	smul.u32 $0x271000, s14;
	[tilespmem:s17+$0x1020 ss:$0x81] =	vst.msk $0xffff, v58;
	s18 =	sshrl.u32 s28, $0xA  }
0x16: {  	[tilespmem:s17+$0x1830 ss:$0x81] =	vst.msk $0xffff, v59;
	s18 =	smul.u32 $0x27100, s18  }
0x17: {  	s29 =	sshrl.u32 s13, $0x3;
	[tilespmem:s17+$0x2040 ss:$0x81] =	vst.msk $0xffff, v60  }
0x18: {  	s30 =	sand.u32 $0xF, s29;
	s14 =	sadd.s32 s7, s14;
	[tilespmem:s17+$0x2850 ss:$0x81] =	vst.msk $0xffff, v61;
	s15 =	ssub.s32 s15, s18  }
0x19: {  	s14 =	sadd.s32 s30, s14;
	[tilespmem:s17+$0x3060 ss:$0x81] =	vst.msk $0xffff, v62;
	s15 =	sshll.u32 s15, $0x4  }
0x1a: {  	s31 =	sand.u32 $0x7, s13;
	[tilespmem:s17+$0x0 ss:$0x81] =	vst.msk $0xffff, v63;
	s14 =	sadd.s32 s15, s14  }
0x1b: {  	[hbm4b:s14+s31] =	stream.linear.scatter [tilespmem:s16], [sflag:$0x2], $0x4000, $0x20;
	[tilespmem:$0x10100] =	vst v63  }
.LBB1_5:
0x1c: {  	s16 =	sadd.s32 $0x800, s9  }
0x1d: {  	s13 =	sadd.s32 $0x80, s10;
	s17 =	smov.u32 s10;
	p2 =	sgt.s32 s16, $0x270FF  }
0x1e: {  	s17 =	smov.u32 @p2 s13  }
0x1f: {  	s19 =	smov.u32 s11;
	s13 =	sadd.s32 $0x2, s11;
	p3 =	sgt.s32 s17, $0x7F  }
0x20: {  	s19 =	smov.u32 @p3 s13  }
0x21: {  	s16 =	smov.u32 @p2 s1;
	p2 =	sgt.s32 s19, $0x1  }
0x22: {  	p1 =	slt.u32 s12, $0x2;
	s19 =	smov.u32 @p2 s2;
	p2 =	sne.s32 s12, s8  }
.Ltmp1:
0x23: {  	s18 =	simm.s32 @!p1 $0x2;
	(pc) =	sbr.rel @!p2 .LBB1_6-.Ltmp1, $4  }
0x24: {  	s15 =	smov.u32 s9;
	s14 =	smov.u32 s11;
	_ =	swait.ge @!p1 [sflag:s18], $0x4000  }
0x25: {  	p0 =	por !p0, !p0;
	[sflag:s18] =	ssyncset.done @!p1 $0x0;
	s9 =	smov.u32 s16  }
0x26: {  	s17 =	simm.s32 @p3 $0x0;
	s13 =	smov.u32 s10;
	[sflag:s18] =	ssyncadd.s32 @!p1 $0xFFFFC000  }
0x27: {  	s10 =	smov.u32 s17;
	s12 =	sadd.s32 $0x1, s12;
	s11 =	smov.u32 s19  }
.LBB1_1:
0x28: {  	p1 =	sge.u32 s12, s5  }
0x29: {  	s16 =	sshrl.u32 @!p1 s10, $0x3  }
0x2a: {  	s17 =	sshll.u32 @!p1 s9, $0x3;
	s16 =	smul.u32 @!p1 $0x138800, s16  }
0x2b: {  	s18 =	sshll.u32 @!p1 s10, $0x7;
	s17 =	sand.u32 @!p1 $0xFFFFFC00, s17  }
0x2c: {  	s16 =	sadd.s32 @!p1 s16, s17;
	s17 =	sand.u32 @!p1 $0x380, s18  }
0x2d: {  	s18 =	sand.u32 @!p1 $0x7F, s9;
	s16 =	sor.u32 @!p1 s17, s16  }
0x2e: {  	s17 =	sor.u32 @!p1 s18, s16  }
0x2f: {  	s18 =	smulhi.u32 @!p1 $0xD1B71759, s17  }
0x30: {  	s16 =	smulhi.u32 @!p1 $0xD1B71759, s16  }
0x31: {  	s18 =	sshrl.u32 @!p1 s18, $0x11  }
0x32: {  	s31 =	sadd.s32 $0xFFFFFFFF, s12;
	s16 =	sshrl.u32 @!p1 s16, $0x11;
	s18 =	smul.u32 @!p1 $0x27100, s18  }
0x33: {  	s19 =	sxor.u32 @!p1 $0xFFFFFFFF, s12;
	s20 =	smul.u32 @!p1 $0x271000, s11;
	s16 =	sand.u32 @!p1 $0x7F, s16  }
0x34: {  	s19 =	sshll.u32 @!p1 s19, $0xE;
	s16 =	smul.u32 @!p1 $0x4E20, s16;
	s17 =	ssub.s32 @!p1 s17, s18  }
0x35: {  	s18 =	sand.u32 @!p1 $0x4000, s19;
	s19 =	sadd.s32 @!p1 s6, s20;
	s20 =	sand.u32 @!p1 $0x7, s17  }
0x36: {  	s17 =	sshrl.u32 @!p1 s17, $0x3;
	s16 =	sadd.s32 @!p1 s16, s19;
	s19 =	sshll.u32 @!p1 s20, $0x12  }
0x37: {  	s16 =	sadd.s32 @!p1 s17, s16;
	s17 =	sor.u32 @!p1 $0x400, s19;
	s19 =	simm.s32 @!p1 $0x138800  }
0x38: {  	[tilespmem:s18], [sflag:$0x1] =	stream.strided.gather @!p1 [hbm4b:s16+s17], $0x4000, s19, s17, $0x38;
	[tilespmem:$0x10100] =	vst v63  }
0x39: {  	p1 =	sge.u32 s31, s5  }
.Ltmp2:
0x3a: {  	_ = 	snop;
	(pc) =	sbr.rel @p1 .LBB1_5-.Ltmp2, $1  }
0x3b: {  	_ =	sdelay $0x3  }
0x3c: {  	s16 =	simm.s32 $0x1  }
0x3d: {  	_ =	swait.ge [sflag:s4], $0x4000;
	s16 =	simm.s32 @!p0 $0x0  }
0x3e: {  	[sflag:s4] =	ssyncset.done $0x0;
	s17 =	sshll.u32 s16, $0xE  }
0x3f: {  	[sflag:s4] =	ssyncadd.s32 $0xFFFFC000;
	s19 =	sor.u32 $0x40, s17  }
0x40: {  	s16 =	smul.u32 $0x10200, s16;
	v0 =	vld [tilespmem:s19+$0x30]  }
0x41: {  	v1 =	vld [tilespmem:s19+$0xFFFFFFD0]  }
0x42: {  	s16 =	sshrl.u32 s16, $0x2;
	v5 =	vld [tilespmem:s19+$0xFFFFFFE0]  }
0x43: {  	v6 =	vld [tilespmem:s19+$0xFFFFFFF0];
	s17 =	sor.u32 $0x8000, s16  }
0x44: {  	s31 =	sand.u32 $0x1, s12;
	v4 =	vld [tilespmem:s19+$0x0];
	s18 =	sadd.s32 $0x0, s17  }
0x45: {  	v2 =	vld [tilespmem:s19+$0x10];
	s16 =	smul.u32 $0x10200, s31;
	[tilespmem:s18+$0x3870 ss:$0x81] =	vst.msk $0xffff, v0  }
0x46: {  	v3 =	vld [tilespmem:s19+$0x20];
	[tilespmem:s18+$0x810 ss:$0x81] =	vst.msk $0xffff, v1  }
0x47: {  	s16 =	sshrl.u32 s16, $0x2;
	v0 =	vld [tilespmem:s19+$0xFFFFFFC0];
	[tilespmem:s18+$0x1020 ss:$0x81] =	vst.msk $0xffff, v5;
	s19 =	sadd.s32 $0x80, s19  }
0x48: {  	s20 =	simm.s32 $0x4;
	s21 =	simm.s32 $0x8;
	s16 =	sor.u32 $0x8000, s16;
	[tilespmem:s18+$0x1830 ss:$0x81] =	vst.msk $0xffff, v6;
	v1 =	vld [tilespmem:s19+$0x30]  }
.LBB1_3:
0x49: {  	p1 =	sne.s32 s21, $0x1FC;
	v5 =	vld [tilespmem:s19+$0xFFFFFFD0];
	[tilespmem:s18+$0x2040 ss:$0x81] =	vst.msk $0xffff, v4  }
0x4a: {  	v6 =	vld [tilespmem:s19+$0xFFFFFFE0];
	[tilespmem:s18+$0x2850 ss:$0x81] =	vst.msk $0xffff, v2  }
0x4b: {  	s22 =	sshra.s32 s20, $0x2;
	s20 =	smov.u32 s21;
	v7 =	vld [tilespmem:s19+$0xFFFFFFF0];
	[tilespmem:s18+$0x3060 ss:$0x81] =	vst.msk $0xffff, v3  }
.Ltmp3:
0x4c: {  	v4 =	vld [tilespmem:s19+$0x0];
	[tilespmem:s18+$0x0 ss:$0x81] =	vst.msk $0xffff, v0;
	s18 =	sadd.s32 s22, s17;
	(pc) =	sbr.rel @p1 .LBB1_3-.Ltmp3, $4  }
0x4d: {  	v2 =	vld [tilespmem:s19+$0x10];
	[tilespmem:s18+$0x3870 ss:$0x81] =	vst.msk $0xffff, v1  }
0x4e: {  	[tilespmem:s18+$0x810 ss:$0x81] =	vst.msk $0xffff, v5;
	v3 =	vld [tilespmem:s19+$0x20]  }
0x4f: {  	v0 =	vld [tilespmem:s19+$0xFFFFFFC0];
	[tilespmem:s18+$0x1020 ss:$0x81] =	vst.msk $0xffff, v6;
	s19 =	sadd.s32 $0x80, s19  }
0x50: {  	s21 =	sadd.s32 $0x4, s21;
	v1 =	vld [tilespmem:s19+$0x30];
	[tilespmem:s18+$0x1830 ss:$0x81] =	vst.msk $0xffff, v7  }
.Ltmp4:
0x51: {  	_ = 	snop;
	(pc) =	sbr.rel .LBB1_4-.Ltmp4, $1  }
0x52: {  	_ =	sdelay $0x3  }
.LBB1_6:
0x53: {  	_ =	sfence.sel $0x180000  }
0x54: {  	s1 =	simm.s32 $0x1;
	[bflag:$0x0] =	sbarrier.arrive $0xFFFF  }
0x55: {  	s31 =	simm.s32 $0x2;
	[sflag:s1] =	ssyncpa.u1 $0x1  }
0x56: {  	[sflag:s31] =	ssyncpa.u1 $0x1  }
0x57: {  	p0 =	sne.s32 s0, $0x0;
	_ =	strace $0x90000050  }
0x58: {  	s0 =	sadd.s32 @!p0 $0x100000, s3;
	[bflag:$0x2] =	sbarrier.arrive $0xFFFF  }
0x59: {  	[sflag:s0] =	ssyncadd.tile.s32 @!p0 $0x1;
	_ =	shalt  }
.Lfunc_end1:
_tile_overlayer_lowered:
.L_overlay_start_2:
0x5a: {  	(tag) =	ssettag $0x2  }
0x5b: {  	s0 =	rddreg [dreg:$0x0];
	s2 =	stileid.u32  }
0x5c: {  	s1 =	rddreg [dreg:$0x1];
	p0 =	sne.s32 s2, $0x0  }
0x5d: {  	s3 =	rddreg [dreg:$0x2];
	[bflag:$0x3] =	sbarrier.arrive $0xFFFF;
	s2 =	simm.s32 @!p0 $0x1C01  }
0x5e: {  	[timem:s3], [sflag:s2] =	dma.local @!p0 [hbm:s0], s1  }
0x5f: {  	s0 =	simm.s32 @!p0 $0x1  }
0x60: {  	_ =	swait.ge @!p0 [sflag:s0], s1  }
0x61: {  	s1 =	ssub.s32 @!p0 $0x0, s1;
	[sflag:s0] =	ssyncset.done @!p0 $0x0  }
0x62: {  	[sflag:s0] =	ssyncadd.s32 @!p0 s1  }
0x63: {  	[bflag:$0x3] =	sbarrier.arrive $0xFFFF  }
0x64: {  	_ =	shalt  }

// kernel: sparse-core-data-format-call.cloned.1.call-start
scs
called_computation_lowered:
.L_overlay_start_0:
0x0: {  	s1 =	sld [smem:$0x3FD9]  }
0x1: {  	s2 =	sld [smem:$0x3FFE];
	_ =	sdelay $0x1  }
0x2: {  	s3 =	srdreg.scid  }
0x3: {  	s0 =	sand.u32 $0x1, s3  }
0x4: {  	s17 =	sshll.u32 s0, $0xA;
	s1 =	sadd.s32 s2, s1  }
0x5: {  	s1 =	sadd.s32 s1, s17  }
0x6: {  	[smem:$0x3FB6] =	sst s1  }
0x7: {  	_ = 	snop  }
0x8: {  	(tm) =	ssettm $0x1  }
0x9: {  	s18 =	sld [smem:$0x3FFB];
	_ =	sdelay $0x3  }
0xa: {  	_ =	strace s18  }
0xb: {  	s1 =	sld [smem:$0x3FFC];
	_ =	sdelay $0x3  }
0xc: {  	_ =	strace s1  }
0xd: {  	s1 =	sld [smem:$0x3FFD];
	_ =	sdelay $0x3  }
0xe: {  	_ =	strace s1  }
0xf: {  	_ =	strace $0x8FFFFFFF  }
0x10: {  	s19 =	sld [smem:$0x3FDB];
	_ =	sdelay $0x1  }
0x11: {  	s20 =	simm.s32 $_scs_section_size  }
0x12: {  	s4 =	simm.s32 $_size__tile_overlayer_lowered;
	s5 =	simm.s32 $_tile_overlayer_lowered  }
0x13: {  	s23 =	simm.s32 $0x1BFF;
	s22 =	sshll.u32 s5, $0x1;
	s1 =	sadd.s32 s20, s19  }
0x14: {  	s6 =	simm.s32 $0x0;
	s21 =	sshll.u32 s4, $0x1;
	s4 =	sadd.s32 s22, s1  }
0x15: {  	[timem:s6], [sflag:s23] =	dma.local [hbm:s4], s21  }
0x16: {  	_ =	swait.ge [sflag:s23], s21  }
0x17: {  	s2 =	ssub.s32 $0x0, s21;
	[sflag:s23] =	ssyncset.done $0x0  }
0x18: {  	[sflag:s23] =	ssyncadd.s32 s2;
	_ =	sdelay $0x1  }
0x19: {  	s24 =	simm.s32 $0x1B8B  }
0x1a: {  	_ =	swait.ge [sflag:s24], $0x1  }
0x1b: {  	[sflag:s24] =	ssyncset.done $0x0  }
0x1c: {  	s26 =	simm.s32 $0x1B8E;
	s25 =	sld [smem:$0x3FFE];
	[sflag:s24] =	ssyncadd.s32 $0xFFFFFFFF  }
0x1d: {  	s27 =	simm.s32 $execute0_lowered;
	[smem:$0x3FD2] =	sst s26  }
0x1e: {  	s4 =	sshll.u32 s27, $0x1;
	_ =	strace $0x8000005E;
	[dreg:$0x1] =	wrdreg $0xFFFFFFFF  }
0x1f: {  	s28 =	simm.s32 $_size_execute0_lowered;
	s1 =	sadd.s32 s1, s4;
	[dreg:$0x0] =	wrdreg $0x0  }
0x20: {  	s4 =	sshll.u32 s28, $0x1;
	[dreg:$0x2] =	wrdreg s1  }
0x21: {  	[dreg:$0x3] =	wrdreg s4  }
0x22: {  	[dreg:$0x4] =	wrdreg $0xC0  }
0x23: {  	_ =	task [dreg:s6], $0x5FFFF  }
0x24: {  	[dreg:$0x1] =	wrdreg $0xFFFFFFFF  }
0x25: {  	[dreg:$0x0] =	wrdreg $0x60  }
0x26: {  	[dreg:$0x2] =	wrdreg s25  }
0x27: {  	[dreg:$0x3] =	wrdreg $0xA  }
0x28: {  	_ =	task.clear_ibuf [dreg:s6], $0x4FFFF;
	_ =	strace $0x9000005E  }
0x29: {  	s29 =	simm.s32 $0xA;
	_ =	strace $0x80000060  }
0x2a: {  	_ =	swait.ge [sflag:s29], $0x1  }
0x2b: {  	[sflag:s29] =	ssyncadd.s32 $0xFFFFFFFF  }
0x2c: {  	_ =	strace $0x90000060  }
0x2d: {  	_ =	sfence  }
0x2e: {  	s30 =	sld [smem:$0x0];
	_ =	sdelay $0x2  }
0x2f: {  	s31 =	sshll.u32 s3, $0xD;
	s3 =	sshrl.u32 s3, $0x2  }
0x30: {  	s2 =	sand.u32 $0x4000, s31;
	s1 =	sadd.s32 s3, s30  }
0x31: {  	s0 =	sor.u32 s2, s0;
	s1 =	sshll.u32 s1, $0x11  }
0x32: {  	s0 =	sor.u32 s1, s0  }
0x33: {  	s0 =	sadd.s32 $0x8F2B, s0  }
0x34: {  	[sflag:s0] =	ssyncadd.remote.s32 $0x1  }
0x35: {  	_ =	sfence.sel $0xFFFF  }
0x36: {  	[dreg:$0x0] =	wrdreg $0xFFFFFFFF;
	(pc) =	sbr.abs _section_cstart, $3  }
0x37: {  	[dreg:$0x1] =	wrdreg $0xFFFFFFFF  }
0x38: {  	_ =	task.clear_ibuf [dreg:s6], $0x2FFFF;
	_ =	strace $0x9FFFFFFF  }
0x39: {  	(tm) =	ssettm $0x7FFFFFFF  }
tec
execute0_lowered:
.L_overlay_start_1:
0x0: {  	(tag) =	ssettag $0x1  }
0x1: {  	s0 =	stileid.u32;
	s1 =	srdreg.scid  }
0x2: {  	s7 =	rddreg [dreg:$0x0];
	s31 =	simm.s32 $0x2;
	s15 =	simm.s32 $0x0  }
0x3: {  	s13 =	simm.s32 $0x0;
	s2 =	sshll.u32 s0, $0x6;
	s1 =	sshll.u32 s1, $0xA  }
0x4: {  	s14 =	simm.s32 $0x0;
	s1 =	sor.u32 s2, s1;
	s2 =	sand.u32 $0x1, s0  }
0x5: {  	s10 =	simm.s32 $0x0;
	s1 =	sand.u32 $0x780, s1;
	s4 =	ssub.s32 $0x2, s2  }
0x6: {  	s12 =	simm.s32 $0x0;
	s3 =	ssub.s32 $0x27100, s1;
	s6 =	sshrl.u32 s4, $0x1  }
0x7: {  	s4 =	sand.u32 $0x1, s4;
	s5 =	sand.u32 $0x780, s3;
	s8 =	sshrl.u32 s3, $0xB  }
0x8: {  	s3 =	rddreg [dreg:$0x1];
	p0 =	sne.s32 s5, $0x0;
	s5 =	simm.s32 $0x1  }
.Ltmp0:
0x9: {  	s6 =	sadd.s32 s4, s6;
	s5 =	simm.s32 @!p0 $0x0;
	(pc) =	sbr.rel .LBB1_1-.Ltmp0, $4  }
0xa: {  	_ =	strace $0x8000005F;
	s4 =	simm.s32 $0x1;
	s5 =	sadd.s32 s5, s8  }
0xb: {  	s11 =	smov.u32 s2;
	[sflag:s4] =	ssyncpa.u1 $0x0;
	s5 =	smul.u32 s6, s5  }
0xc: {  	s9 =	smov.u32 s1;
	[sflag:s31] =	ssyncpa.u1 $0x0;
	p0 =	por $0x0, $0x0  }
0xd: {  	s6 =	sadd.s32 $0x78B200, s7;
	s7 =	sadd.s32 $0x2A9200, s7;
	s8 =	sadd.s32 $0x1, s5  }
.LBB1_4:
0xe: {  	s15 =	sshll.u32 s15, $0x7;
	s21 =	sshll.u32 s13, $0x3  }
0xf: {  	v5 =	vld [tilespmem:s19+$0xFFFFFFD0];
	[tilespmem:s18+$0x2040 ss:$0x81] =	vst.msk $0xffff, v4;
	s22 =	sand.u32 $0xFFFFFC00, s15;
	s21 =	sand.u32 $0xFFFFFC00, s21  }
0x10: {  	v58 =	vld [tilespmem:s19+$0xFFFFFFE0];
	[tilespmem:s18+$0x2850 ss:$0x81] =	vst.msk $0xffff, v2;
	s15 =	sand.u32 $0x380, s15;
	s21 =	sadd.s32 s21, s22  }
0x11: {  	s20 =	sshra.s32 s20, $0x2;
	v59 =	vld [tilespmem:s19+$0xFFFFFFF0];
	[tilespmem:s18+$0x3060 ss:$0x81] =	vst.msk $0xffff, v3;
	s15 =	sor.u32 s15, s21  }
0x12: {  	v60 =	vld [tilespmem:s19+$0x0];
	[tilespmem:s18+$0x0 ss:$0x81] =	vst.msk $0xffff, v0;
	s17 =	sadd.s32 s20, s17;
	s15 =	sshrl.u32 s15, $0x7  }
0x13: {  	v61 =	vld [tilespmem:s19+$0x10];
	[tilespmem:s17+$0x3870 ss:$0x81] =	vst.msk $0xffff, v1;
	s28 =	smulhi.u32 $0x1A36E2F, s15  }
0x14: {  	v62 =	vld [tilespmem:s19+$0x20];
	[tilespmem:s17+$0x810 ss:$0x81] =	vst.msk $0xffff, v5  }
0x15: {  	v63 =	vld [tilespmem:s19+$0xFFFFFFC0];
	s14 =	smul.u32 $0x271000, s14;
	[tilespmem:s17+$0x1020 ss:$0x81] =	vst.msk $0xffff, v58;
	s18 =	sshrl.u32 s28, $0xA  }
0x16: {  	[tilespmem:s17+$0x1830 ss:$0x81] =	vst.msk $0xffff, v59;
	s18 =	smul.u32 $0x27100, s18  }
0x17: {  	s29 =	sshrl.u32 s13, $0x3;
	[tilespmem:s17+$0x2040 ss:$0x81] =	vst.msk $0xffff, v60  }
0x18: {  	s30 =	sand.u32 $0xF, s29;
	s14 =	sadd.s32 s7, s14;
	[tilespmem:s17+$0x2850 ss:$0x81] =	vst.msk $0xffff, v61;
	s15 =	ssub.s32 s15, s18  }
0x19: {  	s14 =	sadd.s32 s30, s14;
	[tilespmem:s17+$0x3060 ss:$0x81] =	vst.msk $0xffff, v62;
	s15 =	sshll.u32 s15, $0x4  }
0x1a: {  	s31 =	sand.u32 $0x7, s13;
	[tilespmem:s17+$0x0 ss:$0x81] =	vst.msk $0xffff, v63;
	s14 =	sadd.s32 s15, s14  }
0x1b: {  	[hbm4b:s14+s31] =	stream.linear.scatter [tilespmem:s16], [sflag:$0x2], $0x4000, $0x20;
	[tilespmem:$0x10100] =	vst v63  }
.LBB1_5:
0x1c: {  	s16 =	sadd.s32 $0x800, s9  }
0x1d: {  	s13 =	sadd.s32 $0x80, s10;
	s17 =	smov.u32 s10;
	p2 =	sgt.s32 s16, $0x270FF  }
0x1e: {  	s17 =	smov.u32 @p2 s13  }
0x1f: {  	s19 =	smov.u32 s11;
	s13 =	sadd.s32 $0x2, s11;
	p3 =	sgt.s32 s17, $0x7F  }
0x20: {  	s19 =	smov.u32 @p3 s13  }
0x21: {  	s16 =	smov.u32 @p2 s1;
	p2 =	sgt.s32 s19, $0x1  }
0x22: {  	p1 =	slt.u32 s12, $0x2;
	s19 =	smov.u32 @p2 s2;
	p2 =	sne.s32 s12, s8  }
.Ltmp1:
0x23: {  	s18 =	simm.s32 @!p1 $0x2;
	(pc) =	sbr.rel @!p2 .LBB1_6-.Ltmp1, $4  }
0x24: {  	s15 =	smov.u32 s9;
	s14 =	smov.u32 s11;
	_ =	swait.ge @!p1 [sflag:s18], $0x4000  }
0x25: {  	p0 =	por !p0, !p0;
	[sflag:s18] =	ssyncset.done @!p1 $0x0;
	s9 =	smov.u32 s16  }
0x26: {  	s17 =	simm.s32 @p3 $0x0;
	s13 =	smov.u32 s10;
	[sflag:s18] =	ssyncadd.s32 @!p1 $0xFFFFC000  }
0x27: {  	s10 =	smov.u32 s17;
	s12 =	sadd.s32 $0x1, s12;
	s11 =	smov.u32 s19  }
.LBB1_1:
0x28: {  	p1 =	sge.u32 s12, s5  }
0x29: {  	s16 =	sshrl.u32 @!p1 s10, $0x3  }
0x2a: {  	s17 =	sshll.u32 @!p1 s9, $0x3;
	s16 =	smul.u32 @!p1 $0x138800, s16  }
0x2b: {  	s18 =	sshll.u32 @!p1 s10, $0x7;
	s17 =	sand.u32 @!p1 $0xFFFFFC00, s17  }
0x2c: {  	s16 =	sadd.s32 @!p1 s16, s17;
	s17 =	sand.u32 @!p1 $0x380, s18  }
0x2d: {  	s18 =	sand.u32 @!p1 $0x7F, s9;
	s16 =	sor.u32 @!p1 s17, s16  }
0x2e: {  	s17 =	sor.u32 @!p1 s18, s16  }
0x2f: {  	s18 =	smulhi.u32 @!p1 $0xD1B71759, s17  }
0x30: {  	s16 =	smulhi.u32 @!p1 $0xD1B71759, s16  }
0x31: {  	s18 =	sshrl.u32 @!p1 s18, $0x11  }
0x32: {  	s31 =	sadd.s32 $0xFFFFFFFF, s12;
	s16 =	sshrl.u32 @!p1 s16, $0x11;
	s18 =	smul.u32 @!p1 $0x27100, s18  }
0x33: {  	s19 =	sxor.u32 @!p1 $0xFFFFFFFF, s12;
	s20 =	smul.u32 @!p1 $0x271000, s11;
	s16 =	sand.u32 @!p1 $0x7F, s16  }
0x34: {  	s19 =	sshll.u32 @!p1 s19, $0xE;
	s16 =	smul.u32 @!p1 $0x4E20, s16;
	s17 =	ssub.s32 @!p1 s17, s18  }
0x35: {  	s18 =	sand.u32 @!p1 $0x4000, s19;
	s19 =	sadd.s32 @!p1 s6, s20;
	s20 =	sand.u32 @!p1 $0x7, s17  }
0x36: {  	s17 =	sshrl.u32 @!p1 s17, $0x3;
	s16 =	sadd.s32 @!p1 s16, s19;
	s19 =	sshll.u32 @!p1 s20, $0x12  }
0x37: {  	s16 =	sadd.s32 @!p1 s17, s16;
	s17 =	sor.u32 @!p1 $0x400, s19;
	s19 =	simm.s32 @!p1 $0x138800  }
0x38: {  	[tilespmem:s18], [sflag:$0x1] =	stream.strided.gather @!p1 [hbm4b:s16+s17], $0x4000, s19, s17, $0x38;
	[tilespmem:$0x10100] =	vst v63  }
0x39: {  	p1 =	sge.u32 s31, s5  }
.Ltmp2:
0x3a: {  	_ = 	snop;
	(pc) =	sbr.rel @p1 .LBB1_5-.Ltmp2, $1  }
0x3b: {  	_ =	sdelay $0x3  }
0x3c: {  	s16 =	simm.s32 $0x1  }
0x3d: {  	_ =	swait.ge [sflag:s4], $0x4000;
	s16 =	simm.s32 @!p0 $0x0  }
0x3e: {  	[sflag:s4] =	ssyncset.done $0x0;
	s17 =	sshll.u32 s16, $0xE  }
0x3f: {  	[sflag:s4] =	ssyncadd.s32 $0xFFFFC000;
	s19 =	sor.u32 $0x40, s17  }
0x40: {  	s16 =	smul.u32 $0x10200, s16;
	v0 =	vld [tilespmem:s19+$0x30]  }
0x41: {  	v1 =	vld [tilespmem:s19+$0xFFFFFFD0]  }
0x42: {  	s16 =	sshrl.u32 s16, $0x2;
	v5 =	vld [tilespmem:s19+$0xFFFFFFE0]  }
0x43: {  	v6 =	vld [tilespmem:s19+$0xFFFFFFF0];
	s17 =	sor.u32 $0x8000, s16  }
0x44: {  	s31 =	sand.u32 $0x1, s12;
	v4 =	vld [tilespmem:s19+$0x0];
	s18 =	sadd.s32 $0x0, s17  }
0x45: {  	v2 =	vld [tilespmem:s19+$0x10];
	s16 =	smul.u32 $0x10200, s31;
	[tilespmem:s18+$0x3870 ss:$0x81] =	vst.msk $0xffff, v0  }
0x46: {  	v3 =	vld [tilespmem:s19+$0x20];
	[tilespmem:s18+$0x810 ss:$0x81] =	vst.msk $0xffff, v1  }
0x47: {  	s16 =	sshrl.u32 s16, $0x2;
	v0 =	vld [tilespmem:s19+$0xFFFFFFC0];
	[tilespmem:s18+$0x1020 ss:$0x81] =	vst.msk $0xffff, v5;
	s19 =	sadd.s32 $0x80, s19  }
0x48: {  	s20 =	simm.s32 $0x4;
	s21 =	simm.s32 $0x8;
	s16 =	sor.u32 $0x8000, s16;
	[tilespmem:s18+$0x1830 ss:$0x81] =	vst.msk $0xffff, v6;
	v1 =	vld [tilespmem:s19+$0x30]  }
.LBB1_3:
0x49: {  	p1 =	sne.s32 s21, $0x1FC;
	v5 =	vld [tilespmem:s19+$0xFFFFFFD0];
	[tilespmem:s18+$0x2040 ss:$0x81] =	vst.msk $0xffff, v4  }
0x4a: {  	v6 =	vld [tilespmem:s19+$0xFFFFFFE0];
	[tilespmem:s18+$0x2850 ss:$0x81] =	vst.msk $0xffff, v2  }
0x4b: {  	s22 =	sshra.s32 s20, $0x2;
	s20 =	smov.u32 s21;
	v7 =	vld [tilespmem:s19+$0xFFFFFFF0];
	[tilespmem:s18+$0x3060 ss:$0x81] =	vst.msk $0xffff, v3  }
.Ltmp3:
0x4c: {  	v4 =	vld [tilespmem:s19+$0x0];
	[tilespmem:s18+$0x0 ss:$0x81] =	vst.msk $0xffff, v0;
	s18 =	sadd.s32 s22, s17;
	(pc) =	sbr.rel @p1 .LBB1_3-.Ltmp3, $4  }
0x4d: {  	v2 =	vld [tilespmem:s19+$0x10];
	[tilespmem:s18+$0x3870 ss:$0x81] =	vst.msk $0xffff, v1  }
0x4e: {  	[tilespmem:s18+$0x810 ss:$0x81] =	vst.msk $0xffff, v5;
	v3 =	vld [tilespmem:s19+$0x20]  }
0x4f: {  	v0 =	vld [tilespmem:s19+$0xFFFFFFC0];
	[tilespmem:s18+$0x1020 ss:$0x81] =	vst.msk $0xffff, v6;
	s19 =	sadd.s32 $0x80, s19  }
0x50: {  	s21 =	sadd.s32 $0x4, s21;
	v1 =	vld [tilespmem:s19+$0x30];
	[tilespmem:s18+$0x1830 ss:$0x81] =	vst.msk $0xffff, v7  }
.Ltmp4:
0x51: {  	_ = 	snop;
	(pc) =	sbr.rel .LBB1_4-.Ltmp4, $1  }
0x52: {  	_ =	sdelay $0x3  }
.LBB1_6:
0x53: {  	_ =	sfence.sel $0x180000  }
0x54: {  	s1 =	simm.s32 $0x1;
	[bflag:$0x0] =	sbarrier.arrive $0xFFFF  }
0x55: {  	s31 =	simm.s32 $0x2;
	[sflag:s1] =	ssyncpa.u1 $0x1  }
0x56: {  	[sflag:s31] =	ssyncpa.u1 $0x1  }
0x57: {  	p0 =	sne.s32 s0, $0x0;
	_ =	strace $0x9000005F  }
0x58: {  	s0 =	sadd.s32 @!p0 $0x100000, s3;
	[bflag:$0x2] =	sbarrier.arrive $0xFFFF  }
0x59: {  	[sflag:s0] =	ssyncadd.tile.s32 @!p0 $0x1;
	_ =	shalt  }
.Lfunc_end1:
_tile_overlayer_lowered:
.L_overlay_start_2:
0x5a: {  	(tag) =	ssettag $0x2  }
0x5b: {  	s0 =	rddreg [dreg:$0x0];
	s2 =	stileid.u32  }
0x5c: {  	s1 =	rddreg [dreg:$0x1];
	p0 =	sne.s32 s2, $0x0  }
0x5d: {  	s3 =	rddreg [dreg:$0x2];
	[bflag:$0x3] =	sbarrier.arrive $0xFFFF;
	s2 =	simm.s32 @!p0 $0x1C01  }
0x5e: {  	[timem:s3], [sflag:s2] =	dma.local @!p0 [hbm:s0], s1  }
0x5f: {  	s0 =	simm.s32 @!p0 $0x1  }
0x60: {  	_ =	swait.ge @!p0 [sflag:s0], s1  }
0x61: {  	s1 =	ssub.s32 @!p0 $0x0, s1;
	[sflag:s0] =	ssyncset.done @!p0 $0x0  }
0x62: {  	[sflag:s0] =	ssyncadd.s32 @!p0 s1  }
0x63: {  	[bflag:$0x3] =	sbarrier.arrive $0xFFFF  }
0x64: {  	_ =	shalt  }

</sc_bundles>
